<compile_context>
chip_gen: v7x
topology: tpu7x:2x2x1
jax: 0.10.2.dev20260603
libtpu: 0.0.44.dev20260713+nightly
codegen_flags: <defaults>
</compile_context>

<pallas_src>
import functools

import jax
import jax.numpy as jnp
from jax import lax
from jax.experimental import pallas as pl
from jax.experimental.pallas import tpu as pltpu
from jax.experimental.pallas import tpu_sc as plsc

N_NODES = 100000
D = 128
DW = D // 2
VROWS = 1025
NT = 513
NI = 256
K = 10
KP = 16

NC = 2
NS = 16
NW = NC * NS

B = 32
NSUB = N_NODES // B
FULL = NSUB // NW
EXTRA = NSUB - FULL * NW


def _tree_sum(vals):
    while len(vals) > 1:
        nxt = [vals[i] + vals[i + 1] for i in range(0, len(vals) - 1, 2)]
        if len(vals) % 2:
            nxt.append(vals[-1])
        vals = nxt
    return vals[0]


def _sc_body(table_hbm, idx_hbm, out_hbm, table_v, idx_v0, idx_v1,
             out_v0, out_v1, isem0, isem1, osem0, osem1):
    wid = lax.axis_index("s") * NC + lax.axis_index("c")
    nr = jnp.where(wid < EXTRA, FULL + 1, FULL)
    isems = (isem0, isem1)
    osems = (osem0, osem1)
    idx_vs = (idx_v0, idx_v1)
    out_vs = (out_v0, out_v1)

    def chunk(t):
        return wid + t * NW

    pltpu.sync_copy(table_hbm, table_v)

    def compute_write(t, p):
        base = chunk(t) * B

        @pl.when(t >= 2)
        def _():
            pltpu.make_async_copy(out_vs[p], out_hbm.at[pl.ds(base, B)],
                                  osems[p]).wait()

        @plsc.parallel_loop(0, B, 1, unroll=2)
        def _node(b):
            iv = idx_vs[p][b, pl.ds(0, 16)]
            half = [(iv[k] >> 1, (iv[k] & 1) * DW) for k in range(K)]
            for j in range(DW // 16):
                acc = _tree_sum([
                    plsc.bitcast(table_v[r, pl.ds(off + j * 16, 16)],
                                 jnp.bfloat16)
                    for r, off in half])
                lo, hi = plsc.unpack(acc, format=plsc.PackFormat.INTERLEAVED)
                out_vs[p][b, pl.ds(j * 32, 16)] = lo
                out_vs[p][b, pl.ds(j * 32 + 16, 16)] = hi

        pltpu.async_copy(out_vs[p], out_hbm.at[pl.ds(base, B)], osems[p])

    def prefetch_idx(t, p):
        pltpu.async_copy(idx_hbm.at[chunk(t)], idx_vs[p], isems[p])

    def wait_idx(t, p):
        pltpu.make_async_copy(idx_hbm.at[chunk(t)], idx_vs[p],
                              isems[p]).wait()

    pltpu.sync_copy(idx_hbm.at[chunk(jnp.int32(0))], idx_v0)
    prefetch_idx(jnp.int32(1), 1)

    def body(v, carry):
        t0 = 2 * v
        t1 = t0 + 1
        t2 = t0 + 2
        t3 = t0 + 3
        compute_write(t0, 0)
        prefetch_idx(t2, 0)
        wait_idx(t1, 1)
        compute_write(t1, 1)

        @pl.when(t3 < nr)
        def _():
            prefetch_idx(t3, 1)

        wait_idx(t2, 0)
        return carry

    lax.fori_loop(0, FULL // 2, body, 0)

    compute_write(jnp.int32(FULL - 1), 0)

    @pl.when(nr > FULL)
    def _():
        wait_idx(jnp.int32(FULL), 1)
        compute_write(jnp.int32(FULL), 1)

    pltpu.make_async_copy(out_v0, out_hbm.at[pl.ds(0, B)], osem0).wait()
    pltpu.make_async_copy(out_v1, out_hbm.at[pl.ds(0, B)], osem1).wait()


def kernel(node_type, in_degree, out_degree, node_weight, in_degree_weight,
           out_degree_weight):
    table_f32 = jnp.concatenate(
        [node_weight, in_degree_weight, out_degree_weight], axis=0)
    table_bf = table_f32.astype(jnp.bfloat16)
    table_bf = table_bf.reshape(VROWS, 4, 2, 16).transpose(0, 1, 3, 2)
    table_bf = jnp.concatenate(
        [table_bf.reshape(VROWS, D),
         jnp.zeros((1, D), jnp.bfloat16)], axis=0)
    table = lax.bitcast_convert_type(
        table_bf.reshape(VROWS + 1, DW, 2), jnp.int32).reshape(
            (VROWS + 1) // 2, 2 * DW)

    idx = jnp.concatenate(
        [node_type.astype(jnp.int32),
         (in_degree.astype(jnp.int32) + NT)[:, None],
         (out_degree.astype(jnp.int32) + NT + NI)[:, None]], axis=1)
    idx = jnp.pad(idx, ((0, 0), (0, KP - K))).reshape(NSUB, B, KP)

    mesh = plsc.VectorSubcoreMesh(core_axis_name="c", subcore_axis_name="s",
                                  num_cores=NC, num_subcores=NS)
    run = functools.partial(
        pl.kernel,
        out_type=jax.ShapeDtypeStruct((N_NODES, D), jnp.float32),
        mesh=mesh,
        scratch_types=[
            pltpu.VMEM(((VROWS + 1) // 2, 2 * DW), jnp.int32),
            pltpu.VMEM((B, KP), jnp.int32),
            pltpu.VMEM((B, KP), jnp.int32),
            pltpu.VMEM((B, D), jnp.float32),
            pltpu.VMEM((B, D), jnp.float32),
            pltpu.SemaphoreType.DMA,
            pltpu.SemaphoreType.DMA,
            pltpu.SemaphoreType.DMA,
            pltpu.SemaphoreType.DMA,
        ],
        compiler_params=pltpu.CompilerParams(needs_layout_passes=False),
    )(_sc_body)
    return run(table, idx)

# --- scband reference (transcript-rebuilt; emitter-appended) ---
"""Pipeline reference for scband-graph-node-feature-17789754540083 (READ-ONLY COPY).

The authoritative reference and input builder live on the scoring server;
editing this copy changes nothing except your own understanding.
"""

import jax, jax.numpy as jnp
import numpy as np

N_NODES = 100000
N_FEATS = 8
EMBED_DIM = 128
NUM_NODE_TYPE = 512
NUM_IN_DEGREE = 256
NUM_OUT_DEGREE = 256


def setup_inputs(seed: int = 0) -> dict:
    key = jax.random.key(seed)
    k1, k2, k3, k4, k5, k6 = jax.random.split(key, 6)
    node_type = jax.random.randint(k1, (N_NODES, N_FEATS), 0, NUM_NODE_TYPE + 1, dtype=jnp.int64 if jax.config.jax_enable_x64 else jnp.int32)
    in_degree = jax.random.randint(k2, (N_NODES,), 0, NUM_IN_DEGREE, dtype=jnp.int64 if jax.config.jax_enable_x64 else jnp.int32)
    out_degree = jax.random.randint(k3, (N_NODES,), 0, NUM_OUT_DEGREE, dtype=jnp.int64 if jax.config.jax_enable_x64 else jnp.int32)
    node_weight = jax.random.normal(k4, (NUM_NODE_TYPE + 1, EMBED_DIM), dtype=jnp.float32) * 0.02
    in_degree_weight = jax.random.normal(k5, (NUM_IN_DEGREE, EMBED_DIM), dtype=jnp.float32) * 0.02
    out_degree_weight = jax.random.normal(k6, (NUM_OUT_DEGREE, EMBED_DIM), dtype=jnp.float32) * 0.02
    return {
        "node_type": node_type,
        "in_degree": in_degree,
        "out_degree": out_degree,
        "node_weight": node_weight,
        "in_degree_weight": in_degree_weight,
        "out_degree_weight": out_degree_weight,
    }


def reference(node_type, in_degree, out_degree, node_weight, in_degree_weight, out_degree_weight):
    # node_encoder gather over [N, F] indices -> [N, F, D], then sum over feature axis
    node_feature = jnp.take(node_weight, node_type, axis=0).sum(axis=-2)
    node_feature = node_feature + jnp.take(in_degree_weight, in_degree, axis=0)
    node_feature = node_feature + jnp.take(out_degree_weight, out_degree, axis=0)
    return node_feature

if __name__ == "__main__":
    import jax
    _d = setup_inputs()
    print(jax.jit(kernel)(*tuple(_d.values())))

</pallas_src>

<mosaic_0001>
#map = affine_map<(d0, d1) -> (0, 0)>
#map1 = affine_map<(d0, d1) -> (0, 0, 0)>
module attributes {stable_mosaic.version = 14 : i64} {
  func.func @_sc_body(%arg0: i32, %arg1: i32, %arg2: memref<513x128xi32, #tpu.memory_space<hbm>>, %arg3: memref<3125x32x16xi32, #tpu.memory_space<hbm>>, %arg4: memref<100000x128xf32, #tpu.memory_space<hbm>>, %arg5: memref<513x128xi32, #tpu.memory_space<vmem>>, %arg6: memref<32x16xi32, #tpu.memory_space<vmem>>, %arg7: memref<32x16xi32, #tpu.memory_space<vmem>>, %arg8: memref<32x128xf32, #tpu.memory_space<vmem>>, %arg9: memref<32x128xf32, #tpu.memory_space<vmem>>, %arg10: memref<!tpu.dma_semaphore, #tpu.memory_space<semaphore_mem>>, %arg11: memref<!tpu.dma_semaphore, #tpu.memory_space<semaphore_mem>>, %arg12: memref<!tpu.dma_semaphore, #tpu.memory_space<semaphore_mem>>, %arg13: memref<!tpu.dma_semaphore, #tpu.memory_space<semaphore_mem>>) attributes {dimension_semantics = [#tpu.dimension_semantics<core_parallel>, #tpu.dimension_semantics<subcore_parallel>], iteration_bounds = array<i64: 2, 16>, scalar_prefetch = 0 : i64, scratch_operands = 9 : i64, tpu.core_type = #tpu.core_type<sc_vector_subcore>, window_params = [{transform_indices = #map}, {transform_indices = #map1}, {transform_indices = #map}]} {
    %mul3A = arith.constant 2 : i32
    %mul3A_0 = arith.muli %arg1, %mul3A : i32
    %add3A = arith.addi %mul3A_0, %arg0 : i32
    %lt3A = arith.constant 21 : i32
    %lt3A_1 = arith.cmpi slt, %add3A, %lt3A : i32
    %jit3A = arith.constant 98 : i32
    %jit3A_2 = arith.constant 97 : i32
    %select_n3A = arith.select %lt3A_1, %jit3A, %jit3A_2 : i32
    "tpu.region"() ({
      %run_scoped3A = tpu.sem_alloc : memref<!tpu.dma_semaphore, #tpu.memory_space<semaphore_mem>>
      tpu.enqueue_dma source(%arg2 : memref<513x128xi32, #tpu.memory_space<hbm>>) target(%arg5 : memref<513x128xi32, #tpu.memory_space<vmem>>) target_semaphore(%run_scoped3A : memref<!tpu.dma_semaphore, #tpu.memory_space<semaphore_mem>>)
      tpu.wait_dma2 semaphore(%run_scoped3A : memref<!tpu.dma_semaphore, #tpu.memory_space<semaphore_mem>>) src(%arg2 : memref<513x128xi32, #tpu.memory_space<hbm>>) dst(%arg5 : memref<513x128xi32, #tpu.memory_space<vmem>>)
      tpu.yield
    }) : () -> ()
    %mul3A_3 = arith.constant 0 : i32
    %mul3A_4 = arith.constant 32 : i32
    %mul3A_5 = arith.muli %mul3A_3, %mul3A_4 : i32
    %add3A_6 = arith.addi %add3A, %mul3A_5 : i32
    "tpu.region"() ({
      %run_scoped3A = tpu.sem_alloc : memref<!tpu.dma_semaphore, #tpu.memory_space<semaphore_mem>>
      %dma_start3A_53 = arith.constant 0 : i32
      %dma_start3A_54 = arith.constant 0 : i32
      %dma_start3A_55 = tpu.memref_slice %arg3[%add3A_6, %dma_start3A_53, %dma_start3A_54] : memref<3125x32x16xi32, #tpu.memory_space<hbm>> -> memref<1x32x16xi32, #tpu.memory_space<hbm>>
      %dma_start3A_56 = tpu.memref_squeeze %dma_start3A_55 : memref<1x32x16xi32, #tpu.memory_space<hbm>> -> memref<32x16xi32, #tpu.memory_space<hbm>>
      %dma_start3A_57 = arith.constant 0 : i32
      %dma_start3A_58 = arith.constant 0 : i32
      %dma_start3A_59 = tpu.memref_slice %arg3[%add3A_6, %dma_start3A_57, %dma_start3A_58] : memref<3125x32x16xi32, #tpu.memory_space<hbm>> -> memref<1x32x16xi32, #tpu.memory_space<hbm>>
      %dma_start3A_60 = tpu.memref_squeeze %dma_start3A_59 : memref<1x32x16xi32, #tpu.memory_space<hbm>> -> memref<32x16xi32, #tpu.memory_space<hbm>>
      tpu.enqueue_dma source(%dma_start3A_60 : memref<32x16xi32, #tpu.memory_space<hbm>>) target(%arg6 : memref<32x16xi32, #tpu.memory_space<vmem>>) target_semaphore(%run_scoped3A : memref<!tpu.dma_semaphore, #tpu.memory_space<semaphore_mem>>)
      %dma_wait3A_61 = arith.constant 0 : i32
      %dma_wait3A_62 = arith.constant 0 : i32
      %dma_wait3A_63 = tpu.memref_slice %arg3[%add3A_6, %dma_wait3A_61, %dma_wait3A_62] : memref<3125x32x16xi32, #tpu.memory_space<hbm>> -> memref<1x32x16xi32, #tpu.memory_space<hbm>>
      %dma_wait3A_64 = tpu.memref_squeeze %dma_wait3A_63 : memref<1x32x16xi32, #tpu.memory_space<hbm>> -> memref<32x16xi32, #tpu.memory_space<hbm>>
      %dma_wait3A_65 = arith.constant 0 : i32
      %dma_wait3A_66 = arith.constant 0 : i32
      %dma_wait3A_67 = tpu.memref_slice %arg3[%add3A_6, %dma_wait3A_65, %dma_wait3A_66] : memref<3125x32x16xi32, #tpu.memory_space<hbm>> -> memref<1x32x16xi32, #tpu.memory_space<hbm>>
      %dma_wait3A_68 = tpu.memref_squeeze %dma_wait3A_67 : memref<1x32x16xi32, #tpu.memory_space<hbm>> -> memref<32x16xi32, #tpu.memory_space<hbm>>
      tpu.wait_dma2 semaphore(%run_scoped3A : memref<!tpu.dma_semaphore, #tpu.memory_space<semaphore_mem>>) src(%dma_wait3A_68 : memref<32x16xi32, #tpu.memory_space<hbm>>) dst(%arg6 : memref<32x16xi32, #tpu.memory_space<vmem>>)
      tpu.yield
    }) : () -> ()
    %mul3A_7 = arith.constant 1 : i32
    %mul3A_8 = arith.constant 32 : i32
    %mul3A_9 = arith.muli %mul3A_7, %mul3A_8 : i32
    %add3A_10 = arith.addi %add3A, %mul3A_9 : i32
    %dma_start3A = arith.constant 0 : i32
    %dma_start3A_11 = arith.constant 0 : i32
    %dma_start3A_12 = tpu.memref_slice %arg3[%add3A_10, %dma_start3A, %dma_start3A_11] : memref<3125x32x16xi32, #tpu.memory_space<hbm>> -> memref<1x32x16xi32, #tpu.memory_space<hbm>>
    %dma_start3A_13 = tpu.memref_squeeze %dma_start3A_12 : memref<1x32x16xi32, #tpu.memory_space<hbm>> -> memref<32x16xi32, #tpu.memory_space<hbm>>
    %dma_start3A_14 = arith.constant 0 : i32
    %dma_start3A_15 = arith.constant 0 : i32
    %dma_start3A_16 = tpu.memref_slice %arg3[%add3A_10, %dma_start3A_14, %dma_start3A_15] : memref<3125x32x16xi32, #tpu.memory_space<hbm>> -> memref<1x32x16xi32, #tpu.memory_space<hbm>>
    %dma_start3A_17 = tpu.memref_squeeze %dma_start3A_16 : memref<1x32x16xi32, #tpu.memory_space<hbm>> -> memref<32x16xi32, #tpu.memory_space<hbm>>
    tpu.enqueue_dma source(%dma_start3A_17 : memref<32x16xi32, #tpu.memory_space<hbm>>) target(%arg7 : memref<32x16xi32, #tpu.memory_space<vmem>>) target_semaphore(%arg11 : memref<!tpu.dma_semaphore, #tpu.memory_space<semaphore_mem>>)
    %scan3A = arith.constant 0 : i32
    %scan3A_18 = arith.constant 0 : i32
    %scan3A_19 = arith.constant 48 : i32
    %scan3A_20 = arith.addi %scan3A_18, %scan3A_19 : i32
    %scan3A_21 = arith.constant 1 : i32
    scf.for %scan3A_53 = %scan3A_18 to %scan3A_20 step %scan3A_21  : i32 {
      %mul3A_54 = arith.constant 2 : i32
      %mul3A_55 = arith.muli %mul3A_54, %scan3A_53 : i32
      %add3A_56 = arith.constant 1 : i32
      %add3A_57 = arith.addi %mul3A_55, %add3A_56 : i32
      %add3A_58 = arith.constant 2 : i32
      %add3A_59 = arith.addi %mul3A_55, %add3A_58 : i32
      %add3A_60 = arith.constant 3 : i32
      %add3A_61 = arith.addi %mul3A_55, %add3A_60 : i32
      %mul3A_62 = arith.constant 32 : i32
      %mul3A_63 = arith.muli %mul3A_55, %mul3A_62 : i32
      %add3A_64 = arith.addi %add3A, %mul3A_63 : i32
      %mul3A_65 = arith.constant 32 : i32
      %mul3A_66 = arith.muli %add3A_64, %mul3A_65 : i32
      %ge3A_67 = arith.constant 2 : i32
      %ge3A_68 = arith.cmpi sge, %mul3A_55, %ge3A_67 : i32
      %convert_element_type3A_69 = arith.extui %ge3A_68 : i1 to i32
      %cond3A_70 = arith.constant 0 : i32
      %cond3A_71 = arith.cmpi ne, %convert_element_type3A_69, %cond3A_70 : i32
      scf.if %cond3A_71 {
        %dma_wait3A_133 = arith.constant 0 : i32
        %dma_wait3A_134 = tpu.memref_slice %arg4[%mul3A_66, %dma_wait3A_133] : memref<100000x128xf32, #tpu.memory_space<hbm>> -> memref<32x128xf32, #tpu.memory_space<hbm>>
        %dma_wait3A_135 = arith.constant 0 : i32
        %dma_wait3A_136 = tpu.memref_slice %arg4[%mul3A_66, %dma_wait3A_135] : memref<100000x128xf32, #tpu.memory_space<hbm>> -> memref<32x128xf32, #tpu.memory_space<hbm>>
        tpu.wait_dma2 semaphore(%arg12 : memref<!tpu.dma_semaphore, #tpu.memory_space<semaphore_mem>>) src(%arg8 : memref<32x128xf32, #tpu.memory_space<vmem>>) dst(%dma_wait3A_136 : memref<32x128xf32, #tpu.memory_space<hbm>>)
      } else {
      }
      %parallel_loop3A_72 = arith.constant 0 : i32
      %parallel_loop3A_73 = arith.constant 32 : i32
      %parallel_loop3A_74 = arith.constant 1 : i32
      scf.for %parallel_loop3A_133 = %parallel_loop3A_72 to %parallel_loop3A_73 step %parallel_loop3A_74  : i32 {
        %parallel_loop3A_134 = arith.index_cast %parallel_loop3A_133 : i32 to index
        %parallel_loop3A_135 = arith.constant 0 : index
        %parallel_loop3A_136 = tpu.vector_load %arg6[%parallel_loop3A_134, %parallel_loop3A_135] {strides = array<i32>} : memref<32x16xi32, #tpu.memory_space<vmem>>, vector<16xi32>,
        %parallel_loop3A_137 = vector.extract_strided_slice %parallel_loop3A_136 {offsets = [0], sizes = [1], strides = [1]} : vector<16xi32> to vector<1xi32>
        %parallel_loop3A_138 = vector.extract %parallel_loop3A_137[0] : i32 from vector<1xi32>
        %parallel_loop3A_139 = arith.constant 1 : i32
        %parallel_loop3A_140 = arith.shrsi %parallel_loop3A_138, %parallel_loop3A_139 : i32
        %parallel_loop3A_141 = vector.extract_strided_slice %parallel_loop3A_136 {offsets = [0], sizes = [1], strides = [1]} : vector<16xi32> to vector<1xi32>
        %parallel_loop3A_142 = vector.extract %parallel_loop3A_141[0] : i32 from vector<1xi32>
        %parallel_loop3A_143 = arith.constant 1 : i32
        %parallel_loop3A_144 = arith.andi %parallel_loop3A_142, %parallel_loop3A_143 : i32
        %parallel_loop3A_145 = arith.constant 64 : i32
        %parallel_loop3A_146 = arith.muli %parallel_loop3A_144, %parallel_loop3A_145 : i32
        %parallel_loop3A_147 = vector.extract_strided_slice %parallel_loop3A_136 {offsets = [1], sizes = [1], strides = [1]} : vector<16xi32> to vector<1xi32>
        %parallel_loop3A_148 = vector.extract %parallel_loop3A_147[0] : i32 from vector<1xi32>
        %parallel_loop3A_149 = arith.constant 1 : i32
        %parallel_loop3A_150 = arith.shrsi %parallel_loop3A_148, %parallel_loop3A_149 : i32
        %parallel_loop3A_151 = vector.extract_strided_slice %parallel_loop3A_136 {offsets = [1], sizes = [1], strides = [1]} : vector<16xi32> to vector<1xi32>
        %parallel_loop3A_152 = vector.extract %parallel_loop3A_151[0] : i32 from vector<1xi32>
        %parallel_loop3A_153 = arith.constant 1 : i32
        %parallel_loop3A_154 = arith.andi %parallel_loop3A_152, %parallel_loop3A_153 : i32
        %parallel_loop3A_155 = arith.constant 64 : i32
        %parallel_loop3A_156 = arith.muli %parallel_loop3A_154, %parallel_loop3A_155 : i32
        %parallel_loop3A_157 = vector.extract_strided_slice %parallel_loop3A_136 {offsets = [2], sizes = [1], strides = [1]} : vector<16xi32> to vector<1xi32>
        %parallel_loop3A_158 = vector.extract %parallel_loop3A_157[0] : i32 from vector<1xi32>
        %parallel_loop3A_159 = arith.constant 1 : i32
        %parallel_loop3A_160 = arith.shrsi %parallel_loop3A_158, %parallel_loop3A_159 : i32
        %parallel_loop3A_161 = vector.extract_strided_slice %parallel_loop3A_136 {offsets = [2], sizes = [1], strides = [1]} : vector<16xi32> to vector<1xi32>
        %parallel_loop3A_162 = vector.extract %parallel_loop3A_161[0] : i32 from vector<1xi32>
        %parallel_loop3A_163 = arith.constant 1 : i32
        %parallel_loop3A_164 = arith.andi %parallel_loop3A_162, %parallel_loop3A_163 : i32
        %parallel_loop3A_165 = arith.constant 64 : i32
        %parallel_loop3A_166 = arith.muli %parallel_loop3A_164, %parallel_loop3A_165 : i32
        %parallel_loop3A_167 = vector.extract_strided_slice %parallel_loop3A_136 {offsets = [3], sizes = [1], strides = [1]} : vector<16xi32> to vector<1xi32>
        %parallel_loop3A_168 = vector.extract %parallel_loop3A_167[0] : i32 from vector<1xi32>
        %parallel_loop3A_169 = arith.constant 1 : i32
        %parallel_loop3A_170 = arith.shrsi %parallel_loop3A_168, %parallel_loop3A_169 : i32
        %parallel_loop3A_171 = vector.extract_strided_slice %parallel_loop3A_136 {offsets = [3], sizes = [1], strides = [1]} : vector<16xi32> to vector<1xi32>
        %parallel_loop3A_172 = vector.extract %parallel_loop3A_171[0] : i32 from vector<1xi32>
        %parallel_loop3A_173 = arith.constant 1 : i32
        %parallel_loop3A_174 = arith.andi %parallel_loop3A_172, %parallel_loop3A_173 : i32
        %parallel_loop3A_175 = arith.constant 64 : i32
        %parallel_loop3A_176 = arith.muli %parallel_loop3A_174, %parallel_loop3A_175 : i32
        %parallel_loop3A_177 = vector.extract_strided_slice %parallel_loop3A_136 {offsets = [4], sizes = [1], strides = [1]} : vector<16xi32> to vector<1xi32>
        %parallel_loop3A_178 = vector.extract %parallel_loop3A_177[0] : i32 from vector<1xi32>
        %parallel_loop3A_179 = arith.constant 1 : i32
        %parallel_loop3A_180 = arith.shrsi %parallel_loop3A_178, %parallel_loop3A_179 : i32
        %parallel_loop3A_181 = vector.extract_strided_slice %parallel_loop3A_136 {offsets = [4], sizes = [1], strides = [1]} : vector<16xi32> to vector<1xi32>
        %parallel_loop3A_182 = vector.extract %parallel_loop3A_181[0] : i32 from vector<1xi32>
        %parallel_loop3A_183 = arith.constant 1 : i32
        %parallel_loop3A_184 = arith.andi %parallel_loop3A_182, %parallel_loop3A_183 : i32
        %parallel_loop3A_185 = arith.constant 64 : i32
        %parallel_loop3A_186 = arith.muli %parallel_loop3A_184, %parallel_loop3A_185 : i32
        %parallel_loop3A_187 = vector.extract_strided_slice %parallel_loop3A_136 {offsets = [5], sizes = [1], strides = [1]} : vector<16xi32> to vector<1xi32>
        %parallel_loop3A_188 = vector.extract %parallel_loop3A_187[0] : i32 from vector<1xi32>
        %parallel_loop3A_189 = arith.constant 1 : i32
        %parallel_loop3A_190 = arith.shrsi %parallel_loop3A_188, %parallel_loop3A_189 : i32
        %parallel_loop3A_191 = vector.extract_strided_slice %parallel_loop3A_136 {offsets = [5], sizes = [1], strides = [1]} : vector<16xi32> to vector<1xi32>
        %parallel_loop3A_192 = vector.extract %parallel_loop3A_191[0] : i32 from vector<1xi32>
        %parallel_loop3A_193 = arith.constant 1 : i32
        %parallel_loop3A_194 = arith.andi %parallel_loop3A_192, %parallel_loop3A_193 : i32
        %parallel_loop3A_195 = arith.constant 64 : i32
        %parallel_loop3A_196 = arith.muli %parallel_loop3A_194, %parallel_loop3A_195 : i32
        %parallel_loop3A_197 = vector.extract_strided_slice %parallel_loop3A_136 {offsets = [6], sizes = [1], strides = [1]} : vector<16xi32> to vector<1xi32>
        %parallel_loop3A_198 = vector.extract %parallel_loop3A_197[0] : i32 from vector<1xi32>
        %parallel_loop3A_199 = arith.constant 1 : i32
        %parallel_loop3A_200 = arith.shrsi %parallel_loop3A_198, %parallel_loop3A_199 : i32
        %parallel_loop3A_201 = vector.extract_strided_slice %parallel_loop3A_136 {offsets = [6], sizes = [1], strides = [1]} : vector<16xi32> to vector<1xi32>
        %parallel_loop3A_202 = vector.extract %parallel_loop3A_201[0] : i32 from vector<1xi32>
        %parallel_loop3A_203 = arith.constant 1 : i32
        %parallel_loop3A_204 = arith.andi %parallel_loop3A_202, %parallel_loop3A_203 : i32
        %parallel_loop3A_205 = arith.constant 64 : i32
        %parallel_loop3A_206 = arith.muli %parallel_loop3A_204, %parallel_loop3A_205 : i32
        %parallel_loop3A_207 = vector.extract_strided_slice %parallel_loop3A_136 {offsets = [7], sizes = [1], strides = [1]} : vector<16xi32> to vector<1xi32>
        %parallel_loop3A_208 = vector.extract %parallel_loop3A_207[0] : i32 from vector<1xi32>
        %parallel_loop3A_209 = arith.constant 1 : i32
        %parallel_loop3A_210 = arith.shrsi %parallel_loop3A_208, %parallel_loop3A_209 : i32
        %parallel_loop3A_211 = vector.extract_strided_slice %parallel_loop3A_136 {offsets = [7], sizes = [1], strides = [1]} : vector<16xi32> to vector<1xi32>
        %parallel_loop3A_212 = vector.extract %parallel_loop3A_211[0] : i32 from vector<1xi32>
        %parallel_loop3A_213 = arith.constant 1 : i32
        %parallel_loop3A_214 = arith.andi %parallel_loop3A_212, %parallel_loop3A_213 : i32
        %parallel_loop3A_215 = arith.constant 64 : i32
        %parallel_loop3A_216 = arith.muli %parallel_loop3A_214, %parallel_loop3A_215 : i32
        %parallel_loop3A_217 = vector.extract_strided_slice %parallel_loop3A_136 {offsets = [8], sizes = [1], strides = [1]} : vector<16xi32> to vector<1xi32>
        %parallel_loop3A_218 = vector.extract %parallel_loop3A_217[0] : i32 from vector<1xi32>
        %parallel_loop3A_219 = arith.constant 1 : i32
        %parallel_loop3A_220 = arith.shrsi %parallel_loop3A_218, %parallel_loop3A_219 : i32
        %parallel_loop3A_221 = vector.extract_strided_slice %parallel_loop3A_136 {offsets = [8], sizes = [1], strides = [1]} : vector<16xi32> to vector<1xi32>
        %parallel_loop3A_222 = vector.extract %parallel_loop3A_221[0] : i32 from vector<1xi32>
        %parallel_loop3A_223 = arith.constant 1 : i32
        %parallel_loop3A_224 = arith.andi %parallel_loop3A_222, %parallel_loop3A_223 : i32
        %parallel_loop3A_225 = arith.constant 64 : i32
        %parallel_loop3A_226 = arith.muli %parallel_loop3A_224, %parallel_loop3A_225 : i32
        %parallel_loop3A_227 = vector.extract_strided_slice %parallel_loop3A_136 {offsets = [9], sizes = [1], strides = [1]} : vector<16xi32> to vector<1xi32>
        %parallel_loop3A_228 = vector.extract %parallel_loop3A_227[0] : i32 from vector<1xi32>
        %parallel_loop3A_229 = arith.constant 1 : i32
        %parallel_loop3A_230 = arith.shrsi %parallel_loop3A_228, %parallel_loop3A_229 : i32
        %parallel_loop3A_231 = vector.extract_strided_slice %parallel_loop3A_136 {offsets = [9], sizes = [1], strides = [1]} : vector<16xi32> to vector<1xi32>
        %parallel_loop3A_232 = vector.extract %parallel_loop3A_231[0] : i32 from vector<1xi32>
        %parallel_loop3A_233 = arith.constant 1 : i32
        %parallel_loop3A_234 = arith.andi %parallel_loop3A_232, %parallel_loop3A_233 : i32
        %parallel_loop3A_235 = arith.constant 64 : i32
        %parallel_loop3A_236 = arith.muli %parallel_loop3A_234, %parallel_loop3A_235 : i32
        %parallel_loop3A_237 = arith.constant 0 : i32
        %parallel_loop3A_238 = arith.addi %parallel_loop3A_146, %parallel_loop3A_237 : i32
        %parallel_loop3A_239 = arith.index_cast %parallel_loop3A_140 : i32 to index
        %parallel_loop3A_240 = arith.index_cast %parallel_loop3A_238 : i32 to index
        %parallel_loop3A_241 = tpu.vector_load %arg5[%parallel_loop3A_239, %parallel_loop3A_240] {strides = array<i32>} : memref<513x128xi32, #tpu.memory_space<vmem>>, vector<16xi32>,
        %parallel_loop3A_242 = vector.bitcast %parallel_loop3A_241 : vector<16xi32> to vector<32xbf16>
        %parallel_loop3A_243 = arith.constant 0 : i32
        %parallel_loop3A_244 = arith.addi %parallel_loop3A_156, %parallel_loop3A_243 : i32
        %parallel_loop3A_245 = arith.index_cast %parallel_loop3A_150 : i32 to index
        %parallel_loop3A_246 = arith.index_cast %parallel_loop3A_244 : i32 to index
        %parallel_loop3A_247 = tpu.vector_load %arg5[%parallel_loop3A_245, %parallel_loop3A_246] {strides = array<i32>} : memref<513x128xi32, #tpu.memory_space<vmem>>, vector<16xi32>,
        %parallel_loop3A_248 = vector.bitcast %parallel_loop3A_247 : vector<16xi32> to vector<32xbf16>
        %parallel_loop3A_249 = arith.constant 0 : i32
        %parallel_loop3A_250 = arith.addi %parallel_loop3A_166, %parallel_loop3A_249 : i32
        %parallel_loop3A_251 = arith.index_cast %parallel_loop3A_160 : i32 to index
        %parallel_loop3A_252 = arith.index_cast %parallel_loop3A_250 : i32 to index
        %parallel_loop3A_253 = tpu.vector_load %arg5[%parallel_loop3A_251, %parallel_loop3A_252] {strides = array<i32>} : memref<513x128xi32, #tpu.memory_space<vmem>>, vector<16xi32>,
        %parallel_loop3A_254 = vector.bitcast %parallel_loop3A_253 : vector<16xi32> to vector<32xbf16>
        %parallel_loop3A_255 = arith.constant 0 : i32
        %parallel_loop3A_256 = arith.addi %parallel_loop3A_176, %parallel_loop3A_255 : i32
        %parallel_loop3A_257 = arith.index_cast %parallel_loop3A_170 : i32 to index
        %parallel_loop3A_258 = arith.index_cast %parallel_loop3A_256 : i32 to index
        %parallel_loop3A_259 = tpu.vector_load %arg5[%parallel_loop3A_257, %parallel_loop3A_258] {strides = array<i32>} : memref<513x128xi32, #tpu.memory_space<vmem>>, vector<16xi32>,
        %parallel_loop3A_260 = vector.bitcast %parallel_loop3A_259 : vector<16xi32> to vector<32xbf16>
        %parallel_loop3A_261 = arith.constant 0 : i32
        %parallel_loop3A_262 = arith.addi %parallel_loop3A_186, %parallel_loop3A_261 : i32
        %parallel_loop3A_263 = arith.index_cast %parallel_loop3A_180 : i32 to index
        %parallel_loop3A_264 = arith.index_cast %parallel_loop3A_262 : i32 to index
        %parallel_loop3A_265 = tpu.vector_load %arg5[%parallel_loop3A_263, %parallel_loop3A_264] {strides = array<i32>} : memref<513x128xi32, #tpu.memory_space<vmem>>, vector<16xi32>,
        %parallel_loop3A_266 = vector.bitcast %parallel_loop3A_265 : vector<16xi32> to vector<32xbf16>
        %parallel_loop3A_267 = arith.constant 0 : i32
        %parallel_loop3A_268 = arith.addi %parallel_loop3A_196, %parallel_loop3A_267 : i32
        %parallel_loop3A_269 = arith.index_cast %parallel_loop3A_190 : i32 to index
        %parallel_loop3A_270 = arith.index_cast %parallel_loop3A_268 : i32 to index
        %parallel_loop3A_271 = tpu.vector_load %arg5[%parallel_loop3A_269, %parallel_loop3A_270] {strides = array<i32>} : memref<513x128xi32, #tpu.memory_space<vmem>>, vector<16xi32>,
        %parallel_loop3A_272 = vector.bitcast %parallel_loop3A_271 : vector<16xi32> to vector<32xbf16>
        %parallel_loop3A_273 = arith.constant 0 : i32
        %parallel_loop3A_274 = arith.addi %parallel_loop3A_206, %parallel_loop3A_273 : i32
        %parallel_loop3A_275 = arith.index_cast %parallel_loop3A_200 : i32 to index
        %parallel_loop3A_276 = arith.index_cast %parallel_loop3A_274 : i32 to index
        %parallel_loop3A_277 = tpu.vector_load %arg5[%parallel_loop3A_275, %parallel_loop3A_276] {strides = array<i32>} : memref<513x128xi32, #tpu.memory_space<vmem>>, vector<16xi32>,
        %parallel_loop3A_278 = vector.bitcast %parallel_loop3A_277 : vector<16xi32> to vector<32xbf16>
        %parallel_loop3A_279 = arith.constant 0 : i32
        %parallel_loop3A_280 = arith.addi %parallel_loop3A_216, %parallel_loop3A_279 : i32
        %parallel_loop3A_281 = arith.index_cast %parallel_loop3A_210 : i32 to index
        %parallel_loop3A_282 = arith.index_cast %parallel_loop3A_280 : i32 to index
        %parallel_loop3A_283 = tpu.vector_load %arg5[%parallel_loop3A_281, %parallel_loop3A_282] {strides = array<i32>} : memref<513x128xi32, #tpu.memory_space<vmem>>, vector<16xi32>,
        %parallel_loop3A_284 = vector.bitcast %parallel_loop3A_283 : vector<16xi32> to vector<32xbf16>
        %parallel_loop3A_285 = arith.constant 0 : i32
        %parallel_loop3A_286 = arith.addi %parallel_loop3A_226, %parallel_loop3A_285 : i32
        %parallel_loop3A_287 = arith.index_cast %parallel_loop3A_220 : i32 to index
        %parallel_loop3A_288 = arith.index_cast %parallel_loop3A_286 : i32 to index
        %parallel_loop3A_289 = tpu.vector_load %arg5[%parallel_loop3A_287, %parallel_loop3A_288] {strides = array<i32>} : memref<513x128xi32, #tpu.memory_space<vmem>>, vector<16xi32>,
        %parallel_loop3A_290 = vector.bitcast %parallel_loop3A_289 : vector<16xi32> to vector<32xbf16>
        %parallel_loop3A_291 = arith.constant 0 : i32
        %parallel_loop3A_292 = arith.addi %parallel_loop3A_236, %parallel_loop3A_291 : i32
        %parallel_loop3A_293 = arith.index_cast %parallel_loop3A_230 : i32 to index
        %parallel_loop3A_294 = arith.index_cast %parallel_loop3A_292 : i32 to index
        %parallel_loop3A_295 = tpu.vector_load %arg5[%parallel_loop3A_293, %parallel_loop3A_294] {strides = array<i32>} : memref<513x128xi32, #tpu.memory_space<vmem>>, vector<16xi32>,
        %parallel_loop3A_296 = vector.bitcast %parallel_loop3A_295 : vector<16xi32> to vector<32xbf16>
        %parallel_loop3A_297 = arith.addf %parallel_loop3A_242, %parallel_loop3A_248 : vector<32xbf16>
        %parallel_loop3A_298 = arith.addf %parallel_loop3A_254, %parallel_loop3A_260 : vector<32xbf16>
        %parallel_loop3A_299 = arith.addf %parallel_loop3A_266, %parallel_loop3A_272 : vector<32xbf16>
        %parallel_loop3A_300 = arith.addf %parallel_loop3A_278, %parallel_loop3A_284 : vector<32xbf16>
        %parallel_loop3A_301 = arith.addf %parallel_loop3A_290, %parallel_loop3A_296 : vector<32xbf16>
        %parallel_loop3A_302 = arith.addf %parallel_loop3A_297, %parallel_loop3A_298 : vector<32xbf16>
        %parallel_loop3A_303 = arith.addf %parallel_loop3A_299, %parallel_loop3A_300 : vector<32xbf16>
        %parallel_loop3A_304 = arith.addf %parallel_loop3A_302, %parallel_loop3A_303 : vector<32xbf16>
        %parallel_loop3A_305 = arith.addf %parallel_loop3A_304, %parallel_loop3A_301 : vector<32xbf16>
        %parallel_loop3A_306 = tpu.unpack_subelements %parallel_loop3A_305, 0 {pack_format = #tpu.pack_format<interleaved>} : vector<32xbf16> -> vector<16xf32>
        %parallel_loop3A_307 = tpu.unpack_subelements %parallel_loop3A_305, 1 {pack_format = #tpu.pack_format<interleaved>} : vector<32xbf16> -> vector<16xf32>
        %parallel_loop3A_308 = arith.index_cast %parallel_loop3A_133 : i32 to index
        %parallel_loop3A_309 = arith.constant 0 : index
        %parallel_loop3A_310 = tpu.vector_load %arg8[%parallel_loop3A_308, %parallel_loop3A_309] {strides = array<i32>} : memref<32x128xf32, #tpu.memory_space<vmem>>, vector<16xf32>,
        tpu.vector_store %arg8[%parallel_loop3A_308, %parallel_loop3A_309], %parallel_loop3A_306 {strides = array<i32>} : memref<32x128xf32, #tpu.memory_space<vmem>>, vector<16xf32>,
        %parallel_loop3A_311 = arith.index_cast %parallel_loop3A_133 : i32 to index
        %parallel_loop3A_312 = arith.constant 16 : index
        %parallel_loop3A_313 = tpu.vector_load %arg8[%parallel_loop3A_311, %parallel_loop3A_312] {strides = array<i32>} : memref<32x128xf32, #tpu.memory_space<vmem>>, vector<16xf32>,
        tpu.vector_store %arg8[%parallel_loop3A_311, %parallel_loop3A_312], %parallel_loop3A_307 {strides = array<i32>} : memref<32x128xf32, #tpu.memory_space<vmem>>, vector<16xf32>,
        %parallel_loop3A_314 = arith.constant 16 : i32
        %parallel_loop3A_315 = arith.addi %parallel_loop3A_146, %parallel_loop3A_314 : i32
        %parallel_loop3A_316 = arith.index_cast %parallel_loop3A_140 : i32 to index
        %parallel_loop3A_317 = arith.index_cast %parallel_loop3A_315 : i32 to index
        %parallel_loop3A_318 = tpu.vector_load %arg5[%parallel_loop3A_316, %parallel_loop3A_317] {strides = array<i32>} : memref<513x128xi32, #tpu.memory_space<vmem>>, vector<16xi32>,
        %parallel_loop3A_319 = vector.bitcast %parallel_loop3A_318 : vector<16xi32> to vector<32xbf16>
        %parallel_loop3A_320 = arith.constant 16 : i32
        %parallel_loop3A_321 = arith.addi %parallel_loop3A_156, %parallel_loop3A_320 : i32
        %parallel_loop3A_322 = arith.index_cast %parallel_loop3A_150 : i32 to index
        %parallel_loop3A_323 = arith.index_cast %parallel_loop3A_321 : i32 to index
        %parallel_loop3A_324 = tpu.vector_load %arg5[%parallel_loop3A_322, %parallel_loop3A_323] {strides = array<i32>} : memref<513x128xi32, #tpu.memory_space<vmem>>, vector<16xi32>,
        %parallel_loop3A_325 = vector.bitcast %parallel_loop3A_324 : vector<16xi32> to vector<32xbf16>
        %parallel_loop3A_326 = arith.constant 16 : i32
        %parallel_loop3A_327 = arith.addi %parallel_loop3A_166, %parallel_loop3A_326 : i32
        %parallel_loop3A_328 = arith.index_cast %parallel_loop3A_160 : i32 to index
        %parallel_loop3A_329 = arith.index_cast %parallel_loop3A_327 : i32 to index
        %parallel_loop3A_330 = tpu.vector_load %arg5[%parallel_loop3A_328, %parallel_loop3A_329] {strides = array<i32>} : memref<513x128xi32, #tpu.memory_space<vmem>>, vector<16xi32>,
        %parallel_loop3A_331 = vector.bitcast %parallel_loop3A_330 : vector<16xi32> to vector<32xbf16>
        %parallel_loop3A_332 = arith.constant 16 : i32
        %parallel_loop3A_333 = arith.addi %parallel_loop3A_176, %parallel_loop3A_332 : i32
        %parallel_loop3A_334 = arith.index_cast %parallel_loop3A_170 : i32 to index
        %parallel_loop3A_335 = arith.index_cast %parallel_loop3A_333 : i32 to index
        %parallel_loop3A_336 = tpu.vector_load %arg5[%parallel_loop3A_334, %parallel_loop3A_335] {strides = array<i32>} : memref<513x128xi32, #tpu.memory_space<vmem>>, vector<16xi32>,
        %parallel_loop3A_337 = vector.bitcast %parallel_loop3A_336 : vector<16xi32> to vector<32xbf16>
        %parallel_loop3A_338 = arith.constant 16 : i32
        %parallel_loop3A_339 = arith.addi %parallel_loop3A_186, %parallel_loop3A_338 : i32
        %parallel_loop3A_340 = arith.index_cast %parallel_loop3A_180 : i32 to index
        %parallel_loop3A_341 = arith.index_cast %parallel_loop3A_339 : i32 to index
        %parallel_loop3A_342 = tpu.vector_load %arg5[%parallel_loop3A_340, %parallel_loop3A_341] {strides = array<i32>} : memref<513x128xi32, #tpu.memory_space<vmem>>, vector<16xi32>,
        %parallel_loop3A_343 = vector.bitcast %parallel_loop3A_342 : vector<16xi32> to vector<32xbf16>
        %parallel_loop3A_344 = arith.constant 16 : i32
        %parallel_loop3A_345 = arith.addi %parallel_loop3A_196, %parallel_loop3A_344 : i32
        %parallel_loop3A_346 = arith.index_cast %parallel_loop3A_190 : i32 to index
        %parallel_loop3A_347 = arith.index_cast %parallel_loop3A_345 : i32 to index
        %parallel_loop3A_348 = tpu.vector_load %arg5[%parallel_loop3A_346, %parallel_loop3A_347] {strides = array<i32>} : memref<513x128xi32, #tpu.memory_space<vmem>>, vector<16xi32>,
        %parallel_loop3A_349 = vector.bitcast %parallel_loop3A_348 : vector<16xi32> to vector<32xbf16>
        %parallel_loop3A_350 = arith.constant 16 : i32
        %parallel_loop3A_351 = arith.addi %parallel_loop3A_206, %parallel_loop3A_350 : i32
        %parallel_loop3A_352 = arith.index_cast %parallel_loop3A_200 : i32 to index
        %parallel_loop3A_353 = arith.index_cast %parallel_loop3A_351 : i32 to index
        %parallel_loop3A_354 = tpu.vector_load %arg5[%parallel_loop3A_352, %parallel_loop3A_353] {strides = array<i32>} : memref<513x128xi32, #tpu.memory_space<vmem>>, vector<16xi32>,
        %parallel_loop3A_355 = vector.bitcast %parallel_loop3A_354 : vector<16xi32> to vector<32xbf16>
        %parallel_loop3A_356 = arith.constant 16 : i32
        %parallel_loop3A_357 = arith.addi %parallel_loop3A_216, %parallel_loop3A_356 : i32
        %parallel_loop3A_358 = arith.index_cast %parallel_loop3A_210 : i32 to index
        %parallel_loop3A_359 = arith.index_cast %parallel_loop3A_357 : i32 to index
        %parallel_loop3A_360 = tpu.vector_load %arg5[%parallel_loop3A_358, %parallel_loop3A_359] {strides = array<i32>} : memref<513x128xi32, #tpu.memory_space<vmem>>, vector<16xi32>,
        %parallel_loop3A_361 = vector.bitcast %parallel_loop3A_360 : vector<16xi32> to vector<32xbf16>
        %parallel_loop3A_362 = arith.constant 16 : i32
        %parallel_loop3A_363 = arith.addi %parallel_loop3A_226, %parallel_loop3A_362 : i32
        %parallel_loop3A_364 = arith.index_cast %parallel_loop3A_220 : i32 to index
        %parallel_loop3A_365 = arith.index_cast %parallel_loop3A_363 : i32 to index
        %parallel_loop3A_366 = tpu.vector_load %arg5[%parallel_loop3A_364, %parallel_loop3A_365] {strides = array<i32>} : memref<513x128xi32, #tpu.memory_space<vmem>>, vector<16xi32>,
        %parallel_loop3A_367 = vector.bitcast %parallel_loop3A_366 : vector<16xi32> to vector<32xbf16>
        %parallel_loop3A_368 = arith.constant 16 : i32
        %parallel_loop3A_369 = arith.addi %parallel_loop3A_236, %parallel_loop3A_368 : i32
        %parallel_loop3A_370 = arith.index_cast %parallel_loop3A_230 : i32 to index
        %parallel_loop3A_371 = arith.index_cast %parallel_loop3A_369 : i32 to index
        %parallel_loop3A_372 = tpu.vector_load %arg5[%parallel_loop3A_370, %parallel_loop3A_371] {strides = array<i32>} : memref<513x128xi32, #tpu.memory_space<vmem>>, vector<16xi32>,
        %parallel_loop3A_373 = vector.bitcast %parallel_loop3A_372 : vector<16xi32> to vector<32xbf16>
        %parallel_loop3A_374 = arith.addf %parallel_loop3A_319, %parallel_loop3A_325 : vector<32xbf16>
        %parallel_loop3A_375 = arith.addf %parallel_loop3A_331, %parallel_loop3A_337 : vector<32xbf16>
        %parallel_loop3A_376 = arith.addf %parallel_loop3A_343, %parallel_loop3A_349 : vector<32xbf16>
        %parallel_loop3A_377 = arith.addf %parallel_loop3A_355, %parallel_loop3A_361 : vector<32xbf16>
        %parallel_loop3A_378 = arith.addf %parallel_loop3A_367, %parallel_loop3A_373 : vector<32xbf16>
        %parallel_loop3A_379 = arith.addf %parallel_loop3A_374, %parallel_loop3A_375 : vector<32xbf16>
        %parallel_loop3A_380 = arith.addf %parallel_loop3A_376, %parallel_loop3A_377 : vector<32xbf16>
        %parallel_loop3A_381 = arith.addf %parallel_loop3A_379, %parallel_loop3A_380 : vector<32xbf16>
        %parallel_loop3A_382 = arith.addf %parallel_loop3A_381, %parallel_loop3A_378 : vector<32xbf16>
        %parallel_loop3A_383 = tpu.unpack_subelements %parallel_loop3A_382, 0 {pack_format = #tpu.pack_format<interleaved>} : vector<32xbf16> -> vector<16xf32>
        %parallel_loop3A_384 = tpu.unpack_subelements %parallel_loop3A_382, 1 {pack_format = #tpu.pack_format<interleaved>} : vector<32xbf16> -> vector<16xf32>
        %parallel_loop3A_385 = arith.index_cast %parallel_loop3A_133 : i32 to index
        %parallel_loop3A_386 = arith.constant 32 : index
        %parallel_loop3A_387 = tpu.vector_load %arg8[%parallel_loop3A_385, %parallel_loop3A_386] {strides = array<i32>} : memref<32x128xf32, #tpu.memory_space<vmem>>, vector<16xf32>,
        tpu.vector_store %arg8[%parallel_loop3A_385, %parallel_loop3A_386], %parallel_loop3A_383 {strides = array<i32>} : memref<32x128xf32, #tpu.memory_space<vmem>>, vector<16xf32>,
        %parallel_loop3A_388 = arith.index_cast %parallel_loop3A_133 : i32 to index
        %parallel_loop3A_389 = arith.constant 48 : index
        %parallel_loop3A_390 = tpu.vector_load %arg8[%parallel_loop3A_388, %parallel_loop3A_389] {strides = array<i32>} : memref<32x128xf32, #tpu.memory_space<vmem>>, vector<16xf32>,
        tpu.vector_store %arg8[%parallel_loop3A_388, %parallel_loop3A_389], %parallel_loop3A_384 {strides = array<i32>} : memref<32x128xf32, #tpu.memory_space<vmem>>, vector<16xf32>,
        %parallel_loop3A_391 = arith.constant 32 : i32
        %parallel_loop3A_392 = arith.addi %parallel_loop3A_146, %parallel_loop3A_391 : i32
        %parallel_loop3A_393 = arith.index_cast %parallel_loop3A_140 : i32 to index
        %parallel_loop3A_394 = arith.index_cast %parallel_loop3A_392 : i32 to index
        %parallel_loop3A_395 = tpu.vector_load %arg5[%parallel_loop3A_393, %parallel_loop3A_394] {strides = array<i32>} : memref<513x128xi32, #tpu.memory_space<vmem>>, vector<16xi32>,
        %parallel_loop3A_396 = vector.bitcast %parallel_loop3A_395 : vector<16xi32> to vector<32xbf16>
        %parallel_loop3A_397 = arith.constant 32 : i32
        %parallel_loop3A_398 = arith.addi %parallel_loop3A_156, %parallel_loop3A_397 : i32
        %parallel_loop3A_399 = arith.index_cast %parallel_loop3A_150 : i32 to index
        %parallel_loop3A_400 = arith.index_cast %parallel_loop3A_398 : i32 to index
        %parallel_loop3A_401 = tpu.vector_load %arg5[%parallel_loop3A_399, %parallel_loop3A_400] {strides = array<i32>} : memref<513x128xi32, #tpu.memory_space<vmem>>, vector<16xi32>,
        %parallel_loop3A_402 = vector.bitcast %parallel_loop3A_401 : vector<16xi32> to vector<32xbf16>
        %parallel_loop3A_403 = arith.constant 32 : i32
        %parallel_loop3A_404 = arith.addi %parallel_loop3A_166, %parallel_loop3A_403 : i32
        %parallel_loop3A_405 = arith.index_cast %parallel_loop3A_160 : i32 to index
        %parallel_loop3A_406 = arith.index_cast %parallel_loop3A_404 : i32 to index
        %parallel_loop3A_407 = tpu.vector_load %arg5[%parallel_loop3A_405, %parallel_loop3A_406] {strides = array<i32>} : memref<513x128xi32, #tpu.memory_space<vmem>>, vector<16xi32>,
        %parallel_loop3A_408 = vector.bitcast %parallel_loop3A_407 : vector<16xi32> to vector<32xbf16>
        %parallel_loop3A_409 = arith.constant 32 : i32
        %parallel_loop3A_410 = arith.addi %parallel_loop3A_176, %parallel_loop3A_409 : i32
        %parallel_loop3A_411 = arith.index_cast %parallel_loop3A_170 : i32 to index
        %parallel_loop3A_412 = arith.index_cast %parallel_loop3A_410 : i32 to index
        %parallel_loop3A_413 = tpu.vector_load %arg5[%parallel_loop3A_411, %parallel_loop3A_412] {strides = array<i32>} : memref<513x128xi32, #tpu.memory_space<vmem>>, vector<16xi32>,
        %parallel_loop3A_414 = vector.bitcast %parallel_loop3A_413 : vector<16xi32> to vector<32xbf16>
        %parallel_loop3A_415 = arith.constant 32 : i32
        %parallel_loop3A_416 = arith.addi %parallel_loop3A_186, %parallel_loop3A_415 : i32
        %parallel_loop3A_417 = arith.index_cast %parallel_loop3A_180 : i32 to index
        %parallel_loop3A_418 = arith.index_cast %parallel_loop3A_416 : i32 to index
        %parallel_loop3A_419 = tpu.vector_load %arg5[%parallel_loop3A_417, %parallel_loop3A_418] {strides = array<i32>} : memref<513x128xi32, #tpu.memory_space<vmem>>, vector<16xi32>,
        %parallel_loop3A_420 = vector.bitcast %parallel_loop3A_419 : vector<16xi32> to vector<32xbf16>
        %parallel_loop3A_421 = arith.constant 32 : i32
        %parallel_loop3A_422 = arith.addi %parallel_loop3A_196, %parallel_loop3A_421 : i32
        %parallel_loop3A_423 = arith.index_cast %parallel_loop3A_190 : i32 to index
        %parallel_loop3A_424 = arith.index_cast %parallel_loop3A_422 : i32 to index
        %parallel_loop3A_425 = tpu.vector_load %arg5[%parallel_loop3A_423, %parallel_loop3A_424] {strides = array<i32>} : memref<513x128xi32, #tpu.memory_space<vmem>>, vector<16xi32>,
        %parallel_loop3A_426 = vector.bitcast %parallel_loop3A_425 : vector<16xi32> to vector<32xbf16>
        %parallel_loop3A_427 = arith.constant 32 : i32
        %parallel_loop3A_428 = arith.addi %parallel_loop3A_206, %parallel_loop3A_427 : i32
        %parallel_loop3A_429 = arith.index_cast %parallel_loop3A_200 : i32 to index
        %parallel_loop3A_430 = arith.index_cast %parallel_loop3A_428 : i32 to index
        %parallel_loop3A_431 = tpu.vector_load %arg5[%parallel_loop3A_429, %parallel_loop3A_430] {strides = array<i32>} : memref<513x128xi32, #tpu.memory_space<vmem>>, vector<16xi32>,
        %parallel_loop3A_432 = vector.bitcast %parallel_loop3A_431 : vector<16xi32> to vector<32xbf16>
        %parallel_loop3A_433 = arith.constant 32 : i32
        %parallel_loop3A_434 = arith.addi %parallel_loop3A_216, %parallel_loop3A_433 : i32
        %parallel_loop3A_435 = arith.index_cast %parallel_loop3A_210 : i32 to index
        %parallel_loop3A_436 = arith.index_cast %parallel_loop3A_434 : i32 to index
        %parallel_loop3A_437 = tpu.vector_load %arg5[%parallel_loop3A_435, %parallel_loop3A_436] {strides = array<i32>} : memref<513x128xi32, #tpu.memory_space<vmem>>, vector<16xi32>,
        %parallel_loop3A_438 = vector.bitcast %parallel_loop3A_437 : vector<16xi32> to vector<32xbf16>
        %parallel_loop3A_439 = arith.constant 32 : i32
        %parallel_loop3A_440 = arith.addi %parallel_loop3A_226, %parallel_loop3A_439 : i32
        %parallel_loop3A_441 = arith.index_cast %parallel_loop3A_220 : i32 to index
        %parallel_loop3A_442 = arith.index_cast %parallel_loop3A_440 : i32 to index
        %parallel_loop3A_443 = tpu.vector_load %arg5[%parallel_loop3A_441, %parallel_loop3A_442] {strides = array<i32>} : memref<513x128xi32, #tpu.memory_space<vmem>>, vector<16xi32>,
        %parallel_loop3A_444 = vector.bitcast %parallel_loop3A_443 : vector<16xi32> to vector<32xbf16>
        %parallel_loop3A_445 = arith.constant 32 : i32
        %parallel_loop3A_446 = arith.addi %parallel_loop3A_236, %parallel_loop3A_445 : i32
        %parallel_loop3A_447 = arith.index_cast %parallel_loop3A_230 : i32 to index
        %parallel_loop3A_448 = arith.index_cast %parallel_loop3A_446 : i32 to index
        %parallel_loop3A_449 = tpu.vector_load %arg5[%parallel_loop3A_447, %parallel_loop3A_448] {strides = array<i32>} : memref<513x128xi32, #tpu.memory_space<vmem>>, vector<16xi32>,
        %parallel_loop3A_450 = vector.bitcast %parallel_loop3A_449 : vector<16xi32> to vector<32xbf16>
        %parallel_loop3A_451 = arith.addf %parallel_loop3A_396, %parallel_loop3A_402 : vector<32xbf16>
        %parallel_loop3A_452 = arith.addf %parallel_loop3A_408, %parallel_loop3A_414 : vector<32xbf16>
        %parallel_loop3A_453 = arith.addf %parallel_loop3A_420, %parallel_loop3A_426 : vector<32xbf16>
        %parallel_loop3A_454 = arith.addf %parallel_loop3A_432, %parallel_loop3A_438 : vector<32xbf16>
        %parallel_loop3A_455 = arith.addf %parallel_loop3A_444, %parallel_loop3A_450 : vector<32xbf16>
        %parallel_loop3A_456 = arith.addf %parallel_loop3A_451, %parallel_loop3A_452 : vector<32xbf16>
        %parallel_loop3A_457 = arith.addf %parallel_loop3A_453, %parallel_loop3A_454 : vector<32xbf16>
        %parallel_loop3A_458 = arith.addf %parallel_loop3A_456, %parallel_loop3A_457 : vector<32xbf16>
        %parallel_loop3A_459 = arith.addf %parallel_loop3A_458, %parallel_loop3A_455 : vector<32xbf16>
        %parallel_loop3A_460 = tpu.unpack_subelements %parallel_loop3A_459, 0 {pack_format = #tpu.pack_format<interleaved>} : vector<32xbf16> -> vector<16xf32>
        %parallel_loop3A_461 = tpu.unpack_subelements %parallel_loop3A_459, 1 {pack_format = #tpu.pack_format<interleaved>} : vector<32xbf16> -> vector<16xf32>
        %parallel_loop3A_462 = arith.index_cast %parallel_loop3A_133 : i32 to index
        %parallel_loop3A_463 = arith.constant 64 : index
        %parallel_loop3A_464 = tpu.vector_load %arg8[%parallel_loop3A_462, %parallel_loop3A_463] {strides = array<i32>} : memref<32x128xf32, #tpu.memory_space<vmem>>, vector<16xf32>,
        tpu.vector_store %arg8[%parallel_loop3A_462, %parallel_loop3A_463], %parallel_loop3A_460 {strides = array<i32>} : memref<32x128xf32, #tpu.memory_space<vmem>>, vector<16xf32>,
        %parallel_loop3A_465 = arith.index_cast %parallel_loop3A_133 : i32 to index
        %parallel_loop3A_466 = arith.constant 80 : index
        %parallel_loop3A_467 = tpu.vector_load %arg8[%parallel_loop3A_465, %parallel_loop3A_466] {strides = array<i32>} : memref<32x128xf32, #tpu.memory_space<vmem>>, vector<16xf32>,
        tpu.vector_store %arg8[%parallel_loop3A_465, %parallel_loop3A_466], %parallel_loop3A_461 {strides = array<i32>} : memref<32x128xf32, #tpu.memory_space<vmem>>, vector<16xf32>,
        %parallel_loop3A_468 = arith.constant 48 : i32
        %parallel_loop3A_469 = arith.addi %parallel_loop3A_146, %parallel_loop3A_468 : i32
        %parallel_loop3A_470 = arith.index_cast %parallel_loop3A_140 : i32 to index
        %parallel_loop3A_471 = arith.index_cast %parallel_loop3A_469 : i32 to index
        %parallel_loop3A_472 = tpu.vector_load %arg5[%parallel_loop3A_470, %parallel_loop3A_471] {strides = array<i32>} : memref<513x128xi32, #tpu.memory_space<vmem>>, vector<16xi32>,
        %parallel_loop3A_473 = vector.bitcast %parallel_loop3A_472 : vector<16xi32> to vector<32xbf16>
        %parallel_loop3A_474 = arith.constant 48 : i32
        %parallel_loop3A_475 = arith.addi %parallel_loop3A_156, %parallel_loop3A_474 : i32
        %parallel_loop3A_476 = arith.index_cast %parallel_loop3A_150 : i32 to index
        %parallel_loop3A_477 = arith.index_cast %parallel_loop3A_475 : i32 to index
        %parallel_loop3A_478 = tpu.vector_load %arg5[%parallel_loop3A_476, %parallel_loop3A_477] {strides = array<i32>} : memref<513x128xi32, #tpu.memory_space<vmem>>, vector<16xi32>,
        %parallel_loop3A_479 = vector.bitcast %parallel_loop3A_478 : vector<16xi32> to vector<32xbf16>
        %parallel_loop3A_480 = arith.constant 48 : i32
        %parallel_loop3A_481 = arith.addi %parallel_loop3A_166, %parallel_loop3A_480 : i32
        %parallel_loop3A_482 = arith.index_cast %parallel_loop3A_160 : i32 to index
        %parallel_loop3A_483 = arith.index_cast %parallel_loop3A_481 : i32 to index
        %parallel_loop3A_484 = tpu.vector_load %arg5[%parallel_loop3A_482, %parallel_loop3A_483] {strides = array<i32>} : memref<513x128xi32, #tpu.memory_space<vmem>>, vector<16xi32>,
        %parallel_loop3A_485 = vector.bitcast %parallel_loop3A_484 : vector<16xi32> to vector<32xbf16>
        %parallel_loop3A_486 = arith.constant 48 : i32
        %parallel_loop3A_487 = arith.addi %parallel_loop3A_176, %parallel_loop3A_486 : i32
        %parallel_loop3A_488 = arith.index_cast %parallel_loop3A_170 : i32 to index
        %parallel_loop3A_489 = arith.index_cast %parallel_loop3A_487 : i32 to index
        %parallel_loop3A_490 = tpu.vector_load %arg5[%parallel_loop3A_488, %parallel_loop3A_489] {strides = array<i32>} : memref<513x128xi32, #tpu.memory_space<vmem>>, vector<16xi32>,
        %parallel_loop3A_491 = vector.bitcast %parallel_loop3A_490 : vector<16xi32> to vector<32xbf16>
        %parallel_loop3A_492 = arith.constant 48 : i32
        %parallel_loop3A_493 = arith.addi %parallel_loop3A_186, %parallel_loop3A_492 : i32
        %parallel_loop3A_494 = arith.index_cast %parallel_loop3A_180 : i32 to index
        %parallel_loop3A_495 = arith.index_cast %parallel_loop3A_493 : i32 to index
        %parallel_loop3A_496 = tpu.vector_load %arg5[%parallel_loop3A_494, %parallel_loop3A_495] {strides = array<i32>} : memref<513x128xi32, #tpu.memory_space<vmem>>, vector<16xi32>,
        %parallel_loop3A_497 = vector.bitcast %parallel_loop3A_496 : vector<16xi32> to vector<32xbf16>
        %parallel_loop3A_498 = arith.constant 48 : i32
        %parallel_loop3A_499 = arith.addi %parallel_loop3A_196, %parallel_loop3A_498 : i32
        %parallel_loop3A_500 = arith.index_cast %parallel_loop3A_190 : i32 to index
        %parallel_loop3A_501 = arith.index_cast %parallel_loop3A_499 : i32 to index
        %parallel_loop3A_502 = tpu.vector_load %arg5[%parallel_loop3A_500, %parallel_loop3A_501] {strides = array<i32>} : memref<513x128xi32, #tpu.memory_space<vmem>>, vector<16xi32>,
        %parallel_loop3A_503 = vector.bitcast %parallel_loop3A_502 : vector<16xi32> to vector<32xbf16>
        %parallel_loop3A_504 = arith.constant 48 : i32
        %parallel_loop3A_505 = arith.addi %parallel_loop3A_206, %parallel_loop3A_504 : i32
        %parallel_loop3A_506 = arith.index_cast %parallel_loop3A_200 : i32 to index
        %parallel_loop3A_507 = arith.index_cast %parallel_loop3A_505 : i32 to index
        %parallel_loop3A_508 = tpu.vector_load %arg5[%parallel_loop3A_506, %parallel_loop3A_507] {strides = array<i32>} : memref<513x128xi32, #tpu.memory_space<vmem>>, vector<16xi32>,
        %parallel_loop3A_509 = vector.bitcast %parallel_loop3A_508 : vector<16xi32> to vector<32xbf16>
        %parallel_loop3A_510 = arith.constant 48 : i32
        %parallel_loop3A_511 = arith.addi %parallel_loop3A_216, %parallel_loop3A_510 : i32
        %parallel_loop3A_512 = arith.index_cast %parallel_loop3A_210 : i32 to index
        %parallel_loop3A_513 = arith.index_cast %parallel_loop3A_511 : i32 to index
        %parallel_loop3A_514 = tpu.vector_load %arg5[%parallel_loop3A_512, %parallel_loop3A_513] {strides = array<i32>} : memref<513x128xi32, #tpu.memory_space<vmem>>, vector<16xi32>,
        %parallel_loop3A_515 = vector.bitcast %parallel_loop3A_514 : vector<16xi32> to vector<32xbf16>
        %parallel_loop3A_516 = arith.constant 48 : i32
        %parallel_loop3A_517 = arith.addi %parallel_loop3A_226, %parallel_loop3A_516 : i32
        %parallel_loop3A_518 = arith.index_cast %parallel_loop3A_220 : i32 to index
        %parallel_loop3A_519 = arith.index_cast %parallel_loop3A_517 : i32 to index
        %parallel_loop3A_520 = tpu.vector_load %arg5[%parallel_loop3A_518, %parallel_loop3A_519] {strides = array<i32>} : memref<513x128xi32, #tpu.memory_space<vmem>>, vector<16xi32>,
        %parallel_loop3A_521 = vector.bitcast %parallel_loop3A_520 : vector<16xi32> to vector<32xbf16>
        %parallel_loop3A_522 = arith.constant 48 : i32
        %parallel_loop3A_523 = arith.addi %parallel_loop3A_236, %parallel_loop3A_522 : i32
        %parallel_loop3A_524 = arith.index_cast %parallel_loop3A_230 : i32 to index
        %parallel_loop3A_525 = arith.index_cast %parallel_loop3A_523 : i32 to index
        %parallel_loop3A_526 = tpu.vector_load %arg5[%parallel_loop3A_524, %parallel_loop3A_525] {strides = array<i32>} : memref<513x128xi32, #tpu.memory_space<vmem>>, vector<16xi32>,
        %parallel_loop3A_527 = vector.bitcast %parallel_loop3A_526 : vector<16xi32> to vector<32xbf16>
        %parallel_loop3A_528 = arith.addf %parallel_loop3A_473, %parallel_loop3A_479 : vector<32xbf16>
        %parallel_loop3A_529 = arith.addf %parallel_loop3A_485, %parallel_loop3A_491 : vector<32xbf16>
        %parallel_loop3A_530 = arith.addf %parallel_loop3A_497, %parallel_loop3A_503 : vector<32xbf16>
        %parallel_loop3A_531 = arith.addf %parallel_loop3A_509, %parallel_loop3A_515 : vector<32xbf16>
        %parallel_loop3A_532 = arith.addf %parallel_loop3A_521, %parallel_loop3A_527 : vector<32xbf16>
        %parallel_loop3A_533 = arith.addf %parallel_loop3A_528, %parallel_loop3A_529 : vector<32xbf16>
        %parallel_loop3A_534 = arith.addf %parallel_loop3A_530, %parallel_loop3A_531 : vector<32xbf16>
        %parallel_loop3A_535 = arith.addf %parallel_loop3A_533, %parallel_loop3A_534 : vector<32xbf16>
        %parallel_loop3A_536 = arith.addf %parallel_loop3A_535, %parallel_loop3A_532 : vector<32xbf16>
        %parallel_loop3A_537 = tpu.unpack_subelements %parallel_loop3A_536, 0 {pack_format = #tpu.pack_format<interleaved>} : vector<32xbf16> -> vector<16xf32>
        %parallel_loop3A_538 = tpu.unpack_subelements %parallel_loop3A_536, 1 {pack_format = #tpu.pack_format<interleaved>} : vector<32xbf16> -> vector<16xf32>
        %parallel_loop3A_539 = arith.index_cast %parallel_loop3A_133 : i32 to index
        %parallel_loop3A_540 = arith.constant 96 : index
        %parallel_loop3A_541 = tpu.vector_load %arg8[%parallel_loop3A_539, %parallel_loop3A_540] {strides = array<i32>} : memref<32x128xf32, #tpu.memory_space<vmem>>, vector<16xf32>,
        tpu.vector_store %arg8[%parallel_loop3A_539, %parallel_loop3A_540], %parallel_loop3A_537 {strides = array<i32>} : memref<32x128xf32, #tpu.memory_space<vmem>>, vector<16xf32>,
        %parallel_loop3A_542 = arith.index_cast %parallel_loop3A_133 : i32 to index
        %parallel_loop3A_543 = arith.constant 112 : index
        %parallel_loop3A_544 = tpu.vector_load %arg8[%parallel_loop3A_542, %parallel_loop3A_543] {strides = array<i32>} : memref<32x128xf32, #tpu.memory_space<vmem>>, vector<16xf32>,
        tpu.vector_store %arg8[%parallel_loop3A_542, %parallel_loop3A_543], %parallel_loop3A_538 {strides = array<i32>} : memref<32x128xf32, #tpu.memory_space<vmem>>, vector<16xf32>,
      } {sc.loop_unroll_factor = 2 : i64, sc.parallel_access}
      %dma_start3A_75 = arith.constant 0 : i32
      %dma_start3A_76 = tpu.memref_slice %arg4[%mul3A_66, %dma_start3A_75] : memref<100000x128xf32, #tpu.memory_space<hbm>> -> memref<32x128xf32, #tpu.memory_space<hbm>>
      %dma_start3A_77 = arith.constant 0 : i32
      %dma_start3A_78 = tpu.memref_slice %arg4[%mul3A_66, %dma_start3A_77] : memref<100000x128xf32, #tpu.memory_space<hbm>> -> memref<32x128xf32, #tpu.memory_space<hbm>>
      tpu.enqueue_dma source(%arg8 : memref<32x128xf32, #tpu.memory_space<vmem>>) target(%dma_start3A_78 : memref<32x128xf32, #tpu.memory_space<hbm>>) target_semaphore(%arg12 : memref<!tpu.dma_semaphore, #tpu.memory_space<semaphore_mem>>)
      %mul3A_79 = arith.constant 32 : i32
      %mul3A_80 = arith.muli %add3A_59, %mul3A_79 : i32
      %add3A_81 = arith.addi %add3A, %mul3A_80 : i32
      %dma_start3A_82 = arith.constant 0 : i32
      %dma_start3A_83 = arith.constant 0 : i32
      %dma_start3A_84 = tpu.memref_slice %arg3[%add3A_81, %dma_start3A_82, %dma_start3A_83] : memref<3125x32x16xi32, #tpu.memory_space<hbm>> -> memref<1x32x16xi32, #tpu.memory_space<hbm>>
      %dma_start3A_85 = tpu.memref_squeeze %dma_start3A_84 : memref<1x32x16xi32, #tpu.memory_space<hbm>> -> memref<32x16xi32, #tpu.memory_space<hbm>>
      %dma_start3A_86 = arith.constant 0 : i32
      %dma_start3A_87 = arith.constant 0 : i32
      %dma_start3A_88 = tpu.memref_slice %arg3[%add3A_81, %dma_start3A_86, %dma_start3A_87] : memref<3125x32x16xi32, #tpu.memory_space<hbm>> -> memref<1x32x16xi32, #tpu.memory_space<hbm>>
      %dma_start3A_89 = tpu.memref_squeeze %dma_start3A_88 : memref<1x32x16xi32, #tpu.memory_space<hbm>> -> memref<32x16xi32, #tpu.memory_space<hbm>>
      tpu.enqueue_dma source(%dma_start3A_89 : memref<32x16xi32, #tpu.memory_space<hbm>>) target(%arg6 : memref<32x16xi32, #tpu.memory_space<vmem>>) target_semaphore(%arg10 : memref<!tpu.dma_semaphore, #tpu.memory_space<semaphore_mem>>)
      %mul3A_90 = arith.constant 32 : i32
      %mul3A_91 = arith.muli %add3A_57, %mul3A_90 : i32
      %add3A_92 = arith.addi %add3A, %mul3A_91 : i32
      %dma_wait3A_93 = arith.constant 0 : i32
      %dma_wait3A_94 = arith.constant 0 : i32
      %dma_wait3A_95 = tpu.memref_slice %arg3[%add3A_92, %dma_wait3A_93, %dma_wait3A_94] : memref<3125x32x16xi32, #tpu.memory_space<hbm>> -> memref<1x32x16xi32, #tpu.memory_space<hbm>>
      %dma_wait3A_96 = tpu.memref_squeeze %dma_wait3A_95 : memref<1x32x16xi32, #tpu.memory_space<hbm>> -> memref<32x16xi32, #tpu.memory_space<hbm>>
      %dma_wait3A_97 = arith.constant 0 : i32
      %dma_wait3A_98 = arith.constant 0 : i32
      %dma_wait3A_99 = tpu.memref_slice %arg3[%add3A_92, %dma_wait3A_97, %dma_wait3A_98] : memref<3125x32x16xi32, #tpu.memory_space<hbm>> -> memref<1x32x16xi32, #tpu.memory_space<hbm>>
      %dma_wait3A_100 = tpu.memref_squeeze %dma_wait3A_99 : memref<1x32x16xi32, #tpu.memory_space<hbm>> -> memref<32x16xi32, #tpu.memory_space<hbm>>
      tpu.wait_dma2 semaphore(%arg11 : memref<!tpu.dma_semaphore, #tpu.memory_space<semaphore_mem>>) src(%dma_wait3A_100 : memref<32x16xi32, #tpu.memory_space<hbm>>) dst(%arg7 : memref<32x16xi32, #tpu.memory_space<vmem>>)
      %mul3A_101 = arith.constant 32 : i32
      %mul3A_102 = arith.muli %add3A_57, %mul3A_101 : i32
      %add3A_103 = arith.addi %add3A, %mul3A_102 : i32
      %mul3A_104 = arith.constant 32 : i32
      %mul3A_105 = arith.muli %add3A_103, %mul3A_104 : i32
      %ge3A_106 = arith.constant 2 : i32
      %ge3A_107 = arith.cmpi sge, %add3A_57, %ge3A_106 : i32
      %convert_element_type3A_108 = arith.extui %ge3A_107 : i1 to i32
      %cond3A_109 = arith.constant 0 : i32
      %cond3A_110 = arith.cmpi ne, %convert_element_type3A_108, %cond3A_109 : i32
      scf.if %cond3A_110 {
        %dma_wait3A_133 = arith.constant 0 : i32
        %dma_wait3A_134 = tpu.memref_slice %arg4[%mul3A_105, %dma_wait3A_133] : memref<100000x128xf32, #tpu.memory_space<hbm>> -> memref<32x128xf32, #tpu.memory_space<hbm>>
        %dma_wait3A_135 = arith.constant 0 : i32
        %dma_wait3A_136 = tpu.memref_slice %arg4[%mul3A_105, %dma_wait3A_135] : memref<100000x128xf32, #tpu.memory_space<hbm>> -> memref<32x128xf32, #tpu.memory_space<hbm>>
        tpu.wait_dma2 semaphore(%arg13 : memref<!tpu.dma_semaphore, #tpu.memory_space<semaphore_mem>>) src(%arg9 : memref<32x128xf32, #tpu.memory_space<vmem>>) dst(%dma_wait3A_136 : memref<32x128xf32, #tpu.memory_space<hbm>>)
      } else {
      }
      %parallel_loop3A_111 = arith.constant 0 : i32
      %parallel_loop3A_112 = arith.constant 32 : i32
      %parallel_loop3A_113 = arith.constant 1 : i32
      scf.for %parallel_loop3A_133 = %parallel_loop3A_111 to %parallel_loop3A_112 step %parallel_loop3A_113  : i32 {
        %parallel_loop3A_134 = arith.index_cast %parallel_loop3A_133 : i32 to index
        %parallel_loop3A_135 = arith.constant 0 : index
        %parallel_loop3A_136 = tpu.vector_load %arg7[%parallel_loop3A_134, %parallel_loop3A_135] {strides = array<i32>} : memref<32x16xi32, #tpu.memory_space<vmem>>, vector<16xi32>,
        %parallel_loop3A_137 = vector.extract_strided_slice %parallel_loop3A_136 {offsets = [0], sizes = [1], strides = [1]} : vector<16xi32> to vector<1xi32>
        %parallel_loop3A_138 = vector.extract %parallel_loop3A_137[0] : i32 from vector<1xi32>
        %parallel_loop3A_139 = arith.constant 1 : i32
        %parallel_loop3A_140 = arith.shrsi %parallel_loop3A_138, %parallel_loop3A_139 : i32
        %parallel_loop3A_141 = vector.extract_strided_slice %parallel_loop3A_136 {offsets = [0], sizes = [1], strides = [1]} : vector<16xi32> to vector<1xi32>
        %parallel_loop3A_142 = vector.extract %parallel_loop3A_141[0] : i32 from vector<1xi32>
        %parallel_loop3A_143 = arith.constant 1 : i32
        %parallel_loop3A_144 = arith.andi %parallel_loop3A_142, %parallel_loop3A_143 : i32
        %parallel_loop3A_145 = arith.constant 64 : i32
        %parallel_loop3A_146 = arith.muli %parallel_loop3A_144, %parallel_loop3A_145 : i32
        %parallel_loop3A_147 = vector.extract_strided_slice %parallel_loop3A_136 {offsets = [1], sizes = [1], strides = [1]} : vector<16xi32> to vector<1xi32>
        %parallel_loop3A_148 = vector.extract %parallel_loop3A_147[0] : i32 from vector<1xi32>
        %parallel_loop3A_149 = arith.constant 1 : i32
        %parallel_loop3A_150 = arith.shrsi %parallel_loop3A_148, %parallel_loop3A_149 : i32
        %parallel_loop3A_151 = vector.extract_strided_slice %parallel_loop3A_136 {offsets = [1], sizes = [1], strides = [1]} : vector<16xi32> to vector<1xi32>
        %parallel_loop3A_152 = vector.extract %parallel_loop3A_151[0] : i32 from vector<1xi32>
        %parallel_loop3A_153 = arith.constant 1 : i32
        %parallel_loop3A_154 = arith.andi %parallel_loop3A_152, %parallel_loop3A_153 : i32
        %parallel_loop3A_155 = arith.constant 64 : i32
        %parallel_loop3A_156 = arith.muli %parallel_loop3A_154, %parallel_loop3A_155 : i32
        %parallel_loop3A_157 = vector.extract_strided_slice %parallel_loop3A_136 {offsets = [2], sizes = [1], strides = [1]} : vector<16xi32> to vector<1xi32>
        %parallel_loop3A_158 = vector.extract %parallel_loop3A_157[0] : i32 from vector<1xi32>
        %parallel_loop3A_159 = arith.constant 1 : i32
        %parallel_loop3A_160 = arith.shrsi %parallel_loop3A_158, %parallel_loop3A_159 : i32
        %parallel_loop3A_161 = vector.extract_strided_slice %parallel_loop3A_136 {offsets = [2], sizes = [1], strides = [1]} : vector<16xi32> to vector<1xi32>
        %parallel_loop3A_162 = vector.extract %parallel_loop3A_161[0] : i32 from vector<1xi32>
        %parallel_loop3A_163 = arith.constant 1 : i32
        %parallel_loop3A_164 = arith.andi %parallel_loop3A_162, %parallel_loop3A_163 : i32
        %parallel_loop3A_165 = arith.constant 64 : i32
        %parallel_loop3A_166 = arith.muli %parallel_loop3A_164, %parallel_loop3A_165 : i32
        %parallel_loop3A_167 = vector.extract_strided_slice %parallel_loop3A_136 {offsets = [3], sizes = [1], strides = [1]} : vector<16xi32> to vector<1xi32>
        %parallel_loop3A_168 = vector.extract %parallel_loop3A_167[0] : i32 from vector<1xi32>
        %parallel_loop3A_169 = arith.constant 1 : i32
        %parallel_loop3A_170 = arith.shrsi %parallel_loop3A_168, %parallel_loop3A_169 : i32
        %parallel_loop3A_171 = vector.extract_strided_slice %parallel_loop3A_136 {offsets = [3], sizes = [1], strides = [1]} : vector<16xi32> to vector<1xi32>
        %parallel_loop3A_172 = vector.extract %parallel_loop3A_171[0] : i32 from vector<1xi32>
        %parallel_loop3A_173 = arith.constant 1 : i32
        %parallel_loop3A_174 = arith.andi %parallel_loop3A_172, %parallel_loop3A_173 : i32
        %parallel_loop3A_175 = arith.constant 64 : i32
        %parallel_loop3A_176 = arith.muli %parallel_loop3A_174, %parallel_loop3A_175 : i32
        %parallel_loop3A_177 = vector.extract_strided_slice %parallel_loop3A_136 {offsets = [4], sizes = [1], strides = [1]} : vector<16xi32> to vector<1xi32>
        %parallel_loop3A_178 = vector.extract %parallel_loop3A_177[0] : i32 from vector<1xi32>
        %parallel_loop3A_179 = arith.constant 1 : i32
        %parallel_loop3A_180 = arith.shrsi %parallel_loop3A_178, %parallel_loop3A_179 : i32
        %parallel_loop3A_181 = vector.extract_strided_slice %parallel_loop3A_136 {offsets = [4], sizes = [1], strides = [1]} : vector<16xi32> to vector<1xi32>
        %parallel_loop3A_182 = vector.extract %parallel_loop3A_181[0] : i32 from vector<1xi32>
        %parallel_loop3A_183 = arith.constant 1 : i32
        %parallel_loop3A_184 = arith.andi %parallel_loop3A_182, %parallel_loop3A_183 : i32
        %parallel_loop3A_185 = arith.constant 64 : i32
        %parallel_loop3A_186 = arith.muli %parallel_loop3A_184, %parallel_loop3A_185 : i32
        %parallel_loop3A_187 = vector.extract_strided_slice %parallel_loop3A_136 {offsets = [5], sizes = [1], strides = [1]} : vector<16xi32> to vector<1xi32>
        %parallel_loop3A_188 = vector.extract %parallel_loop3A_187[0] : i32 from vector<1xi32>
        %parallel_loop3A_189 = arith.constant 1 : i32
        %parallel_loop3A_190 = arith.shrsi %parallel_loop3A_188, %parallel_loop3A_189 : i32
        %parallel_loop3A_191 = vector.extract_strided_slice %parallel_loop3A_136 {offsets = [5], sizes = [1], strides = [1]} : vector<16xi32> to vector<1xi32>
        %parallel_loop3A_192 = vector.extract %parallel_loop3A_191[0] : i32 from vector<1xi32>
        %parallel_loop3A_193 = arith.constant 1 : i32
        %parallel_loop3A_194 = arith.andi %parallel_loop3A_192, %parallel_loop3A_193 : i32
        %parallel_loop3A_195 = arith.constant 64 : i32
        %parallel_loop3A_196 = arith.muli %parallel_loop3A_194, %parallel_loop3A_195 : i32
        %parallel_loop3A_197 = vector.extract_strided_slice %parallel_loop3A_136 {offsets = [6], sizes = [1], strides = [1]} : vector<16xi32> to vector<1xi32>
        %parallel_loop3A_198 = vector.extract %parallel_loop3A_197[0] : i32 from vector<1xi32>
        %parallel_loop3A_199 = arith.constant 1 : i32
        %parallel_loop3A_200 = arith.shrsi %parallel_loop3A_198, %parallel_loop3A_199 : i32
        %parallel_loop3A_201 = vector.extract_strided_slice %parallel_loop3A_136 {offsets = [6], sizes = [1], strides = [1]} : vector<16xi32> to vector<1xi32>
        %parallel_loop3A_202 = vector.extract %parallel_loop3A_201[0] : i32 from vector<1xi32>
        %parallel_loop3A_203 = arith.constant 1 : i32
        %parallel_loop3A_204 = arith.andi %parallel_loop3A_202, %parallel_loop3A_203 : i32
        %parallel_loop3A_205 = arith.constant 64 : i32
        %parallel_loop3A_206 = arith.muli %parallel_loop3A_204, %parallel_loop3A_205 : i32
        %parallel_loop3A_207 = vector.extract_strided_slice %parallel_loop3A_136 {offsets = [7], sizes = [1], strides = [1]} : vector<16xi32> to vector<1xi32>
        %parallel_loop3A_208 = vector.extract %parallel_loop3A_207[0] : i32 from vector<1xi32>
        %parallel_loop3A_209 = arith.constant 1 : i32
        %parallel_loop3A_210 = arith.shrsi %parallel_loop3A_208, %parallel_loop3A_209 : i32
        %parallel_loop3A_211 = vector.extract_strided_slice %parallel_loop3A_136 {offsets = [7], sizes = [1], strides = [1]} : vector<16xi32> to vector<1xi32>
        %parallel_loop3A_212 = vector.extract %parallel_loop3A_211[0] : i32 from vector<1xi32>
        %parallel_loop3A_213 = arith.constant 1 : i32
        %parallel_loop3A_214 = arith.andi %parallel_loop3A_212, %parallel_loop3A_213 : i32
        %parallel_loop3A_215 = arith.constant 64 : i32
        %parallel_loop3A_216 = arith.muli %parallel_loop3A_214, %parallel_loop3A_215 : i32
        %parallel_loop3A_217 = vector.extract_strided_slice %parallel_loop3A_136 {offsets = [8], sizes = [1], strides = [1]} : vector<16xi32> to vector<1xi32>
        %parallel_loop3A_218 = vector.extract %parallel_loop3A_217[0] : i32 from vector<1xi32>
        %parallel_loop3A_219 = arith.constant 1 : i32
        %parallel_loop3A_220 = arith.shrsi %parallel_loop3A_218, %parallel_loop3A_219 : i32
        %parallel_loop3A_221 = vector.extract_strided_slice %parallel_loop3A_136 {offsets = [8], sizes = [1], strides = [1]} : vector<16xi32> to vector<1xi32>
        %parallel_loop3A_222 = vector.extract %parallel_loop3A_221[0] : i32 from vector<1xi32>
        %parallel_loop3A_223 = arith.constant 1 : i32
        %parallel_loop3A_224 = arith.andi %parallel_loop3A_222, %parallel_loop3A_223 : i32
        %parallel_loop3A_225 = arith.constant 64 : i32
        %parallel_loop3A_226 = arith.muli %parallel_loop3A_224, %parallel_loop3A_225 : i32
        %parallel_loop3A_227 = vector.extract_strided_slice %parallel_loop3A_136 {offsets = [9], sizes = [1], strides = [1]} : vector<16xi32> to vector<1xi32>
        %parallel_loop3A_228 = vector.extract %parallel_loop3A_227[0] : i32 from vector<1xi32>
        %parallel_loop3A_229 = arith.constant 1 : i32
        %parallel_loop3A_230 = arith.shrsi %parallel_loop3A_228, %parallel_loop3A_229 : i32
        %parallel_loop3A_231 = vector.extract_strided_slice %parallel_loop3A_136 {offsets = [9], sizes = [1], strides = [1]} : vector<16xi32> to vector<1xi32>
        %parallel_loop3A_232 = vector.extract %parallel_loop3A_231[0] : i32 from vector<1xi32>
        %parallel_loop3A_233 = arith.constant 1 : i32
        %parallel_loop3A_234 = arith.andi %parallel_loop3A_232, %parallel_loop3A_233 : i32
        %parallel_loop3A_235 = arith.constant 64 : i32
        %parallel_loop3A_236 = arith.muli %parallel_loop3A_234, %parallel_loop3A_235 : i32
        %parallel_loop3A_237 = arith.constant 0 : i32
        %parallel_loop3A_238 = arith.addi %parallel_loop3A_146, %parallel_loop3A_237 : i32
        %parallel_loop3A_239 = arith.index_cast %parallel_loop3A_140 : i32 to index
        %parallel_loop3A_240 = arith.index_cast %parallel_loop3A_238 : i32 to index
        %parallel_loop3A_241 = tpu.vector_load %arg5[%parallel_loop3A_239, %parallel_loop3A_240] {strides = array<i32>} : memref<513x128xi32, #tpu.memory_space<vmem>>, vector<16xi32>,
        %parallel_loop3A_242 = vector.bitcast %parallel_loop3A_241 : vector<16xi32> to vector<32xbf16>
        %parallel_loop3A_243 = arith.constant 0 : i32
        %parallel_loop3A_244 = arith.addi %parallel_loop3A_156, %parallel_loop3A_243 : i32
        %parallel_loop3A_245 = arith.index_cast %parallel_loop3A_150 : i32 to index
        %parallel_loop3A_246 = arith.index_cast %parallel_loop3A_244 : i32 to index
        %parallel_loop3A_247 = tpu.vector_load %arg5[%parallel_loop3A_245, %parallel_loop3A_246] {strides = array<i32>} : memref<513x128xi32, #tpu.memory_space<vmem>>, vector<16xi32>,
        %parallel_loop3A_248 = vector.bitcast %parallel_loop3A_247 : vector<16xi32> to vector<32xbf16>
        %parallel_loop3A_249 = arith.constant 0 : i32
        %parallel_loop3A_250 = arith.addi %parallel_loop3A_166, %parallel_loop3A_249 : i32
        %parallel_loop3A_251 = arith.index_cast %parallel_loop3A_160 : i32 to index
        %parallel_loop3A_252 = arith.index_cast %parallel_loop3A_250 : i32 to index
        %parallel_loop3A_253 = tpu.vector_load %arg5[%parallel_loop3A_251, %parallel_loop3A_252] {strides = array<i32>} : memref<513x128xi32, #tpu.memory_space<vmem>>, vector<16xi32>,
        %parallel_loop3A_254 = vector.bitcast %parallel_loop3A_253 : vector<16xi32> to vector<32xbf16>
        %parallel_loop3A_255 = arith.constant 0 : i32
        %parallel_loop3A_256 = arith.addi %parallel_loop3A_176, %parallel_loop3A_255 : i32
        %parallel_loop3A_257 = arith.index_cast %parallel_loop3A_170 : i32 to index
        %parallel_loop3A_258 = arith.index_cast %parallel_loop3A_256 : i32 to index
        %parallel_loop3A_259 = tpu.vector_load %arg5[%parallel_loop3A_257, %parallel_loop3A_258] {strides = array<i32>} : memref<513x128xi32, #tpu.memory_space<vmem>>, vector<16xi32>,
        %parallel_loop3A_260 = vector.bitcast %parallel_loop3A_259 : vector<16xi32> to vector<32xbf16>
        %parallel_loop3A_261 = arith.constant 0 : i32
        %parallel_loop3A_262 = arith.addi %parallel_loop3A_186, %parallel_loop3A_261 : i32
        %parallel_loop3A_263 = arith.index_cast %parallel_loop3A_180 : i32 to index
        %parallel_loop3A_264 = arith.index_cast %parallel_loop3A_262 : i32 to index
        %parallel_loop3A_265 = tpu.vector_load %arg5[%parallel_loop3A_263, %parallel_loop3A_264] {strides = array<i32>} : memref<513x128xi32, #tpu.memory_space<vmem>>, vector<16xi32>,
        %parallel_loop3A_266 = vector.bitcast %parallel_loop3A_265 : vector<16xi32> to vector<32xbf16>
        %parallel_loop3A_267 = arith.constant 0 : i32
        %parallel_loop3A_268 = arith.addi %parallel_loop3A_196, %parallel_loop3A_267 : i32
        %parallel_loop3A_269 = arith.index_cast %parallel_loop3A_190 : i32 to index
        %parallel_loop3A_270 = arith.index_cast %parallel_loop3A_268 : i32 to index
        %parallel_loop3A_271 = tpu.vector_load %arg5[%parallel_loop3A_269, %parallel_loop3A_270] {strides = array<i32>} : memref<513x128xi32, #tpu.memory_space<vmem>>, vector<16xi32>,
        %parallel_loop3A_272 = vector.bitcast %parallel_loop3A_271 : vector<16xi32> to vector<32xbf16>
        %parallel_loop3A_273 = arith.constant 0 : i32
        %parallel_loop3A_274 = arith.addi %parallel_loop3A_206, %parallel_loop3A_273 : i32
        %parallel_loop3A_275 = arith.index_cast %parallel_loop3A_200 : i32 to index
        %parallel_loop3A_276 = arith.index_cast %parallel_loop3A_274 : i32 to index
        %parallel_loop3A_277 = tpu.vector_load %arg5[%parallel_loop3A_275, %parallel_loop3A_276] {strides = array<i32>} : memref<513x128xi32, #tpu.memory_space<vmem>>, vector<16xi32>,
        %parallel_loop3A_278 = vector.bitcast %parallel_loop3A_277 : vector<16xi32> to vector<32xbf16>
        %parallel_loop3A_279 = arith.constant 0 : i32
        %parallel_loop3A_280 = arith.addi %parallel_loop3A_216, %parallel_loop3A_279 : i32
        %parallel_loop3A_281 = arith.index_cast %parallel_loop3A_210 : i32 to index
        %parallel_loop3A_282 = arith.index_cast %parallel_loop3A_280 : i32 to index
        %parallel_loop3A_283 = tpu.vector_load %arg5[%parallel_loop3A_281, %parallel_loop3A_282] {strides = array<i32>} : memref<513x128xi32, #tpu.memory_space<vmem>>, vector<16xi32>,
        %parallel_loop3A_284 = vector.bitcast %parallel_loop3A_283 : vector<16xi32> to vector<32xbf16>
        %parallel_loop3A_285 = arith.constant 0 : i32
        %parallel_loop3A_286 = arith.addi %parallel_loop3A_226, %parallel_loop3A_285 : i32
        %parallel_loop3A_287 = arith.index_cast %parallel_loop3A_220 : i32 to index
        %parallel_loop3A_288 = arith.index_cast %parallel_loop3A_286 : i32 to index
        %parallel_loop3A_289 = tpu.vector_load %arg5[%parallel_loop3A_287, %parallel_loop3A_288] {strides = array<i32>} : memref<513x128xi32, #tpu.memory_space<vmem>>, vector<16xi32>,
        %parallel_loop3A_290 = vector.bitcast %parallel_loop3A_289 : vector<16xi32> to vector<32xbf16>
        %parallel_loop3A_291 = arith.constant 0 : i32
        %parallel_loop3A_292 = arith.addi %parallel_loop3A_236, %parallel_loop3A_291 : i32
        %parallel_loop3A_293 = arith.index_cast %parallel_loop3A_230 : i32 to index
        %parallel_loop3A_294 = arith.index_cast %parallel_loop3A_292 : i32 to index
        %parallel_loop3A_295 = tpu.vector_load %arg5[%parallel_loop3A_293, %parallel_loop3A_294] {strides = array<i32>} : memref<513x128xi32, #tpu.memory_space<vmem>>, vector<16xi32>,
        %parallel_loop3A_296 = vector.bitcast %parallel_loop3A_295 : vector<16xi32> to vector<32xbf16>
        %parallel_loop3A_297 = arith.addf %parallel_loop3A_242, %parallel_loop3A_248 : vector<32xbf16>
        %parallel_loop3A_298 = arith.addf %parallel_loop3A_254, %parallel_loop3A_260 : vector<32xbf16>
        %parallel_loop3A_299 = arith.addf %parallel_loop3A_266, %parallel_loop3A_272 : vector<32xbf16>
        %parallel_loop3A_300 = arith.addf %parallel_loop3A_278, %parallel_loop3A_284 : vector<32xbf16>
        %parallel_loop3A_301 = arith.addf %parallel_loop3A_290, %parallel_loop3A_296 : vector<32xbf16>
        %parallel_loop3A_302 = arith.addf %parallel_loop3A_297, %parallel_loop3A_298 : vector<32xbf16>
        %parallel_loop3A_303 = arith.addf %parallel_loop3A_299, %parallel_loop3A_300 : vector<32xbf16>
        %parallel_loop3A_304 = arith.addf %parallel_loop3A_302, %parallel_loop3A_303 : vector<32xbf16>
        %parallel_loop3A_305 = arith.addf %parallel_loop3A_304, %parallel_loop3A_301 : vector<32xbf16>
        %parallel_loop3A_306 = tpu.unpack_subelements %parallel_loop3A_305, 0 {pack_format = #tpu.pack_format<interleaved>} : vector<32xbf16> -> vector<16xf32>
        %parallel_loop3A_307 = tpu.unpack_subelements %parallel_loop3A_305, 1 {pack_format = #tpu.pack_format<interleaved>} : vector<32xbf16> -> vector<16xf32>
        %parallel_loop3A_308 = arith.index_cast %parallel_loop3A_133 : i32 to index
        %parallel_loop3A_309 = arith.constant 0 : index
        %parallel_loop3A_310 = tpu.vector_load %arg9[%parallel_loop3A_308, %parallel_loop3A_309] {strides = array<i32>} : memref<32x128xf32, #tpu.memory_space<vmem>>, vector<16xf32>,
        tpu.vector_store %arg9[%parallel_loop3A_308, %parallel_loop3A_309], %parallel_loop3A_306 {strides = array<i32>} : memref<32x128xf32, #tpu.memory_space<vmem>>, vector<16xf32>,
        %parallel_loop3A_311 = arith.index_cast %parallel_loop3A_133 : i32 to index
        %parallel_loop3A_312 = arith.constant 16 : index
        %parallel_loop3A_313 = tpu.vector_load %arg9[%parallel_loop3A_311, %parallel_loop3A_312] {strides = array<i32>} : memref<32x128xf32, #tpu.memory_space<vmem>>, vector<16xf32>,
        tpu.vector_store %arg9[%parallel_loop3A_311, %parallel_loop3A_312], %parallel_loop3A_307 {strides = array<i32>} : memref<32x128xf32, #tpu.memory_space<vmem>>, vector<16xf32>,
        %parallel_loop3A_314 = arith.constant 16 : i32
        %parallel_loop3A_315 = arith.addi %parallel_loop3A_146, %parallel_loop3A_314 : i32
        %parallel_loop3A_316 = arith.index_cast %parallel_loop3A_140 : i32 to index
        %parallel_loop3A_317 = arith.index_cast %parallel_loop3A_315 : i32 to index
        %parallel_loop3A_318 = tpu.vector_load %arg5[%parallel_loop3A_316, %parallel_loop3A_317] {strides = array<i32>} : memref<513x128xi32, #tpu.memory_space<vmem>>, vector<16xi32>,
        %parallel_loop3A_319 = vector.bitcast %parallel_loop3A_318 : vector<16xi32> to vector<32xbf16>
        %parallel_loop3A_320 = arith.constant 16 : i32
        %parallel_loop3A_321 = arith.addi %parallel_loop3A_156, %parallel_loop3A_320 : i32
        %parallel_loop3A_322 = arith.index_cast %parallel_loop3A_150 : i32 to index
        %parallel_loop3A_323 = arith.index_cast %parallel_loop3A_321 : i32 to index
        %parallel_loop3A_324 = tpu.vector_load %arg5[%parallel_loop3A_322, %parallel_loop3A_323] {strides = array<i32>} : memref<513x128xi32, #tpu.memory_space<vmem>>, vector<16xi32>,
        %parallel_loop3A_325 = vector.bitcast %parallel_loop3A_324 : vector<16xi32> to vector<32xbf16>
        %parallel_loop3A_326 = arith.constant 16 : i32
        %parallel_loop3A_327 = arith.addi %parallel_loop3A_166, %parallel_loop3A_326 : i32
        %parallel_loop3A_328 = arith.index_cast %parallel_loop3A_160 : i32 to index
        %parallel_loop3A_329 = arith.index_cast %parallel_loop3A_327 : i32 to index
        %parallel_loop3A_330 = tpu.vector_load %arg5[%parallel_loop3A_328, %parallel_loop3A_329] {strides = array<i32>} : memref<513x128xi32, #tpu.memory_space<vmem>>, vector<16xi32>,
        %parallel_loop3A_331 = vector.bitcast %parallel_loop3A_330 : vector<16xi32> to vector<32xbf16>
        %parallel_loop3A_332 = arith.constant 16 : i32
        %parallel_loop3A_333 = arith.addi %parallel_loop3A_176, %parallel_loop3A_332 : i32
        %parallel_loop3A_334 = arith.index_cast %parallel_loop3A_170 : i32 to index
        %parallel_loop3A_335 = arith.index_cast %parallel_loop3A_333 : i32 to index
        %parallel_loop3A_336 = tpu.vector_load %arg5[%parallel_loop3A_334, %parallel_loop3A_335] {strides = array<i32>} : memref<513x128xi32, #tpu.memory_space<vmem>>, vector<16xi32>,
        %parallel_loop3A_337 = vector.bitcast %parallel_loop3A_336 : vector<16xi32> to vector<32xbf16>
        %parallel_loop3A_338 = arith.constant 16 : i32
        %parallel_loop3A_339 = arith.addi %parallel_loop3A_186, %parallel_loop3A_338 : i32
        %parallel_loop3A_340 = arith.index_cast %parallel_loop3A_180 : i32 to index
        %parallel_loop3A_341 = arith.index_cast %parallel_loop3A_339 : i32 to index
        %parallel_loop3A_342 = tpu.vector_load %arg5[%parallel_loop3A_340, %parallel_loop3A_341] {strides = array<i32>} : memref<513x128xi32, #tpu.memory_space<vmem>>, vector<16xi32>,
        %parallel_loop3A_343 = vector.bitcast %parallel_loop3A_342 : vector<16xi32> to vector<32xbf16>
        %parallel_loop3A_344 = arith.constant 16 : i32
        %parallel_loop3A_345 = arith.addi %parallel_loop3A_196, %parallel_loop3A_344 : i32
        %parallel_loop3A_346 = arith.index_cast %parallel_loop3A_190 : i32 to index
        %parallel_loop3A_347 = arith.index_cast %parallel_loop3A_345 : i32 to index
        %parallel_loop3A_348 = tpu.vector_load %arg5[%parallel_loop3A_346, %parallel_loop3A_347] {strides = array<i32>} : memref<513x128xi32, #tpu.memory_space<vmem>>, vector<16xi32>,
        %parallel_loop3A_349 = vector.bitcast %parallel_loop3A_348 : vector<16xi32> to vector<32xbf16>
        %parallel_loop3A_350 = arith.constant 16 : i32
        %parallel_loop3A_351 = arith.addi %parallel_loop3A_206, %parallel_loop3A_350 : i32
        %parallel_loop3A_352 = arith.index_cast %parallel_loop3A_200 : i32 to index
        %parallel_loop3A_353 = arith.index_cast %parallel_loop3A_351 : i32 to index
        %parallel_loop3A_354 = tpu.vector_load %arg5[%parallel_loop3A_352, %parallel_loop3A_353] {strides = array<i32>} : memref<513x128xi32, #tpu.memory_space<vmem>>, vector<16xi32>,
        %parallel_loop3A_355 = vector.bitcast %parallel_loop3A_354 : vector<16xi32> to vector<32xbf16>
        %parallel_loop3A_356 = arith.constant 16 : i32
        %parallel_loop3A_357 = arith.addi %parallel_loop3A_216, %parallel_loop3A_356 : i32
        %parallel_loop3A_358 = arith.index_cast %parallel_loop3A_210 : i32 to index
        %parallel_loop3A_359 = arith.index_cast %parallel_loop3A_357 : i32 to index
        %parallel_loop3A_360 = tpu.vector_load %arg5[%parallel_loop3A_358, %parallel_loop3A_359] {strides = array<i32>} : memref<513x128xi32, #tpu.memory_space<vmem>>, vector<16xi32>,
        %parallel_loop3A_361 = vector.bitcast %parallel_loop3A_360 : vector<16xi32> to vector<32xbf16>
        %parallel_loop3A_362 = arith.constant 16 : i32
        %parallel_loop3A_363 = arith.addi %parallel_loop3A_226, %parallel_loop3A_362 : i32
        %parallel_loop3A_364 = arith.index_cast %parallel_loop3A_220 : i32 to index
        %parallel_loop3A_365 = arith.index_cast %parallel_loop3A_363 : i32 to index
        %parallel_loop3A_366 = tpu.vector_load %arg5[%parallel_loop3A_364, %parallel_loop3A_365] {strides = array<i32>} : memref<513x128xi32, #tpu.memory_space<vmem>>, vector<16xi32>,
        %parallel_loop3A_367 = vector.bitcast %parallel_loop3A_366 : vector<16xi32> to vector<32xbf16>
        %parallel_loop3A_368 = arith.constant 16 : i32
        %parallel_loop3A_369 = arith.addi %parallel_loop3A_236, %parallel_loop3A_368 : i32
        %parallel_loop3A_370 = arith.index_cast %parallel_loop3A_230 : i32 to index
        %parallel_loop3A_371 = arith.index_cast %parallel_loop3A_369 : i32 to index
        %parallel_loop3A_372 = tpu.vector_load %arg5[%parallel_loop3A_370, %parallel_loop3A_371] {strides = array<i32>} : memref<513x128xi32, #tpu.memory_space<vmem>>, vector<16xi32>,
        %parallel_loop3A_373 = vector.bitcast %parallel_loop3A_372 : vector<16xi32> to vector<32xbf16>
        %parallel_loop3A_374 = arith.addf %parallel_loop3A_319, %parallel_loop3A_325 : vector<32xbf16>
        %parallel_loop3A_375 = arith.addf %parallel_loop3A_331, %parallel_loop3A_337 : vector<32xbf16>
        %parallel_loop3A_376 = arith.addf %parallel_loop3A_343, %parallel_loop3A_349 : vector<32xbf16>
        %parallel_loop3A_377 = arith.addf %parallel_loop3A_355, %parallel_loop3A_361 : vector<32xbf16>
        %parallel_loop3A_378 = arith.addf %parallel_loop3A_367, %parallel_loop3A_373 : vector<32xbf16>
        %parallel_loop3A_379 = arith.addf %parallel_loop3A_374, %parallel_loop3A_375 : vector<32xbf16>
        %parallel_loop3A_380 = arith.addf %parallel_loop3A_376, %parallel_loop3A_377 : vector<32xbf16>
        %parallel_loop3A_381 = arith.addf %parallel_loop3A_379, %parallel_loop3A_380 : vector<32xbf16>
        %parallel_loop3A_382 = arith.addf %parallel_loop3A_381, %parallel_loop3A_378 : vector<32xbf16>
        %parallel_loop3A_383 = tpu.unpack_subelements %parallel_loop3A_382, 0 {pack_format = #tpu.pack_format<interleaved>} : vector<32xbf16> -> vector<16xf32>
        %parallel_loop3A_384 = tpu.unpack_subelements %parallel_loop3A_382, 1 {pack_format = #tpu.pack_format<interleaved>} : vector<32xbf16> -> vector<16xf32>
        %parallel_loop3A_385 = arith.index_cast %parallel_loop3A_133 : i32 to index
        %parallel_loop3A_386 = arith.constant 32 : index
        %parallel_loop3A_387 = tpu.vector_load %arg9[%parallel_loop3A_385, %parallel_loop3A_386] {strides = array<i32>} : memref<32x128xf32, #tpu.memory_space<vmem>>, vector<16xf32>,
        tpu.vector_store %arg9[%parallel_loop3A_385, %parallel_loop3A_386], %parallel_loop3A_383 {strides = array<i32>} : memref<32x128xf32, #tpu.memory_space<vmem>>, vector<16xf32>,
        %parallel_loop3A_388 = arith.index_cast %parallel_loop3A_133 : i32 to index
        %parallel_loop3A_389 = arith.constant 48 : index
        %parallel_loop3A_390 = tpu.vector_load %arg9[%parallel_loop3A_388, %parallel_loop3A_389] {strides = array<i32>} : memref<32x128xf32, #tpu.memory_space<vmem>>, vector<16xf32>,
        tpu.vector_store %arg9[%parallel_loop3A_388, %parallel_loop3A_389], %parallel_loop3A_384 {strides = array<i32>} : memref<32x128xf32, #tpu.memory_space<vmem>>, vector<16xf32>,
        %parallel_loop3A_391 = arith.constant 32 : i32
        %parallel_loop3A_392 = arith.addi %parallel_loop3A_146, %parallel_loop3A_391 : i32
        %parallel_loop3A_393 = arith.index_cast %parallel_loop3A_140 : i32 to index
        %parallel_loop3A_394 = arith.index_cast %parallel_loop3A_392 : i32 to index
        %parallel_loop3A_395 = tpu.vector_load %arg5[%parallel_loop3A_393, %parallel_loop3A_394] {strides = array<i32>} : memref<513x128xi32, #tpu.memory_space<vmem>>, vector<16xi32>,
        %parallel_loop3A_396 = vector.bitcast %parallel_loop3A_395 : vector<16xi32> to vector<32xbf16>
        %parallel_loop3A_397 = arith.constant 32 : i32
        %parallel_loop3A_398 = arith.addi %parallel_loop3A_156, %parallel_loop3A_397 : i32
        %parallel_loop3A_399 = arith.index_cast %parallel_loop3A_150 : i32 to index
        %parallel_loop3A_400 = arith.index_cast %parallel_loop3A_398 : i32 to index
        %parallel_loop3A_401 = tpu.vector_load %arg5[%parallel_loop3A_399, %parallel_loop3A_400] {strides = array<i32>} : memref<513x128xi32, #tpu.memory_space<vmem>>, vector<16xi32>,
        %parallel_loop3A_402 = vector.bitcast %parallel_loop3A_401 : vector<16xi32> to vector<32xbf16>
        %parallel_loop3A_403 = arith.constant 32 : i32
        %parallel_loop3A_404 = arith.addi %parallel_loop3A_166, %parallel_loop3A_403 : i32
        %parallel_loop3A_405 = arith.index_cast %parallel_loop3A_160 : i32 to index
        %parallel_loop3A_406 = arith.index_cast %parallel_loop3A_404 : i32 to index
        %parallel_loop3A_407 = tpu.vector_load %arg5[%parallel_loop3A_405, %parallel_loop3A_406] {strides = array<i32>} : memref<513x128xi32, #tpu.memory_space<vmem>>, vector<16xi32>,
        %parallel_loop3A_408 = vector.bitcast %parallel_loop3A_407 : vector<16xi32> to vector<32xbf16>
        %parallel_loop3A_409 = arith.constant 32 : i32
        %parallel_loop3A_410 = arith.addi %parallel_loop3A_176, %parallel_loop3A_409 : i32
        %parallel_loop3A_411 = arith.index_cast %parallel_loop3A_170 : i32 to index
        %parallel_loop3A_412 = arith.index_cast %parallel_loop3A_410 : i32 to index
        %parallel_loop3A_413 = tpu.vector_load %arg5[%parallel_loop3A_411, %parallel_loop3A_412] {strides = array<i32>} : memref<513x128xi32, #tpu.memory_space<vmem>>, vector<16xi32>,
        %parallel_loop3A_414 = vector.bitcast %parallel_loop3A_413 : vector<16xi32> to vector<32xbf16>
        %parallel_loop3A_415 = arith.constant 32 : i32
        %parallel_loop3A_416 = arith.addi %parallel_loop3A_186, %parallel_loop3A_415 : i32
        %parallel_loop3A_417 = arith.index_cast %parallel_loop3A_180 : i32 to index
        %parallel_loop3A_418 = arith.index_cast %parallel_loop3A_416 : i32 to index
        %parallel_loop3A_419 = tpu.vector_load %arg5[%parallel_loop3A_417, %parallel_loop3A_418] {strides = array<i32>} : memref<513x128xi32, #tpu.memory_space<vmem>>, vector<16xi32>,
        %parallel_loop3A_420 = vector.bitcast %parallel_loop3A_419 : vector<16xi32> to vector<32xbf16>
        %parallel_loop3A_421 = arith.constant 32 : i32
        %parallel_loop3A_422 = arith.addi %parallel_loop3A_196, %parallel_loop3A_421 : i32
        %parallel_loop3A_423 = arith.index_cast %parallel_loop3A_190 : i32 to index
        %parallel_loop3A_424 = arith.index_cast %parallel_loop3A_422 : i32 to index
        %parallel_loop3A_425 = tpu.vector_load %arg5[%parallel_loop3A_423, %parallel_loop3A_424] {strides = array<i32>} : memref<513x128xi32, #tpu.memory_space<vmem>>, vector<16xi32>,
        %parallel_loop3A_426 = vector.bitcast %parallel_loop3A_425 : vector<16xi32> to vector<32xbf16>
        %parallel_loop3A_427 = arith.constant 32 : i32
        %parallel_loop3A_428 = arith.addi %parallel_loop3A_206, %parallel_loop3A_427 : i32
        %parallel_loop3A_429 = arith.index_cast %parallel_loop3A_200 : i32 to index
        %parallel_loop3A_430 = arith.index_cast %parallel_loop3A_428 : i32 to index
        %parallel_loop3A_431 = tpu.vector_load %arg5[%parallel_loop3A_429, %parallel_loop3A_430] {strides = array<i32>} : memref<513x128xi32, #tpu.memory_space<vmem>>, vector<16xi32>,
        %parallel_loop3A_432 = vector.bitcast %parallel_loop3A_431 : vector<16xi32> to vector<32xbf16>
        %parallel_loop3A_433 = arith.constant 32 : i32
        %parallel_loop3A_434 = arith.addi %parallel_loop3A_216, %parallel_loop3A_433 : i32
        %parallel_loop3A_435 = arith.index_cast %parallel_loop3A_210 : i32 to index
        %parallel_loop3A_436 = arith.index_cast %parallel_loop3A_434 : i32 to index
        %parallel_loop3A_437 = tpu.vector_load %arg5[%parallel_loop3A_435, %parallel_loop3A_436] {strides = array<i32>} : memref<513x128xi32, #tpu.memory_space<vmem>>, vector<16xi32>,
        %parallel_loop3A_438 = vector.bitcast %parallel_loop3A_437 : vector<16xi32> to vector<32xbf16>
        %parallel_loop3A_439 = arith.constant 32 : i32
        %parallel_loop3A_440 = arith.addi %parallel_loop3A_226, %parallel_loop3A_439 : i32
        %parallel_loop3A_441 = arith.index_cast %parallel_loop3A_220 : i32 to index
        %parallel_loop3A_442 = arith.index_cast %parallel_loop3A_440 : i32 to index
        %parallel_loop3A_443 = tpu.vector_load %arg5[%parallel_loop3A_441, %parallel_loop3A_442] {strides = array<i32>} : memref<513x128xi32, #tpu.memory_space<vmem>>, vector<16xi32>,
        %parallel_loop3A_444 = vector.bitcast %parallel_loop3A_443 : vector<16xi32> to vector<32xbf16>
        %parallel_loop3A_445 = arith.constant 32 : i32
        %parallel_loop3A_446 = arith.addi %parallel_loop3A_236, %parallel_loop3A_445 : i32
        %parallel_loop3A_447 = arith.index_cast %parallel_loop3A_230 : i32 to index
        %parallel_loop3A_448 = arith.index_cast %parallel_loop3A_446 : i32 to index
        %parallel_loop3A_449 = tpu.vector_load %arg5[%parallel_loop3A_447, %parallel_loop3A_448] {strides = array<i32>} : memref<513x128xi32, #tpu.memory_space<vmem>>, vector<16xi32>,
        %parallel_loop3A_450 = vector.bitcast %parallel_loop3A_449 : vector<16xi32> to vector<32xbf16>
        %parallel_loop3A_451 = arith.addf %parallel_loop3A_396, %parallel_loop3A_402 : vector<32xbf16>
        %parallel_loop3A_452 = arith.addf %parallel_loop3A_408, %parallel_loop3A_414 : vector<32xbf16>
        %parallel_loop3A_453 = arith.addf %parallel_loop3A_420, %parallel_loop3A_426 : vector<32xbf16>
        %parallel_loop3A_454 = arith.addf %parallel_loop3A_432, %parallel_loop3A_438 : vector<32xbf16>
        %parallel_loop3A_455 = arith.addf %parallel_loop3A_444, %parallel_loop3A_450 : vector<32xbf16>
        %parallel_loop3A_456 = arith.addf %parallel_loop3A_451, %parallel_loop3A_452 : vector<32xbf16>
        %parallel_loop3A_457 = arith.addf %parallel_loop3A_453, %parallel_loop3A_454 : vector<32xbf16>
        %parallel_loop3A_458 = arith.addf %parallel_loop3A_456, %parallel_loop3A_457 : vector<32xbf16>
        %parallel_loop3A_459 = arith.addf %parallel_loop3A_458, %parallel_loop3A_455 : vector<32xbf16>
        %parallel_loop3A_460 = tpu.unpack_subelements %parallel_loop3A_459, 0 {pack_format = #tpu.pack_format<interleaved>} : vector<32xbf16> -> vector<16xf32>
        %parallel_loop3A_461 = tpu.unpack_subelements %parallel_loop3A_459, 1 {pack_format = #tpu.pack_format<interleaved>} : vector<32xbf16> -> vector<16xf32>
        %parallel_loop3A_462 = arith.index_cast %parallel_loop3A_133 : i32 to index
        %parallel_loop3A_463 = arith.constant 64 : index
        %parallel_loop3A_464 = tpu.vector_load %arg9[%parallel_loop3A_462, %parallel_loop3A_463] {strides = array<i32>} : memref<32x128xf32, #tpu.memory_space<vmem>>, vector<16xf32>,
        tpu.vector_store %arg9[%parallel_loop3A_462, %parallel_loop3A_463], %parallel_loop3A_460 {strides = array<i32>} : memref<32x128xf32, #tpu.memory_space<vmem>>, vector<16xf32>,
        %parallel_loop3A_465 = arith.index_cast %parallel_loop3A_133 : i32 to index
        %parallel_loop3A_466 = arith.constant 80 : index
        %parallel_loop3A_467 = tpu.vector_load %arg9[%parallel_loop3A_465, %parallel_loop3A_466] {strides = array<i32>} : memref<32x128xf32, #tpu.memory_space<vmem>>, vector<16xf32>,
        tpu.vector_store %arg9[%parallel_loop3A_465, %parallel_loop3A_466], %parallel_loop3A_461 {strides = array<i32>} : memref<32x128xf32, #tpu.memory_space<vmem>>, vector<16xf32>,
        %parallel_loop3A_468 = arith.constant 48 : i32
        %parallel_loop3A_469 = arith.addi %parallel_loop3A_146, %parallel_loop3A_468 : i32
        %parallel_loop3A_470 = arith.index_cast %parallel_loop3A_140 : i32 to index
        %parallel_loop3A_471 = arith.index_cast %parallel_loop3A_469 : i32 to index
        %parallel_loop3A_472 = tpu.vector_load %arg5[%parallel_loop3A_470, %parallel_loop3A_471] {strides = array<i32>} : memref<513x128xi32, #tpu.memory_space<vmem>>, vector<16xi32>,
        %parallel_loop3A_473 = vector.bitcast %parallel_loop3A_472 : vector<16xi32> to vector<32xbf16>
        %parallel_loop3A_474 = arith.constant 48 : i32
        %parallel_loop3A_475 = arith.addi %parallel_loop3A_156, %parallel_loop3A_474 : i32
        %parallel_loop3A_476 = arith.index_cast %parallel_loop3A_150 : i32 to index
        %parallel_loop3A_477 = arith.index_cast %parallel_loop3A_475 : i32 to index
        %parallel_loop3A_478 = tpu.vector_load %arg5[%parallel_loop3A_476, %parallel_loop3A_477] {strides = array<i32>} : memref<513x128xi32, #tpu.memory_space<vmem>>, vector<16xi32>,
        %parallel_loop3A_479 = vector.bitcast %parallel_loop3A_478 : vector<16xi32> to vector<32xbf16>
        %parallel_loop3A_480 = arith.constant 48 : i32
        %parallel_loop3A_481 = arith.addi %parallel_loop3A_166, %parallel_loop3A_480 : i32
        %parallel_loop3A_482 = arith.index_cast %parallel_loop3A_160 : i32 to index
        %parallel_loop3A_483 = arith.index_cast %parallel_loop3A_481 : i32 to index
        %parallel_loop3A_484 = tpu.vector_load %arg5[%parallel_loop3A_482, %parallel_loop3A_483] {strides = array<i32>} : memref<513x128xi32, #tpu.memory_space<vmem>>, vector<16xi32>,
        %parallel_loop3A_485 = vector.bitcast %parallel_loop3A_484 : vector<16xi32> to vector<32xbf16>
        %parallel_loop3A_486 = arith.constant 48 : i32
        %parallel_loop3A_487 = arith.addi %parallel_loop3A_176, %parallel_loop3A_486 : i32
        %parallel_loop3A_488 = arith.index_cast %parallel_loop3A_170 : i32 to index
        %parallel_loop3A_489 = arith.index_cast %parallel_loop3A_487 : i32 to index
        %parallel_loop3A_490 = tpu.vector_load %arg5[%parallel_loop3A_488, %parallel_loop3A_489] {strides = array<i32>} : memref<513x128xi32, #tpu.memory_space<vmem>>, vector<16xi32>,
        %parallel_loop3A_491 = vector.bitcast %parallel_loop3A_490 : vector<16xi32> to vector<32xbf16>
        %parallel_loop3A_492 = arith.constant 48 : i32
        %parallel_loop3A_493 = arith.addi %parallel_loop3A_186, %parallel_loop3A_492 : i32
        %parallel_loop3A_494 = arith.index_cast %parallel_loop3A_180 : i32 to index
        %parallel_loop3A_495 = arith.index_cast %parallel_loop3A_493 : i32 to index
        %parallel_loop3A_496 = tpu.vector_load %arg5[%parallel_loop3A_494, %parallel_loop3A_495] {strides = array<i32>} : memref<513x128xi32, #tpu.memory_space<vmem>>, vector<16xi32>,
        %parallel_loop3A_497 = vector.bitcast %parallel_loop3A_496 : vector<16xi32> to vector<32xbf16>
        %parallel_loop3A_498 = arith.constant 48 : i32
        %parallel_loop3A_499 = arith.addi %parallel_loop3A_196, %parallel_loop3A_498 : i32
        %parallel_loop3A_500 = arith.index_cast %parallel_loop3A_190 : i32 to index
        %parallel_loop3A_501 = arith.index_cast %parallel_loop3A_499 : i32 to index
        %parallel_loop3A_502 = tpu.vector_load %arg5[%parallel_loop3A_500, %parallel_loop3A_501] {strides = array<i32>} : memref<513x128xi32, #tpu.memory_space<vmem>>, vector<16xi32>,
        %parallel_loop3A_503 = vector.bitcast %parallel_loop3A_502 : vector<16xi32> to vector<32xbf16>
        %parallel_loop3A_504 = arith.constant 48 : i32
        %parallel_loop3A_505 = arith.addi %parallel_loop3A_206, %parallel_loop3A_504 : i32
        %parallel_loop3A_506 = arith.index_cast %parallel_loop3A_200 : i32 to index
        %parallel_loop3A_507 = arith.index_cast %parallel_loop3A_505 : i32 to index
        %parallel_loop3A_508 = tpu.vector_load %arg5[%parallel_loop3A_506, %parallel_loop3A_507] {strides = array<i32>} : memref<513x128xi32, #tpu.memory_space<vmem>>, vector<16xi32>,
        %parallel_loop3A_509 = vector.bitcast %parallel_loop3A_508 : vector<16xi32> to vector<32xbf16>
        %parallel_loop3A_510 = arith.constant 48 : i32
        %parallel_loop3A_511 = arith.addi %parallel_loop3A_216, %parallel_loop3A_510 : i32
        %parallel_loop3A_512 = arith.index_cast %parallel_loop3A_210 : i32 to index
        %parallel_loop3A_513 = arith.index_cast %parallel_loop3A_511 : i32 to index
        %parallel_loop3A_514 = tpu.vector_load %arg5[%parallel_loop3A_512, %parallel_loop3A_513] {strides = array<i32>} : memref<513x128xi32, #tpu.memory_space<vmem>>, vector<16xi32>,
        %parallel_loop3A_515 = vector.bitcast %parallel_loop3A_514 : vector<16xi32> to vector<32xbf16>
        %parallel_loop3A_516 = arith.constant 48 : i32
        %parallel_loop3A_517 = arith.addi %parallel_loop3A_226, %parallel_loop3A_516 : i32
        %parallel_loop3A_518 = arith.index_cast %parallel_loop3A_220 : i32 to index
        %parallel_loop3A_519 = arith.index_cast %parallel_loop3A_517 : i32 to index
        %parallel_loop3A_520 = tpu.vector_load %arg5[%parallel_loop3A_518, %parallel_loop3A_519] {strides = array<i32>} : memref<513x128xi32, #tpu.memory_space<vmem>>, vector<16xi32>,
        %parallel_loop3A_521 = vector.bitcast %parallel_loop3A_520 : vector<16xi32> to vector<32xbf16>
        %parallel_loop3A_522 = arith.constant 48 : i32
        %parallel_loop3A_523 = arith.addi %parallel_loop3A_236, %parallel_loop3A_522 : i32
        %parallel_loop3A_524 = arith.index_cast %parallel_loop3A_230 : i32 to index
        %parallel_loop3A_525 = arith.index_cast %parallel_loop3A_523 : i32 to index
        %parallel_loop3A_526 = tpu.vector_load %arg5[%parallel_loop3A_524, %parallel_loop3A_525] {strides = array<i32>} : memref<513x128xi32, #tpu.memory_space<vmem>>, vector<16xi32>,
        %parallel_loop3A_527 = vector.bitcast %parallel_loop3A_526 : vector<16xi32> to vector<32xbf16>
        %parallel_loop3A_528 = arith.addf %parallel_loop3A_473, %parallel_loop3A_479 : vector<32xbf16>
        %parallel_loop3A_529 = arith.addf %parallel_loop3A_485, %parallel_loop3A_491 : vector<32xbf16>
        %parallel_loop3A_530 = arith.addf %parallel_loop3A_497, %parallel_loop3A_503 : vector<32xbf16>
        %parallel_loop3A_531 = arith.addf %parallel_loop3A_509, %parallel_loop3A_515 : vector<32xbf16>
        %parallel_loop3A_532 = arith.addf %parallel_loop3A_521, %parallel_loop3A_527 : vector<32xbf16>
        %parallel_loop3A_533 = arith.addf %parallel_loop3A_528, %parallel_loop3A_529 : vector<32xbf16>
        %parallel_loop3A_534 = arith.addf %parallel_loop3A_530, %parallel_loop3A_531 : vector<32xbf16>
        %parallel_loop3A_535 = arith.addf %parallel_loop3A_533, %parallel_loop3A_534 : vector<32xbf16>
        %parallel_loop3A_536 = arith.addf %parallel_loop3A_535, %parallel_loop3A_532 : vector<32xbf16>
        %parallel_loop3A_537 = tpu.unpack_subelements %parallel_loop3A_536, 0 {pack_format = #tpu.pack_format<interleaved>} : vector<32xbf16> -> vector<16xf32>
        %parallel_loop3A_538 = tpu.unpack_subelements %parallel_loop3A_536, 1 {pack_format = #tpu.pack_format<interleaved>} : vector<32xbf16> -> vector<16xf32>
        %parallel_loop3A_539 = arith.index_cast %parallel_loop3A_133 : i32 to index
        %parallel_loop3A_540 = arith.constant 96 : index
        %parallel_loop3A_541 = tpu.vector_load %arg9[%parallel_loop3A_539, %parallel_loop3A_540] {strides = array<i32>} : memref<32x128xf32, #tpu.memory_space<vmem>>, vector<16xf32>,
        tpu.vector_store %arg9[%parallel_loop3A_539, %parallel_loop3A_540], %parallel_loop3A_537 {strides = array<i32>} : memref<32x128xf32, #tpu.memory_space<vmem>>, vector<16xf32>,
        %parallel_loop3A_542 = arith.index_cast %parallel_loop3A_133 : i32 to index
        %parallel_loop3A_543 = arith.constant 112 : index
        %parallel_loop3A_544 = tpu.vector_load %arg9[%parallel_loop3A_542, %parallel_loop3A_543] {strides = array<i32>} : memref<32x128xf32, #tpu.memory_space<vmem>>, vector<16xf32>,
        tpu.vector_store %arg9[%parallel_loop3A_542, %parallel_loop3A_543], %parallel_loop3A_538 {strides = array<i32>} : memref<32x128xf32, #tpu.memory_space<vmem>>, vector<16xf32>,
      } {sc.loop_unroll_factor = 2 : i64, sc.parallel_access}
      %dma_start3A_114 = arith.constant 0 : i32
      %dma_start3A_115 = tpu.memref_slice %arg4[%mul3A_105, %dma_start3A_114] : memref<100000x128xf32, #tpu.memory_space<hbm>> -> memref<32x128xf32, #tpu.memory_space<hbm>>
      %dma_start3A_116 = arith.constant 0 : i32
      %dma_start3A_117 = tpu.memref_slice %arg4[%mul3A_105, %dma_start3A_116] : memref<100000x128xf32, #tpu.memory_space<hbm>> -> memref<32x128xf32, #tpu.memory_space<hbm>>
      tpu.enqueue_dma source(%arg9 : memref<32x128xf32, #tpu.memory_space<vmem>>) target(%dma_start3A_117 : memref<32x128xf32, #tpu.memory_space<hbm>>) target_semaphore(%arg13 : memref<!tpu.dma_semaphore, #tpu.memory_space<semaphore_mem>>)
      %lt3A_118 = arith.cmpi slt, %add3A_61, %select_n3A : i32
      %convert_element_type3A_119 = arith.extui %lt3A_118 : i1 to i32
      %cond3A_120 = arith.constant 0 : i32
      %cond3A_121 = arith.cmpi ne, %convert_element_type3A_119, %cond3A_120 : i32
      scf.if %cond3A_121 {
        %mul3A_133 = arith.constant 32 : i32
        %mul3A_134 = arith.muli %add3A_61, %mul3A_133 : i32
        %add3A_135 = arith.addi %add3A, %mul3A_134 : i32
        %dma_start3A_136 = arith.constant 0 : i32
        %dma_start3A_137 = arith.constant 0 : i32
        %dma_start3A_138 = tpu.memref_slice %arg3[%add3A_135, %dma_start3A_136, %dma_start3A_137] : memref<3125x32x16xi32, #tpu.memory_space<hbm>> -> memref<1x32x16xi32, #tpu.memory_space<hbm>>
        %dma_start3A_139 = tpu.memref_squeeze %dma_start3A_138 : memref<1x32x16xi32, #tpu.memory_space<hbm>> -> memref<32x16xi32, #tpu.memory_space<hbm>>
        %dma_start3A_140 = arith.constant 0 : i32
        %dma_start3A_141 = arith.constant 0 : i32
        %dma_start3A_142 = tpu.memref_slice %arg3[%add3A_135, %dma_start3A_140, %dma_start3A_141] : memref<3125x32x16xi32, #tpu.memory_space<hbm>> -> memref<1x32x16xi32, #tpu.memory_space<hbm>>
        %dma_start3A_143 = tpu.memref_squeeze %dma_start3A_142 : memref<1x32x16xi32, #tpu.memory_space<hbm>> -> memref<32x16xi32, #tpu.memory_space<hbm>>
        tpu.enqueue_dma source(%dma_start3A_143 : memref<32x16xi32, #tpu.memory_space<hbm>>) target(%arg7 : memref<32x16xi32, #tpu.memory_space<vmem>>) target_semaphore(%arg11 : memref<!tpu.dma_semaphore, #tpu.memory_space<semaphore_mem>>)
      } else {
      }
      %mul3A_122 = arith.constant 32 : i32
      %mul3A_123 = arith.muli %add3A_59, %mul3A_122 : i32
      %add3A_124 = arith.addi %add3A, %mul3A_123 : i32
      %dma_wait3A_125 = arith.constant 0 : i32
      %dma_wait3A_126 = arith.constant 0 : i32
      %dma_wait3A_127 = tpu.memref_slice %arg3[%add3A_124, %dma_wait3A_125, %dma_wait3A_126] : memref<3125x32x16xi32, #tpu.memory_space<hbm>> -> memref<1x32x16xi32, #tpu.memory_space<hbm>>
      %dma_wait3A_128 = tpu.memref_squeeze %dma_wait3A_127 : memref<1x32x16xi32, #tpu.memory_space<hbm>> -> memref<32x16xi32, #tpu.memory_space<hbm>>
      %dma_wait3A_129 = arith.constant 0 : i32
      %dma_wait3A_130 = arith.constant 0 : i32
      %dma_wait3A_131 = tpu.memref_slice %arg3[%add3A_124, %dma_wait3A_129, %dma_wait3A_130] : memref<3125x32x16xi32, #tpu.memory_space<hbm>> -> memref<1x32x16xi32, #tpu.memory_space<hbm>>
      %dma_wait3A_132 = tpu.memref_squeeze %dma_wait3A_131 : memref<1x32x16xi32, #tpu.memory_space<hbm>> -> memref<32x16xi32, #tpu.memory_space<hbm>>
      tpu.wait_dma2 semaphore(%arg10 : memref<!tpu.dma_semaphore, #tpu.memory_space<semaphore_mem>>) src(%dma_wait3A_132 : memref<32x16xi32, #tpu.memory_space<hbm>>) dst(%arg6 : memref<32x16xi32, #tpu.memory_space<vmem>>)
    }
    %scan3A_22 = arith.constant 48 : i32
    %mul3A_23 = arith.constant 96 : i32
    %mul3A_24 = arith.constant 32 : i32
    %mul3A_25 = arith.muli %mul3A_23, %mul3A_24 : i32
    %add3A_26 = arith.addi %add3A, %mul3A_25 : i32
    %mul3A_27 = arith.constant 32 : i32
    %mul3A_28 = arith.muli %add3A_26, %mul3A_27 : i32
    %ge3A = arith.constant 96 : i32
    %ge3A_29 = arith.constant 2 : i32
    %ge3A_30 = arith.cmpi sge, %ge3A, %ge3A_29 : i32
    %convert_element_type3A = arith.extui %ge3A_30 : i1 to i32
    %cond3A = arith.constant 0 : i32
    %cond3A_31 = arith.cmpi ne, %convert_element_type3A, %cond3A : i32
    scf.if %cond3A_31 {
      %dma_wait3A_53 = arith.constant 0 : i32
      %dma_wait3A_54 = tpu.memref_slice %arg4[%mul3A_28, %dma_wait3A_53] : memref<100000x128xf32, #tpu.memory_space<hbm>> -> memref<32x128xf32, #tpu.memory_space<hbm>>
      %dma_wait3A_55 = arith.constant 0 : i32
      %dma_wait3A_56 = tpu.memref_slice %arg4[%mul3A_28, %dma_wait3A_55] : memref<100000x128xf32, #tpu.memory_space<hbm>> -> memref<32x128xf32, #tpu.memory_space<hbm>>
      tpu.wait_dma2 semaphore(%arg12 : memref<!tpu.dma_semaphore, #tpu.memory_space<semaphore_mem>>) src(%arg8 : memref<32x128xf32, #tpu.memory_space<vmem>>) dst(%dma_wait3A_56 : memref<32x128xf32, #tpu.memory_space<hbm>>)
    } else {
    }
    %parallel_loop3A = arith.constant 0 : i32
    %parallel_loop3A_32 = arith.constant 32 : i32
    %parallel_loop3A_33 = arith.constant 1 : i32
    scf.for %parallel_loop3A_53 = %parallel_loop3A to %parallel_loop3A_32 step %parallel_loop3A_33  : i32 {
      %parallel_loop3A_54 = arith.index_cast %parallel_loop3A_53 : i32 to index
      %parallel_loop3A_55 = arith.constant 0 : index
      %parallel_loop3A_56 = tpu.vector_load %arg6[%parallel_loop3A_54, %parallel_loop3A_55] {strides = array<i32>} : memref<32x16xi32, #tpu.memory_space<vmem>>, vector<16xi32>,
      %parallel_loop3A_57 = vector.extract_strided_slice %parallel_loop3A_56 {offsets = [0], sizes = [1], strides = [1]} : vector<16xi32> to vector<1xi32>
      %parallel_loop3A_58 = vector.extract %parallel_loop3A_57[0] : i32 from vector<1xi32>
      %parallel_loop3A_59 = arith.constant 1 : i32
      %parallel_loop3A_60 = arith.shrsi %parallel_loop3A_58, %parallel_loop3A_59 : i32
      %parallel_loop3A_61 = vector.extract_strided_slice %parallel_loop3A_56 {offsets = [0], sizes = [1], strides = [1]} : vector<16xi32> to vector<1xi32>
      %parallel_loop3A_62 = vector.extract %parallel_loop3A_61[0] : i32 from vector<1xi32>
      %parallel_loop3A_63 = arith.constant 1 : i32
      %parallel_loop3A_64 = arith.andi %parallel_loop3A_62, %parallel_loop3A_63 : i32
      %parallel_loop3A_65 = arith.constant 64 : i32
      %parallel_loop3A_66 = arith.muli %parallel_loop3A_64, %parallel_loop3A_65 : i32
      %parallel_loop3A_67 = vector.extract_strided_slice %parallel_loop3A_56 {offsets = [1], sizes = [1], strides = [1]} : vector<16xi32> to vector<1xi32>
      %parallel_loop3A_68 = vector.extract %parallel_loop3A_67[0] : i32 from vector<1xi32>
      %parallel_loop3A_69 = arith.constant 1 : i32
      %parallel_loop3A_70 = arith.shrsi %parallel_loop3A_68, %parallel_loop3A_69 : i32
      %parallel_loop3A_71 = vector.extract_strided_slice %parallel_loop3A_56 {offsets = [1], sizes = [1], strides = [1]} : vector<16xi32> to vector<1xi32>
      %parallel_loop3A_72 = vector.extract %parallel_loop3A_71[0] : i32 from vector<1xi32>
      %parallel_loop3A_73 = arith.constant 1 : i32
      %parallel_loop3A_74 = arith.andi %parallel_loop3A_72, %parallel_loop3A_73 : i32
      %parallel_loop3A_75 = arith.constant 64 : i32
      %parallel_loop3A_76 = arith.muli %parallel_loop3A_74, %parallel_loop3A_75 : i32
      %parallel_loop3A_77 = vector.extract_strided_slice %parallel_loop3A_56 {offsets = [2], sizes = [1], strides = [1]} : vector<16xi32> to vector<1xi32>
      %parallel_loop3A_78 = vector.extract %parallel_loop3A_77[0] : i32 from vector<1xi32>
      %parallel_loop3A_79 = arith.constant 1 : i32
      %parallel_loop3A_80 = arith.shrsi %parallel_loop3A_78, %parallel_loop3A_79 : i32
      %parallel_loop3A_81 = vector.extract_strided_slice %parallel_loop3A_56 {offsets = [2], sizes = [1], strides = [1]} : vector<16xi32> to vector<1xi32>
      %parallel_loop3A_82 = vector.extract %parallel_loop3A_81[0] : i32 from vector<1xi32>
      %parallel_loop3A_83 = arith.constant 1 : i32
      %parallel_loop3A_84 = arith.andi %parallel_loop3A_82, %parallel_loop3A_83 : i32
      %parallel_loop3A_85 = arith.constant 64 : i32
      %parallel_loop3A_86 = arith.muli %parallel_loop3A_84, %parallel_loop3A_85 : i32
      %parallel_loop3A_87 = vector.extract_strided_slice %parallel_loop3A_56 {offsets = [3], sizes = [1], strides = [1]} : vector<16xi32> to vector<1xi32>
      %parallel_loop3A_88 = vector.extract %parallel_loop3A_87[0] : i32 from vector<1xi32>
      %parallel_loop3A_89 = arith.constant 1 : i32
      %parallel_loop3A_90 = arith.shrsi %parallel_loop3A_88, %parallel_loop3A_89 : i32
      %parallel_loop3A_91 = vector.extract_strided_slice %parallel_loop3A_56 {offsets = [3], sizes = [1], strides = [1]} : vector<16xi32> to vector<1xi32>
      %parallel_loop3A_92 = vector.extract %parallel_loop3A_91[0] : i32 from vector<1xi32>
      %parallel_loop3A_93 = arith.constant 1 : i32
      %parallel_loop3A_94 = arith.andi %parallel_loop3A_92, %parallel_loop3A_93 : i32
      %parallel_loop3A_95 = arith.constant 64 : i32
      %parallel_loop3A_96 = arith.muli %parallel_loop3A_94, %parallel_loop3A_95 : i32
      %parallel_loop3A_97 = vector.extract_strided_slice %parallel_loop3A_56 {offsets = [4], sizes = [1], strides = [1]} : vector<16xi32> to vector<1xi32>
      %parallel_loop3A_98 = vector.extract %parallel_loop3A_97[0] : i32 from vector<1xi32>
      %parallel_loop3A_99 = arith.constant 1 : i32
      %parallel_loop3A_100 = arith.shrsi %parallel_loop3A_98, %parallel_loop3A_99 : i32
      %parallel_loop3A_101 = vector.extract_strided_slice %parallel_loop3A_56 {offsets = [4], sizes = [1], strides = [1]} : vector<16xi32> to vector<1xi32>
      %parallel_loop3A_102 = vector.extract %parallel_loop3A_101[0] : i32 from vector<1xi32>
      %parallel_loop3A_103 = arith.constant 1 : i32
      %parallel_loop3A_104 = arith.andi %parallel_loop3A_102, %parallel_loop3A_103 : i32
      %parallel_loop3A_105 = arith.constant 64 : i32
      %parallel_loop3A_106 = arith.muli %parallel_loop3A_104, %parallel_loop3A_105 : i32
      %parallel_loop3A_107 = vector.extract_strided_slice %parallel_loop3A_56 {offsets = [5], sizes = [1], strides = [1]} : vector<16xi32> to vector<1xi32>
      %parallel_loop3A_108 = vector.extract %parallel_loop3A_107[0] : i32 from vector<1xi32>
      %parallel_loop3A_109 = arith.constant 1 : i32
      %parallel_loop3A_110 = arith.shrsi %parallel_loop3A_108, %parallel_loop3A_109 : i32
      %parallel_loop3A_111 = vector.extract_strided_slice %parallel_loop3A_56 {offsets = [5], sizes = [1], strides = [1]} : vector<16xi32> to vector<1xi32>
      %parallel_loop3A_112 = vector.extract %parallel_loop3A_111[0] : i32 from vector<1xi32>
      %parallel_loop3A_113 = arith.constant 1 : i32
      %parallel_loop3A_114 = arith.andi %parallel_loop3A_112, %parallel_loop3A_113 : i32
      %parallel_loop3A_115 = arith.constant 64 : i32
      %parallel_loop3A_116 = arith.muli %parallel_loop3A_114, %parallel_loop3A_115 : i32
      %parallel_loop3A_117 = vector.extract_strided_slice %parallel_loop3A_56 {offsets = [6], sizes = [1], strides = [1]} : vector<16xi32> to vector<1xi32>
      %parallel_loop3A_118 = vector.extract %parallel_loop3A_117[0] : i32 from vector<1xi32>
      %parallel_loop3A_119 = arith.constant 1 : i32
      %parallel_loop3A_120 = arith.shrsi %parallel_loop3A_118, %parallel_loop3A_119 : i32
      %parallel_loop3A_121 = vector.extract_strided_slice %parallel_loop3A_56 {offsets = [6], sizes = [1], strides = [1]} : vector<16xi32> to vector<1xi32>
      %parallel_loop3A_122 = vector.extract %parallel_loop3A_121[0] : i32 from vector<1xi32>
      %parallel_loop3A_123 = arith.constant 1 : i32
      %parallel_loop3A_124 = arith.andi %parallel_loop3A_122, %parallel_loop3A_123 : i32
      %parallel_loop3A_125 = arith.constant 64 : i32
      %parallel_loop3A_126 = arith.muli %parallel_loop3A_124, %parallel_loop3A_125 : i32
      %parallel_loop3A_127 = vector.extract_strided_slice %parallel_loop3A_56 {offsets = [7], sizes = [1], strides = [1]} : vector<16xi32> to vector<1xi32>
      %parallel_loop3A_128 = vector.extract %parallel_loop3A_127[0] : i32 from vector<1xi32>
      %parallel_loop3A_129 = arith.constant 1 : i32
      %parallel_loop3A_130 = arith.shrsi %parallel_loop3A_128, %parallel_loop3A_129 : i32
      %parallel_loop3A_131 = vector.extract_strided_slice %parallel_loop3A_56 {offsets = [7], sizes = [1], strides = [1]} : vector<16xi32> to vector<1xi32>
      %parallel_loop3A_132 = vector.extract %parallel_loop3A_131[0] : i32 from vector<1xi32>
      %parallel_loop3A_133 = arith.constant 1 : i32
      %parallel_loop3A_134 = arith.andi %parallel_loop3A_132, %parallel_loop3A_133 : i32
      %parallel_loop3A_135 = arith.constant 64 : i32
      %parallel_loop3A_136 = arith.muli %parallel_loop3A_134, %parallel_loop3A_135 : i32
      %parallel_loop3A_137 = vector.extract_strided_slice %parallel_loop3A_56 {offsets = [8], sizes = [1], strides = [1]} : vector<16xi32> to vector<1xi32>
      %parallel_loop3A_138 = vector.extract %parallel_loop3A_137[0] : i32 from vector<1xi32>
      %parallel_loop3A_139 = arith.constant 1 : i32
      %parallel_loop3A_140 = arith.shrsi %parallel_loop3A_138, %parallel_loop3A_139 : i32
      %parallel_loop3A_141 = vector.extract_strided_slice %parallel_loop3A_56 {offsets = [8], sizes = [1], strides = [1]} : vector<16xi32> to vector<1xi32>
      %parallel_loop3A_142 = vector.extract %parallel_loop3A_141[0] : i32 from vector<1xi32>
      %parallel_loop3A_143 = arith.constant 1 : i32
      %parallel_loop3A_144 = arith.andi %parallel_loop3A_142, %parallel_loop3A_143 : i32
      %parallel_loop3A_145 = arith.constant 64 : i32
      %parallel_loop3A_146 = arith.muli %parallel_loop3A_144, %parallel_loop3A_145 : i32
      %parallel_loop3A_147 = vector.extract_strided_slice %parallel_loop3A_56 {offsets = [9], sizes = [1], strides = [1]} : vector<16xi32> to vector<1xi32>
      %parallel_loop3A_148 = vector.extract %parallel_loop3A_147[0] : i32 from vector<1xi32>
      %parallel_loop3A_149 = arith.constant 1 : i32
      %parallel_loop3A_150 = arith.shrsi %parallel_loop3A_148, %parallel_loop3A_149 : i32
      %parallel_loop3A_151 = vector.extract_strided_slice %parallel_loop3A_56 {offsets = [9], sizes = [1], strides = [1]} : vector<16xi32> to vector<1xi32>
      %parallel_loop3A_152 = vector.extract %parallel_loop3A_151[0] : i32 from vector<1xi32>
      %parallel_loop3A_153 = arith.constant 1 : i32
      %parallel_loop3A_154 = arith.andi %parallel_loop3A_152, %parallel_loop3A_153 : i32
      %parallel_loop3A_155 = arith.constant 64 : i32
      %parallel_loop3A_156 = arith.muli %parallel_loop3A_154, %parallel_loop3A_155 : i32
      %parallel_loop3A_157 = arith.constant 0 : i32
      %parallel_loop3A_158 = arith.addi %parallel_loop3A_66, %parallel_loop3A_157 : i32
      %parallel_loop3A_159 = arith.index_cast %parallel_loop3A_60 : i32 to index
      %parallel_loop3A_160 = arith.index_cast %parallel_loop3A_158 : i32 to index
      %parallel_loop3A_161 = tpu.vector_load %arg5[%parallel_loop3A_159, %parallel_loop3A_160] {strides = array<i32>} : memref<513x128xi32, #tpu.memory_space<vmem>>, vector<16xi32>,
      %parallel_loop3A_162 = vector.bitcast %parallel_loop3A_161 : vector<16xi32> to vector<32xbf16>
      %parallel_loop3A_163 = arith.constant 0 : i32
      %parallel_loop3A_164 = arith.addi %parallel_loop3A_76, %parallel_loop3A_163 : i32
      %parallel_loop3A_165 = arith.index_cast %parallel_loop3A_70 : i32 to index
      %parallel_loop3A_166 = arith.index_cast %parallel_loop3A_164 : i32 to index
      %parallel_loop3A_167 = tpu.vector_load %arg5[%parallel_loop3A_165, %parallel_loop3A_166] {strides = array<i32>} : memref<513x128xi32, #tpu.memory_space<vmem>>, vector<16xi32>,
      %parallel_loop3A_168 = vector.bitcast %parallel_loop3A_167 : vector<16xi32> to vector<32xbf16>
      %parallel_loop3A_169 = arith.constant 0 : i32
      %parallel_loop3A_170 = arith.addi %parallel_loop3A_86, %parallel_loop3A_169 : i32
      %parallel_loop3A_171 = arith.index_cast %parallel_loop3A_80 : i32 to index
      %parallel_loop3A_172 = arith.index_cast %parallel_loop3A_170 : i32 to index
      %parallel_loop3A_173 = tpu.vector_load %arg5[%parallel_loop3A_171, %parallel_loop3A_172] {strides = array<i32>} : memref<513x128xi32, #tpu.memory_space<vmem>>, vector<16xi32>,
      %parallel_loop3A_174 = vector.bitcast %parallel_loop3A_173 : vector<16xi32> to vector<32xbf16>
      %parallel_loop3A_175 = arith.constant 0 : i32
      %parallel_loop3A_176 = arith.addi %parallel_loop3A_96, %parallel_loop3A_175 : i32
      %parallel_loop3A_177 = arith.index_cast %parallel_loop3A_90 : i32 to index
      %parallel_loop3A_178 = arith.index_cast %parallel_loop3A_176 : i32 to index
      %parallel_loop3A_179 = tpu.vector_load %arg5[%parallel_loop3A_177, %parallel_loop3A_178] {strides = array<i32>} : memref<513x128xi32, #tpu.memory_space<vmem>>, vector<16xi32>,
      %parallel_loop3A_180 = vector.bitcast %parallel_loop3A_179 : vector<16xi32> to vector<32xbf16>
      %parallel_loop3A_181 = arith.constant 0 : i32
      %parallel_loop3A_182 = arith.addi %parallel_loop3A_106, %parallel_loop3A_181 : i32
      %parallel_loop3A_183 = arith.index_cast %parallel_loop3A_100 : i32 to index
      %parallel_loop3A_184 = arith.index_cast %parallel_loop3A_182 : i32 to index
      %parallel_loop3A_185 = tpu.vector_load %arg5[%parallel_loop3A_183, %parallel_loop3A_184] {strides = array<i32>} : memref<513x128xi32, #tpu.memory_space<vmem>>, vector<16xi32>,
      %parallel_loop3A_186 = vector.bitcast %parallel_loop3A_185 : vector<16xi32> to vector<32xbf16>
      %parallel_loop3A_187 = arith.constant 0 : i32
      %parallel_loop3A_188 = arith.addi %parallel_loop3A_116, %parallel_loop3A_187 : i32
      %parallel_loop3A_189 = arith.index_cast %parallel_loop3A_110 : i32 to index
      %parallel_loop3A_190 = arith.index_cast %parallel_loop3A_188 : i32 to index
      %parallel_loop3A_191 = tpu.vector_load %arg5[%parallel_loop3A_189, %parallel_loop3A_190] {strides = array<i32>} : memref<513x128xi32, #tpu.memory_space<vmem>>, vector<16xi32>,
      %parallel_loop3A_192 = vector.bitcast %parallel_loop3A_191 : vector<16xi32> to vector<32xbf16>
      %parallel_loop3A_193 = arith.constant 0 : i32
      %parallel_loop3A_194 = arith.addi %parallel_loop3A_126, %parallel_loop3A_193 : i32
      %parallel_loop3A_195 = arith.index_cast %parallel_loop3A_120 : i32 to index
      %parallel_loop3A_196 = arith.index_cast %parallel_loop3A_194 : i32 to index
      %parallel_loop3A_197 = tpu.vector_load %arg5[%parallel_loop3A_195, %parallel_loop3A_196] {strides = array<i32>} : memref<513x128xi32, #tpu.memory_space<vmem>>, vector<16xi32>,
      %parallel_loop3A_198 = vector.bitcast %parallel_loop3A_197 : vector<16xi32> to vector<32xbf16>
      %parallel_loop3A_199 = arith.constant 0 : i32
      %parallel_loop3A_200 = arith.addi %parallel_loop3A_136, %parallel_loop3A_199 : i32
      %parallel_loop3A_201 = arith.index_cast %parallel_loop3A_130 : i32 to index
      %parallel_loop3A_202 = arith.index_cast %parallel_loop3A_200 : i32 to index
      %parallel_loop3A_203 = tpu.vector_load %arg5[%parallel_loop3A_201, %parallel_loop3A_202] {strides = array<i32>} : memref<513x128xi32, #tpu.memory_space<vmem>>, vector<16xi32>,
      %parallel_loop3A_204 = vector.bitcast %parallel_loop3A_203 : vector<16xi32> to vector<32xbf16>
      %parallel_loop3A_205 = arith.constant 0 : i32
      %parallel_loop3A_206 = arith.addi %parallel_loop3A_146, %parallel_loop3A_205 : i32
      %parallel_loop3A_207 = arith.index_cast %parallel_loop3A_140 : i32 to index
      %parallel_loop3A_208 = arith.index_cast %parallel_loop3A_206 : i32 to index
      %parallel_loop3A_209 = tpu.vector_load %arg5[%parallel_loop3A_207, %parallel_loop3A_208] {strides = array<i32>} : memref<513x128xi32, #tpu.memory_space<vmem>>, vector<16xi32>,
      %parallel_loop3A_210 = vector.bitcast %parallel_loop3A_209 : vector<16xi32> to vector<32xbf16>
      %parallel_loop3A_211 = arith.constant 0 : i32
      %parallel_loop3A_212 = arith.addi %parallel_loop3A_156, %parallel_loop3A_211 : i32
      %parallel_loop3A_213 = arith.index_cast %parallel_loop3A_150 : i32 to index
      %parallel_loop3A_214 = arith.index_cast %parallel_loop3A_212 : i32 to index
      %parallel_loop3A_215 = tpu.vector_load %arg5[%parallel_loop3A_213, %parallel_loop3A_214] {strides = array<i32>} : memref<513x128xi32, #tpu.memory_space<vmem>>, vector<16xi32>,
      %parallel_loop3A_216 = vector.bitcast %parallel_loop3A_215 : vector<16xi32> to vector<32xbf16>
      %parallel_loop3A_217 = arith.addf %parallel_loop3A_162, %parallel_loop3A_168 : vector<32xbf16>
      %parallel_loop3A_218 = arith.addf %parallel_loop3A_174, %parallel_loop3A_180 : vector<32xbf16>
      %parallel_loop3A_219 = arith.addf %parallel_loop3A_186, %parallel_loop3A_192 : vector<32xbf16>
      %parallel_loop3A_220 = arith.addf %parallel_loop3A_198, %parallel_loop3A_204 : vector<32xbf16>
      %parallel_loop3A_221 = arith.addf %parallel_loop3A_210, %parallel_loop3A_216 : vector<32xbf16>
      %parallel_loop3A_222 = arith.addf %parallel_loop3A_217, %parallel_loop3A_218 : vector<32xbf16>
      %parallel_loop3A_223 = arith.addf %parallel_loop3A_219, %parallel_loop3A_220 : vector<32xbf16>
      %parallel_loop3A_224 = arith.addf %parallel_loop3A_222, %parallel_loop3A_223 : vector<32xbf16>
      %parallel_loop3A_225 = arith.addf %parallel_loop3A_224, %parallel_loop3A_221 : vector<32xbf16>
      %parallel_loop3A_226 = tpu.unpack_subelements %parallel_loop3A_225, 0 {pack_format = #tpu.pack_format<interleaved>} : vector<32xbf16> -> vector<16xf32>
      %parallel_loop3A_227 = tpu.unpack_subelements %parallel_loop3A_225, 1 {pack_format = #tpu.pack_format<interleaved>} : vector<32xbf16> -> vector<16xf32>
      %parallel_loop3A_228 = arith.index_cast %parallel_loop3A_53 : i32 to index
      %parallel_loop3A_229 = arith.constant 0 : index
      %parallel_loop3A_230 = tpu.vector_load %arg8[%parallel_loop3A_228, %parallel_loop3A_229] {strides = array<i32>} : memref<32x128xf32, #tpu.memory_space<vmem>>, vector<16xf32>,
      tpu.vector_store %arg8[%parallel_loop3A_228, %parallel_loop3A_229], %parallel_loop3A_226 {strides = array<i32>} : memref<32x128xf32, #tpu.memory_space<vmem>>, vector<16xf32>,
      %parallel_loop3A_231 = arith.index_cast %parallel_loop3A_53 : i32 to index
      %parallel_loop3A_232 = arith.constant 16 : index
      %parallel_loop3A_233 = tpu.vector_load %arg8[%parallel_loop3A_231, %parallel_loop3A_232] {strides = array<i32>} : memref<32x128xf32, #tpu.memory_space<vmem>>, vector<16xf32>,
      tpu.vector_store %arg8[%parallel_loop3A_231, %parallel_loop3A_232], %parallel_loop3A_227 {strides = array<i32>} : memref<32x128xf32, #tpu.memory_space<vmem>>, vector<16xf32>,
      %parallel_loop3A_234 = arith.constant 16 : i32
      %parallel_loop3A_235 = arith.addi %parallel_loop3A_66, %parallel_loop3A_234 : i32
      %parallel_loop3A_236 = arith.index_cast %parallel_loop3A_60 : i32 to index
      %parallel_loop3A_237 = arith.index_cast %parallel_loop3A_235 : i32 to index
      %parallel_loop3A_238 = tpu.vector_load %arg5[%parallel_loop3A_236, %parallel_loop3A_237] {strides = array<i32>} : memref<513x128xi32, #tpu.memory_space<vmem>>, vector<16xi32>,
      %parallel_loop3A_239 = vector.bitcast %parallel_loop3A_238 : vector<16xi32> to vector<32xbf16>
      %parallel_loop3A_240 = arith.constant 16 : i32
      %parallel_loop3A_241 = arith.addi %parallel_loop3A_76, %parallel_loop3A_240 : i32
      %parallel_loop3A_242 = arith.index_cast %parallel_loop3A_70 : i32 to index
      %parallel_loop3A_243 = arith.index_cast %parallel_loop3A_241 : i32 to index
      %parallel_loop3A_244 = tpu.vector_load %arg5[%parallel_loop3A_242, %parallel_loop3A_243] {strides = array<i32>} : memref<513x128xi32, #tpu.memory_space<vmem>>, vector<16xi32>,
      %parallel_loop3A_245 = vector.bitcast %parallel_loop3A_244 : vector<16xi32> to vector<32xbf16>
      %parallel_loop3A_246 = arith.constant 16 : i32
      %parallel_loop3A_247 = arith.addi %parallel_loop3A_86, %parallel_loop3A_246 : i32
      %parallel_loop3A_248 = arith.index_cast %parallel_loop3A_80 : i32 to index
      %parallel_loop3A_249 = arith.index_cast %parallel_loop3A_247 : i32 to index
      %parallel_loop3A_250 = tpu.vector_load %arg5[%parallel_loop3A_248, %parallel_loop3A_249] {strides = array<i32>} : memref<513x128xi32, #tpu.memory_space<vmem>>, vector<16xi32>,
      %parallel_loop3A_251 = vector.bitcast %parallel_loop3A_250 : vector<16xi32> to vector<32xbf16>
      %parallel_loop3A_252 = arith.constant 16 : i32
      %parallel_loop3A_253 = arith.addi %parallel_loop3A_96, %parallel_loop3A_252 : i32
      %parallel_loop3A_254 = arith.index_cast %parallel_loop3A_90 : i32 to index
      %parallel_loop3A_255 = arith.index_cast %parallel_loop3A_253 : i32 to index
      %parallel_loop3A_256 = tpu.vector_load %arg5[%parallel_loop3A_254, %parallel_loop3A_255] {strides = array<i32>} : memref<513x128xi32, #tpu.memory_space<vmem>>, vector<16xi32>,
      %parallel_loop3A_257 = vector.bitcast %parallel_loop3A_256 : vector<16xi32> to vector<32xbf16>
      %parallel_loop3A_258 = arith.constant 16 : i32
      %parallel_loop3A_259 = arith.addi %parallel_loop3A_106, %parallel_loop3A_258 : i32
      %parallel_loop3A_260 = arith.index_cast %parallel_loop3A_100 : i32 to index
      %parallel_loop3A_261 = arith.index_cast %parallel_loop3A_259 : i32 to index
      %parallel_loop3A_262 = tpu.vector_load %arg5[%parallel_loop3A_260, %parallel_loop3A_261] {strides = array<i32>} : memref<513x128xi32, #tpu.memory_space<vmem>>, vector<16xi32>,
      %parallel_loop3A_263 = vector.bitcast %parallel_loop3A_262 : vector<16xi32> to vector<32xbf16>
      %parallel_loop3A_264 = arith.constant 16 : i32
      %parallel_loop3A_265 = arith.addi %parallel_loop3A_116, %parallel_loop3A_264 : i32
      %parallel_loop3A_266 = arith.index_cast %parallel_loop3A_110 : i32 to index
      %parallel_loop3A_267 = arith.index_cast %parallel_loop3A_265 : i32 to index
      %parallel_loop3A_268 = tpu.vector_load %arg5[%parallel_loop3A_266, %parallel_loop3A_267] {strides = array<i32>} : memref<513x128xi32, #tpu.memory_space<vmem>>, vector<16xi32>,
      %parallel_loop3A_269 = vector.bitcast %parallel_loop3A_268 : vector<16xi32> to vector<32xbf16>
      %parallel_loop3A_270 = arith.constant 16 : i32
      %parallel_loop3A_271 = arith.addi %parallel_loop3A_126, %parallel_loop3A_270 : i32
      %parallel_loop3A_272 = arith.index_cast %parallel_loop3A_120 : i32 to index
      %parallel_loop3A_273 = arith.index_cast %parallel_loop3A_271 : i32 to index
      %parallel_loop3A_274 = tpu.vector_load %arg5[%parallel_loop3A_272, %parallel_loop3A_273] {strides = array<i32>} : memref<513x128xi32, #tpu.memory_space<vmem>>, vector<16xi32>,
      %parallel_loop3A_275 = vector.bitcast %parallel_loop3A_274 : vector<16xi32> to vector<32xbf16>
      %parallel_loop3A_276 = arith.constant 16 : i32
      %parallel_loop3A_277 = arith.addi %parallel_loop3A_136, %parallel_loop3A_276 : i32
      %parallel_loop3A_278 = arith.index_cast %parallel_loop3A_130 : i32 to index
      %parallel_loop3A_279 = arith.index_cast %parallel_loop3A_277 : i32 to index
      %parallel_loop3A_280 = tpu.vector_load %arg5[%parallel_loop3A_278, %parallel_loop3A_279] {strides = array<i32>} : memref<513x128xi32, #tpu.memory_space<vmem>>, vector<16xi32>,
      %parallel_loop3A_281 = vector.bitcast %parallel_loop3A_280 : vector<16xi32> to vector<32xbf16>
      %parallel_loop3A_282 = arith.constant 16 : i32
      %parallel_loop3A_283 = arith.addi %parallel_loop3A_146, %parallel_loop3A_282 : i32
      %parallel_loop3A_284 = arith.index_cast %parallel_loop3A_140 : i32 to index
      %parallel_loop3A_285 = arith.index_cast %parallel_loop3A_283 : i32 to index
      %parallel_loop3A_286 = tpu.vector_load %arg5[%parallel_loop3A_284, %parallel_loop3A_285] {strides = array<i32>} : memref<513x128xi32, #tpu.memory_space<vmem>>, vector<16xi32>,
      %parallel_loop3A_287 = vector.bitcast %parallel_loop3A_286 : vector<16xi32> to vector<32xbf16>
      %parallel_loop3A_288 = arith.constant 16 : i32
      %parallel_loop3A_289 = arith.addi %parallel_loop3A_156, %parallel_loop3A_288 : i32
      %parallel_loop3A_290 = arith.index_cast %parallel_loop3A_150 : i32 to index
      %parallel_loop3A_291 = arith.index_cast %parallel_loop3A_289 : i32 to index
      %parallel_loop3A_292 = tpu.vector_load %arg5[%parallel_loop3A_290, %parallel_loop3A_291] {strides = array<i32>} : memref<513x128xi32, #tpu.memory_space<vmem>>, vector<16xi32>,
      %parallel_loop3A_293 = vector.bitcast %parallel_loop3A_292 : vector<16xi32> to vector<32xbf16>
      %parallel_loop3A_294 = arith.addf %parallel_loop3A_239, %parallel_loop3A_245 : vector<32xbf16>
      %parallel_loop3A_295 = arith.addf %parallel_loop3A_251, %parallel_loop3A_257 : vector<32xbf16>
      %parallel_loop3A_296 = arith.addf %parallel_loop3A_263, %parallel_loop3A_269 : vector<32xbf16>
      %parallel_loop3A_297 = arith.addf %parallel_loop3A_275, %parallel_loop3A_281 : vector<32xbf16>
      %parallel_loop3A_298 = arith.addf %parallel_loop3A_287, %parallel_loop3A_293 : vector<32xbf16>
      %parallel_loop3A_299 = arith.addf %parallel_loop3A_294, %parallel_loop3A_295 : vector<32xbf16>
      %parallel_loop3A_300 = arith.addf %parallel_loop3A_296, %parallel_loop3A_297 : vector<32xbf16>
      %parallel_loop3A_301 = arith.addf %parallel_loop3A_299, %parallel_loop3A_300 : vector<32xbf16>
      %parallel_loop3A_302 = arith.addf %parallel_loop3A_301, %parallel_loop3A_298 : vector<32xbf16>
      %parallel_loop3A_303 = tpu.unpack_subelements %parallel_loop3A_302, 0 {pack_format = #tpu.pack_format<interleaved>} : vector<32xbf16> -> vector<16xf32>
      %parallel_loop3A_304 = tpu.unpack_subelements %parallel_loop3A_302, 1 {pack_format = #tpu.pack_format<interleaved>} : vector<32xbf16> -> vector<16xf32>
      %parallel_loop3A_305 = arith.index_cast %parallel_loop3A_53 : i32 to index
      %parallel_loop3A_306 = arith.constant 32 : index
      %parallel_loop3A_307 = tpu.vector_load %arg8[%parallel_loop3A_305, %parallel_loop3A_306] {strides = array<i32>} : memref<32x128xf32, #tpu.memory_space<vmem>>, vector<16xf32>,
      tpu.vector_store %arg8[%parallel_loop3A_305, %parallel_loop3A_306], %parallel_loop3A_303 {strides = array<i32>} : memref<32x128xf32, #tpu.memory_space<vmem>>, vector<16xf32>,
      %parallel_loop3A_308 = arith.index_cast %parallel_loop3A_53 : i32 to index
      %parallel_loop3A_309 = arith.constant 48 : index
      %parallel_loop3A_310 = tpu.vector_load %arg8[%parallel_loop3A_308, %parallel_loop3A_309] {strides = array<i32>} : memref<32x128xf32, #tpu.memory_space<vmem>>, vector<16xf32>,
      tpu.vector_store %arg8[%parallel_loop3A_308, %parallel_loop3A_309], %parallel_loop3A_304 {strides = array<i32>} : memref<32x128xf32, #tpu.memory_space<vmem>>, vector<16xf32>,
      %parallel_loop3A_311 = arith.constant 32 : i32
      %parallel_loop3A_312 = arith.addi %parallel_loop3A_66, %parallel_loop3A_311 : i32
      %parallel_loop3A_313 = arith.index_cast %parallel_loop3A_60 : i32 to index
      %parallel_loop3A_314 = arith.index_cast %parallel_loop3A_312 : i32 to index
      %parallel_loop3A_315 = tpu.vector_load %arg5[%parallel_loop3A_313, %parallel_loop3A_314] {strides = array<i32>} : memref<513x128xi32, #tpu.memory_space<vmem>>, vector<16xi32>,
      %parallel_loop3A_316 = vector.bitcast %parallel_loop3A_315 : vector<16xi32> to vector<32xbf16>
      %parallel_loop3A_317 = arith.constant 32 : i32
      %parallel_loop3A_318 = arith.addi %parallel_loop3A_76, %parallel_loop3A_317 : i32
      %parallel_loop3A_319 = arith.index_cast %parallel_loop3A_70 : i32 to index
      %parallel_loop3A_320 = arith.index_cast %parallel_loop3A_318 : i32 to index
      %parallel_loop3A_321 = tpu.vector_load %arg5[%parallel_loop3A_319, %parallel_loop3A_320] {strides = array<i32>} : memref<513x128xi32, #tpu.memory_space<vmem>>, vector<16xi32>,
      %parallel_loop3A_322 = vector.bitcast %parallel_loop3A_321 : vector<16xi32> to vector<32xbf16>
      %parallel_loop3A_323 = arith.constant 32 : i32
      %parallel_loop3A_324 = arith.addi %parallel_loop3A_86, %parallel_loop3A_323 : i32
      %parallel_loop3A_325 = arith.index_cast %parallel_loop3A_80 : i32 to index
      %parallel_loop3A_326 = arith.index_cast %parallel_loop3A_324 : i32 to index
      %parallel_loop3A_327 = tpu.vector_load %arg5[%parallel_loop3A_325, %parallel_loop3A_326] {strides = array<i32>} : memref<513x128xi32, #tpu.memory_space<vmem>>, vector<16xi32>,
      %parallel_loop3A_328 = vector.bitcast %parallel_loop3A_327 : vector<16xi32> to vector<32xbf16>
      %parallel_loop3A_329 = arith.constant 32 : i32
      %parallel_loop3A_330 = arith.addi %parallel_loop3A_96, %parallel_loop3A_329 : i32
      %parallel_loop3A_331 = arith.index_cast %parallel_loop3A_90 : i32 to index
      %parallel_loop3A_332 = arith.index_cast %parallel_loop3A_330 : i32 to index
      %parallel_loop3A_333 = tpu.vector_load %arg5[%parallel_loop3A_331, %parallel_loop3A_332] {strides = array<i32>} : memref<513x128xi32, #tpu.memory_space<vmem>>, vector<16xi32>,
      %parallel_loop3A_334 = vector.bitcast %parallel_loop3A_333 : vector<16xi32> to vector<32xbf16>
      %parallel_loop3A_335 = arith.constant 32 : i32
      %parallel_loop3A_336 = arith.addi %parallel_loop3A_106, %parallel_loop3A_335 : i32
      %parallel_loop3A_337 = arith.index_cast %parallel_loop3A_100 : i32 to index
      %parallel_loop3A_338 = arith.index_cast %parallel_loop3A_336 : i32 to index
      %parallel_loop3A_339 = tpu.vector_load %arg5[%parallel_loop3A_337, %parallel_loop3A_338] {strides = array<i32>} : memref<513x128xi32, #tpu.memory_space<vmem>>, vector<16xi32>,
      %parallel_loop3A_340 = vector.bitcast %parallel_loop3A_339 : vector<16xi32> to vector<32xbf16>
      %parallel_loop3A_341 = arith.constant 32 : i32
      %parallel_loop3A_342 = arith.addi %parallel_loop3A_116, %parallel_loop3A_341 : i32
      %parallel_loop3A_343 = arith.index_cast %parallel_loop3A_110 : i32 to index
      %parallel_loop3A_344 = arith.index_cast %parallel_loop3A_342 : i32 to index
      %parallel_loop3A_345 = tpu.vector_load %arg5[%parallel_loop3A_343, %parallel_loop3A_344] {strides = array<i32>} : memref<513x128xi32, #tpu.memory_space<vmem>>, vector<16xi32>,
      %parallel_loop3A_346 = vector.bitcast %parallel_loop3A_345 : vector<16xi32> to vector<32xbf16>
      %parallel_loop3A_347 = arith.constant 32 : i32
      %parallel_loop3A_348 = arith.addi %parallel_loop3A_126, %parallel_loop3A_347 : i32
      %parallel_loop3A_349 = arith.index_cast %parallel_loop3A_120 : i32 to index
      %parallel_loop3A_350 = arith.index_cast %parallel_loop3A_348 : i32 to index
      %parallel_loop3A_351 = tpu.vector_load %arg5[%parallel_loop3A_349, %parallel_loop3A_350] {strides = array<i32>} : memref<513x128xi32, #tpu.memory_space<vmem>>, vector<16xi32>,
      %parallel_loop3A_352 = vector.bitcast %parallel_loop3A_351 : vector<16xi32> to vector<32xbf16>
      %parallel_loop3A_353 = arith.constant 32 : i32
      %parallel_loop3A_354 = arith.addi %parallel_loop3A_136, %parallel_loop3A_353 : i32
      %parallel_loop3A_355 = arith.index_cast %parallel_loop3A_130 : i32 to index
      %parallel_loop3A_356 = arith.index_cast %parallel_loop3A_354 : i32 to index
      %parallel_loop3A_357 = tpu.vector_load %arg5[%parallel_loop3A_355, %parallel_loop3A_356] {strides = array<i32>} : memref<513x128xi32, #tpu.memory_space<vmem>>, vector<16xi32>,
      %parallel_loop3A_358 = vector.bitcast %parallel_loop3A_357 : vector<16xi32> to vector<32xbf16>
      %parallel_loop3A_359 = arith.constant 32 : i32
      %parallel_loop3A_360 = arith.addi %parallel_loop3A_146, %parallel_loop3A_359 : i32
      %parallel_loop3A_361 = arith.index_cast %parallel_loop3A_140 : i32 to index
      %parallel_loop3A_362 = arith.index_cast %parallel_loop3A_360 : i32 to index
      %parallel_loop3A_363 = tpu.vector_load %arg5[%parallel_loop3A_361, %parallel_loop3A_362] {strides = array<i32>} : memref<513x128xi32, #tpu.memory_space<vmem>>, vector<16xi32>,
      %parallel_loop3A_364 = vector.bitcast %parallel_loop3A_363 : vector<16xi32> to vector<32xbf16>
      %parallel_loop3A_365 = arith.constant 32 : i32
      %parallel_loop3A_366 = arith.addi %parallel_loop3A_156, %parallel_loop3A_365 : i32
      %parallel_loop3A_367 = arith.index_cast %parallel_loop3A_150 : i32 to index
      %parallel_loop3A_368 = arith.index_cast %parallel_loop3A_366 : i32 to index
      %parallel_loop3A_369 = tpu.vector_load %arg5[%parallel_loop3A_367, %parallel_loop3A_368] {strides = array<i32>} : memref<513x128xi32, #tpu.memory_space<vmem>>, vector<16xi32>,
      %parallel_loop3A_370 = vector.bitcast %parallel_loop3A_369 : vector<16xi32> to vector<32xbf16>
      %parallel_loop3A_371 = arith.addf %parallel_loop3A_316, %parallel_loop3A_322 : vector<32xbf16>
      %parallel_loop3A_372 = arith.addf %parallel_loop3A_328, %parallel_loop3A_334 : vector<32xbf16>
      %parallel_loop3A_373 = arith.addf %parallel_loop3A_340, %parallel_loop3A_346 : vector<32xbf16>
      %parallel_loop3A_374 = arith.addf %parallel_loop3A_352, %parallel_loop3A_358 : vector<32xbf16>
      %parallel_loop3A_375 = arith.addf %parallel_loop3A_364, %parallel_loop3A_370 : vector<32xbf16>
      %parallel_loop3A_376 = arith.addf %parallel_loop3A_371, %parallel_loop3A_372 : vector<32xbf16>
      %parallel_loop3A_377 = arith.addf %parallel_loop3A_373, %parallel_loop3A_374 : vector<32xbf16>
      %parallel_loop3A_378 = arith.addf %parallel_loop3A_376, %parallel_loop3A_377 : vector<32xbf16>
      %parallel_loop3A_379 = arith.addf %parallel_loop3A_378, %parallel_loop3A_375 : vector<32xbf16>
      %parallel_loop3A_380 = tpu.unpack_subelements %parallel_loop3A_379, 0 {pack_format = #tpu.pack_format<interleaved>} : vector<32xbf16> -> vector<16xf32>
      %parallel_loop3A_381 = tpu.unpack_subelements %parallel_loop3A_379, 1 {pack_format = #tpu.pack_format<interleaved>} : vector<32xbf16> -> vector<16xf32>
      %parallel_loop3A_382 = arith.index_cast %parallel_loop3A_53 : i32 to index
      %parallel_loop3A_383 = arith.constant 64 : index
      %parallel_loop3A_384 = tpu.vector_load %arg8[%parallel_loop3A_382, %parallel_loop3A_383] {strides = array<i32>} : memref<32x128xf32, #tpu.memory_space<vmem>>, vector<16xf32>,
      tpu.vector_store %arg8[%parallel_loop3A_382, %parallel_loop3A_383], %parallel_loop3A_380 {strides = array<i32>} : memref<32x128xf32, #tpu.memory_space<vmem>>, vector<16xf32>,
      %parallel_loop3A_385 = arith.index_cast %parallel_loop3A_53 : i32 to index
      %parallel_loop3A_386 = arith.constant 80 : index
      %parallel_loop3A_387 = tpu.vector_load %arg8[%parallel_loop3A_385, %parallel_loop3A_386] {strides = array<i32>} : memref<32x128xf32, #tpu.memory_space<vmem>>, vector<16xf32>,
      tpu.vector_store %arg8[%parallel_loop3A_385, %parallel_loop3A_386], %parallel_loop3A_381 {strides = array<i32>} : memref<32x128xf32, #tpu.memory_space<vmem>>, vector<16xf32>,
      %parallel_loop3A_388 = arith.constant 48 : i32
      %parallel_loop3A_389 = arith.addi %parallel_loop3A_66, %parallel_loop3A_388 : i32
      %parallel_loop3A_390 = arith.index_cast %parallel_loop3A_60 : i32 to index
      %parallel_loop3A_391 = arith.index_cast %parallel_loop3A_389 : i32 to index
      %parallel_loop3A_392 = tpu.vector_load %arg5[%parallel_loop3A_390, %parallel_loop3A_391] {strides = array<i32>} : memref<513x128xi32, #tpu.memory_space<vmem>>, vector<16xi32>,
      %parallel_loop3A_393 = vector.bitcast %parallel_loop3A_392 : vector<16xi32> to vector<32xbf16>
      %parallel_loop3A_394 = arith.constant 48 : i32
      %parallel_loop3A_395 = arith.addi %parallel_loop3A_76, %parallel_loop3A_394 : i32
      %parallel_loop3A_396 = arith.index_cast %parallel_loop3A_70 : i32 to index
      %parallel_loop3A_397 = arith.index_cast %parallel_loop3A_395 : i32 to index
      %parallel_loop3A_398 = tpu.vector_load %arg5[%parallel_loop3A_396, %parallel_loop3A_397] {strides = array<i32>} : memref<513x128xi32, #tpu.memory_space<vmem>>, vector<16xi32>,
      %parallel_loop3A_399 = vector.bitcast %parallel_loop3A_398 : vector<16xi32> to vector<32xbf16>
      %parallel_loop3A_400 = arith.constant 48 : i32
      %parallel_loop3A_401 = arith.addi %parallel_loop3A_86, %parallel_loop3A_400 : i32
      %parallel_loop3A_402 = arith.index_cast %parallel_loop3A_80 : i32 to index
      %parallel_loop3A_403 = arith.index_cast %parallel_loop3A_401 : i32 to index
      %parallel_loop3A_404 = tpu.vector_load %arg5[%parallel_loop3A_402, %parallel_loop3A_403] {strides = array<i32>} : memref<513x128xi32, #tpu.memory_space<vmem>>, vector<16xi32>,
      %parallel_loop3A_405 = vector.bitcast %parallel_loop3A_404 : vector<16xi32> to vector<32xbf16>
      %parallel_loop3A_406 = arith.constant 48 : i32
      %parallel_loop3A_407 = arith.addi %parallel_loop3A_96, %parallel_loop3A_406 : i32
      %parallel_loop3A_408 = arith.index_cast %parallel_loop3A_90 : i32 to index
      %parallel_loop3A_409 = arith.index_cast %parallel_loop3A_407 : i32 to index
      %parallel_loop3A_410 = tpu.vector_load %arg5[%parallel_loop3A_408, %parallel_loop3A_409] {strides = array<i32>} : memref<513x128xi32, #tpu.memory_space<vmem>>, vector<16xi32>,
      %parallel_loop3A_411 = vector.bitcast %parallel_loop3A_410 : vector<16xi32> to vector<32xbf16>
      %parallel_loop3A_412 = arith.constant 48 : i32
      %parallel_loop3A_413 = arith.addi %parallel_loop3A_106, %parallel_loop3A_412 : i32
      %parallel_loop3A_414 = arith.index_cast %parallel_loop3A_100 : i32 to index
      %parallel_loop3A_415 = arith.index_cast %parallel_loop3A_413 : i32 to index
      %parallel_loop3A_416 = tpu.vector_load %arg5[%parallel_loop3A_414, %parallel_loop3A_415] {strides = array<i32>} : memref<513x128xi32, #tpu.memory_space<vmem>>, vector<16xi32>,
      %parallel_loop3A_417 = vector.bitcast %parallel_loop3A_416 : vector<16xi32> to vector<32xbf16>
      %parallel_loop3A_418 = arith.constant 48 : i32
      %parallel_loop3A_419 = arith.addi %parallel_loop3A_116, %parallel_loop3A_418 : i32
      %parallel_loop3A_420 = arith.index_cast %parallel_loop3A_110 : i32 to index
      %parallel_loop3A_421 = arith.index_cast %parallel_loop3A_419 : i32 to index
      %parallel_loop3A_422 = tpu.vector_load %arg5[%parallel_loop3A_420, %parallel_loop3A_421] {strides = array<i32>} : memref<513x128xi32, #tpu.memory_space<vmem>>, vector<16xi32>,
      %parallel_loop3A_423 = vector.bitcast %parallel_loop3A_422 : vector<16xi32> to vector<32xbf16>
      %parallel_loop3A_424 = arith.constant 48 : i32
      %parallel_loop3A_425 = arith.addi %parallel_loop3A_126, %parallel_loop3A_424 : i32
      %parallel_loop3A_426 = arith.index_cast %parallel_loop3A_120 : i32 to index
      %parallel_loop3A_427 = arith.index_cast %parallel_loop3A_425 : i32 to index
      %parallel_loop3A_428 = tpu.vector_load %arg5[%parallel_loop3A_426, %parallel_loop3A_427] {strides = array<i32>} : memref<513x128xi32, #tpu.memory_space<vmem>>, vector<16xi32>,
      %parallel_loop3A_429 = vector.bitcast %parallel_loop3A_428 : vector<16xi32> to vector<32xbf16>
      %parallel_loop3A_430 = arith.constant 48 : i32
      %parallel_loop3A_431 = arith.addi %parallel_loop3A_136, %parallel_loop3A_430 : i32
      %parallel_loop3A_432 = arith.index_cast %parallel_loop3A_130 : i32 to index
      %parallel_loop3A_433 = arith.index_cast %parallel_loop3A_431 : i32 to index
      %parallel_loop3A_434 = tpu.vector_load %arg5[%parallel_loop3A_432, %parallel_loop3A_433] {strides = array<i32>} : memref<513x128xi32, #tpu.memory_space<vmem>>, vector<16xi32>,
      %parallel_loop3A_435 = vector.bitcast %parallel_loop3A_434 : vector<16xi32> to vector<32xbf16>
      %parallel_loop3A_436 = arith.constant 48 : i32
      %parallel_loop3A_437 = arith.addi %parallel_loop3A_146, %parallel_loop3A_436 : i32
      %parallel_loop3A_438 = arith.index_cast %parallel_loop3A_140 : i32 to index
      %parallel_loop3A_439 = arith.index_cast %parallel_loop3A_437 : i32 to index
      %parallel_loop3A_440 = tpu.vector_load %arg5[%parallel_loop3A_438, %parallel_loop3A_439] {strides = array<i32>} : memref<513x128xi32, #tpu.memory_space<vmem>>, vector<16xi32>,
      %parallel_loop3A_441 = vector.bitcast %parallel_loop3A_440 : vector<16xi32> to vector<32xbf16>
      %parallel_loop3A_442 = arith.constant 48 : i32
      %parallel_loop3A_443 = arith.addi %parallel_loop3A_156, %parallel_loop3A_442 : i32
      %parallel_loop3A_444 = arith.index_cast %parallel_loop3A_150 : i32 to index
      %parallel_loop3A_445 = arith.index_cast %parallel_loop3A_443 : i32 to index
      %parallel_loop3A_446 = tpu.vector_load %arg5[%parallel_loop3A_444, %parallel_loop3A_445] {strides = array<i32>} : memref<513x128xi32, #tpu.memory_space<vmem>>, vector<16xi32>,
      %parallel_loop3A_447 = vector.bitcast %parallel_loop3A_446 : vector<16xi32> to vector<32xbf16>
      %parallel_loop3A_448 = arith.addf %parallel_loop3A_393, %parallel_loop3A_399 : vector<32xbf16>
      %parallel_loop3A_449 = arith.addf %parallel_loop3A_405, %parallel_loop3A_411 : vector<32xbf16>
      %parallel_loop3A_450 = arith.addf %parallel_loop3A_417, %parallel_loop3A_423 : vector<32xbf16>
      %parallel_loop3A_451 = arith.addf %parallel_loop3A_429, %parallel_loop3A_435 : vector<32xbf16>
      %parallel_loop3A_452 = arith.addf %parallel_loop3A_441, %parallel_loop3A_447 : vector<32xbf16>
      %parallel_loop3A_453 = arith.addf %parallel_loop3A_448, %parallel_loop3A_449 : vector<32xbf16>
      %parallel_loop3A_454 = arith.addf %parallel_loop3A_450, %parallel_loop3A_451 : vector<32xbf16>
      %parallel_loop3A_455 = arith.addf %parallel_loop3A_453, %parallel_loop3A_454 : vector<32xbf16>
      %parallel_loop3A_456 = arith.addf %parallel_loop3A_455, %parallel_loop3A_452 : vector<32xbf16>
      %parallel_loop3A_457 = tpu.unpack_subelements %parallel_loop3A_456, 0 {pack_format = #tpu.pack_format<interleaved>} : vector<32xbf16> -> vector<16xf32>
      %parallel_loop3A_458 = tpu.unpack_subelements %parallel_loop3A_456, 1 {pack_format = #tpu.pack_format<interleaved>} : vector<32xbf16> -> vector<16xf32>
      %parallel_loop3A_459 = arith.index_cast %parallel_loop3A_53 : i32 to index
      %parallel_loop3A_460 = arith.constant 96 : index
      %parallel_loop3A_461 = tpu.vector_load %arg8[%parallel_loop3A_459, %parallel_loop3A_460] {strides = array<i32>} : memref<32x128xf32, #tpu.memory_space<vmem>>, vector<16xf32>,
      tpu.vector_store %arg8[%parallel_loop3A_459, %parallel_loop3A_460], %parallel_loop3A_457 {strides = array<i32>} : memref<32x128xf32, #tpu.memory_space<vmem>>, vector<16xf32>,
      %parallel_loop3A_462 = arith.index_cast %parallel_loop3A_53 : i32 to index
      %parallel_loop3A_463 = arith.constant 112 : index
      %parallel_loop3A_464 = tpu.vector_load %arg8[%parallel_loop3A_462, %parallel_loop3A_463] {strides = array<i32>} : memref<32x128xf32, #tpu.memory_space<vmem>>, vector<16xf32>,
      tpu.vector_store %arg8[%parallel_loop3A_462, %parallel_loop3A_463], %parallel_loop3A_458 {strides = array<i32>} : memref<32x128xf32, #tpu.memory_space<vmem>>, vector<16xf32>,
    } {sc.loop_unroll_factor = 2 : i64, sc.parallel_access}
    %dma_start3A_34 = arith.constant 0 : i32
    %dma_start3A_35 = tpu.memref_slice %arg4[%mul3A_28, %dma_start3A_34] : memref<100000x128xf32, #tpu.memory_space<hbm>> -> memref<32x128xf32, #tpu.memory_space<hbm>>
    %dma_start3A_36 = arith.constant 0 : i32
    %dma_start3A_37 = tpu.memref_slice %arg4[%mul3A_28, %dma_start3A_36] : memref<100000x128xf32, #tpu.memory_space<hbm>> -> memref<32x128xf32, #tpu.memory_space<hbm>>
    tpu.enqueue_dma source(%arg8 : memref<32x128xf32, #tpu.memory_space<vmem>>) target(%dma_start3A_37 : memref<32x128xf32, #tpu.memory_space<hbm>>) target_semaphore(%arg12 : memref<!tpu.dma_semaphore, #tpu.memory_space<semaphore_mem>>)
    %gt3A = arith.constant 97 : i32
    %gt3A_38 = arith.cmpi sgt, %select_n3A, %gt3A : i32
    %convert_element_type3A_39 = arith.extui %gt3A_38 : i1 to i32
    %cond3A_40 = arith.constant 0 : i32
    %cond3A_41 = arith.cmpi ne, %convert_element_type3A_39, %cond3A_40 : i32
    scf.if %cond3A_41 {
      %mul3A_53 = arith.constant 97 : i32
      %mul3A_54 = arith.constant 32 : i32
      %mul3A_55 = arith.muli %mul3A_53, %mul3A_54 : i32
      %add3A_56 = arith.addi %add3A, %mul3A_55 : i32
      %dma_wait3A_57 = arith.constant 0 : i32
      %dma_wait3A_58 = arith.constant 0 : i32
      %dma_wait3A_59 = tpu.memref_slice %arg3[%add3A_56, %dma_wait3A_57, %dma_wait3A_58] : memref<3125x32x16xi32, #tpu.memory_space<hbm>> -> memref<1x32x16xi32, #tpu.memory_space<hbm>>
      %dma_wait3A_60 = tpu.memref_squeeze %dma_wait3A_59 : memref<1x32x16xi32, #tpu.memory_space<hbm>> -> memref<32x16xi32, #tpu.memory_space<hbm>>
      %dma_wait3A_61 = arith.constant 0 : i32
      %dma_wait3A_62 = arith.constant 0 : i32
      %dma_wait3A_63 = tpu.memref_slice %arg3[%add3A_56, %dma_wait3A_61, %dma_wait3A_62] : memref<3125x32x16xi32, #tpu.memory_space<hbm>> -> memref<1x32x16xi32, #tpu.memory_space<hbm>>
      %dma_wait3A_64 = tpu.memref_squeeze %dma_wait3A_63 : memref<1x32x16xi32, #tpu.memory_space<hbm>> -> memref<32x16xi32, #tpu.memory_space<hbm>>
      tpu.wait_dma2 semaphore(%arg11 : memref<!tpu.dma_semaphore, #tpu.memory_space<semaphore_mem>>) src(%dma_wait3A_64 : memref<32x16xi32, #tpu.memory_space<hbm>>) dst(%arg7 : memref<32x16xi32, #tpu.memory_space<vmem>>)
      %mul3A_65 = arith.constant 97 : i32
      %mul3A_66 = arith.constant 32 : i32
      %mul3A_67 = arith.muli %mul3A_65, %mul3A_66 : i32
      %add3A_68 = arith.addi %add3A, %mul3A_67 : i32
      %mul3A_69 = arith.constant 32 : i32
      %mul3A_70 = arith.muli %add3A_68, %mul3A_69 : i32
      %ge3A_71 = arith.constant 97 : i32
      %ge3A_72 = arith.constant 2 : i32
      %ge3A_73 = arith.cmpi sge, %ge3A_71, %ge3A_72 : i32
      %convert_element_type3A_74 = arith.extui %ge3A_73 : i1 to i32
      %cond3A_75 = arith.constant 0 : i32
      %cond3A_76 = arith.cmpi ne, %convert_element_type3A_74, %cond3A_75 : i32
      scf.if %cond3A_76 {
        %dma_wait3A_84 = arith.constant 0 : i32
        %dma_wait3A_85 = tpu.memref_slice %arg4[%mul3A_70, %dma_wait3A_84] : memref<100000x128xf32, #tpu.memory_space<hbm>> -> memref<32x128xf32, #tpu.memory_space<hbm>>
        %dma_wait3A_86 = arith.constant 0 : i32
        %dma_wait3A_87 = tpu.memref_slice %arg4[%mul3A_70, %dma_wait3A_86] : memref<100000x128xf32, #tpu.memory_space<hbm>> -> memref<32x128xf32, #tpu.memory_space<hbm>>
        tpu.wait_dma2 semaphore(%arg13 : memref<!tpu.dma_semaphore, #tpu.memory_space<semaphore_mem>>) src(%arg9 : memref<32x128xf32, #tpu.memory_space<vmem>>) dst(%dma_wait3A_87 : memref<32x128xf32, #tpu.memory_space<hbm>>)
      } else {
      }
      %parallel_loop3A_77 = arith.constant 0 : i32
      %parallel_loop3A_78 = arith.constant 32 : i32
      %parallel_loop3A_79 = arith.constant 1 : i32
      scf.for %parallel_loop3A_84 = %parallel_loop3A_77 to %parallel_loop3A_78 step %parallel_loop3A_79  : i32 {
        %parallel_loop3A_85 = arith.index_cast %parallel_loop3A_84 : i32 to index
        %parallel_loop3A_86 = arith.constant 0 : index
        %parallel_loop3A_87 = tpu.vector_load %arg7[%parallel_loop3A_85, %parallel_loop3A_86] {strides = array<i32>} : memref<32x16xi32, #tpu.memory_space<vmem>>, vector<16xi32>,
        %parallel_loop3A_88 = vector.extract_strided_slice %parallel_loop3A_87 {offsets = [0], sizes = [1], strides = [1]} : vector<16xi32> to vector<1xi32>
        %parallel_loop3A_89 = vector.extract %parallel_loop3A_88[0] : i32 from vector<1xi32>
        %parallel_loop3A_90 = arith.constant 1 : i32
        %parallel_loop3A_91 = arith.shrsi %parallel_loop3A_89, %parallel_loop3A_90 : i32
        %parallel_loop3A_92 = vector.extract_strided_slice %parallel_loop3A_87 {offsets = [0], sizes = [1], strides = [1]} : vector<16xi32> to vector<1xi32>
        %parallel_loop3A_93 = vector.extract %parallel_loop3A_92[0] : i32 from vector<1xi32>
        %parallel_loop3A_94 = arith.constant 1 : i32
        %parallel_loop3A_95 = arith.andi %parallel_loop3A_93, %parallel_loop3A_94 : i32
        %parallel_loop3A_96 = arith.constant 64 : i32
        %parallel_loop3A_97 = arith.muli %parallel_loop3A_95, %parallel_loop3A_96 : i32
        %parallel_loop3A_98 = vector.extract_strided_slice %parallel_loop3A_87 {offsets = [1], sizes = [1], strides = [1]} : vector<16xi32> to vector<1xi32>
        %parallel_loop3A_99 = vector.extract %parallel_loop3A_98[0] : i32 from vector<1xi32>
        %parallel_loop3A_100 = arith.constant 1 : i32
        %parallel_loop3A_101 = arith.shrsi %parallel_loop3A_99, %parallel_loop3A_100 : i32
        %parallel_loop3A_102 = vector.extract_strided_slice %parallel_loop3A_87 {offsets = [1], sizes = [1], strides = [1]} : vector<16xi32> to vector<1xi32>
        %parallel_loop3A_103 = vector.extract %parallel_loop3A_102[0] : i32 from vector<1xi32>
        %parallel_loop3A_104 = arith.constant 1 : i32
        %parallel_loop3A_105 = arith.andi %parallel_loop3A_103, %parallel_loop3A_104 : i32
        %parallel_loop3A_106 = arith.constant 64 : i32
        %parallel_loop3A_107 = arith.muli %parallel_loop3A_105, %parallel_loop3A_106 : i32
        %parallel_loop3A_108 = vector.extract_strided_slice %parallel_loop3A_87 {offsets = [2], sizes = [1], strides = [1]} : vector<16xi32> to vector<1xi32>
        %parallel_loop3A_109 = vector.extract %parallel_loop3A_108[0] : i32 from vector<1xi32>
        %parallel_loop3A_110 = arith.constant 1 : i32
        %parallel_loop3A_111 = arith.shrsi %parallel_loop3A_109, %parallel_loop3A_110 : i32
        %parallel_loop3A_112 = vector.extract_strided_slice %parallel_loop3A_87 {offsets = [2], sizes = [1], strides = [1]} : vector<16xi32> to vector<1xi32>
        %parallel_loop3A_113 = vector.extract %parallel_loop3A_112[0] : i32 from vector<1xi32>
        %parallel_loop3A_114 = arith.constant 1 : i32
        %parallel_loop3A_115 = arith.andi %parallel_loop3A_113, %parallel_loop3A_114 : i32
        %parallel_loop3A_116 = arith.constant 64 : i32
        %parallel_loop3A_117 = arith.muli %parallel_loop3A_115, %parallel_loop3A_116 : i32
        %parallel_loop3A_118 = vector.extract_strided_slice %parallel_loop3A_87 {offsets = [3], sizes = [1], strides = [1]} : vector<16xi32> to vector<1xi32>
        %parallel_loop3A_119 = vector.extract %parallel_loop3A_118[0] : i32 from vector<1xi32>
        %parallel_loop3A_120 = arith.constant 1 : i32
        %parallel_loop3A_121 = arith.shrsi %parallel_loop3A_119, %parallel_loop3A_120 : i32
        %parallel_loop3A_122 = vector.extract_strided_slice %parallel_loop3A_87 {offsets = [3], sizes = [1], strides = [1]} : vector<16xi32> to vector<1xi32>
        %parallel_loop3A_123 = vector.extract %parallel_loop3A_122[0] : i32 from vector<1xi32>
        %parallel_loop3A_124 = arith.constant 1 : i32
        %parallel_loop3A_125 = arith.andi %parallel_loop3A_123, %parallel_loop3A_124 : i32
        %parallel_loop3A_126 = arith.constant 64 : i32
        %parallel_loop3A_127 = arith.muli %parallel_loop3A_125, %parallel_loop3A_126 : i32
        %parallel_loop3A_128 = vector.extract_strided_slice %parallel_loop3A_87 {offsets = [4], sizes = [1], strides = [1]} : vector<16xi32> to vector<1xi32>
        %parallel_loop3A_129 = vector.extract %parallel_loop3A_128[0] : i32 from vector<1xi32>
        %parallel_loop3A_130 = arith.constant 1 : i32
        %parallel_loop3A_131 = arith.shrsi %parallel_loop3A_129, %parallel_loop3A_130 : i32
        %parallel_loop3A_132 = vector.extract_strided_slice %parallel_loop3A_87 {offsets = [4], sizes = [1], strides = [1]} : vector<16xi32> to vector<1xi32>
        %parallel_loop3A_133 = vector.extract %parallel_loop3A_132[0] : i32 from vector<1xi32>
        %parallel_loop3A_134 = arith.constant 1 : i32
        %parallel_loop3A_135 = arith.andi %parallel_loop3A_133, %parallel_loop3A_134 : i32
        %parallel_loop3A_136 = arith.constant 64 : i32
        %parallel_loop3A_137 = arith.muli %parallel_loop3A_135, %parallel_loop3A_136 : i32
        %parallel_loop3A_138 = vector.extract_strided_slice %parallel_loop3A_87 {offsets = [5], sizes = [1], strides = [1]} : vector<16xi32> to vector<1xi32>
        %parallel_loop3A_139 = vector.extract %parallel_loop3A_138[0] : i32 from vector<1xi32>
        %parallel_loop3A_140 = arith.constant 1 : i32
        %parallel_loop3A_141 = arith.shrsi %parallel_loop3A_139, %parallel_loop3A_140 : i32
        %parallel_loop3A_142 = vector.extract_strided_slice %parallel_loop3A_87 {offsets = [5], sizes = [1], strides = [1]} : vector<16xi32> to vector<1xi32>
        %parallel_loop3A_143 = vector.extract %parallel_loop3A_142[0] : i32 from vector<1xi32>
        %parallel_loop3A_144 = arith.constant 1 : i32
        %parallel_loop3A_145 = arith.andi %parallel_loop3A_143, %parallel_loop3A_144 : i32
        %parallel_loop3A_146 = arith.constant 64 : i32
        %parallel_loop3A_147 = arith.muli %parallel_loop3A_145, %parallel_loop3A_146 : i32
        %parallel_loop3A_148 = vector.extract_strided_slice %parallel_loop3A_87 {offsets = [6], sizes = [1], strides = [1]} : vector<16xi32> to vector<1xi32>
        %parallel_loop3A_149 = vector.extract %parallel_loop3A_148[0] : i32 from vector<1xi32>
        %parallel_loop3A_150 = arith.constant 1 : i32
        %parallel_loop3A_151 = arith.shrsi %parallel_loop3A_149, %parallel_loop3A_150 : i32
        %parallel_loop3A_152 = vector.extract_strided_slice %parallel_loop3A_87 {offsets = [6], sizes = [1], strides = [1]} : vector<16xi32> to vector<1xi32>
        %parallel_loop3A_153 = vector.extract %parallel_loop3A_152[0] : i32 from vector<1xi32>
        %parallel_loop3A_154 = arith.constant 1 : i32
        %parallel_loop3A_155 = arith.andi %parallel_loop3A_153, %parallel_loop3A_154 : i32
        %parallel_loop3A_156 = arith.constant 64 : i32
        %parallel_loop3A_157 = arith.muli %parallel_loop3A_155, %parallel_loop3A_156 : i32
        %parallel_loop3A_158 = vector.extract_strided_slice %parallel_loop3A_87 {offsets = [7], sizes = [1], strides = [1]} : vector<16xi32> to vector<1xi32>
        %parallel_loop3A_159 = vector.extract %parallel_loop3A_158[0] : i32 from vector<1xi32>
        %parallel_loop3A_160 = arith.constant 1 : i32
        %parallel_loop3A_161 = arith.shrsi %parallel_loop3A_159, %parallel_loop3A_160 : i32
        %parallel_loop3A_162 = vector.extract_strided_slice %parallel_loop3A_87 {offsets = [7], sizes = [1], strides = [1]} : vector<16xi32> to vector<1xi32>
        %parallel_loop3A_163 = vector.extract %parallel_loop3A_162[0] : i32 from vector<1xi32>
        %parallel_loop3A_164 = arith.constant 1 : i32
        %parallel_loop3A_165 = arith.andi %parallel_loop3A_163, %parallel_loop3A_164 : i32
        %parallel_loop3A_166 = arith.constant 64 : i32
        %parallel_loop3A_167 = arith.muli %parallel_loop3A_165, %parallel_loop3A_166 : i32
        %parallel_loop3A_168 = vector.extract_strided_slice %parallel_loop3A_87 {offsets = [8], sizes = [1], strides = [1]} : vector<16xi32> to vector<1xi32>
        %parallel_loop3A_169 = vector.extract %parallel_loop3A_168[0] : i32 from vector<1xi32>
        %parallel_loop3A_170 = arith.constant 1 : i32
        %parallel_loop3A_171 = arith.shrsi %parallel_loop3A_169, %parallel_loop3A_170 : i32
        %parallel_loop3A_172 = vector.extract_strided_slice %parallel_loop3A_87 {offsets = [8], sizes = [1], strides = [1]} : vector<16xi32> to vector<1xi32>
        %parallel_loop3A_173 = vector.extract %parallel_loop3A_172[0] : i32 from vector<1xi32>
        %parallel_loop3A_174 = arith.constant 1 : i32
        %parallel_loop3A_175 = arith.andi %parallel_loop3A_173, %parallel_loop3A_174 : i32
        %parallel_loop3A_176 = arith.constant 64 : i32
        %parallel_loop3A_177 = arith.muli %parallel_loop3A_175, %parallel_loop3A_176 : i32
        %parallel_loop3A_178 = vector.extract_strided_slice %parallel_loop3A_87 {offsets = [9], sizes = [1], strides = [1]} : vector<16xi32> to vector<1xi32>
        %parallel_loop3A_179 = vector.extract %parallel_loop3A_178[0] : i32 from vector<1xi32>
        %parallel_loop3A_180 = arith.constant 1 : i32
        %parallel_loop3A_181 = arith.shrsi %parallel_loop3A_179, %parallel_loop3A_180 : i32
        %parallel_loop3A_182 = vector.extract_strided_slice %parallel_loop3A_87 {offsets = [9], sizes = [1], strides = [1]} : vector<16xi32> to vector<1xi32>
        %parallel_loop3A_183 = vector.extract %parallel_loop3A_182[0] : i32 from vector<1xi32>
        %parallel_loop3A_184 = arith.constant 1 : i32
        %parallel_loop3A_185 = arith.andi %parallel_loop3A_183, %parallel_loop3A_184 : i32
        %parallel_loop3A_186 = arith.constant 64 : i32
        %parallel_loop3A_187 = arith.muli %parallel_loop3A_185, %parallel_loop3A_186 : i32
        %parallel_loop3A_188 = arith.constant 0 : i32
        %parallel_loop3A_189 = arith.addi %parallel_loop3A_97, %parallel_loop3A_188 : i32
        %parallel_loop3A_190 = arith.index_cast %parallel_loop3A_91 : i32 to index
        %parallel_loop3A_191 = arith.index_cast %parallel_loop3A_189 : i32 to index
        %parallel_loop3A_192 = tpu.vector_load %arg5[%parallel_loop3A_190, %parallel_loop3A_191] {strides = array<i32>} : memref<513x128xi32, #tpu.memory_space<vmem>>, vector<16xi32>,
        %parallel_loop3A_193 = vector.bitcast %parallel_loop3A_192 : vector<16xi32> to vector<32xbf16>
        %parallel_loop3A_194 = arith.constant 0 : i32
        %parallel_loop3A_195 = arith.addi %parallel_loop3A_107, %parallel_loop3A_194 : i32
        %parallel_loop3A_196 = arith.index_cast %parallel_loop3A_101 : i32 to index
        %parallel_loop3A_197 = arith.index_cast %parallel_loop3A_195 : i32 to index
        %parallel_loop3A_198 = tpu.vector_load %arg5[%parallel_loop3A_196, %parallel_loop3A_197] {strides = array<i32>} : memref<513x128xi32, #tpu.memory_space<vmem>>, vector<16xi32>,
        %parallel_loop3A_199 = vector.bitcast %parallel_loop3A_198 : vector<16xi32> to vector<32xbf16>
        %parallel_loop3A_200 = arith.constant 0 : i32
        %parallel_loop3A_201 = arith.addi %parallel_loop3A_117, %parallel_loop3A_200 : i32
        %parallel_loop3A_202 = arith.index_cast %parallel_loop3A_111 : i32 to index
        %parallel_loop3A_203 = arith.index_cast %parallel_loop3A_201 : i32 to index
        %parallel_loop3A_204 = tpu.vector_load %arg5[%parallel_loop3A_202, %parallel_loop3A_203] {strides = array<i32>} : memref<513x128xi32, #tpu.memory_space<vmem>>, vector<16xi32>,
        %parallel_loop3A_205 = vector.bitcast %parallel_loop3A_204 : vector<16xi32> to vector<32xbf16>
        %parallel_loop3A_206 = arith.constant 0 : i32
        %parallel_loop3A_207 = arith.addi %parallel_loop3A_127, %parallel_loop3A_206 : i32
        %parallel_loop3A_208 = arith.index_cast %parallel_loop3A_121 : i32 to index
        %parallel_loop3A_209 = arith.index_cast %parallel_loop3A_207 : i32 to index
        %parallel_loop3A_210 = tpu.vector_load %arg5[%parallel_loop3A_208, %parallel_loop3A_209] {strides = array<i32>} : memref<513x128xi32, #tpu.memory_space<vmem>>, vector<16xi32>,
        %parallel_loop3A_211 = vector.bitcast %parallel_loop3A_210 : vector<16xi32> to vector<32xbf16>
        %parallel_loop3A_212 = arith.constant 0 : i32
        %parallel_loop3A_213 = arith.addi %parallel_loop3A_137, %parallel_loop3A_212 : i32
        %parallel_loop3A_214 = arith.index_cast %parallel_loop3A_131 : i32 to index
        %parallel_loop3A_215 = arith.index_cast %parallel_loop3A_213 : i32 to index
        %parallel_loop3A_216 = tpu.vector_load %arg5[%parallel_loop3A_214, %parallel_loop3A_215] {strides = array<i32>} : memref<513x128xi32, #tpu.memory_space<vmem>>, vector<16xi32>,
        %parallel_loop3A_217 = vector.bitcast %parallel_loop3A_216 : vector<16xi32> to vector<32xbf16>
        %parallel_loop3A_218 = arith.constant 0 : i32
        %parallel_loop3A_219 = arith.addi %parallel_loop3A_147, %parallel_loop3A_218 : i32
        %parallel_loop3A_220 = arith.index_cast %parallel_loop3A_141 : i32 to index
        %parallel_loop3A_221 = arith.index_cast %parallel_loop3A_219 : i32 to index
        %parallel_loop3A_222 = tpu.vector_load %arg5[%parallel_loop3A_220, %parallel_loop3A_221] {strides = array<i32>} : memref<513x128xi32, #tpu.memory_space<vmem>>, vector<16xi32>,
        %parallel_loop3A_223 = vector.bitcast %parallel_loop3A_222 : vector<16xi32> to vector<32xbf16>
        %parallel_loop3A_224 = arith.constant 0 : i32
        %parallel_loop3A_225 = arith.addi %parallel_loop3A_157, %parallel_loop3A_224 : i32
        %parallel_loop3A_226 = arith.index_cast %parallel_loop3A_151 : i32 to index
        %parallel_loop3A_227 = arith.index_cast %parallel_loop3A_225 : i32 to index
        %parallel_loop3A_228 = tpu.vector_load %arg5[%parallel_loop3A_226, %parallel_loop3A_227] {strides = array<i32>} : memref<513x128xi32, #tpu.memory_space<vmem>>, vector<16xi32>,
        %parallel_loop3A_229 = vector.bitcast %parallel_loop3A_228 : vector<16xi32> to vector<32xbf16>
        %parallel_loop3A_230 = arith.constant 0 : i32
        %parallel_loop3A_231 = arith.addi %parallel_loop3A_167, %parallel_loop3A_230 : i32
        %parallel_loop3A_232 = arith.index_cast %parallel_loop3A_161 : i32 to index
        %parallel_loop3A_233 = arith.index_cast %parallel_loop3A_231 : i32 to index
        %parallel_loop3A_234 = tpu.vector_load %arg5[%parallel_loop3A_232, %parallel_loop3A_233] {strides = array<i32>} : memref<513x128xi32, #tpu.memory_space<vmem>>, vector<16xi32>,
        %parallel_loop3A_235 = vector.bitcast %parallel_loop3A_234 : vector<16xi32> to vector<32xbf16>
        %parallel_loop3A_236 = arith.constant 0 : i32
        %parallel_loop3A_237 = arith.addi %parallel_loop3A_177, %parallel_loop3A_236 : i32
        %parallel_loop3A_238 = arith.index_cast %parallel_loop3A_171 : i32 to index
        %parallel_loop3A_239 = arith.index_cast %parallel_loop3A_237 : i32 to index
        %parallel_loop3A_240 = tpu.vector_load %arg5[%parallel_loop3A_238, %parallel_loop3A_239] {strides = array<i32>} : memref<513x128xi32, #tpu.memory_space<vmem>>, vector<16xi32>,
        %parallel_loop3A_241 = vector.bitcast %parallel_loop3A_240 : vector<16xi32> to vector<32xbf16>
        %parallel_loop3A_242 = arith.constant 0 : i32
        %parallel_loop3A_243 = arith.addi %parallel_loop3A_187, %parallel_loop3A_242 : i32
        %parallel_loop3A_244 = arith.index_cast %parallel_loop3A_181 : i32 to index
        %parallel_loop3A_245 = arith.index_cast %parallel_loop3A_243 : i32 to index
        %parallel_loop3A_246 = tpu.vector_load %arg5[%parallel_loop3A_244, %parallel_loop3A_245] {strides = array<i32>} : memref<513x128xi32, #tpu.memory_space<vmem>>, vector<16xi32>,
        %parallel_loop3A_247 = vector.bitcast %parallel_loop3A_246 : vector<16xi32> to vector<32xbf16>
        %parallel_loop3A_248 = arith.addf %parallel_loop3A_193, %parallel_loop3A_199 : vector<32xbf16>
        %parallel_loop3A_249 = arith.addf %parallel_loop3A_205, %parallel_loop3A_211 : vector<32xbf16>
        %parallel_loop3A_250 = arith.addf %parallel_loop3A_217, %parallel_loop3A_223 : vector<32xbf16>
        %parallel_loop3A_251 = arith.addf %parallel_loop3A_229, %parallel_loop3A_235 : vector<32xbf16>
        %parallel_loop3A_252 = arith.addf %parallel_loop3A_241, %parallel_loop3A_247 : vector<32xbf16>
        %parallel_loop3A_253 = arith.addf %parallel_loop3A_248, %parallel_loop3A_249 : vector<32xbf16>
        %parallel_loop3A_254 = arith.addf %parallel_loop3A_250, %parallel_loop3A_251 : vector<32xbf16>
        %parallel_loop3A_255 = arith.addf %parallel_loop3A_253, %parallel_loop3A_254 : vector<32xbf16>
        %parallel_loop3A_256 = arith.addf %parallel_loop3A_255, %parallel_loop3A_252 : vector<32xbf16>
        %parallel_loop3A_257 = tpu.unpack_subelements %parallel_loop3A_256, 0 {pack_format = #tpu.pack_format<interleaved>} : vector<32xbf16> -> vector<16xf32>
        %parallel_loop3A_258 = tpu.unpack_subelements %parallel_loop3A_256, 1 {pack_format = #tpu.pack_format<interleaved>} : vector<32xbf16> -> vector<16xf32>
        %parallel_loop3A_259 = arith.index_cast %parallel_loop3A_84 : i32 to index
        %parallel_loop3A_260 = arith.constant 0 : index
        %parallel_loop3A_261 = tpu.vector_load %arg9[%parallel_loop3A_259, %parallel_loop3A_260] {strides = array<i32>} : memref<32x128xf32, #tpu.memory_space<vmem>>, vector<16xf32>,
        tpu.vector_store %arg9[%parallel_loop3A_259, %parallel_loop3A_260], %parallel_loop3A_257 {strides = array<i32>} : memref<32x128xf32, #tpu.memory_space<vmem>>, vector<16xf32>,
        %parallel_loop3A_262 = arith.index_cast %parallel_loop3A_84 : i32 to index
        %parallel_loop3A_263 = arith.constant 16 : index
        %parallel_loop3A_264 = tpu.vector_load %arg9[%parallel_loop3A_262, %parallel_loop3A_263] {strides = array<i32>} : memref<32x128xf32, #tpu.memory_space<vmem>>, vector<16xf32>,
        tpu.vector_store %arg9[%parallel_loop3A_262, %parallel_loop3A_263], %parallel_loop3A_258 {strides = array<i32>} : memref<32x128xf32, #tpu.memory_space<vmem>>, vector<16xf32>,
        %parallel_loop3A_265 = arith.constant 16 : i32
        %parallel_loop3A_266 = arith.addi %parallel_loop3A_97, %parallel_loop3A_265 : i32
        %parallel_loop3A_267 = arith.index_cast %parallel_loop3A_91 : i32 to index
        %parallel_loop3A_268 = arith.index_cast %parallel_loop3A_266 : i32 to index
        %parallel_loop3A_269 = tpu.vector_load %arg5[%parallel_loop3A_267, %parallel_loop3A_268] {strides = array<i32>} : memref<513x128xi32, #tpu.memory_space<vmem>>, vector<16xi32>,
        %parallel_loop3A_270 = vector.bitcast %parallel_loop3A_269 : vector<16xi32> to vector<32xbf16>
        %parallel_loop3A_271 = arith.constant 16 : i32
        %parallel_loop3A_272 = arith.addi %parallel_loop3A_107, %parallel_loop3A_271 : i32
        %parallel_loop3A_273 = arith.index_cast %parallel_loop3A_101 : i32 to index
        %parallel_loop3A_274 = arith.index_cast %parallel_loop3A_272 : i32 to index
        %parallel_loop3A_275 = tpu.vector_load %arg5[%parallel_loop3A_273, %parallel_loop3A_274] {strides = array<i32>} : memref<513x128xi32, #tpu.memory_space<vmem>>, vector<16xi32>,
        %parallel_loop3A_276 = vector.bitcast %parallel_loop3A_275 : vector<16xi32> to vector<32xbf16>
        %parallel_loop3A_277 = arith.constant 16 : i32
        %parallel_loop3A_278 = arith.addi %parallel_loop3A_117, %parallel_loop3A_277 : i32
        %parallel_loop3A_279 = arith.index_cast %parallel_loop3A_111 : i32 to index
        %parallel_loop3A_280 = arith.index_cast %parallel_loop3A_278 : i32 to index
        %parallel_loop3A_281 = tpu.vector_load %arg5[%parallel_loop3A_279, %parallel_loop3A_280] {strides = array<i32>} : memref<513x128xi32, #tpu.memory_space<vmem>>, vector<16xi32>,
        %parallel_loop3A_282 = vector.bitcast %parallel_loop3A_281 : vector<16xi32> to vector<32xbf16>
        %parallel_loop3A_283 = arith.constant 16 : i32
        %parallel_loop3A_284 = arith.addi %parallel_loop3A_127, %parallel_loop3A_283 : i32
        %parallel_loop3A_285 = arith.index_cast %parallel_loop3A_121 : i32 to index
        %parallel_loop3A_286 = arith.index_cast %parallel_loop3A_284 : i32 to index
        %parallel_loop3A_287 = tpu.vector_load %arg5[%parallel_loop3A_285, %parallel_loop3A_286] {strides = array<i32>} : memref<513x128xi32, #tpu.memory_space<vmem>>, vector<16xi32>,
        %parallel_loop3A_288 = vector.bitcast %parallel_loop3A_287 : vector<16xi32> to vector<32xbf16>
        %parallel_loop3A_289 = arith.constant 16 : i32
        %parallel_loop3A_290 = arith.addi %parallel_loop3A_137, %parallel_loop3A_289 : i32
        %parallel_loop3A_291 = arith.index_cast %parallel_loop3A_131 : i32 to index
        %parallel_loop3A_292 = arith.index_cast %parallel_loop3A_290 : i32 to index
        %parallel_loop3A_293 = tpu.vector_load %arg5[%parallel_loop3A_291, %parallel_loop3A_292] {strides = array<i32>} : memref<513x128xi32, #tpu.memory_space<vmem>>, vector<16xi32>,
        %parallel_loop3A_294 = vector.bitcast %parallel_loop3A_293 : vector<16xi32> to vector<32xbf16>
        %parallel_loop3A_295 = arith.constant 16 : i32
        %parallel_loop3A_296 = arith.addi %parallel_loop3A_147, %parallel_loop3A_295 : i32
        %parallel_loop3A_297 = arith.index_cast %parallel_loop3A_141 : i32 to index
        %parallel_loop3A_298 = arith.index_cast %parallel_loop3A_296 : i32 to index
        %parallel_loop3A_299 = tpu.vector_load %arg5[%parallel_loop3A_297, %parallel_loop3A_298] {strides = array<i32>} : memref<513x128xi32, #tpu.memory_space<vmem>>, vector<16xi32>,
        %parallel_loop3A_300 = vector.bitcast %parallel_loop3A_299 : vector<16xi32> to vector<32xbf16>
        %parallel_loop3A_301 = arith.constant 16 : i32
        %parallel_loop3A_302 = arith.addi %parallel_loop3A_157, %parallel_loop3A_301 : i32
        %parallel_loop3A_303 = arith.index_cast %parallel_loop3A_151 : i32 to index
        %parallel_loop3A_304 = arith.index_cast %parallel_loop3A_302 : i32 to index
        %parallel_loop3A_305 = tpu.vector_load %arg5[%parallel_loop3A_303, %parallel_loop3A_304] {strides = array<i32>} : memref<513x128xi32, #tpu.memory_space<vmem>>, vector<16xi32>,
        %parallel_loop3A_306 = vector.bitcast %parallel_loop3A_305 : vector<16xi32> to vector<32xbf16>
        %parallel_loop3A_307 = arith.constant 16 : i32
        %parallel_loop3A_308 = arith.addi %parallel_loop3A_167, %parallel_loop3A_307 : i32
        %parallel_loop3A_309 = arith.index_cast %parallel_loop3A_161 : i32 to index
        %parallel_loop3A_310 = arith.index_cast %parallel_loop3A_308 : i32 to index
        %parallel_loop3A_311 = tpu.vector_load %arg5[%parallel_loop3A_309, %parallel_loop3A_310] {strides = array<i32>} : memref<513x128xi32, #tpu.memory_space<vmem>>, vector<16xi32>,
        %parallel_loop3A_312 = vector.bitcast %parallel_loop3A_311 : vector<16xi32> to vector<32xbf16>
        %parallel_loop3A_313 = arith.constant 16 : i32
        %parallel_loop3A_314 = arith.addi %parallel_loop3A_177, %parallel_loop3A_313 : i32
        %parallel_loop3A_315 = arith.index_cast %parallel_loop3A_171 : i32 to index
        %parallel_loop3A_316 = arith.index_cast %parallel_loop3A_314 : i32 to index
        %parallel_loop3A_317 = tpu.vector_load %arg5[%parallel_loop3A_315, %parallel_loop3A_316] {strides = array<i32>} : memref<513x128xi32, #tpu.memory_space<vmem>>, vector<16xi32>,
        %parallel_loop3A_318 = vector.bitcast %parallel_loop3A_317 : vector<16xi32> to vector<32xbf16>
        %parallel_loop3A_319 = arith.constant 16 : i32
        %parallel_loop3A_320 = arith.addi %parallel_loop3A_187, %parallel_loop3A_319 : i32
        %parallel_loop3A_321 = arith.index_cast %parallel_loop3A_181 : i32 to index
        %parallel_loop3A_322 = arith.index_cast %parallel_loop3A_320 : i32 to index
        %parallel_loop3A_323 = tpu.vector_load %arg5[%parallel_loop3A_321, %parallel_loop3A_322] {strides = array<i32>} : memref<513x128xi32, #tpu.memory_space<vmem>>, vector<16xi32>,
        %parallel_loop3A_324 = vector.bitcast %parallel_loop3A_323 : vector<16xi32> to vector<32xbf16>
        %parallel_loop3A_325 = arith.addf %parallel_loop3A_270, %parallel_loop3A_276 : vector<32xbf16>
        %parallel_loop3A_326 = arith.addf %parallel_loop3A_282, %parallel_loop3A_288 : vector<32xbf16>
        %parallel_loop3A_327 = arith.addf %parallel_loop3A_294, %parallel_loop3A_300 : vector<32xbf16>
        %parallel_loop3A_328 = arith.addf %parallel_loop3A_306, %parallel_loop3A_312 : vector<32xbf16>
        %parallel_loop3A_329 = arith.addf %parallel_loop3A_318, %parallel_loop3A_324 : vector<32xbf16>
        %parallel_loop3A_330 = arith.addf %parallel_loop3A_325, %parallel_loop3A_326 : vector<32xbf16>
        %parallel_loop3A_331 = arith.addf %parallel_loop3A_327, %parallel_loop3A_328 : vector<32xbf16>
        %parallel_loop3A_332 = arith.addf %parallel_loop3A_330, %parallel_loop3A_331 : vector<32xbf16>
        %parallel_loop3A_333 = arith.addf %parallel_loop3A_332, %parallel_loop3A_329 : vector<32xbf16>
        %parallel_loop3A_334 = tpu.unpack_subelements %parallel_loop3A_333, 0 {pack_format = #tpu.pack_format<interleaved>} : vector<32xbf16> -> vector<16xf32>
        %parallel_loop3A_335 = tpu.unpack_subelements %parallel_loop3A_333, 1 {pack_format = #tpu.pack_format<interleaved>} : vector<32xbf16> -> vector<16xf32>
        %parallel_loop3A_336 = arith.index_cast %parallel_loop3A_84 : i32 to index
        %parallel_loop3A_337 = arith.constant 32 : index
        %parallel_loop3A_338 = tpu.vector_load %arg9[%parallel_loop3A_336, %parallel_loop3A_337] {strides = array<i32>} : memref<32x128xf32, #tpu.memory_space<vmem>>, vector<16xf32>,
        tpu.vector_store %arg9[%parallel_loop3A_336, %parallel_loop3A_337], %parallel_loop3A_334 {strides = array<i32>} : memref<32x128xf32, #tpu.memory_space<vmem>>, vector<16xf32>,
        %parallel_loop3A_339 = arith.index_cast %parallel_loop3A_84 : i32 to index
        %parallel_loop3A_340 = arith.constant 48 : index
        %parallel_loop3A_341 = tpu.vector_load %arg9[%parallel_loop3A_339, %parallel_loop3A_340] {strides = array<i32>} : memref<32x128xf32, #tpu.memory_space<vmem>>, vector<16xf32>,
        tpu.vector_store %arg9[%parallel_loop3A_339, %parallel_loop3A_340], %parallel_loop3A_335 {strides = array<i32>} : memref<32x128xf32, #tpu.memory_space<vmem>>, vector<16xf32>,
        %parallel_loop3A_342 = arith.constant 32 : i32
        %parallel_loop3A_343 = arith.addi %parallel_loop3A_97, %parallel_loop3A_342 : i32
        %parallel_loop3A_344 = arith.index_cast %parallel_loop3A_91 : i32 to index
        %parallel_loop3A_345 = arith.index_cast %parallel_loop3A_343 : i32 to index
        %parallel_loop3A_346 = tpu.vector_load %arg5[%parallel_loop3A_344, %parallel_loop3A_345] {strides = array<i32>} : memref<513x128xi32, #tpu.memory_space<vmem>>, vector<16xi32>,
        %parallel_loop3A_347 = vector.bitcast %parallel_loop3A_346 : vector<16xi32> to vector<32xbf16>
        %parallel_loop3A_348 = arith.constant 32 : i32
        %parallel_loop3A_349 = arith.addi %parallel_loop3A_107, %parallel_loop3A_348 : i32
        %parallel_loop3A_350 = arith.index_cast %parallel_loop3A_101 : i32 to index
        %parallel_loop3A_351 = arith.index_cast %parallel_loop3A_349 : i32 to index
        %parallel_loop3A_352 = tpu.vector_load %arg5[%parallel_loop3A_350, %parallel_loop3A_351] {strides = array<i32>} : memref<513x128xi32, #tpu.memory_space<vmem>>, vector<16xi32>,
        %parallel_loop3A_353 = vector.bitcast %parallel_loop3A_352 : vector<16xi32> to vector<32xbf16>
        %parallel_loop3A_354 = arith.constant 32 : i32
        %parallel_loop3A_355 = arith.addi %parallel_loop3A_117, %parallel_loop3A_354 : i32
        %parallel_loop3A_356 = arith.index_cast %parallel_loop3A_111 : i32 to index
        %parallel_loop3A_357 = arith.index_cast %parallel_loop3A_355 : i32 to index
        %parallel_loop3A_358 = tpu.vector_load %arg5[%parallel_loop3A_356, %parallel_loop3A_357] {strides = array<i32>} : memref<513x128xi32, #tpu.memory_space<vmem>>, vector<16xi32>,
        %parallel_loop3A_359 = vector.bitcast %parallel_loop3A_358 : vector<16xi32> to vector<32xbf16>
        %parallel_loop3A_360 = arith.constant 32 : i32
        %parallel_loop3A_361 = arith.addi %parallel_loop3A_127, %parallel_loop3A_360 : i32
        %parallel_loop3A_362 = arith.index_cast %parallel_loop3A_121 : i32 to index
        %parallel_loop3A_363 = arith.index_cast %parallel_loop3A_361 : i32 to index
        %parallel_loop3A_364 = tpu.vector_load %arg5[%parallel_loop3A_362, %parallel_loop3A_363] {strides = array<i32>} : memref<513x128xi32, #tpu.memory_space<vmem>>, vector<16xi32>,
        %parallel_loop3A_365 = vector.bitcast %parallel_loop3A_364 : vector<16xi32> to vector<32xbf16>
        %parallel_loop3A_366 = arith.constant 32 : i32
        %parallel_loop3A_367 = arith.addi %parallel_loop3A_137, %parallel_loop3A_366 : i32
        %parallel_loop3A_368 = arith.index_cast %parallel_loop3A_131 : i32 to index
        %parallel_loop3A_369 = arith.index_cast %parallel_loop3A_367 : i32 to index
        %parallel_loop3A_370 = tpu.vector_load %arg5[%parallel_loop3A_368, %parallel_loop3A_369] {strides = array<i32>} : memref<513x128xi32, #tpu.memory_space<vmem>>, vector<16xi32>,
        %parallel_loop3A_371 = vector.bitcast %parallel_loop3A_370 : vector<16xi32> to vector<32xbf16>
        %parallel_loop3A_372 = arith.constant 32 : i32
        %parallel_loop3A_373 = arith.addi %parallel_loop3A_147, %parallel_loop3A_372 : i32
        %parallel_loop3A_374 = arith.index_cast %parallel_loop3A_141 : i32 to index
        %parallel_loop3A_375 = arith.index_cast %parallel_loop3A_373 : i32 to index
        %parallel_loop3A_376 = tpu.vector_load %arg5[%parallel_loop3A_374, %parallel_loop3A_375] {strides = array<i32>} : memref<513x128xi32, #tpu.memory_space<vmem>>, vector<16xi32>,
        %parallel_loop3A_377 = vector.bitcast %parallel_loop3A_376 : vector<16xi32> to vector<32xbf16>
        %parallel_loop3A_378 = arith.constant 32 : i32
        %parallel_loop3A_379 = arith.addi %parallel_loop3A_157, %parallel_loop3A_378 : i32
        %parallel_loop3A_380 = arith.index_cast %parallel_loop3A_151 : i32 to index
        %parallel_loop3A_381 = arith.index_cast %parallel_loop3A_379 : i32 to index
        %parallel_loop3A_382 = tpu.vector_load %arg5[%parallel_loop3A_380, %parallel_loop3A_381] {strides = array<i32>} : memref<513x128xi32, #tpu.memory_space<vmem>>, vector<16xi32>,
        %parallel_loop3A_383 = vector.bitcast %parallel_loop3A_382 : vector<16xi32> to vector<32xbf16>
        %parallel_loop3A_384 = arith.constant 32 : i32
        %parallel_loop3A_385 = arith.addi %parallel_loop3A_167, %parallel_loop3A_384 : i32
        %parallel_loop3A_386 = arith.index_cast %parallel_loop3A_161 : i32 to index
        %parallel_loop3A_387 = arith.index_cast %parallel_loop3A_385 : i32 to index
        %parallel_loop3A_388 = tpu.vector_load %arg5[%parallel_loop3A_386, %parallel_loop3A_387] {strides = array<i32>} : memref<513x128xi32, #tpu.memory_space<vmem>>, vector<16xi32>,
        %parallel_loop3A_389 = vector.bitcast %parallel_loop3A_388 : vector<16xi32> to vector<32xbf16>
        %parallel_loop3A_390 = arith.constant 32 : i32
        %parallel_loop3A_391 = arith.addi %parallel_loop3A_177, %parallel_loop3A_390 : i32
        %parallel_loop3A_392 = arith.index_cast %parallel_loop3A_171 : i32 to index
        %parallel_loop3A_393 = arith.index_cast %parallel_loop3A_391 : i32 to index
        %parallel_loop3A_394 = tpu.vector_load %arg5[%parallel_loop3A_392, %parallel_loop3A_393] {strides = array<i32>} : memref<513x128xi32, #tpu.memory_space<vmem>>, vector<16xi32>,
        %parallel_loop3A_395 = vector.bitcast %parallel_loop3A_394 : vector<16xi32> to vector<32xbf16>
        %parallel_loop3A_396 = arith.constant 32 : i32
        %parallel_loop3A_397 = arith.addi %parallel_loop3A_187, %parallel_loop3A_396 : i32
        %parallel_loop3A_398 = arith.index_cast %parallel_loop3A_181 : i32 to index
        %parallel_loop3A_399 = arith.index_cast %parallel_loop3A_397 : i32 to index
        %parallel_loop3A_400 = tpu.vector_load %arg5[%parallel_loop3A_398, %parallel_loop3A_399] {strides = array<i32>} : memref<513x128xi32, #tpu.memory_space<vmem>>, vector<16xi32>,
        %parallel_loop3A_401 = vector.bitcast %parallel_loop3A_400 : vector<16xi32> to vector<32xbf16>
        %parallel_loop3A_402 = arith.addf %parallel_loop3A_347, %parallel_loop3A_353 : vector<32xbf16>
        %parallel_loop3A_403 = arith.addf %parallel_loop3A_359, %parallel_loop3A_365 : vector<32xbf16>
        %parallel_loop3A_404 = arith.addf %parallel_loop3A_371, %parallel_loop3A_377 : vector<32xbf16>
        %parallel_loop3A_405 = arith.addf %parallel_loop3A_383, %parallel_loop3A_389 : vector<32xbf16>
        %parallel_loop3A_406 = arith.addf %parallel_loop3A_395, %parallel_loop3A_401 : vector<32xbf16>
        %parallel_loop3A_407 = arith.addf %parallel_loop3A_402, %parallel_loop3A_403 : vector<32xbf16>
        %parallel_loop3A_408 = arith.addf %parallel_loop3A_404, %parallel_loop3A_405 : vector<32xbf16>
        %parallel_loop3A_409 = arith.addf %parallel_loop3A_407, %parallel_loop3A_408 : vector<32xbf16>
        %parallel_loop3A_410 = arith.addf %parallel_loop3A_409, %parallel_loop3A_406 : vector<32xbf16>
        %parallel_loop3A_411 = tpu.unpack_subelements %parallel_loop3A_410, 0 {pack_format = #tpu.pack_format<interleaved>} : vector<32xbf16> -> vector<16xf32>
        %parallel_loop3A_412 = tpu.unpack_subelements %parallel_loop3A_410, 1 {pack_format = #tpu.pack_format<interleaved>} : vector<32xbf16> -> vector<16xf32>
        %parallel_loop3A_413 = arith.index_cast %parallel_loop3A_84 : i32 to index
        %parallel_loop3A_414 = arith.constant 64 : index
        %parallel_loop3A_415 = tpu.vector_load %arg9[%parallel_loop3A_413, %parallel_loop3A_414] {strides = array<i32>} : memref<32x128xf32, #tpu.memory_space<vmem>>, vector<16xf32>,
        tpu.vector_store %arg9[%parallel_loop3A_413, %parallel_loop3A_414], %parallel_loop3A_411 {strides = array<i32>} : memref<32x128xf32, #tpu.memory_space<vmem>>, vector<16xf32>,
        %parallel_loop3A_416 = arith.index_cast %parallel_loop3A_84 : i32 to index
        %parallel_loop3A_417 = arith.constant 80 : index
        %parallel_loop3A_418 = tpu.vector_load %arg9[%parallel_loop3A_416, %parallel_loop3A_417] {strides = array<i32>} : memref<32x128xf32, #tpu.memory_space<vmem>>, vector<16xf32>,
        tpu.vector_store %arg9[%parallel_loop3A_416, %parallel_loop3A_417], %parallel_loop3A_412 {strides = array<i32>} : memref<32x128xf32, #tpu.memory_space<vmem>>, vector<16xf32>,
        %parallel_loop3A_419 = arith.constant 48 : i32
        %parallel_loop3A_420 = arith.addi %parallel_loop3A_97, %parallel_loop3A_419 : i32
        %parallel_loop3A_421 = arith.index_cast %parallel_loop3A_91 : i32 to index
        %parallel_loop3A_422 = arith.index_cast %parallel_loop3A_420 : i32 to index
        %parallel_loop3A_423 = tpu.vector_load %arg5[%parallel_loop3A_421, %parallel_loop3A_422] {strides = array<i32>} : memref<513x128xi32, #tpu.memory_space<vmem>>, vector<16xi32>,
        %parallel_loop3A_424 = vector.bitcast %parallel_loop3A_423 : vector<16xi32> to vector<32xbf16>
        %parallel_loop3A_425 = arith.constant 48 : i32
        %parallel_loop3A_426 = arith.addi %parallel_loop3A_107, %parallel_loop3A_425 : i32
        %parallel_loop3A_427 = arith.index_cast %parallel_loop3A_101 : i32 to index
        %parallel_loop3A_428 = arith.index_cast %parallel_loop3A_426 : i32 to index
        %parallel_loop3A_429 = tpu.vector_load %arg5[%parallel_loop3A_427, %parallel_loop3A_428] {strides = array<i32>} : memref<513x128xi32, #tpu.memory_space<vmem>>, vector<16xi32>,
        %parallel_loop3A_430 = vector.bitcast %parallel_loop3A_429 : vector<16xi32> to vector<32xbf16>
        %parallel_loop3A_431 = arith.constant 48 : i32
        %parallel_loop3A_432 = arith.addi %parallel_loop3A_117, %parallel_loop3A_431 : i32
        %parallel_loop3A_433 = arith.index_cast %parallel_loop3A_111 : i32 to index
        %parallel_loop3A_434 = arith.index_cast %parallel_loop3A_432 : i32 to index
        %parallel_loop3A_435 = tpu.vector_load %arg5[%parallel_loop3A_433, %parallel_loop3A_434] {strides = array<i32>} : memref<513x128xi32, #tpu.memory_space<vmem>>, vector<16xi32>,
        %parallel_loop3A_436 = vector.bitcast %parallel_loop3A_435 : vector<16xi32> to vector<32xbf16>
        %parallel_loop3A_437 = arith.constant 48 : i32
        %parallel_loop3A_438 = arith.addi %parallel_loop3A_127, %parallel_loop3A_437 : i32
        %parallel_loop3A_439 = arith.index_cast %parallel_loop3A_121 : i32 to index
        %parallel_loop3A_440 = arith.index_cast %parallel_loop3A_438 : i32 to index
        %parallel_loop3A_441 = tpu.vector_load %arg5[%parallel_loop3A_439, %parallel_loop3A_440] {strides = array<i32>} : memref<513x128xi32, #tpu.memory_space<vmem>>, vector<16xi32>,
        %parallel_loop3A_442 = vector.bitcast %parallel_loop3A_441 : vector<16xi32> to vector<32xbf16>
        %parallel_loop3A_443 = arith.constant 48 : i32
        %parallel_loop3A_444 = arith.addi %parallel_loop3A_137, %parallel_loop3A_443 : i32
        %parallel_loop3A_445 = arith.index_cast %parallel_loop3A_131 : i32 to index
        %parallel_loop3A_446 = arith.index_cast %parallel_loop3A_444 : i32 to index
        %parallel_loop3A_447 = tpu.vector_load %arg5[%parallel_loop3A_445, %parallel_loop3A_446] {strides = array<i32>} : memref<513x128xi32, #tpu.memory_space<vmem>>, vector<16xi32>,
        %parallel_loop3A_448 = vector.bitcast %parallel_loop3A_447 : vector<16xi32> to vector<32xbf16>
        %parallel_loop3A_449 = arith.constant 48 : i32
        %parallel_loop3A_450 = arith.addi %parallel_loop3A_147, %parallel_loop3A_449 : i32
        %parallel_loop3A_451 = arith.index_cast %parallel_loop3A_141 : i32 to index
        %parallel_loop3A_452 = arith.index_cast %parallel_loop3A_450 : i32 to index
        %parallel_loop3A_453 = tpu.vector_load %arg5[%parallel_loop3A_451, %parallel_loop3A_452] {strides = array<i32>} : memref<513x128xi32, #tpu.memory_space<vmem>>, vector<16xi32>,
        %parallel_loop3A_454 = vector.bitcast %parallel_loop3A_453 : vector<16xi32> to vector<32xbf16>
        %parallel_loop3A_455 = arith.constant 48 : i32
        %parallel_loop3A_456 = arith.addi %parallel_loop3A_157, %parallel_loop3A_455 : i32
        %parallel_loop3A_457 = arith.index_cast %parallel_loop3A_151 : i32 to index
        %parallel_loop3A_458 = arith.index_cast %parallel_loop3A_456 : i32 to index
        %parallel_loop3A_459 = tpu.vector_load %arg5[%parallel_loop3A_457, %parallel_loop3A_458] {strides = array<i32>} : memref<513x128xi32, #tpu.memory_space<vmem>>, vector<16xi32>,
        %parallel_loop3A_460 = vector.bitcast %parallel_loop3A_459 : vector<16xi32> to vector<32xbf16>
        %parallel_loop3A_461 = arith.constant 48 : i32
        %parallel_loop3A_462 = arith.addi %parallel_loop3A_167, %parallel_loop3A_461 : i32
        %parallel_loop3A_463 = arith.index_cast %parallel_loop3A_161 : i32 to index
        %parallel_loop3A_464 = arith.index_cast %parallel_loop3A_462 : i32 to index
        %parallel_loop3A_465 = tpu.vector_load %arg5[%parallel_loop3A_463, %parallel_loop3A_464] {strides = array<i32>} : memref<513x128xi32, #tpu.memory_space<vmem>>, vector<16xi32>,
        %parallel_loop3A_466 = vector.bitcast %parallel_loop3A_465 : vector<16xi32> to vector<32xbf16>
        %parallel_loop3A_467 = arith.constant 48 : i32
        %parallel_loop3A_468 = arith.addi %parallel_loop3A_177, %parallel_loop3A_467 : i32
        %parallel_loop3A_469 = arith.index_cast %parallel_loop3A_171 : i32 to index
        %parallel_loop3A_470 = arith.index_cast %parallel_loop3A_468 : i32 to index
        %parallel_loop3A_471 = tpu.vector_load %arg5[%parallel_loop3A_469, %parallel_loop3A_470] {strides = array<i32>} : memref<513x128xi32, #tpu.memory_space<vmem>>, vector<16xi32>,
        %parallel_loop3A_472 = vector.bitcast %parallel_loop3A_471 : vector<16xi32> to vector<32xbf16>
        %parallel_loop3A_473 = arith.constant 48 : i32
        %parallel_loop3A_474 = arith.addi %parallel_loop3A_187, %parallel_loop3A_473 : i32
        %parallel_loop3A_475 = arith.index_cast %parallel_loop3A_181 : i32 to index
        %parallel_loop3A_476 = arith.index_cast %parallel_loop3A_474 : i32 to index
        %parallel_loop3A_477 = tpu.vector_load %arg5[%parallel_loop3A_475, %parallel_loop3A_476] {strides = array<i32>} : memref<513x128xi32, #tpu.memory_space<vmem>>, vector<16xi32>,
        %parallel_loop3A_478 = vector.bitcast %parallel_loop3A_477 : vector<16xi32> to vector<32xbf16>
        %parallel_loop3A_479 = arith.addf %parallel_loop3A_424, %parallel_loop3A_430 : vector<32xbf16>
        %parallel_loop3A_480 = arith.addf %parallel_loop3A_436, %parallel_loop3A_442 : vector<32xbf16>
        %parallel_loop3A_481 = arith.addf %parallel_loop3A_448, %parallel_loop3A_454 : vector<32xbf16>
        %parallel_loop3A_482 = arith.addf %parallel_loop3A_460, %parallel_loop3A_466 : vector<32xbf16>
        %parallel_loop3A_483 = arith.addf %parallel_loop3A_472, %parallel_loop3A_478 : vector<32xbf16>
        %parallel_loop3A_484 = arith.addf %parallel_loop3A_479, %parallel_loop3A_480 : vector<32xbf16>
        %parallel_loop3A_485 = arith.addf %parallel_loop3A_481, %parallel_loop3A_482 : vector<32xbf16>
        %parallel_loop3A_486 = arith.addf %parallel_loop3A_484, %parallel_loop3A_485 : vector<32xbf16>
        %parallel_loop3A_487 = arith.addf %parallel_loop3A_486, %parallel_loop3A_483 : vector<32xbf16>
        %parallel_loop3A_488 = tpu.unpack_subelements %parallel_loop3A_487, 0 {pack_format = #tpu.pack_format<interleaved>} : vector<32xbf16> -> vector<16xf32>
        %parallel_loop3A_489 = tpu.unpack_subelements %parallel_loop3A_487, 1 {pack_format = #tpu.pack_format<interleaved>} : vector<32xbf16> -> vector<16xf32>
        %parallel_loop3A_490 = arith.index_cast %parallel_loop3A_84 : i32 to index
        %parallel_loop3A_491 = arith.constant 96 : index
        %parallel_loop3A_492 = tpu.vector_load %arg9[%parallel_loop3A_490, %parallel_loop3A_491] {strides = array<i32>} : memref<32x128xf32, #tpu.memory_space<vmem>>, vector<16xf32>,
        tpu.vector_store %arg9[%parallel_loop3A_490, %parallel_loop3A_491], %parallel_loop3A_488 {strides = array<i32>} : memref<32x128xf32, #tpu.memory_space<vmem>>, vector<16xf32>,
        %parallel_loop3A_493 = arith.index_cast %parallel_loop3A_84 : i32 to index
        %parallel_loop3A_494 = arith.constant 112 : index
        %parallel_loop3A_495 = tpu.vector_load %arg9[%parallel_loop3A_493, %parallel_loop3A_494] {strides = array<i32>} : memref<32x128xf32, #tpu.memory_space<vmem>>, vector<16xf32>,
        tpu.vector_store %arg9[%parallel_loop3A_493, %parallel_loop3A_494], %parallel_loop3A_489 {strides = array<i32>} : memref<32x128xf32, #tpu.memory_space<vmem>>, vector<16xf32>,
      } {sc.loop_unroll_factor = 2 : i64, sc.parallel_access}
      %dma_start3A_80 = arith.constant 0 : i32
      %dma_start3A_81 = tpu.memref_slice %arg4[%mul3A_70, %dma_start3A_80] : memref<100000x128xf32, #tpu.memory_space<hbm>> -> memref<32x128xf32, #tpu.memory_space<hbm>>
      %dma_start3A_82 = arith.constant 0 : i32
      %dma_start3A_83 = tpu.memref_slice %arg4[%mul3A_70, %dma_start3A_82] : memref<100000x128xf32, #tpu.memory_space<hbm>> -> memref<32x128xf32, #tpu.memory_space<hbm>>
      tpu.enqueue_dma source(%arg9 : memref<32x128xf32, #tpu.memory_space<vmem>>) target(%dma_start3A_83 : memref<32x128xf32, #tpu.memory_space<hbm>>) target_semaphore(%arg13 : memref<!tpu.dma_semaphore, #tpu.memory_space<semaphore_mem>>)
    } else {
    }
    %dma_wait3A = arith.constant 0 : i32
    %dma_wait3A_42 = arith.constant 0 : i32
    %dma_wait3A_43 = tpu.memref_slice %arg4[%dma_wait3A, %dma_wait3A_42] : memref<100000x128xf32, #tpu.memory_space<hbm>> -> memref<32x128xf32, #tpu.memory_space<hbm>>
    %dma_wait3A_44 = arith.constant 0 : i32
    %dma_wait3A_45 = arith.constant 0 : i32
    %dma_wait3A_46 = tpu.memref_slice %arg4[%dma_wait3A_44, %dma_wait3A_45] : memref<100000x128xf32, #tpu.memory_space<hbm>> -> memref<32x128xf32, #tpu.memory_space<hbm>>
    tpu.wait_dma2 semaphore(%arg12 : memref<!tpu.dma_semaphore, #tpu.memory_space<semaphore_mem>>) src(%arg8 : memref<32x128xf32, #tpu.memory_space<vmem>>) dst(%dma_wait3A_46 : memref<32x128xf32, #tpu.memory_space<hbm>>)
    %dma_wait3A_47 = arith.constant 0 : i32
    %dma_wait3A_48 = arith.constant 0 : i32
    %dma_wait3A_49 = tpu.memref_slice %arg4[%dma_wait3A_47, %dma_wait3A_48] : memref<100000x128xf32, #tpu.memory_space<hbm>> -> memref<32x128xf32, #tpu.memory_space<hbm>>
    %dma_wait3A_50 = arith.constant 0 : i32
    %dma_wait3A_51 = arith.constant 0 : i32
    %dma_wait3A_52 = tpu.memref_slice %arg4[%dma_wait3A_50, %dma_wait3A_51] : memref<100000x128xf32, #tpu.memory_space<hbm>> -> memref<32x128xf32, #tpu.memory_space<hbm>>
    tpu.wait_dma2 semaphore(%arg13 : memref<!tpu.dma_semaphore, #tpu.memory_space<semaphore_mem>>) src(%arg9 : memref<32x128xf32, #tpu.memory_space<vmem>>) dst(%dma_wait3A_52 : memref<32x128xf32, #tpu.memory_space<hbm>>)
    return
  }
}

</mosaic_0001>

<sc_bundles>
// kernel: kernel.3.cloned.1.call-start
scs
__scs_entry_jumppad:
0x0: {  	(pc) =	sbr.rel $0x88, $3  }
0x1: {  	(tag) =	ssettag $0x0;
	lr =	simm.s32 $0x1  }
0x2: {  	[smem:$0x3F9B] =	sst lr;
	_ =	strace $0xD0000000  }
0x3: {  	_ = 	snop  }
0x4: {  	_ = 	snop  }
0x5: {  	_ = 	snop  }
0x6: {  	_ = 	snop  }
0x7: {  	_ = 	snop  }
__scs_overlays_trampoline_lowered:
0x8: {  	[smem:$0x3FAA] =	sst s0  }
0x9: {  	[smem:$0x3FAB] =	sst s1  }
0xa: {  	[smem:$0x3FAC] =	sst s2  }
0xb: {  	[smem:$0x3FAD] =	sst s3  }
0xc: {  	[smem:$0x3FAE] =	sst s4  }
0xd: {  	[smem:$0x3FAF] =	sst s5  }
0xe: {  	[smem:$0x3FB0] =	sst s6  }
0xf: {  	[smem:$0x3FB1] =	sst s7  }
0x10: {  	[smem:$0x3FB2] =	sst s8  }
0x11: {  	[smem:$0x3FB3] =	sst s9;
	s0 =	simm.s32 @!p0 $0x0  }
0x12: {  	s1 =	sld [smem:$0x3F99];
	s0 =	simm.s32 @p0 $0x1  }
0x13: {  	[smem:$0x3FB4] =	sst s0;
	s0 =	simm.s32 @!p1 $0x0  }
0x14: {  	s2 =	sld [smem:$0x3F98];
	s0 =	simm.s32 @p1 $0x1  }
0x15: {  	[smem:$0x3FB5] =	sst s0;
	s0 =	simm.s32 @!p2 $0x0  }
0x16: {  	s3 =	sld [smem:$0x3FDB];
	s0 =	simm.s32 @p2 $0x1  }
0x17: {  	s4 =	simm.s32 $0x1BF5;
	[smem:$0x3FB7] =	sst s0  }
0x18: {  	s0 =	sld [smem:$0x3F9A];
	_ =	swait.ge [sflag:s4], $0x0  }
0x19: {  	s7 =	sld [smem:$0x3F9B]  }
0x1a: {  	s8 =	sadd.s32 $0xFFFFE003, lr  }
0x1b: {  	s9 =	sadd.s32 $0xFFFFFEF7, lr;
	s5 =	simm.s32 $0xFFFFFFFF;
	p2 =	slt.u32 s8, $0xFFFFF086  }
0x1c: {  	p1 =	slt.u32 s9, $0xF7A;
	s5 =	simm.s32 @!p2 $0x0  }
0x1d: {  	s5 =	simm.s32 @p1 $0x1;
	p0 =	seq.s32 s7, s2  }
0x1e: {  	s7 =	smul.u32 @!p0 $0xF7A, s2;
	p2 =	seq.s32 @!p0 s5, $0x0  }
0x1f: {  	s9 =	smul.u32 $0xF7A, s1;
	s8 =	simm.s32 @!p0 $0x1BF5;
	p2 =	por !p2, p0  }
0x20: {  	[sflag:s8] =	ssyncset.s32 @!p0 $0xFFFFF086;
	s6 =	sadd.s32 @!p0 s3, s7;
	s7 =	simm.s32 @!p0 $0x108  }
0x21: {  	s3 =	sadd.s32 s3, s9;
	s6 =	sadd.s32 @!p0 $0x88, s6;
	s7 =	simm.s32 @p2 $0x1082  }
0x22: {  	[simem:s7], [sflag:s8] =	dma.local @!p0 [hbm:s6], $0xF7A  }
0x23: {  	s9 =	sor.u32 $0xD0000000, s2;
	s6 =	simm.s32 $0x108;
	_ =	swait.ge @!p0 [sflag:s8], $0x0  }
0x24: {  	s3 =	sadd.s32 $0x88, s3;
	s6 =	simm.s32 @!p1 $0x1082;
	[sflag:s4] =	ssyncset.s32 $0xFFFFF086  }
0x25: {  	[simem:s6], [sflag:s4] =	dma.local [hbm:s3], $0xF7A  }
0x26: {  	[smem:$0x3F9B] =	sst s1;
	(tag) =	ssettag s2;
	_ =	strace s9  }
0x27: {  	s1 =	sld [smem:$0x3FAB]  }
0x28: {  	s2 =	sld [smem:$0x3FAC]  }
0x29: {  	s4 =	sld [smem:$0x3FAE]  }
0x2a: {  	p0 =	seq.s32 s5, $0x0;
	s5 =	sld [smem:$0x3FAF]  }
0x2b: {  	s6 =	sld [smem:$0x3FB0]  }
0x2c: {  	s7 =	sld [smem:$0x3FB1]  }
0x2d: {  	s3 =	simm.s32 $0x108;
	s8 =	sld [smem:$0x3FB2]  }
0x2e: {  	s3 =	simm.s32 @!p0 $0x1082;
	s9 =	sld [smem:$0x3FB3]  }
0x2f: {  	lr =	sadd.s32 s0, s3;
	s0 =	sld [smem:$0x3FAA]  }
0x30: {  	s3 =	sld [smem:$0x3FAD]  }
0x31: {  	[smem:$0x3FB6] =	sst s10  }
0x32: {  	s10 =	sld [smem:$0x3FB4];
	_ =	sdelay $0x3  }
0x33: {  	p0 =	seq.s32 s10, $0x1;
	s10 =	sld [smem:$0x3FB6];
	_ =	sdelay $0x3  }
0x34: {  	[smem:$0x3FB6] =	sst s10  }
0x35: {  	s10 =	sld [smem:$0x3FB5];
	_ =	sdelay $0x3  }
0x36: {  	p1 =	seq.s32 s10, $0x1;
	s10 =	sld [smem:$0x3FB6];
	_ =	sdelay $0x3  }
0x37: {  	[smem:$0x3FB6] =	sst s10  }
0x38: {  	s10 =	sld [smem:$0x3FB7]  }
0x39: {  	_ = 	snop;
	(pc) =	sbr.ind lr, $3  }
0x3a: {  	_ = 	snop  }
0x3b: {  	_ = 	snop  }
0x3c: {  	p2 =	seq.s32 s10, $0x1;
	s10 =	sld [smem:$0x3FB6]  }
0x3d: {  	_ =	shalt  }
0x3e: {  	_ =	shalt  }
0x3f: {  	_ =	shalt  }
0x40: {  	_ =	shalt  }
0x41: {  	_ =	shalt  }
0x42: {  	_ =	shalt  }
0x43: {  	_ =	shalt  }
0x44: {  	_ =	shalt  }
0x45: {  	_ =	shalt  }
0x46: {  	_ =	shalt  }
0x47: {  	_ =	shalt  }
0x48: {  	_ =	shalt  }
0x49: {  	_ =	shalt  }
0x4a: {  	_ =	shalt  }
0x4b: {  	_ =	shalt  }
0x4c: {  	_ =	shalt  }
0x4d: {  	_ =	shalt  }
0x4e: {  	_ =	shalt  }
0x4f: {  	_ =	shalt  }
0x50: {  	_ =	shalt  }
0x51: {  	_ =	shalt  }
0x52: {  	_ =	shalt  }
0x53: {  	_ =	shalt  }
0x54: {  	_ =	shalt  }
0x55: {  	_ =	shalt  }
0x56: {  	_ =	shalt  }
0x57: {  	_ =	shalt  }
0x58: {  	_ =	shalt  }
0x59: {  	_ =	shalt  }
0x5a: {  	_ =	shalt  }
0x5b: {  	_ =	shalt  }
0x5c: {  	_ =	shalt  }
0x5d: {  	_ =	shalt  }
0x5e: {  	_ =	shalt  }
0x5f: {  	_ =	shalt  }
0x60: {  	_ =	shalt  }
0x61: {  	_ =	shalt  }
0x62: {  	_ =	shalt  }
0x63: {  	_ =	shalt  }
0x64: {  	_ =	shalt  }
0x65: {  	_ =	shalt  }
0x66: {  	_ =	shalt  }
0x67: {  	_ =	shalt  }
0x68: {  	_ =	shalt  }
0x69: {  	_ =	shalt  }
0x6a: {  	_ =	shalt  }
0x6b: {  	_ =	shalt  }
0x6c: {  	_ =	shalt  }
0x6d: {  	_ =	shalt  }
0x6e: {  	_ =	shalt  }
0x6f: {  	_ =	shalt  }
0x70: {  	_ =	shalt  }
0x71: {  	_ =	shalt  }
0x72: {  	_ =	shalt  }
0x73: {  	_ =	shalt  }
0x74: {  	_ =	shalt  }
0x75: {  	_ =	shalt  }
0x76: {  	_ =	shalt  }
0x77: {  	_ =	shalt  }
0x78: {  	_ =	shalt  }
0x79: {  	_ =	shalt  }
0x7a: {  	_ =	shalt  }
0x7b: {  	_ =	shalt  }
0x7c: {  	_ =	shalt  }
0x7d: {  	_ =	shalt  }
0x7e: {  	_ =	shalt  }
0x7f: {  	_ =	shalt  }
0x80: {  	_ =	shalt  }
0x81: {  	_ =	shalt  }
0x82: {  	_ =	shalt  }
0x83: {  	_ =	shalt  }
0x84: {  	_ =	shalt  }
0x85: {  	_ =	shalt  }
0x86: {  	_ =	shalt  }
0x87: {  	_ =	shalt  }
.Lfunc_end0:
.L_simem_size_0:
called_computation_lowered:
.L_overlay_start_0:
0x88: {  	s2 =	sld [smem:$0x3FD9]  }
0x89: {  	s3 =	sld [smem:$0x3FFE];
	_ =	sdelay $0x1  }
0x8a: {  	s1 =	srdreg.scid  }
0x8b: {  	s0 =	sand.u32 $0x1, s1  }
0x8c: {  	s17 =	sshll.u32 s0, $0xA;
	s2 =	sadd.s32 s3, s2  }
0x8d: {  	s2 =	sadd.s32 s2, s17  }
0x8e: {  	[smem:$0x3FC2] =	sst s2  }
0x8f: {  	_ = 	snop  }
0x90: {  	s2 =	sld [smem:$0x3FD0];
	(tm) =	ssettm $0x1  }
0x91: {  	s18 =	sld [smem:$0x3FFB];
	_ =	sdelay $0x3  }
0x92: {  	_ =	strace s18  }
0x93: {  	s3 =	sld [smem:$0x3FFC];
	_ =	sdelay $0x3  }
0x94: {  	_ =	strace s3  }
0x95: {  	s3 =	sld [smem:$0x3FFD];
	_ =	sdelay $0x3  }
0x96: {  	_ =	strace s3  }
0x97: {  	_ =	strace $0x8FFFFFFF  }
0x98: {  	s19 =	sld [smem:$0x3FDB];
	_ =	sdelay $0x1  }
0x99: {  	s4 =	simm.s32 $_scs_section_size  }
0x9a: {  	s5 =	simm.s32 $_size__tile_overlayer_lowered;
	s6 =	simm.s32 $_tile_overlayer_lowered  }
0x9b: {  	s22 =	simm.s32 $0x1BFF;
	s21 =	sshll.u32 s6, $0x1;
	s3 =	sadd.s32 s4, s19  }
0x9c: {  	s7 =	simm.s32 $0x0;
	s20 =	sshll.u32 s5, $0x1;
	s5 =	sadd.s32 s21, s3  }
0x9d: {  	[timem:s7], [sflag:s22] =	dma.local [hbm:s5], s20  }
0x9e: {  	_ =	swait.ge [sflag:s22], s20  }
0x9f: {  	s4 =	ssub.s32 $0x0, s20;
	[sflag:s22] =	ssyncset.done $0x0  }
0xa0: {  	[sflag:s22] =	ssyncadd.s32 s4;
	_ =	sdelay $0x1  }
0xa1: {  	s23 =	simm.s32 $0x1B8B  }
0xa2: {  	_ =	swait.ge [sflag:s23], $0x1  }
0xa3: {  	[sflag:s23] =	ssyncset.done $0x0  }
0xa4: {  	s25 =	simm.s32 $0x1B8E;
	s24 =	sld [smem:$0x3FFE];
	[sflag:s23] =	ssyncadd.s32 $0xFFFFFFFF  }
0xa5: {  	s26 =	simm.s32 $execute0_lowered;
	[smem:$0x3FD2] =	sst s25  }
0xa6: {  	s5 =	sshll.u32 s26, $0x1;
	_ =	strace $0x80000046;
	[dreg:$0x1] =	wrdreg $0xFFFFFFFF  }
0xa7: {  	s28 =	simm.s32 $_size_execute0_lowered;
	s3 =	sadd.s32 s3, s5;
	[dreg:$0x0] =	wrdreg $0x0  }
0xa8: {  	s5 =	sshll.u32 s28, $0x1;
	[dreg:$0x2] =	wrdreg s3  }
0xa9: {  	[dreg:$0x3] =	wrdreg s5  }
0xaa: {  	[dreg:$0x4] =	wrdreg $0xC0  }
0xab: {  	_ =	task [dreg:s7], $0x5FFFF  }
0xac: {  	[dreg:$0x1] =	wrdreg $0xFFFFFFFF  }
0xad: {  	[dreg:$0x0] =	wrdreg $0x60  }
0xae: {  	[dreg:$0x2] =	wrdreg s24  }
0xaf: {  	[dreg:$0x3] =	wrdreg s2  }
0xb0: {  	[dreg:$0x4] =	wrdreg $0x9  }
0xb1: {  	_ =	task.clear_ibuf [dreg:s7], $0x5FFFF;
	_ =	strace $0x90000046  }
0xb2: {  	s29 =	simm.s32 $0x9;
	_ =	strace $0x80000048  }
0xb3: {  	_ =	swait.ge [sflag:s29], $0x1  }
0xb4: {  	[sflag:s29] =	ssyncadd.s32 $0xFFFFFFFF  }
0xb5: {  	_ =	strace $0x90000048  }
0xb6: {  	_ =	sfence  }
0xb7: {  	s30 =	sld [smem:$0x0];
	_ =	sdelay $0x2  }
0xb8: {  	s31 =	sshll.u32 s1, $0xD;
	s1 =	sshrl.u32 s1, $0x2  }
0xb9: {  	s3 =	sand.u32 $0x4000, s31;
	s1 =	sadd.s32 s1, s30  }
0xba: {  	s0 =	sor.u32 s3, s0;
	s1 =	sshll.u32 s1, $0x11  }
0xbb: {  	s0 =	sor.u32 s1, s0  }
0xbc: {  	s0 =	sadd.s32 $0x8F2B, s0  }
0xbd: {  	[sflag:s0] =	ssyncadd.remote.s32 $0x1  }
0xbe: {  	_ =	sfence.sel $0xFFFF  }
0xbf: {  	[dreg:$0x0] =	wrdreg $0xFFFFFFFF;
	(pc) =	sbr.abs _section_cstart, $3  }
0xc0: {  	[dreg:$0x1] =	wrdreg $0xFFFFFFFF  }
0xc1: {  	_ =	task.clear_ibuf [dreg:s7], $0x2FFFF;
	_ =	strace $0x9FFFFFFF  }
0xc2: {  	(tm) =	ssettm $0x7FFFFFFF  }
0xc3: {  	_ =	shalt  }
tec
execute0_lowered:
.L_overlay_start_1:
0x0: {  	(tag) =	ssettag $0x1  }
0x1: {  	s0 =	rddreg [dreg:$0x0]  }
0x2: {  	s4 =	rddreg [dreg:$0x1];
	s1 =	srdreg.scid  }
0x3: {  	s2 =	stileid.u32;
	s3 =	simm.s32 $0x0;
	s6 =	simm.s32 $0x62  }
0x4: {  	s1 =	sand.u32 $0x1, s1;
	s2 =	sshll.u32 s2, $0x1;
	[smem:$0x7FF] =	sst s3  }
0x5: {  	s25 =	sadd.s32 $0x600, s0;
	s30 =	sadd.s32 $0x4000, s4;
	s2 =	sor.u32 s1, s2  }
0x6: {  	_ =	strace $0x80000047;
	[smem:$0x7F4] =	sst s25;
	s1 =	ssub.s32 $0x2, s1  }
0x7: {  	[smem:$0x7F8] =	sst s30;
	s5 =	sshll.u32 s2, $0x9;
	p0 =	slt.u32 s2, $0x15  }
0x8: {  	s0 =	sadd.s32 s5, s0;
	s6 =	simm.s32 @!p0 $0x61;
	[smem:$0x7F9] =	sst s5  }
0x9: {  	s26 =	sshrl.u32 s1, $0x1;
	[smem:$0x7F5] =	sst s6;
	s28 =	sadd.s32 $0x2800, s0  }
0xa: {  	s31 =	sadd.s32 s5, s4;
	s29 =	sadd.s32 $0x6800, s0;
	[smem:$0x7F6] =	sst s28  }
.Ltmp0:
0xb: {  	s4 =	sadd.s32 $0x180000, s31;
	[smem:$0x7F7] =	sst s29;
	(pc) =	sbr.rel .LBB2_1-.Ltmp0, $4  }
0xc: {  	s1 =	ssub.s32 s1, s26;
	s3 =	sadd.s32 $0x184000, s31;
	[smem:$0x7FA] =	sst s4  }
0xd: {  	s1 =	smax.u32 s1, $0x1;
	[smem:$0x7FB] =	sst s3  }
0xe: {  	s0 =	sadd.s32 $0xA800, s0;
	[smem:$0x7FC] =	sst s1  }
0xf: {  	p0 =	sgt.u32 s2, $0x14;
	s2 =	simm.s32 $0x0;
	[smem:$0x7FD] =	sst s0  }
.LBB2_13:
0x10: {  	s0 =	simm.s32 $0x3  }
0x11: {  	_ =	swait.ge [sflag:s0], $0x1000  }
0x12: {  	[sflag:s0] =	ssyncset.done $0x0  }
0x13: {  	s1 =	simm.s32 $0x4;
	[sflag:s0] =	ssyncadd.s32 $0xFFFFF000  }
0x14: {  	_ =	swait.ge [sflag:s1], $0x1000  }
0x15: {  	s31 =	sld [smem:$0x7FC];
	_ =	sdelay $0x1  }
0x16: {  	s2 =	sadd.s32 $0x1, s2  }
0x17: {  	p1 =	sne.s32 s2, s31  }
.Ltmp1:
0x18: {  	_ = 	snop;
	(pc) =	sbr.rel @!p1 .LBB2_14-.Ltmp1, $3  }
0x19: {  	_ =	sdelay $0x1  }
0x1a: {  	[sflag:s1] =	ssyncset.done $0x0  }
0x1b: {  	[sflag:s1] =	ssyncadd.s32 $0xFFFFF000  }
.LBB2_1:
0x1c: {  	s1 =	sld [smem:$0x7F4];
	_ =	sdelay $0x1  }
0x1d: {  	[smem:$0x7F3] =	sst s2;
	s0 =	simm.s32 $0x0;
	s28 =	simm.s32 $0x5  }
0x1e: {  	[tilespmem:s0], [sflag:$0x5] =	stream.linear.gather [hbm4b:s1+s0], $0x10080, $0x38;
	[tilespmem:$0x14400] =	vst v63  }
0x1f: {  	_ =	swait.ge [sflag:s28], $0x10080  }
0x20: {  	s29 =	sld [smem:$0x7F6]  }
0x21: {  	[sflag:s28] =	ssyncset.done $0x0  }
0x22: {  	s3 =	simm.s32 $0x10400;
	[sflag:s28] =	ssyncadd.s32 $0xFFFEFF80  }
0x23: {  	[tilespmem:s3], [sflag:$0x5] =	stream.linear.gather [hbm4b:s29+s0], $0x1000, $0x38;
	[tilespmem:$0x14400] =	vst v63  }
0x24: {  	_ =	swait.ge [sflag:s28], $0x1000  }
0x25: {  	s30 =	sld [smem:$0x7F7]  }
0x26: {  	[sflag:s28] =	ssyncset.done $0x0  }
0x27: {  	s31 =	simm.s32 $0x11400;
	s5 =	simm.s32 $0x0;
	[sflag:s28] =	ssyncadd.s32 $0xFFFFF000  }
0x28: {  	[tilespmem:s31], [sflag:$0x2] =	stream.linear.gather [hbm4b:s30+s0], $0x1000, $0x38;
	[tilespmem:$0x14400] =	vst v63  }
.LBB2_2:
0x29: {  	p1 =	seq.s32 s5, $0x0  }
0x2a: {  	s0 =	simm.s32 @!p1 $0x3  }
0x2b: {  	_ =	swait.ge @!p1 [sflag:s0], $0x1000  }
0x2c: {  	[sflag:s0] =	ssyncset.done @!p1 $0x0  }
0x2d: {  	s14 =	simm.s32 $0x10480;
	[sflag:s0] =	ssyncadd.s32 @!p1 $0xFFFFF000  }
0x2e: {  	v0 =	vld [tilespmem:s14+$0x0];
	_ =	sdelay $0x4  }
0x2f: {  	v0 =	vshll.u32 v0, $0x6  }
0x30: {  	(v2sf) =	vpush v0, $0x0  }
0x31: {  	(v2sf) =	vpush v0, $0x1  }
0x32: {  	v1 =	vld [tilespmem:s14+$0xFFFFFF80];
	(v2sf) =	vpush v0, $0x2  }
0x33: {  	(v2sf) =	vpush v0, $0x3  }
0x34: {  	(v2sf) =	vpush v0, $0x4  }
0x35: {  	(v2sf) =	vpush v0, $0x5  }
0x36: {  	(v2sf) =	vpush v0, $0x6  }
0x37: {  	v1 =	vshll.u32 v1, $0x6;
	(v2sf) =	vpush v0, $0x7  }
0x38: {  	(v2sf) =	vpush v1, $0x7  }
0x39: {  	(v2sf) =	vpush v1, $0x6  }
0x3a: {  	(v2sf) =	vpush v0, $0x8  }
0x3b: {  	(v2sf) =	vpush v0, $0x9;
	_ =	sdelay $0x3  }
0x3c: {  	s9 =	spop (v2sf)  }
0x3d: {  	v0 =	vld [tilespmem:s9+$0x0];
	s12 =	spop (v2sf)  }
0x3e: {  	v2 =	vld [tilespmem:s12+$0x0];
	s13 =	spop (v2sf)  }
0x3f: {  	v3 =	vld [tilespmem:s13+$0x0];
	s14 =	spop (v2sf)  }
0x40: {  	v4 =	vld [tilespmem:s14+$0x0];
	s7 =	spop (v2sf)  }
0x41: {  	v5 =	vld [tilespmem:s7+$0x0];
	s4 =	spop (v2sf)  }
0x42: {  	v6 =	vld [tilespmem:s4+$0x0];
	s6 =	spop (v2sf)  }
0x43: {  	v7 =	vld [tilespmem:s6+$0x0];
	s3 =	spop (v2sf)  }
0x44: {  	v8 =	vld [tilespmem:s3+$0x0];
	s18 =	spop (v2sf)  }
0x45: {  	s16 =	spop (v2sf)  }
0x46: {  	s2 =	spop (v2sf)  }
0x47: {  	v9 =	vld [tilespmem:s2+$0x0];
	s15 =	spop (v2sf)  }
0x48: {  	v0 =	vadd.bf16 v2, v0;
	v2 =	vadd.bf16 v4, v3;
	v10 =	vld [tilespmem:s15+$0x0]  }
0x49: {  	v3 =	vadd.bf16 v6, v5;
	v4 =	vadd.bf16 v8, v7;
	_ =	sdelay $0x1  }
0x4a: {  	v0 =	vadd.bf16 v2, v0;
	v2 =	vadd.bf16 v4, v3;
	_ =	sdelay $0x1  }
0x4b: {  	v3 =	vadd.bf16 v10, v9;
	v0 =	vadd.bf16 v2, v0;
	_ =	sdelay $0x1  }
0x4c: {  	v0 =	vadd.bf16 v3, v0;
	_ =	sdelay $0x1  }
0x4d: {  	s21 =	simm.s32 $0x12480;
	v2 =	vunpack.i.l.bf16.f32 v0  }
0x4e: {  	(v2sf) =	vpush v1, $0x5;
	v0 =	vunpack.i.u.bf16.f32 v0;
	[tilespmem:s21+$0x0] =	vst v2  }
0x4f: {  	(v2sf) =	vpush v1, $0x4;
	[tilespmem:s21+$0x10] =	vst v0  }
0x50: {  	(v2sf) =	vpush v1, $0x3;
	v0 =	vld [tilespmem:s9+$0x10]  }
0x51: {  	(v2sf) =	vpush v1, $0x2;
	v2 =	vld [tilespmem:s12+$0x10]  }
0x52: {  	(v2sf) =	vpush v1, $0x1;
	v3 =	vld [tilespmem:s13+$0x10]  }
0x53: {  	v4 =	vld [tilespmem:s14+$0x10]  }
0x54: {  	(v2sf) =	vpush v1, $0x0;
	v5 =	vld [tilespmem:s7+$0x10]  }
0x55: {  	(v2sf) =	vpush v1, $0x9;
	v6 =	vld [tilespmem:s4+$0x10]  }
0x56: {  	(v2sf) =	vpush v1, $0x8;
	v1 =	vld [tilespmem:s6+$0x10]  }
0x57: {  	v7 =	vld [tilespmem:s3+$0x10];
	_ =	sdelay $0x2  }
0x58: {  	v8 =	vld [tilespmem:s2+$0x10]  }
0x59: {  	v9 =	vld [tilespmem:s15+$0x10];
	v0 =	vadd.bf16 v2, v0;
	v2 =	vadd.bf16 v4, v3  }
0x5a: {  	v4 =	vadd.bf16 v6, v5;
	v1 =	vadd.bf16 v7, v1  }
0x5b: {  	s20 =	spop (v2sf);
	v3 =	vld [tilespmem:s18+$0x0];
	[dreg:$0x14] =	wrdreg s18  }
0x5c: {  	s22 =	spop (v2sf);
	v5 =	vld [tilespmem:s16+$0x0];
	v0 =	vadd.bf16 v2, v0;
	v1 =	vadd.bf16 v1, v4  }
0x5d: {  	s10 =	spop (v2sf);
	v6 =	vld [tilespmem:s20+$0x0];
	[dreg:$0x3] =	wrdreg s20  }
0x5e: {  	s28 =	spop (v2sf);
	v7 =	vadd.bf16 v9, v8;
	v2 =	vld [tilespmem:s22+$0x0];
	v0 =	vadd.bf16 v1, v0  }
0x5f: {  	s8 =	spop (v2sf);
	v4 =	vld [tilespmem:s10+$0x0]  }
0x60: {  	v8 =	vld [tilespmem:s8+$0x0];
	v0 =	vadd.bf16 v7, v0  }
0x61: {  	s17 =	spop (v2sf);
	v1 =	vld [tilespmem:s28+$0x0]  }
0x62: {  	s19 =	spop (v2sf);
	v7 =	vld [tilespmem:s17+$0x0];
	v9 =	vunpack.i.l.bf16.f32 v0  }
0x63: {  	s11 =	spop (v2sf);
	v10 =	vld [tilespmem:s19+$0x0];
	v0 =	vunpack.i.u.bf16.f32 v0;
	[tilespmem:s21+$0x20] =	vst v9  }
0x64: {  	v9 =	vld [tilespmem:s11+$0x0];
	[tilespmem:s21+$0x30] =	vst v0  }
0x65: {  	v0 =	vadd.bf16 v3, v5;
	v3 =	vld [tilespmem:s9+$0x20]  }
0x66: {  	v2 =	vadd.bf16 v6, v2;
	v5 =	vld [tilespmem:s12+$0x20]  }
0x67: {  	v1 =	vadd.bf16 v4, v1;
	v6 =	vld [tilespmem:s13+$0x20];
	v4 =	vadd.bf16 v8, v7  }
0x68: {  	v0 =	vadd.bf16 v0, v2;
	v2 =	vld [tilespmem:s14+$0x20]  }
0x69: {  	v7 =	vld [tilespmem:s4+$0x20];
	v1 =	vadd.bf16 v1, v4  }
0x6a: {  	v8 =	vld [tilespmem:s6+$0x20]  }
0x6b: {  	s1 =	simm.s32 $0x10580;
	v4 =	vld [tilespmem:s7+$0x20];
	v0 =	vadd.bf16 v0, v1;
	v1 =	vadd.bf16 v10, v9  }
0x6c: {  	v9 =	vld [tilespmem:s1+$0x0]  }
0x6d: {  	v0 =	vadd.bf16 v1, v0;
	v1 =	vld [tilespmem:s3+$0x20];
	_ =	sdelay $0x1  }
0x6e: {  	v10 =	vunpack.i.l.bf16.f32 v0  }
0x6f: {  	v11 =	vld [tilespmem:s2+$0x20];
	v0 =	vunpack.i.u.bf16.f32 v0;
	[tilespmem:s21+$0xFFFFFF80] =	vst v10  }
0x70: {  	v2 =	vadd.bf16 v2, v6;
	v10 =	vld [tilespmem:s15+$0x20];
	[tilespmem:s21+$0xFFFFFF90] =	vst v0;
	v0 =	vadd.bf16 v5, v3  }
0x71: {  	v4 =	vadd.bf16 v7, v4;
	v6 =	vshll.u32 v9, $0x6;
	v3 =	vld [tilespmem:s17+$0x10];
	v1 =	vadd.bf16 v1, v8  }
0x72: {  	v5 =	vld [tilespmem:s8+$0x10];
	(v2sf) =	vpush v6, $0x0;
	v0 =	vadd.bf16 v2, v0  }
0x73: {  	v7 =	vld [tilespmem:s28+$0x10];
	(v2sf) =	vpush v6, $0x1;
	v1 =	vadd.bf16 v1, v4  }
0x74: {  	v9 =	vld [tilespmem:s22+$0x10];
	(v2sf) =	vpush v6, $0x2  }
0x75: {  	v8 =	vld [tilespmem:s1+$0xFFFFFF80];
	v2 =	vadd.bf16 v10, v11;
	v0 =	vadd.bf16 v1, v0  }
0x76: {  	v12 =	vld [tilespmem:s18+$0x10];
	(v2sf) =	vpush v6, $0x3  }
0x77: {  	v13 =	vld [tilespmem:s11+$0x10];
	(v2sf) =	vpush v6, $0x4;
	v0 =	vadd.bf16 v2, v0  }
0x78: {  	v14 =	vld [tilespmem:s19+$0x10];
	(v2sf) =	vpush v6, $0x5  }
0x79: {  	v4 =	vld [tilespmem:s10+$0x10];
	(v2sf) =	vpush v6, $0x6;
	v1 =	vunpack.i.l.bf16.f32 v0  }
0x7a: {  	v10 =	vld [tilespmem:s20+$0x10];
	v8 =	vshll.u32 v8, $0x6;
	(v2sf) =	vpush v6, $0x7;
	v0 =	vunpack.i.u.bf16.f32 v0;
	[tilespmem:s21+$0x40] =	vst v1  }
0x7b: {  	v11 =	vld [tilespmem:s16+$0x10];
	(v2sf) =	vpush v8, $0x7;
	[tilespmem:s21+$0x50] =	vst v0  }
0x7c: {  	(v2sf) =	vpush v8, $0x6;
	v0 =	vld [tilespmem:s9+$0x30]  }
0x7d: {  	(v2sf) =	vpush v6, $0x8;
	v1 =	vld [tilespmem:s12+$0x30]  }
0x7e: {  	v2 =	vld [tilespmem:s13+$0x30];
	(v2sf) =	vpush v6, $0x9  }
0x7f: {  	v3 =	vadd.bf16 v5, v3;
	v4 =	vadd.bf16 v4, v7;
	v6 =	vld [tilespmem:s14+$0x30]  }
0x80: {  	v7 =	vadd.bf16 v10, v9;
	v9 =	vadd.bf16 v12, v11;
	v5 =	vld [tilespmem:s7+$0x30]  }
0x81: {  	v3 =	vadd.bf16 v4, v3;
	v10 =	vld [tilespmem:s4+$0x30]  }
0x82: {  	v4 =	vld [tilespmem:s6+$0x30];
	v7 =	vadd.bf16 v9, v7;
	s1 =	spop (v2sf);
	(v2sf) =	vpush v8, $0x5  }
0x83: {  	v11 =	vadd.bf16 v14, v13;
	v9 =	vld [tilespmem:s1+$0x0];
	s6 =	spop (v2sf)  }
0x84: {  	s23 =	smov.u32 s17;
	v3 =	vadd.bf16 v7, v3;
	(v2sf) =	vpush v8, $0x4;
	v29 =	vld [tilespmem:s6+$0x0];
	s17 =	spop (v2sf)  }
0x85: {  	(v2sf) =	vpush v8, $0x3;
	v7 =	vld [tilespmem:s17+$0x0];
	s29 =	spop (v2sf)  }
0x86: {  	v3 =	vadd.bf16 v11, v3;
	(v2sf) =	vpush v8, $0x2;
	v30 =	vld [tilespmem:s29+$0x0];
	s25 =	spop (v2sf)  }
0x87: {  	(v2sf) =	vpush v8, $0x1;
	v11 =	vld [tilespmem:s25+$0x0];
	s9 =	spop (v2sf)  }
0x88: {  	v15 =	vunpack.i.l.bf16.f32 v3;
	(v2sf) =	vpush v8, $0x0;
	v31 =	vld [tilespmem:s9+$0x0];
	s13 =	spop (v2sf)  }
0x89: {  	v3 =	vunpack.i.u.bf16.f32 v3;
	[tilespmem:s21+$0xFFFFFFA0] =	vst v15;
	(v2sf) =	vpush v8, $0x9;
	v16 =	vld [tilespmem:s13+$0x0];
	s7 =	spop (v2sf)  }
0x8a: {  	[tilespmem:s21+$0xFFFFFFB0] =	vst v3;
	v32 =	vld [tilespmem:s7+$0x0];
	s24 =	spop (v2sf)  }
0x8b: {  	v17 =	vld [tilespmem:s3+$0x30];
	[dreg:$0xd] =	wrdreg s23;
	s4 =	spop (v2sf)  }
0x8c: {  	v3 =	vld [tilespmem:s23+$0x20];
	s20 =	spop (v2sf)  }
0x8d: {  	v18 =	vld [tilespmem:s20+$0x0];
	s18 =	spop (v2sf)  }
0x8e: {  	v9 =	vadd.bf16 v29, v9;
	v7 =	vadd.bf16 v30, v7;
	v19 =	vld [tilespmem:s18+$0x0]  }
0x8f: {  	v33 =	vld [tilespmem:s2+$0x30];
	v11 =	vadd.bf16 v31, v11;
	v34 =	vadd.bf16 v32, v16  }
0x90: {  	v35 =	vld [tilespmem:s15+$0x30]  }
0x91: {  	v36 =	vld [tilespmem:s24+$0x0];
	v7 =	vadd.bf16 v7, v9;
	v9 =	vadd.bf16 v34, v11;
	s14 =	spop (v2sf)  }
0x92: {  	(v2sf) =	vpush v8, $0x8;
	v8 =	vld [tilespmem:s4+$0x0];
	[smem:$0x7EF] =	sst s14  }
0x93: {  	s23 =	spop (v2sf);
	v11 =	vld [tilespmem:s14+$0x0];
	v37 =	vadd.bf16 v19, v18;
	v7 =	vadd.bf16 v9, v7  }
0x94: {  	s26 =	smov.u32 s24;
	v9 =	vld [tilespmem:s23+$0x0];
	s24 =	spop (v2sf)  }
0x95: {  	v38 =	vld [tilespmem:s24+$0x0];
	s2 =	spop (v2sf);
	v7 =	vadd.bf16 v37, v7  }
0x96: {  	v39 =	vld [tilespmem:s2+$0x0];
	s3 =	spop (v2sf)  }
0x97: {  	s14 =	simm.s32 $0x12580;
	v40 =	vld [tilespmem:s3+$0x0];
	s30 =	spop (v2sf);
	v41 =	vunpack.i.l.bf16.f32 v7  }
0x98: {  	v20 =	vld [tilespmem:s30+$0x0];
	v7 =	vunpack.i.u.bf16.f32 v7;
	s15 =	spop (v2sf);
	[tilespmem:s14+$0x0] =	vst v41  }
0x99: {  	v42 =	vld [tilespmem:s15+$0x0];
	[tilespmem:s14+$0x10] =	vst v7  }
0x9a: {  	v7 =	vld [tilespmem:s1+$0x10]  }
0x9b: {  	v21 =	vld [tilespmem:s6+$0x10]  }
0x9c: {  	v22 =	vld [tilespmem:s17+$0x10]  }
0x9d: {  	v23 =	vld [tilespmem:s29+$0x10]  }
0x9e: {  	v24 =	vld [tilespmem:s25+$0x10]  }
0x9f: {  	v25 =	vld [tilespmem:s9+$0x10]  }
0xa0: {  	v26 =	vld [tilespmem:s13+$0x10]  }
0xa1: {  	s12 =	smov.u32 s1;
	v8 =	vadd.bf16 v36, v8;
	v9 =	vadd.bf16 v11, v9;
	v11 =	vld [tilespmem:s7+$0x10];
	s1 =	spop (v2sf)  }
0xa2: {  	v13 =	vadd.bf16 v38, v39;
	v44 =	vld [tilespmem:s1+$0x0];
	v43 =	vadd.bf16 v40, v20;
	_ =	sdelay $0x1  }
0xa3: {  	v45 =	vld [tilespmem:s8+$0x20];
	v8 =	vadd.bf16 v8, v9;
	v9 =	vadd.bf16 v13, v43  }
0xa4: {  	v46 =	vld [tilespmem:s20+$0x10];
	v7 =	vadd.bf16 v21, v7;
	v47 =	vadd.bf16 v23, v22  }
0xa5: {  	v48 =	vld [tilespmem:s18+$0x10];
	v49 =	vadd.bf16 v25, v24;
	v11 =	vadd.bf16 v11, v26  }
0xa6: {  	v50 =	vld [tilespmem:s28+$0x20];
	v16 =	vadd.bf16 v42, v44;
	v8 =	vadd.bf16 v8, v9  }
0xa7: {  	s31 =	smov.u32 s15;
	v9 =	vld [tilespmem:s10+$0x20];
	[dreg:$0xc] =	wrdreg s22;
	v7 =	vadd.bf16 v47, v7  }
0xa8: {  	s15 =	smov.u32 s1;
	s1 =	smov.u32 s10;
	v11 =	vadd.bf16 v11, v49;
	s10 =	rddreg [dreg:$0x3];
	v51 =	vld [tilespmem:s22+$0x20];
	v8 =	vadd.bf16 v16, v8  }
0xa9: {  	v52 =	vld [tilespmem:s10+$0x20];
	[dreg:$0xa] =	wrdreg s16  }
0xaa: {  	v13 =	vadd.bf16 v48, v46;
	s22 =	rddreg [dreg:$0x14];
	v53 =	vld [tilespmem:s16+$0x20];
	v7 =	vadd.bf16 v11, v7;
	v54 =	vunpack.i.l.bf16.f32 v8  }
0xab: {  	v11 =	vld [tilespmem:s22+$0x20];
	[tilespmem:s14+$0xFFFFFF80] =	vst v54  }
0xac: {  	v55 =	vld [tilespmem:s11+$0x20];
	v8 =	vunpack.i.u.bf16.f32 v8;
	v7 =	vadd.bf16 v13, v7;
	[dreg:$0xb] =	wrdreg s19  }
0xad: {  	v56 =	vld [tilespmem:s19+$0x20];
	[tilespmem:s14+$0xFFFFFF90] =	vst v8  }
0xae: {  	v57 =	vunpack.i.l.bf16.f32 v7;
	v8 =	vld [tilespmem:s30+$0x10]  }
0xaf: {  	v0 =	vadd.bf16 v1, v0;
	v1 =	vadd.bf16 v6, v2;
	v2 =	vunpack.i.u.bf16.f32 v7;
	[tilespmem:s14+$0x20] =	vst v57;
	v6 =	vld [tilespmem:s3+$0x10]  }
0xb0: {  	v5 =	vadd.bf16 v10, v5;
	v4 =	vadd.bf16 v17, v4;
	[tilespmem:s14+$0x30] =	vst v2;
	v58 =	vld [tilespmem:s2+$0x10]  }
0xb1: {  	v7 =	vld [tilespmem:s12+$0x20]  }
0xb2: {  	v0 =	vadd.bf16 v1, v0;
	v1 =	vadd.bf16 v4, v5;
	v4 =	vld [tilespmem:s6+$0x20]  }
0xb3: {  	v2 =	vadd.bf16 v45, v3;
	v3 =	vadd.bf16 v9, v50;
	v5 =	vld [tilespmem:s17+$0x20]  }
0xb4: {  	v9 =	vadd.bf16 v52, v51;
	v10 =	vadd.bf16 v11, v53;
	v11 =	vld [tilespmem:s29+$0x20]  }
0xb5: {  	v0 =	vadd.bf16 v1, v0;
	v12 =	vadd.bf16 v35, v33;
	v59 =	vld [tilespmem:s25+$0x20]  }
0xb6: {  	v60 =	vld [tilespmem:s7+$0x20];
	v1 =	vadd.bf16 v3, v2;
	v2 =	vadd.bf16 v10, v9  }
0xb7: {  	v61 =	vld [tilespmem:s24+$0x10];
	v3 =	vadd.bf16 v12, v0  }
0xb8: {  	v9 =	vld [tilespmem:s9+$0x20];
	v1 =	vadd.bf16 v2, v1;
	v0 =	vadd.bf16 v56, v55  }
0xb9: {  	v10 =	vld [tilespmem:s13+$0x20];
	v2 =	vunpack.i.u.bf16.f32 v3  }
0xba: {  	s16 =	smov.u32 s11;
	[tilespmem:s21+$0x70] =	vst v2;
	v2 =	vld [tilespmem:s20+$0x20];
	v62 =	vadd.bf16 v0, v1;
	v1 =	vunpack.i.l.bf16.f32 v3  }
0xbb: {  	s11 =	smov.u32 s17;
	s17 =	smov.u32 s25;
	s25 =	sshll.u32 s5, $0x1;
	v0 =	vld [tilespmem:s23+$0x10];
	[tilespmem:s21+$0x60] =	vst v1  }
0xbc: {  	s0 =	sadd.s32 $0x3, s25;
	v3 =	vld [tilespmem:s18+$0x20];
	[smem:$0x7EE] =	sst s5  }
0xbd: {  	v63 =	vunpack.i.l.bf16.f32 v62;
	[smem:$0x7F0] =	sst s0  }
0xbe: {  	s19 =	smov.u32 s2;
	s2 =	sshll.u32 s5, $0xF;
	s5 =	sld [smem:$0x7EF];
	[tilespmem:s21+$0xFFFFFFC0] =	vst v63  }
0xbf: {  	s22 =	sld [smem:$0x7F9]  }
0xc0: {  	v1 =	vadd.bf16 v6, v8  }
0xc1: {  	s25 =	simm.s32 $0x12480;
	v6 =	vadd.bf16 v4, v7;
	v7 =	vadd.bf16 v11, v5;
	v5 =	vld [tilespmem:s5+$0x10];
	[smem:$0x7F1] =	sst s2  }
0xc2: {  	[dreg:$0x1e] =	wrdreg s25;
	s0 =	sor.u32 s22, s2  }
0xc3: {  	v4 =	vunpack.i.u.bf16.f32 v62;
	[smem:$0x7F2] =	sst s0  }
0xc4: {  	[tilespmem:s21+$0xFFFFFFD0] =	vst v4  }
0xc5: {  	s10 =	smov.u32 s23;
	v10 =	vadd.bf16 v60, v10;
	[dreg:$0x1f] =	wrdreg s4  }
0xc6: {  	s23 =	simm.s32 $0x12580;
	v8 =	vadd.bf16 v9, v59;
	v9 =	vadd.bf16 v61, v58;
	s25 =	simm.s32 $0x2;
	v4 =	vld [tilespmem:s4+$0x10];
	s4 =	simm.s32 $0x10680  }
.LBB2_3:
0xc7: {  	_ = 	snop  }
0xc8: {  	v11 =	vld [tilespmem:s4+$0x0];
	v6 =	vadd.bf16 v7, v6;
	v7 =	vadd.bf16 v10, v8  }
0xc9: {  	v8 =	vld [tilespmem:s4+$0xFFFFFF80];
	v1 =	vadd.bf16 v9, v1  }
0xca: {  	v9 =	vld [tilespmem:s26+$0x10];
	v2 =	vadd.bf16 v3, v2;
	v3 =	vadd.bf16 v7, v6  }
0xcb: {  	v6 =	vld [tilespmem:s15+$0x10]  }
0xcc: {  	s21 =	rddreg [dreg:$0xd];
	v0 =	vadd.bf16 v5, v0;
	v5 =	vld [tilespmem:s31+$0x10];
	v2 =	vadd.bf16 v2, v3  }
0xcd: {  	v7 =	vld [tilespmem:s21+$0x30];
	v3 =	vshll.u32 v11, $0x6  }
0xce: {  	v11 =	vld [tilespmem:s8+$0x30];
	(v2sf) =	vpush v3, $0x0;
	v10 =	vunpack.i.l.bf16.f32 v2  }
0xcf: {  	v4 =	vadd.bf16 v9, v4;
	v9 =	vld [tilespmem:s28+$0x30];
	(v2sf) =	vpush v3, $0x1;
	v2 =	vunpack.i.u.bf16.f32 v2;
	[tilespmem:s14+$0x40] =	vst v10  }
0xd0: {  	(v2sf) =	vpush v3, $0x2;
	[tilespmem:s14+$0x50] =	vst v2;
	v2 =	vld [tilespmem:s1+$0x30]  }
0xd1: {  	v0 =	vadd.bf16 v4, v0;
	(v2sf) =	vpush v3, $0x3;
	v4 =	vld [tilespmem:s12+$0x30]  }
0xd2: {  	v5 =	vadd.bf16 v5, v6;
	v6 =	vld [tilespmem:s6+$0x30];
	(v2sf) =	vpush v3, $0x4  }
0xd3: {  	v0 =	vadd.bf16 v0, v1;
	v10 =	vld [tilespmem:s11+$0x30];
	(v2sf) =	vpush v3, $0x5  }
0xd4: {  	v12 =	vld [tilespmem:s29+$0x30];
	v1 =	vadd.bf16 v11, v7;
	(v2sf) =	vpush v3, $0x6  }
0xd5: {  	v8 =	vshll.u32 v8, $0x6;
	v13 =	vld [tilespmem:s7+$0x30];
	v0 =	vadd.bf16 v5, v0;
	(v2sf) =	vpush v3, $0x7  }
0xd6: {  	v7 =	vld [tilespmem:s9+$0x30];
	v2 =	vadd.bf16 v2, v9;
	(v2sf) =	vpush v8, $0x7  }
0xd7: {  	v11 =	vld [tilespmem:s13+$0x30];
	v9 =	vunpack.i.u.bf16.f32 v0;
	v0 =	vunpack.i.l.bf16.f32 v0;
	(v2sf) =	vpush v8, $0x6  }
0xd8: {  	v5 =	vld [tilespmem:s17+$0x30];
	[tilespmem:s14+$0xFFFFFFA0] =	vst v0;
	(v2sf) =	vpush v3, $0x8  }
0xd9: {  	s17 =	rddreg [dreg:$0xc];
	[tilespmem:s14+$0xFFFFFFB0] =	vst v9;
	v9 =	vld [tilespmem:s18+$0x30];
	(v2sf) =	vpush v3, $0x9  }
0xda: {  	[smem:$0x7E8] =	sst s26;
	s26 =	smov.u32 s30;
	v0 =	vadd.bf16 v2, v1;
	v1 =	vld [tilespmem:s17+$0x30];
	(v2sf) =	vpush v8, $0x5  }
0xdb: {  	v2 =	vld [tilespmem:s26+$0x20];
	(v2sf) =	vpush v8, $0x4  }
0xdc: {  	s2 =	smov.u32 s3;
	v4 =	vadd.bf16 v6, v4;
	v6 =	vadd.bf16 v12, v10;
	v3 =	vld [tilespmem:s20+$0x30]  }
0xdd: {  	v10 =	vld [tilespmem:s2+$0x20];
	v5 =	vadd.bf16 v7, v5;
	v7 =	vadd.bf16 v13, v11;
	s12 =	spop (v2sf)  }
0xde: {  	(v2sf) =	vpush v8, $0x3;
	v11 =	vld [tilespmem:s12+$0x0];
	s6 =	spop (v2sf)  }
0xdf: {  	v4 =	vadd.bf16 v6, v4;
	v5 =	vadd.bf16 v7, v5;
	v53 =	vld [tilespmem:s6+$0x0];
	s17 =	spop (v2sf)  }
0xe0: {  	s8 =	smov.u32 s19;
	s19 =	smov.u32 s10;
	(v2sf) =	vpush v8, $0x2;
	v6 =	vld [tilespmem:s17+$0x0];
	s10 =	spop (v2sf)  }
0xe1: {  	[smem:$0x7ED] =	sst s2;
	v4 =	vadd.bf16 v5, v4;
	v3 =	vadd.bf16 v9, v3;
	v7 =	vld [tilespmem:s10+$0x0];
	s2 =	spop (v2sf)  }
0xe2: {  	(v2sf) =	vpush v8, $0x1;
	v5 =	vld [tilespmem:s2+$0x0];
	s9 =	spop (v2sf)  }
0xe3: {  	v3 =	vadd.bf16 v3, v4;
	(v2sf) =	vpush v8, $0x0;
	v9 =	vld [tilespmem:s9+$0x0];
	s13 =	spop (v2sf)  }
0xe4: {  	(v2sf) =	vpush v8, $0x9;
	v4 =	vld [tilespmem:s13+$0x0];
	s7 =	spop (v2sf)  }
0xe5: {  	[smem:$0x7EA] =	sst s16;
	v2 =	vadd.bf16 v10, v2;
	(v2sf) =	vpush v8, $0x8;
	v8 =	vunpack.i.u.bf16.f32 v3;
	v10 =	vld [tilespmem:s7+$0x0];
	s16 =	spop (v2sf)  }
0xe6: {  	v3 =	vunpack.i.l.bf16.f32 v3;
	[tilespmem:s14+$0x70] =	vst v8;
	v54 =	vld [tilespmem:s16+$0x0];
	s28 =	spop (v2sf)  }
0xe7: {  	[tilespmem:s14+$0x60] =	vst v3;
	v8 =	vld [tilespmem:s28+$0x0];
	s20 =	spop (v2sf)  }
0xe8: {  	v3 =	vld [tilespmem:s20+$0x0];
	s18 =	spop (v2sf)  }
0xe9: {  	v11 =	vadd.bf16 v53, v11;
	v6 =	vadd.bf16 v7, v6;
	v14 =	vld [tilespmem:s18+$0x0];
	s1 =	spop (v2sf)  }
0xea: {  	v5 =	vadd.bf16 v9, v5;
	v7 =	vld [tilespmem:s1+$0x0];
	v4 =	vadd.bf16 v10, v4;
	s22 =	spop (v2sf)  }
0xeb: {  	s0 =	smov.u32 s24;
	v9 =	vld [tilespmem:s22+$0x0]  }
0xec: {  	v6 =	vadd.bf16 v6, v11;
	v10 =	vld [tilespmem:s0+$0x20];
	v4 =	vadd.bf16 v4, v5  }
0xed: {  	v5 =	vld [tilespmem:s8+$0x20];
	s24 =	spop (v2sf)  }
0xee: {  	v11 =	vld [tilespmem:s24+$0x0];
	v3 =	vadd.bf16 v14, v3;
	v4 =	vadd.bf16 v4, v6  }
0xef: {  	v8 =	vadd.bf16 v54, v8;
	s29 =	spop (v2sf);
	v6 =	vld [tilespmem:s19+$0x20]  }
0xf0: {  	v55 =	vld [tilespmem:s29+$0x0];
	v7 =	vadd.bf16 v7, v9;
	v3 =	vadd.bf16 v3, v4  }
0xf1: {  	[smem:$0x7E9] =	sst s31;
	s31 =	spop (v2sf);
	v4 =	vld [tilespmem:s5+$0x20]  }
0xf2: {  	s14 =	sadd.s32 $0x100, s14;
	v9 =	vld [tilespmem:s31+$0x0];
	s30 =	spop (v2sf);
	v7 =	vadd.bf16 v8, v7;
	v8 =	vunpack.i.l.bf16.f32 v3  }
0xf3: {  	v5 =	vadd.bf16 v10, v5;
	v10 =	vld [tilespmem:s30+$0x0];
	v3 =	vunpack.i.u.bf16.f32 v3;
	s11 =	spop (v2sf);
	[tilespmem:s14+$0x0] =	vst v8  }
0xf4: {  	v8 =	vld [tilespmem:s11+$0x0];
	[tilespmem:s14+$0x10] =	vst v3  }
0xf5: {  	v2 =	vadd.bf16 v5, v2;
	v5 =	vld [tilespmem:s12+$0x10]  }
0xf6: {  	v3 =	vadd.bf16 v11, v55;
	v11 =	vld [tilespmem:s6+$0x10]  }
0xf7: {  	v56 =	vld [tilespmem:s2+$0x10]  }
0xf8: {  	[dreg:$0xc] =	wrdreg s19;
	s19 =	smov.u32 s5;
	s5 =	spop (v2sf);
	v57 =	vld [tilespmem:s13+$0x10]  }
0xf9: {  	v58 =	vld [tilespmem:s5+$0x0];
	v9 =	vadd.bf16 v9, v10  }
0xfa: {  	v4 =	vadd.bf16 v4, v6;
	v6 =	vld [tilespmem:s17+$0x10]  }
0xfb: {  	v10 =	vld [tilespmem:s10+$0x10];
	v3 =	vadd.bf16 v3, v9  }
0xfc: {  	v9 =	vld [tilespmem:s9+$0x10]  }
0xfd: {  	v3 =	vadd.bf16 v7, v3;
	v7 =	vld [tilespmem:s7+$0x10];
	_ =	sdelay $0x1  }
0xfe: {  	[smem:$0x7EB] =	sst s0  }
0xff: {  	[dreg:$0xd] =	wrdreg s26;
	v5 =	vadd.bf16 v11, v5  }
0x100: {  	s25 =	sadd.s32 $0x2, s25;
	s26 =	rddreg [dreg:$0x1f];
	v8 =	vadd.bf16 v8, v58;
	v6 =	vadd.bf16 v10, v6  }
0x101: {  	p2 =	slt.u32 s25, $0x1E;
	s21 =	rddreg [dreg:$0x3];
	v15 =	vld [tilespmem:s26+$0x20];
	v9 =	vadd.bf16 v9, v56;
	v7 =	vadd.bf16 v7, v57  }
0x102: {  	s0 =	smov.u32 s25;
	s25 =	sld [smem:$0x7E8];
	v3 =	vadd.bf16 v8, v3;
	v8 =	vld [tilespmem:s21+$0x30];
	s21 =	smov.u32 s19  }
0x103: {  	v16 =	vld [tilespmem:s20+$0x10];
	v5 =	vadd.bf16 v6, v5;
	[dreg:$0x3] =	wrdreg s21;
	v6 =	vadd.bf16 v7, v9  }
0x104: {  	v17 =	vld [tilespmem:s18+$0x10];
	s21 =	rddreg [dreg:$0xa]  }
0x105: {  	v5 =	vadd.bf16 v6, v5;
	v6 =	vld [tilespmem:s21+$0x30];
	s21 =	smov.u32 s26;
	s26 =	rddreg [dreg:$0x14]  }
0x106: {  	s3 =	sld [smem:$0x7E9];
	v60 =	vld [tilespmem:s26+$0x30];
	s26 =	smov.u32 s25  }
0x107: {  	v10 =	vld [tilespmem:s25+$0x20];
	[dreg:$0x14] =	wrdreg s26  }
0x108: {  	v11 =	vld [tilespmem:s15+$0x20];
	s26 =	smov.u32 s16;
	s16 =	sld [smem:$0x7EA]  }
0x109: {  	v59 =	vunpack.i.u.bf16.f32 v3;
	v3 =	vunpack.i.l.bf16.f32 v3;
	v7 =	vld [tilespmem:s3+$0x20];
	v9 =	vadd.bf16 v17, v16  }
0x10a: {  	[tilespmem:s14+$0xFFFFFF80] =	vst v3  }
0x10b: {  	s19 =	smov.u32 s1;
	v3 =	vadd.bf16 v9, v5;
	v5 =	vld [tilespmem:s16+$0x30];
	s16 =	smov.u32 s15  }
0x10c: {  	v10 =	vadd.bf16 v10, v15;
	s15 =	smov.u32 s5;
	s5 =	smov.u32 s19;
	[tilespmem:s14+$0xFFFFFF90] =	vst v59;
	s19 =	rddreg [dreg:$0xb]  }
0x10d: {  	v9 =	vld [tilespmem:s19+$0x30]  }
0x10e: {  	v4 =	vadd.bf16 v10, v4;
	s25 =	smov.u32 s0;
	s0 =	smov.u32 s3;
	s3 =	smov.u32 s31;
	v7 =	vadd.bf16 v7, v11;
	v11 =	vunpack.i.l.bf16.f32 v3;
	v10 =	vld [tilespmem:s30+$0x10]  }
0x10f: {  	v1 =	vadd.bf16 v8, v1;
	v3 =	vunpack.i.u.bf16.f32 v3;
	[tilespmem:s14+$0x20] =	vst v11;
	v8 =	vld [tilespmem:s3+$0x10]  }
0x110: {  	[tilespmem:s14+$0x30] =	vst v3;
	v11 =	vld [tilespmem:s29+$0x10]  }
0x111: {  	v2 =	vadd.bf16 v4, v2;
	v3 =	vadd.bf16 v60, v6;
	v4 =	vld [tilespmem:s12+$0x20]  }
0x112: {  	v6 =	vld [tilespmem:s6+$0x20]  }
0x113: {  	v2 =	vadd.bf16 v7, v2;
	v7 =	vld [tilespmem:s17+$0x20];
	v3 =	vadd.bf16 v3, v1  }
0x114: {  	v61 =	vld [tilespmem:s13+$0x20]  }
0x115: {  	s19 =	smov.u32 s29;
	s29 =	smov.u32 s10;
	v62 =	vld [tilespmem:s7+$0x20];
	v0 =	vadd.bf16 v3, v0;
	v5 =	vadd.bf16 v9, v5  }
0x116: {  	[smem:$0x7EC] =	sst s8;
	v9 =	vunpack.i.u.bf16.f32 v2;
	v2 =	vunpack.i.l.bf16.f32 v2;
	v1 =	vadd.bf16 v8, v10;
	v8 =	vld [tilespmem:s29+$0x20]  }
0x117: {  	s8 =	rddreg [dreg:$0x1e];
	v10 =	vld [tilespmem:s2+$0x20];
	[tilespmem:s23+$0xFFFFFFC0] =	vst v2;
	v0 =	vadd.bf16 v5, v0  }
0x118: {  	s1 =	sld [smem:$0x7EB];
	[tilespmem:s23+$0xFFFFFFD0] =	vst v9;
	v9 =	vld [tilespmem:s9+$0x20]  }
0x119: {  	[dreg:$0xa] =	wrdreg s21;
	v63 =	vld [tilespmem:s24+$0x10];
	v2 =	vunpack.i.u.bf16.f32 v0;
	v0 =	vunpack.i.l.bf16.f32 v0  }
.Ltmp2:
0x11a: {  	s21 =	smov.u32 s28;
	s28 =	sld [smem:$0x7EC];
	v3 =	vld [tilespmem:s18+$0x20];
	[tilespmem:s8+$0xFFFFFFE0] =	vst v0;
	(pc) =	sbr.rel @p2 .LBB2_3-.Ltmp2, $4  }
0x11b: {  	s4 =	sadd.s32 $0x100, s4;
	[dreg:$0x1f] =	wrdreg s21;
	v0 =	vld [tilespmem:s22+$0x10]  }
0x11c: {  	s31 =	smov.u32 s11;
	s11 =	smov.u32 s17;
	[dreg:$0xb] =	wrdreg s0;
	v6 =	vadd.bf16 v6, v4;
	[tilespmem:s8+$0xFFFFFFF0] =	vst v2;
	v2 =	vld [tilespmem:s20+$0x20]  }
0x11d: {  	s10 =	smov.u32 s22;
	v7 =	vadd.bf16 v8, v7;
	s8 =	sld [smem:$0x7ED];
	s22 =	smov.u32 s23;
	v8 =	vadd.bf16 v9, v10;
	v5 =	vld [tilespmem:s5+$0x10]  }
0x11e: {  	s17 =	smov.u32 s2;
	s23 =	smov.u32 s14;
	v10 =	vadd.bf16 v62, v61;
	[dreg:$0x1e] =	wrdreg s22;
	v4 =	vld [tilespmem:s21+$0x10];
	v9 =	vadd.bf16 v63, v11  }
0x11f: {  	v11 =	vld [tilespmem:s26+$0x10];
	_ =	sdelay $0x2  }
0x120: {  	v12 =	vld [tilespmem:s15+$0x10]  }
0x121: {  	v6 =	vadd.bf16 v7, v6;
	v7 =	vadd.bf16 v10, v8;
	v8 =	vld [tilespmem:s31+$0x10]  }
0x122: {  	v0 =	vadd.bf16 v5, v0;
	v4 =	vadd.bf16 v11, v4  }
0x123: {  	v2 =	vadd.bf16 v3, v2;
	v3 =	vadd.bf16 v7, v6  }
0x124: {  	v1 =	vadd.bf16 v9, v1;
	v0 =	vadd.bf16 v4, v0  }
0x125: {  	v2 =	vadd.bf16 v2, v3  }
0x126: {  	v3 =	vadd.bf16 v8, v12;
	v0 =	vadd.bf16 v0, v1  }
0x127: {  	v60 =	vld [tilespmem:s16+$0x30]  }
0x128: {  	v4 =	vld [tilespmem:s8+$0x30];
	v5 =	vunpack.i.l.bf16.f32 v2;
	v0 =	vadd.bf16 v3, v0  }
0x129: {  	s0 =	rddreg [dreg:$0xd];
	v2 =	vunpack.i.u.bf16.f32 v2;
	[tilespmem:s14+$0x40] =	vst v5;
	v5 =	vld [tilespmem:s1+$0x30]  }
0x12a: {  	[tilespmem:s14+$0x50] =	vst v2;
	v1 =	vld [tilespmem:s0+$0x30];
	v2 =	vunpack.i.l.bf16.f32 v0  }
0x12b: {  	v6 =	vld [tilespmem:s12+$0x30];
	v0 =	vunpack.i.u.bf16.f32 v0;
	[tilespmem:s14+$0xFFFFFFA0] =	vst v2  }
0x12c: {  	v14 =	vld [tilespmem:s11+$0x30];
	[tilespmem:s14+$0xFFFFFFB0] =	vst v0  }
0x12d: {  	v0 =	vld [tilespmem:s30+$0x20]  }
0x12e: {  	v7 =	vld [tilespmem:s3+$0x20]  }
0x12f: {  	v8 =	vld [tilespmem:s19+$0x20]  }
0x130: {  	v9 =	vld [tilespmem:s24+$0x20]  }
0x131: {  	v10 =	vld [tilespmem:s10+$0x20]  }
0x132: {  	s25 =	smov.u32 s26;
	v11 =	vld [tilespmem:s5+$0x20]  }
0x133: {  	s12 =	rddreg [dreg:$0x1f];
	v13 =	vld [tilespmem:s25+$0x20]  }
0x134: {  	v56 =	vld [tilespmem:s12+$0x20]  }
0x135: {  	v15 =	vld [tilespmem:s29+$0x30]  }
0x136: {  	v57 =	vld [tilespmem:s9+$0x30]  }
0x137: {  	v16 =	vld [tilespmem:s15+$0x20]  }
0x138: {  	v0 =	vadd.bf16 v7, v0;
	v7 =	vadd.bf16 v9, v8;
	v8 =	vld [tilespmem:s31+$0x20]  }
0x139: {  	v58 =	vld [tilespmem:s13+$0x30];
	v10 =	vadd.bf16 v11, v10;
	v11 =	vadd.bf16 v13, v56  }
0x13a: {  	v59 =	vld [tilespmem:s18+$0x30]  }
0x13b: {  	v3 =	vld [tilespmem:s28+$0x30];
	v0 =	vadd.bf16 v7, v0;
	v7 =	vadd.bf16 v11, v10  }
0x13c: {  	v2 =	vld [tilespmem:s6+$0x30];
	s22 =	rddreg [dreg:$0xa]  }
0x13d: {  	s1 =	rddreg [dreg:$0x14];
	v17 =	vld [tilespmem:s22+$0x30];
	v8 =	vadd.bf16 v8, v16;
	v0 =	vadd.bf16 v7, v0  }
0x13e: {  	v19 =	vld [tilespmem:s1+$0x30]  }
0x13f: {  	v9 =	vld [tilespmem:s17+$0x30];
	v0 =	vadd.bf16 v8, v0  }
0x140: {  	s17 =	rddreg [dreg:$0xc];
	v10 =	vld [tilespmem:s7+$0x30]  }
0x141: {  	v11 =	vld [tilespmem:s17+$0x30];
	v18 =	vunpack.i.l.bf16.f32 v0  }
0x142: {  	s21 =	rddreg [dreg:$0x3];
	v7 =	vld [tilespmem:s20+$0x30];
	v0 =	vunpack.i.u.bf16.f32 v0;
	[tilespmem:s23+$0xFFFFFFC0] =	vst v18  }
0x143: {  	v8 =	vld [tilespmem:s21+$0x30];
	[tilespmem:s23+$0xFFFFFFD0] =	vst v0  }
0x144: {  	v0 =	vld [tilespmem:s30+$0x30]  }
0x145: {  	v20 =	vld [tilespmem:s3+$0x30]  }
0x146: {  	v2 =	vadd.bf16 v2, v6;
	v6 =	vadd.bf16 v15, v14;
	v61 =	vld [tilespmem:s19+$0x30]  }
0x147: {  	v9 =	vadd.bf16 v57, v9;
	v10 =	vadd.bf16 v10, v58;
	v62 =	vld [tilespmem:s24+$0x30]  }
0x148: {  	v63 =	vld [tilespmem:s10+$0x30]  }
0x149: {  	v2 =	vadd.bf16 v6, v2;
	v6 =	vadd.bf16 v10, v9;
	v9 =	vld [tilespmem:s5+$0x30]  }
0x14a: {  	v1 =	vadd.bf16 v4, v1;
	v3 =	vadd.bf16 v5, v3;
	v4 =	vld [tilespmem:s12+$0x30]  }
0x14b: {  	v5 =	vadd.bf16 v59, v7;
	s2 =	rddreg [dreg:$0xb];
	v2 =	vadd.bf16 v6, v2;
	v6 =	vld [tilespmem:s25+$0x30]  }
0x14c: {  	v10 =	vadd.bf16 v19, v17;
	v7 =	vld [tilespmem:s2+$0x30];
	v8 =	vadd.bf16 v8, v11  }
0x14d: {  	v1 =	vadd.bf16 v3, v1  }
0x14e: {  	v2 =	vadd.bf16 v5, v2;
	v3 =	vadd.bf16 v10, v8;
	v5 =	vld [tilespmem:s15+$0x30]  }
0x14f: {  	v10 =	vld [tilespmem:s31+$0x30];
	v0 =	vadd.bf16 v20, v0;
	v8 =	vadd.bf16 v62, v61  }
0x150: {  	v9 =	vadd.bf16 v9, v63;
	v4 =	vadd.bf16 v6, v4  }
0x151: {  	v1 =	vadd.bf16 v3, v1;
	v6 =	vadd.bf16 v7, v60  }
0x152: {  	v0 =	vadd.bf16 v8, v0;
	v3 =	vadd.bf16 v4, v9  }
0x153: {  	v1 =	vadd.bf16 v6, v1;
	v4 =	vunpack.i.u.bf16.f32 v2  }
0x154: {  	v5 =	vadd.bf16 v10, v5;
	v2 =	vunpack.i.l.bf16.f32 v2;
	[tilespmem:s14+$0x70] =	vst v4;
	v0 =	vadd.bf16 v3, v0  }
0x155: {  	[tilespmem:s14+$0x60] =	vst v2  }
0x156: {  	v2 =	vunpack.i.l.bf16.f32 v1;
	s3 =	rddreg [dreg:$0x1e];
	v0 =	vadd.bf16 v5, v0  }
0x157: {  	v1 =	vunpack.i.u.bf16.f32 v1;
	[tilespmem:s3+$0xFFFFFFE0] =	vst v2  }
0x158: {  	[tilespmem:s3+$0xFFFFFFF0] =	vst v1;
	v1 =	vunpack.i.l.bf16.f32 v0  }
0x159: {  	v0 =	vunpack.i.u.bf16.f32 v0;
	[tilespmem:s23+$0xFFFFFFE0] =	vst v1  }
0x15a: {  	s4 =	rddreg [dreg:$0x1];
	[tilespmem:s23+$0xFFFFFFF0] =	vst v0  }
0x15b: {  	s5 =	sld [smem:$0x7F2]  }
0x15c: {  	s7 =	sld [smem:$0x7FD]  }
0x15d: {  	s8 =	sld [smem:$0x7F1]  }
0x15e: {  	s6 =	simm.s32 $0x0;
	s2 =	simm.s32 $0x12400;
	s0 =	sadd.s32 s4, s5  }
0x15f: {  	[hbm4b:s0+s6] =	stream.linear.scatter [tilespmem:s2], [sflag:$0x3], $0x1000, $0x38;
	[tilespmem:$0x14400] =	vst v63  }
0x160: {  	s9 =	simm.s32 $0x10400;
	s10 =	simm.s32 $0x2;
	s0 =	sadd.s32 s7, s8  }
0x161: {  	[tilespmem:s9], [sflag:$0x1] =	stream.linear.gather [hbm4b:s0+s6], $0x1000, $0x38;
	[tilespmem:$0x14400] =	vst v63  }
0x162: {  	_ =	swait.ge [sflag:s10], $0x1000  }
0x163: {  	[sflag:s10] =	ssyncset.done $0x0  }
0x164: {  	s0 =	simm.s32 @!p1 $0x4;
	[sflag:s10] =	ssyncadd.s32 $0xFFFFF000  }
0x165: {  	_ =	swait.ge @!p1 [sflag:s0], $0x1000  }
0x166: {  	[sflag:s0] =	ssyncset.done @!p1 $0x0  }
0x167: {  	s11 =	simm.s32 $0x11480;
	[sflag:s0] =	ssyncadd.s32 @!p1 $0xFFFFF000  }
0x168: {  	v0 =	vld [tilespmem:s11+$0x0];
	_ =	sdelay $0x4  }
0x169: {  	v0 =	vshll.u32 v0, $0x6  }
0x16a: {  	(v2sf) =	vpush v0, $0x0  }
0x16b: {  	(v2sf) =	vpush v0, $0x1  }
0x16c: {  	v1 =	vld [tilespmem:s11+$0xFFFFFF80];
	(v2sf) =	vpush v0, $0x2  }
0x16d: {  	(v2sf) =	vpush v0, $0x3  }
0x16e: {  	(v2sf) =	vpush v0, $0x4  }
0x16f: {  	(v2sf) =	vpush v0, $0x5  }
0x170: {  	(v2sf) =	vpush v0, $0x6  }
0x171: {  	v1 =	vshll.u32 v1, $0x6;
	(v2sf) =	vpush v0, $0x7  }
0x172: {  	(v2sf) =	vpush v1, $0x7  }
0x173: {  	(v2sf) =	vpush v1, $0x6  }
0x174: {  	(v2sf) =	vpush v0, $0x8  }
0x175: {  	(v2sf) =	vpush v0, $0x9;
	_ =	sdelay $0x3  }
0x176: {  	s12 =	spop (v2sf)  }
0x177: {  	v0 =	vld [tilespmem:s12+$0x0];
	s13 =	spop (v2sf)  }
0x178: {  	v2 =	vld [tilespmem:s13+$0x0];
	s14 =	spop (v2sf)  }
0x179: {  	v3 =	vld [tilespmem:s14+$0x0];
	s0 =	spop (v2sf)  }
0x17a: {  	v4 =	vld [tilespmem:s0+$0x0];
	s2 =	spop (v2sf)  }
0x17b: {  	v5 =	vld [tilespmem:s2+$0x0];
	s4 =	spop (v2sf)  }
0x17c: {  	v6 =	vld [tilespmem:s4+$0x0];
	s3 =	spop (v2sf)  }
0x17d: {  	v7 =	vld [tilespmem:s3+$0x0];
	s15 =	spop (v2sf)  }
0x17e: {  	v8 =	vld [tilespmem:s15+$0x0];
	s19 =	spop (v2sf)  }
0x17f: {  	s5 =	spop (v2sf)  }
0x180: {  	s20 =	spop (v2sf)  }
0x181: {  	v9 =	vld [tilespmem:s20+$0x0];
	s22 =	spop (v2sf)  }
0x182: {  	v0 =	vadd.bf16 v2, v0;
	v2 =	vadd.bf16 v4, v3;
	v10 =	vld [tilespmem:s22+$0x0]  }
0x183: {  	v3 =	vadd.bf16 v6, v5;
	v4 =	vadd.bf16 v8, v7;
	_ =	sdelay $0x1  }
0x184: {  	v0 =	vadd.bf16 v2, v0;
	v2 =	vadd.bf16 v4, v3;
	_ =	sdelay $0x1  }
0x185: {  	v3 =	vadd.bf16 v10, v9;
	v0 =	vadd.bf16 v2, v0  }
0x186: {  	(v2sf) =	vpush v1, $0x5  }
0x187: {  	(v2sf) =	vpush v1, $0x4;
	v0 =	vadd.bf16 v3, v0  }
0x188: {  	(v2sf) =	vpush v1, $0x3  }
0x189: {  	s10 =	simm.s32 $0x13480;
	(v2sf) =	vpush v1, $0x2;
	v2 =	vunpack.i.l.bf16.f32 v0  }
0x18a: {  	(v2sf) =	vpush v1, $0x1;
	v0 =	vunpack.i.u.bf16.f32 v0;
	[tilespmem:s10+$0x0] =	vst v2  }
0x18b: {  	(v2sf) =	vpush v1, $0x0;
	[tilespmem:s10+$0x10] =	vst v0  }
0x18c: {  	(v2sf) =	vpush v1, $0x9;
	v0 =	vld [tilespmem:s12+$0x10]  }
0x18d: {  	v2 =	vld [tilespmem:s13+$0x10]  }
0x18e: {  	v3 =	vld [tilespmem:s14+$0x10]  }
0x18f: {  	v4 =	vld [tilespmem:s0+$0x10]  }
0x190: {  	v5 =	vld [tilespmem:s2+$0x10]  }
0x191: {  	v6 =	vld [tilespmem:s4+$0x10]  }
0x192: {  	(v2sf) =	vpush v1, $0x8;
	v1 =	vld [tilespmem:s3+$0x10]  }
0x193: {  	v7 =	vld [tilespmem:s15+$0x10];
	_ =	sdelay $0x1  }
0x194: {  	s29 =	spop (v2sf);
	v8 =	vld [tilespmem:s20+$0x10]  }
0x195: {  	s11 =	spop (v2sf);
	v9 =	vld [tilespmem:s22+$0x10]  }
0x196: {  	s16 =	spop (v2sf);
	v0 =	vadd.bf16 v2, v0;
	v2 =	vadd.bf16 v4, v3  }
0x197: {  	s23 =	spop (v2sf);
	v3 =	vld [tilespmem:s19+$0x0];
	[dreg:$0x15] =	wrdreg s19;
	v4 =	vadd.bf16 v6, v5;
	v1 =	vadd.bf16 v7, v1  }
0x198: {  	s8 =	spop (v2sf);
	v5 =	vld [tilespmem:s5+$0x0]  }
0x199: {  	s24 =	spop (v2sf);
	v6 =	vld [tilespmem:s29+$0x0];
	v0 =	vadd.bf16 v2, v0;
	v1 =	vadd.bf16 v1, v4  }
0x19a: {  	s25 =	spop (v2sf);
	v7 =	vadd.bf16 v9, v8;
	v8 =	vld [tilespmem:s8+$0x0]  }
0x19b: {  	v10 =	vld [tilespmem:s25+$0x0];
	v0 =	vadd.bf16 v1, v0  }
0x19c: {  	v2 =	vld [tilespmem:s11+$0x0]  }
0x19d: {  	v4 =	vld [tilespmem:s16+$0x0];
	v0 =	vadd.bf16 v7, v0  }
0x19e: {  	v1 =	vld [tilespmem:s23+$0x0]  }
0x19f: {  	v7 =	vld [tilespmem:s24+$0x0];
	[dreg:$0x16] =	wrdreg s25;
	v9 =	vunpack.i.l.bf16.f32 v0  }
0x1a0: {  	s21 =	spop (v2sf);
	v0 =	vunpack.i.u.bf16.f32 v0;
	[tilespmem:s10+$0x20] =	vst v9  }
0x1a1: {  	v9 =	vld [tilespmem:s21+$0x0];
	[tilespmem:s10+$0x30] =	vst v0  }
0x1a2: {  	v0 =	vadd.bf16 v3, v5;
	v3 =	vld [tilespmem:s12+$0x20]  }
0x1a3: {  	v2 =	vadd.bf16 v6, v2;
	v5 =	vld [tilespmem:s13+$0x20]  }
0x1a4: {  	v1 =	vadd.bf16 v4, v1;
	v6 =	vld [tilespmem:s14+$0x20];
	v4 =	vadd.bf16 v8, v7  }
0x1a5: {  	v0 =	vadd.bf16 v0, v2;
	v2 =	vld [tilespmem:s0+$0x20]  }
0x1a6: {  	v7 =	vld [tilespmem:s4+$0x20];
	v1 =	vadd.bf16 v1, v4  }
0x1a7: {  	v8 =	vld [tilespmem:s3+$0x20]  }
0x1a8: {  	s26 =	simm.s32 $0x11580;
	v4 =	vld [tilespmem:s2+$0x20];
	v0 =	vadd.bf16 v0, v1;
	v1 =	vadd.bf16 v10, v9  }
0x1a9: {  	v9 =	vld [tilespmem:s26+$0x0]  }
0x1aa: {  	v0 =	vadd.bf16 v1, v0;
	v1 =	vld [tilespmem:s15+$0x20];
	_ =	sdelay $0x1  }
0x1ab: {  	v10 =	vunpack.i.l.bf16.f32 v0  }
0x1ac: {  	v11 =	vld [tilespmem:s20+$0x20];
	v0 =	vunpack.i.u.bf16.f32 v0;
	[tilespmem:s10+$0xFFFFFF80] =	vst v10  }
0x1ad: {  	v2 =	vadd.bf16 v2, v6;
	v10 =	vld [tilespmem:s22+$0x20];
	[tilespmem:s10+$0xFFFFFF90] =	vst v0;
	v0 =	vadd.bf16 v5, v3  }
0x1ae: {  	v4 =	vadd.bf16 v7, v4;
	v6 =	vshll.u32 v9, $0x6;
	v3 =	vld [tilespmem:s24+$0x10];
	v1 =	vadd.bf16 v1, v8  }
0x1af: {  	v5 =	vld [tilespmem:s8+$0x10];
	(v2sf) =	vpush v6, $0x0;
	v0 =	vadd.bf16 v2, v0  }
0x1b0: {  	v7 =	vld [tilespmem:s23+$0x10];
	(v2sf) =	vpush v6, $0x1;
	v1 =	vadd.bf16 v1, v4  }
0x1b1: {  	v9 =	vld [tilespmem:s11+$0x10];
	(v2sf) =	vpush v6, $0x2  }
0x1b2: {  	v8 =	vld [tilespmem:s26+$0xFFFFFF80];
	v2 =	vadd.bf16 v10, v11;
	v0 =	vadd.bf16 v1, v0  }
0x1b3: {  	v20 =	vld [tilespmem:s19+$0x10];
	(v2sf) =	vpush v6, $0x3  }
0x1b4: {  	v21 =	vld [tilespmem:s21+$0x10];
	(v2sf) =	vpush v6, $0x4;
	v0 =	vadd.bf16 v2, v0  }
0x1b5: {  	v22 =	vld [tilespmem:s25+$0x10];
	(v2sf) =	vpush v6, $0x5  }
0x1b6: {  	v4 =	vld [tilespmem:s16+$0x10];
	(v2sf) =	vpush v6, $0x6;
	v1 =	vunpack.i.l.bf16.f32 v0  }
0x1b7: {  	v10 =	vld [tilespmem:s29+$0x10];
	v8 =	vshll.u32 v8, $0x6;
	(v2sf) =	vpush v6, $0x7;
	v0 =	vunpack.i.u.bf16.f32 v0;
	[tilespmem:s10+$0x40] =	vst v1  }
0x1b8: {  	v11 =	vld [tilespmem:s5+$0x10];
	(v2sf) =	vpush v8, $0x7;
	[tilespmem:s10+$0x50] =	vst v0  }
0x1b9: {  	(v2sf) =	vpush v8, $0x6;
	v0 =	vld [tilespmem:s12+$0x30]  }
0x1ba: {  	(v2sf) =	vpush v6, $0x8;
	v1 =	vld [tilespmem:s13+$0x30]  }
0x1bb: {  	v2 =	vld [tilespmem:s14+$0x30];
	(v2sf) =	vpush v6, $0x9  }
0x1bc: {  	v3 =	vadd.bf16 v5, v3;
	v4 =	vadd.bf16 v4, v7;
	v6 =	vld [tilespmem:s0+$0x30]  }
0x1bd: {  	v7 =	vadd.bf16 v10, v9;
	v9 =	vadd.bf16 v20, v11;
	v5 =	vld [tilespmem:s2+$0x30]  }
0x1be: {  	v10 =	vld [tilespmem:s4+$0x30]  }
0x1bf: {  	v3 =	vadd.bf16 v4, v3;
	v4 =	vld [tilespmem:s3+$0x30];
	v7 =	vadd.bf16 v9, v7;
	s9 =	spop (v2sf)  }
0x1c0: {  	v11 =	vadd.bf16 v22, v21;
	(v2sf) =	vpush v8, $0x5;
	v9 =	vld [tilespmem:s9+$0x0];
	s19 =	spop (v2sf)  }
0x1c1: {  	v3 =	vadd.bf16 v7, v3;
	(v2sf) =	vpush v8, $0x4;
	v23 =	vld [tilespmem:s19+$0x0];
	s6 =	spop (v2sf)  }
0x1c2: {  	(v2sf) =	vpush v8, $0x3;
	v7 =	vld [tilespmem:s6+$0x0];
	s13 =	spop (v2sf)  }
0x1c3: {  	v3 =	vadd.bf16 v11, v3;
	(v2sf) =	vpush v8, $0x2;
	v24 =	vld [tilespmem:s13+$0x0];
	s7 =	spop (v2sf)  }
0x1c4: {  	(v2sf) =	vpush v8, $0x1;
	v11 =	vld [tilespmem:s7+$0x0];
	s17 =	spop (v2sf)  }
0x1c5: {  	v26 =	vunpack.i.l.bf16.f32 v3;
	(v2sf) =	vpush v8, $0x0;
	v25 =	vld [tilespmem:s17+$0x0];
	s18 =	spop (v2sf)  }
0x1c6: {  	s1 =	smov.u32 s24;
	v3 =	vunpack.i.u.bf16.f32 v3;
	[tilespmem:s10+$0xFFFFFFA0] =	vst v26;
	(v2sf) =	vpush v8, $0x9;
	v27 =	vld [tilespmem:s18+$0x0];
	s24 =	spop (v2sf)  }
0x1c7: {  	[tilespmem:s10+$0xFFFFFFB0] =	vst v3;
	v28 =	vld [tilespmem:s24+$0x0];
	s4 =	spop (v2sf)  }
0x1c8: {  	v29 =	vld [tilespmem:s15+$0x30];
	[dreg:$0x11] =	wrdreg s1;
	s31 =	spop (v2sf)  }
0x1c9: {  	v3 =	vld [tilespmem:s1+$0x20];
	s3 =	spop (v2sf)  }
0x1ca: {  	v30 =	vld [tilespmem:s3+$0x0];
	s25 =	spop (v2sf)  }
0x1cb: {  	v9 =	vadd.bf16 v23, v9;
	v7 =	vadd.bf16 v24, v7;
	v31 =	vld [tilespmem:s25+$0x0]  }
0x1cc: {  	v32 =	vld [tilespmem:s20+$0x30];
	v11 =	vadd.bf16 v25, v11;
	v33 =	vadd.bf16 v28, v27  }
0x1cd: {  	v34 =	vld [tilespmem:s22+$0x30]  }
0x1ce: {  	v35 =	vld [tilespmem:s4+$0x0];
	v7 =	vadd.bf16 v7, v9;
	v9 =	vadd.bf16 v33, v11  }
0x1cf: {  	(v2sf) =	vpush v8, $0x8;
	v8 =	vld [tilespmem:s31+$0x0];
	s0 =	spop (v2sf)  }
0x1d0: {  	v11 =	vld [tilespmem:s0+$0x0];
	s26 =	spop (v2sf);
	v36 =	vadd.bf16 v31, v30;
	v7 =	vadd.bf16 v9, v7  }
0x1d1: {  	v9 =	vld [tilespmem:s26+$0x0];
	s12 =	spop (v2sf)  }
0x1d2: {  	s2 =	smov.u32 s23;
	v37 =	vld [tilespmem:s12+$0x0];
	s23 =	spop (v2sf);
	v7 =	vadd.bf16 v36, v7  }
0x1d3: {  	v38 =	vld [tilespmem:s23+$0x0];
	s30 =	spop (v2sf)  }
0x1d4: {  	s1 =	smov.u32 s4;
	s22 =	simm.s32 $0x13580;
	v39 =	vld [tilespmem:s30+$0x0];
	s4 =	spop (v2sf);
	v40 =	vunpack.i.l.bf16.f32 v7  }
0x1d5: {  	v41 =	vld [tilespmem:s4+$0x0];
	v7 =	vunpack.i.u.bf16.f32 v7;
	s14 =	spop (v2sf);
	[tilespmem:s22+$0x0] =	vst v40  }
0x1d6: {  	v42 =	vld [tilespmem:s14+$0x0];
	[tilespmem:s22+$0x10] =	vst v7  }
0x1d7: {  	v7 =	vld [tilespmem:s9+$0x10]  }
0x1d8: {  	v21 =	vld [tilespmem:s19+$0x10]  }
0x1d9: {  	v22 =	vld [tilespmem:s6+$0x10]  }
0x1da: {  	v23 =	vld [tilespmem:s13+$0x10]  }
0x1db: {  	v24 =	vld [tilespmem:s7+$0x10]  }
0x1dc: {  	v25 =	vld [tilespmem:s17+$0x10]  }
0x1dd: {  	v26 =	vld [tilespmem:s18+$0x10]  }
0x1de: {  	v8 =	vadd.bf16 v35, v8;
	v9 =	vadd.bf16 v11, v9;
	s15 =	spop (v2sf);
	v11 =	vld [tilespmem:s24+$0x10]  }
0x1df: {  	v44 =	vld [tilespmem:s15+$0x0];
	v13 =	vadd.bf16 v37, v38;
	v43 =	vadd.bf16 v39, v41  }
0x1e0: {  	v45 =	vld [tilespmem:s8+$0x20];
	s20 =	smov.u32 s14;
	s14 =	smov.u32 s15  }
0x1e1: {  	v50 =	vld [tilespmem:s2+$0x20];
	s15 =	smov.u32 s6;
	s6 =	smov.u32 s7;
	s7 =	smov.u32 s9;
	v8 =	vadd.bf16 v8, v9;
	v9 =	vadd.bf16 v13, v43  }
0x1e2: {  	v51 =	vld [tilespmem:s11+$0x20];
	s9 =	smov.u32 s13;
	s13 =	smov.u32 s17;
	s17 =	smov.u32 s19;
	v7 =	vadd.bf16 v21, v7;
	v47 =	vadd.bf16 v23, v22  }
0x1e3: {  	s19 =	smov.u32 s18;
	s18 =	smov.u32 s24;
	s24 =	smov.u32 s3;
	v48 =	vld [tilespmem:s25+$0x10];
	v49 =	vadd.bf16 v25, v24;
	v11 =	vadd.bf16 v11, v26  }
0x1e4: {  	v46 =	vld [tilespmem:s24+$0x10];
	v16 =	vadd.bf16 v42, v44;
	v8 =	vadd.bf16 v8, v9  }
0x1e5: {  	v9 =	vld [tilespmem:s16+$0x20];
	v7 =	vadd.bf16 v47, v7;
	[dreg:$0x4] =	wrdreg s29  }
0x1e6: {  	v11 =	vadd.bf16 v11, v49;
	v52 =	vld [tilespmem:s29+$0x20];
	[dreg:$0xe] =	wrdreg s5;
	v8 =	vadd.bf16 v16, v8  }
0x1e7: {  	v53 =	vld [tilespmem:s5+$0x20];
	s5 =	rddreg [dreg:$0x15]  }
0x1e8: {  	v7 =	vadd.bf16 v11, v7;
	v11 =	vld [tilespmem:s5+$0x20];
	[dreg:$0x7] =	wrdreg s21;
	v54 =	vunpack.i.l.bf16.f32 v8  }
0x1e9: {  	v13 =	vadd.bf16 v48, v46;
	[tilespmem:s22+$0xFFFFFF80] =	vst v54  }
0x1ea: {  	v55 =	vld [tilespmem:s21+$0x20];
	v8 =	vunpack.i.u.bf16.f32 v8;
	s5 =	rddreg [dreg:$0x16]  }
0x1eb: {  	v7 =	vadd.bf16 v13, v7;
	[tilespmem:s22+$0xFFFFFF90] =	vst v8;
	v56 =	vld [tilespmem:s5+$0x20]  }
0x1ec: {  	v8 =	vld [tilespmem:s4+$0x10]  }
0x1ed: {  	v0 =	vadd.bf16 v1, v0;
	v1 =	vadd.bf16 v6, v2;
	v57 =	vunpack.i.l.bf16.f32 v7;
	v6 =	vld [tilespmem:s30+$0x10]  }
0x1ee: {  	v5 =	vadd.bf16 v10, v5;
	v4 =	vadd.bf16 v29, v4;
	v2 =	vunpack.i.u.bf16.f32 v7;
	[tilespmem:s22+$0x20] =	vst v57;
	v58 =	vld [tilespmem:s23+$0x10]  }
0x1ef: {  	[tilespmem:s22+$0x30] =	vst v2;
	v61 =	vld [tilespmem:s12+$0x10]  }
0x1f0: {  	v0 =	vadd.bf16 v1, v0;
	v1 =	vadd.bf16 v4, v5;
	v7 =	vld [tilespmem:s7+$0x20]  }
0x1f1: {  	v4 =	vadd.bf16 v52, v51;
	v2 =	vadd.bf16 v45, v3;
	v5 =	vld [tilespmem:s17+$0x20]  }
0x1f2: {  	v3 =	vadd.bf16 v9, v50;
	v9 =	vld [tilespmem:s15+$0x20];
	v10 =	vadd.bf16 v11, v53  }
0x1f3: {  	v0 =	vadd.bf16 v1, v0;
	v12 =	vadd.bf16 v34, v32;
	v11 =	vld [tilespmem:s9+$0x20]  }
0x1f4: {  	v59 =	vld [tilespmem:s6+$0x20];
	v1 =	vadd.bf16 v3, v2;
	v2 =	vadd.bf16 v10, v4  }
0x1f5: {  	v60 =	vld [tilespmem:s18+$0x20];
	v4 =	vadd.bf16 v12, v0  }
0x1f6: {  	v3 =	vld [tilespmem:s13+$0x20];
	v0 =	vadd.bf16 v56, v55;
	v1 =	vadd.bf16 v2, v1  }
0x1f7: {  	v10 =	vld [tilespmem:s19+$0x20];
	v2 =	vunpack.i.u.bf16.f32 v4  }
0x1f8: {  	[tilespmem:s10+$0x70] =	vst v2;
	v2 =	vld [tilespmem:s24+$0x20];
	v62 =	vadd.bf16 v0, v1  }
0x1f9: {  	s28 =	smov.u32 s16;
	s3 =	smov.u32 s25;
	v0 =	vld [tilespmem:s26+$0x10];
	v1 =	vunpack.i.l.bf16.f32 v4  }
0x1fa: {  	s16 =	smov.u32 s11;
	s11 =	smov.u32 s0;
	s29 =	smov.u32 s12;
	v4 =	vld [tilespmem:s25+$0x20];
	[tilespmem:s10+$0x60] =	vst v1;
	v1 =	vadd.bf16 v6, v8;
	v6 =	vadd.bf16 v5, v7;
	v63 =	vunpack.i.l.bf16.f32 v62  }
0x1fb: {  	s21 =	smov.u32 s4;
	s5 =	simm.s32 $0x13480;
	s12 =	simm.s32 $0x2;
	v7 =	vadd.bf16 v11, v9;
	v5 =	vld [tilespmem:s11+$0x10];
	v9 =	vadd.bf16 v3, v59;
	v8 =	vunpack.i.u.bf16.f32 v62;
	[tilespmem:s10+$0xFFFFFFC0] =	vst v63  }
0x1fc: {  	s25 =	smov.u32 s31;
	v10 =	vadd.bf16 v60, v10;
	v3 =	vld [tilespmem:s31+$0x10];
	s31 =	simm.s32 $0x11680;
	[tilespmem:s10+$0xFFFFFFD0] =	vst v8;
	v8 =	vadd.bf16 v61, v58;
	s10 =	simm.s32 $0x13580  }
.LBB2_5:
0x1fd: {  	_ = 	snop  }
0x1fe: {  	v11 =	vld [tilespmem:s31+$0x0];
	v6 =	vadd.bf16 v7, v6;
	v7 =	vadd.bf16 v10, v9  }
0x1ff: {  	v9 =	vld [tilespmem:s31+$0xFFFFFF80];
	v1 =	vadd.bf16 v8, v1  }
0x200: {  	v8 =	vld [tilespmem:s1+$0x10];
	v2 =	vadd.bf16 v4, v2;
	v4 =	vadd.bf16 v7, v6  }
0x201: {  	v6 =	vld [tilespmem:s14+$0x10]  }
0x202: {  	s4 =	rddreg [dreg:$0x11];
	v0 =	vadd.bf16 v5, v0;
	v5 =	vld [tilespmem:s20+$0x10];
	v2 =	vadd.bf16 v2, v4  }
0x203: {  	v7 =	vld [tilespmem:s4+$0x30];
	v4 =	vshll.u32 v11, $0x6  }
0x204: {  	v11 =	vld [tilespmem:s8+$0x30];
	(v2sf) =	vpush v4, $0x0;
	v10 =	vunpack.i.l.bf16.f32 v2  }
0x205: {  	v3 =	vadd.bf16 v8, v3;
	v8 =	vld [tilespmem:s2+$0x30];
	(v2sf) =	vpush v4, $0x1;
	v2 =	vunpack.i.u.bf16.f32 v2;
	[tilespmem:s22+$0x40] =	vst v10  }
0x206: {  	(v2sf) =	vpush v4, $0x2;
	[tilespmem:s22+$0x50] =	vst v2;
	v2 =	vld [tilespmem:s28+$0x30]  }
0x207: {  	v0 =	vadd.bf16 v3, v0;
	(v2sf) =	vpush v4, $0x3;
	v3 =	vld [tilespmem:s7+$0x30]  }
0x208: {  	v5 =	vadd.bf16 v5, v6;
	v6 =	vld [tilespmem:s17+$0x30];
	(v2sf) =	vpush v4, $0x4  }
0x209: {  	v0 =	vadd.bf16 v0, v1;
	v10 =	vld [tilespmem:s15+$0x30];
	(v2sf) =	vpush v4, $0x5  }
0x20a: {  	v12 =	vld [tilespmem:s9+$0x30];
	v1 =	vadd.bf16 v11, v7;
	(v2sf) =	vpush v4, $0x6  }
0x20b: {  	v9 =	vshll.u32 v9, $0x6;
	v13 =	vld [tilespmem:s18+$0x30];
	v0 =	vadd.bf16 v5, v0;
	(v2sf) =	vpush v4, $0x7  }
0x20c: {  	v7 =	vld [tilespmem:s13+$0x30];
	v2 =	vadd.bf16 v2, v8;
	(v2sf) =	vpush v9, $0x7  }
0x20d: {  	v11 =	vld [tilespmem:s19+$0x30];
	v8 =	vunpack.i.u.bf16.f32 v0;
	v0 =	vunpack.i.l.bf16.f32 v0;
	(v2sf) =	vpush v9, $0x6  }
0x20e: {  	v5 =	vld [tilespmem:s6+$0x30];
	[tilespmem:s22+$0xFFFFFFA0] =	vst v0;
	(v2sf) =	vpush v4, $0x8  }
0x20f: {  	[tilespmem:s22+$0xFFFFFFB0] =	vst v8;
	v8 =	vld [tilespmem:s3+$0x30];
	(v2sf) =	vpush v4, $0x9  }
0x210: {  	s0 =	smov.u32 s1;
	s1 =	smov.u32 s21;
	v0 =	vadd.bf16 v2, v1;
	v1 =	vld [tilespmem:s16+$0x30];
	(v2sf) =	vpush v9, $0x5  }
0x211: {  	v2 =	vld [tilespmem:s1+$0x20];
	(v2sf) =	vpush v9, $0x4  }
0x212: {  	s4 =	smov.u32 s30;
	v3 =	vadd.bf16 v6, v3;
	v6 =	vadd.bf16 v12, v10;
	v4 =	vld [tilespmem:s24+$0x30]  }
0x213: {  	v10 =	vld [tilespmem:s4+$0x20];
	v5 =	vadd.bf16 v7, v5;
	v7 =	vadd.bf16 v13, v11;
	s7 =	spop (v2sf)  }
0x214: {  	(v2sf) =	vpush v9, $0x3;
	v11 =	vld [tilespmem:s7+$0x0];
	s17 =	spop (v2sf)  }
0x215: {  	[smem:$0x7E7] =	sst s4;
	v3 =	vadd.bf16 v6, v3;
	v5 =	vadd.bf16 v7, v5;
	v54 =	vld [tilespmem:s17+$0x0];
	s4 =	spop (v2sf)  }
0x216: {  	(v2sf) =	vpush v9, $0x2;
	v6 =	vld [tilespmem:s4+$0x0];
	s9 =	spop (v2sf)  }
0x217: {  	v3 =	vadd.bf16 v5, v3;
	v4 =	vadd.bf16 v8, v4;
	v7 =	vld [tilespmem:s9+$0x0];
	s6 =	spop (v2sf)  }
0x218: {  	(v2sf) =	vpush v9, $0x1;
	v5 =	vld [tilespmem:s6+$0x0];
	s13 =	spop (v2sf)  }
0x219: {  	v3 =	vadd.bf16 v4, v3;
	(v2sf) =	vpush v9, $0x0;
	v8 =	vld [tilespmem:s13+$0x0];
	s19 =	spop (v2sf)  }
0x21a: {  	(v2sf) =	vpush v9, $0x9;
	v4 =	vld [tilespmem:s19+$0x0];
	s18 =	spop (v2sf)  }
0x21b: {  	v2 =	vadd.bf16 v10, v2;
	(v2sf) =	vpush v9, $0x8;
	v9 =	vunpack.i.u.bf16.f32 v3;
	v10 =	vld [tilespmem:s18+$0x0];
	s16 =	spop (v2sf)  }
0x21c: {  	v3 =	vunpack.i.l.bf16.f32 v3;
	[tilespmem:s22+$0x70] =	vst v9;
	v55 =	vld [tilespmem:s16+$0x0];
	s28 =	spop (v2sf)  }
0x21d: {  	[tilespmem:s22+$0x60] =	vst v3;
	v9 =	vld [tilespmem:s28+$0x0];
	s24 =	spop (v2sf)  }
0x21e: {  	v3 =	vld [tilespmem:s24+$0x0];
	s3 =	spop (v2sf)  }
0x21f: {  	[dreg:$0x11] =	wrdreg s1;
	v11 =	vadd.bf16 v54, v11;
	v6 =	vadd.bf16 v7, v6;
	v14 =	vld [tilespmem:s3+$0x0];
	s1 =	spop (v2sf)  }
0x220: {  	s21 =	smov.u32 s26;
	v5 =	vadd.bf16 v8, v5;
	v7 =	vld [tilespmem:s1+$0x0];
	v4 =	vadd.bf16 v10, v4;
	s26 =	spop (v2sf)  }
0x221: {  	[smem:$0x7E2] =	sst s14;
	s14 =	smov.u32 s29;
	v8 =	vld [tilespmem:s26+$0x0]  }
0x222: {  	s8 =	smov.u32 s23;
	v6 =	vadd.bf16 v6, v11;
	v10 =	vld [tilespmem:s14+$0x20];
	v4 =	vadd.bf16 v4, v5  }
0x223: {  	v5 =	vld [tilespmem:s8+$0x20];
	s29 =	spop (v2sf)  }
0x224: {  	v11 =	vld [tilespmem:s29+$0x0];
	v3 =	vadd.bf16 v14, v3;
	v4 =	vadd.bf16 v4, v6  }
0x225: {  	v9 =	vadd.bf16 v55, v9;
	s23 =	spop (v2sf);
	v6 =	vld [tilespmem:s21+$0x20]  }
0x226: {  	s12 =	sadd.s32 $0x2, s12;
	v56 =	vld [tilespmem:s23+$0x0];
	v7 =	vadd.bf16 v7, v8;
	v3 =	vadd.bf16 v3, v4  }
0x227: {  	[dreg:$0x1b] =	wrdreg s12;
	s30 =	spop (v2sf);
	v4 =	vld [tilespmem:s11+$0x20]  }
0x228: {  	p1 =	slt.u32 s12, $0x1E;
	s22 =	sadd.s32 $0x100, s22;
	v8 =	vld [tilespmem:s30+$0x0];
	s12 =	spop (v2sf);
	v7 =	vadd.bf16 v9, v7;
	v9 =	vunpack.i.l.bf16.f32 v3  }
0x229: {  	v5 =	vadd.bf16 v10, v5;
	v10 =	vld [tilespmem:s12+$0x0];
	v3 =	vunpack.i.u.bf16.f32 v3;
	s15 =	spop (v2sf);
	[tilespmem:s22+$0x0] =	vst v9  }
0x22a: {  	v9 =	vld [tilespmem:s15+$0x0];
	[tilespmem:s22+$0x10] =	vst v3  }
0x22b: {  	v2 =	vadd.bf16 v5, v2;
	v5 =	vld [tilespmem:s7+$0x10]  }
0x22c: {  	v3 =	vadd.bf16 v11, v56;
	v11 =	vld [tilespmem:s17+$0x10]  }
0x22d: {  	v57 =	vld [tilespmem:s6+$0x10]  }
0x22e: {  	[smem:$0x7E5] =	sst s8;
	s8 =	smov.u32 s5;
	s5 =	spop (v2sf);
	v58 =	vld [tilespmem:s19+$0x10]  }
0x22f: {  	v59 =	vld [tilespmem:s5+$0x0];
	v8 =	vadd.bf16 v8, v10  }
0x230: {  	v4 =	vadd.bf16 v4, v6;
	v6 =	vld [tilespmem:s4+$0x10]  }
0x231: {  	v10 =	vld [tilespmem:s9+$0x10];
	v3 =	vadd.bf16 v3, v8  }
0x232: {  	v8 =	vld [tilespmem:s13+$0x10]  }
0x233: {  	v3 =	vadd.bf16 v7, v3;
	v7 =	vld [tilespmem:s18+$0x10]  }
0x234: {  	[smem:$0x7E6] =	sst s10  }
0x235: {  	[smem:$0x7E3] =	sst s20;
	v16 =	vld [tilespmem:s24+$0x10]  }
0x236: {  	s20 =	sld [smem:$0x7E2];
	v17 =	vld [tilespmem:s3+$0x10];
	v5 =	vadd.bf16 v11, v5  }
0x237: {  	[smem:$0x7E4] =	sst s14;
	v15 =	vld [tilespmem:s25+$0x20];
	v9 =	vadd.bf16 v9, v59;
	v6 =	vadd.bf16 v10, v6  }
0x238: {  	s14 =	smov.u32 s0;
	v10 =	vld [tilespmem:s0+$0x20];
	s0 =	sld [smem:$0x7E3];
	v8 =	vadd.bf16 v8, v57;
	v7 =	vadd.bf16 v7, v58  }
0x239: {  	s10 =	smov.u32 s21;
	s2 =	rddreg [dreg:$0x4];
	v11 =	vld [tilespmem:s20+$0x20];
	v3 =	vadd.bf16 v9, v3  }
0x23a: {  	s21 =	smov.u32 s25;
	s25 =	rddreg [dreg:$0x15];
	v5 =	vadd.bf16 v6, v5;
	v6 =	vadd.bf16 v7, v8;
	v8 =	vld [tilespmem:s2+$0x30];
	s2 =	smov.u32 s11  }
0x23b: {  	v9 =	vadd.bf16 v17, v16;
	v7 =	vld [tilespmem:s0+$0x20];
	[dreg:$0x4] =	wrdreg s2  }
0x23c: {  	v61 =	vld [tilespmem:s25+$0x30];
	v60 =	vunpack.i.u.bf16.f32 v3;
	v3 =	vunpack.i.l.bf16.f32 v3;
	s2 =	rddreg [dreg:$0xe];
	v5 =	vadd.bf16 v6, v5  }
0x23d: {  	s11 =	smov.u32 s1;
	v6 =	vld [tilespmem:s2+$0x30];
	s2 =	smov.u32 s14;
	[tilespmem:s22+$0xFFFFFF80] =	vst v3;
	s14 =	rddreg [dreg:$0x7]  }
0x23e: {  	v10 =	vadd.bf16 v10, v15;
	s1 =	smov.u32 s16;
	s16 =	smov.u32 s10;
	s10 =	rddreg [dreg:$0x16];
	v3 =	vadd.bf16 v9, v5;
	v5 =	vld [tilespmem:s14+$0x30];
	[tilespmem:s22+$0xFFFFFF90] =	vst v60  }
0x23f: {  	v9 =	vld [tilespmem:s10+$0x30]  }
0x240: {  	v4 =	vadd.bf16 v10, v4;
	v7 =	vadd.bf16 v7, v11;
	v10 =	vld [tilespmem:s12+$0x10];
	v11 =	vunpack.i.l.bf16.f32 v3  }
0x241: {  	v1 =	vadd.bf16 v8, v1;
	v8 =	vld [tilespmem:s30+$0x10];
	v3 =	vunpack.i.u.bf16.f32 v3;
	[tilespmem:s22+$0x20] =	vst v11  }
0x242: {  	v2 =	vadd.bf16 v4, v2;
	v11 =	vld [tilespmem:s23+$0x10];
	[tilespmem:s22+$0x30] =	vst v3  }
0x243: {  	v3 =	vadd.bf16 v61, v6;
	v6 =	vld [tilespmem:s7+$0x20]  }
0x244: {  	s25 =	smov.u32 s20;
	v2 =	vadd.bf16 v7, v2;
	v7 =	vld [tilespmem:s17+$0x20]  }
0x245: {  	[dreg:$0x7] =	wrdreg s25;
	v62 =	vld [tilespmem:s18+$0x20];
	v3 =	vadd.bf16 v3, v1  }
0x246: {  	s25 =	sld [smem:$0x7E6];
	v4 =	vadd.bf16 v9, v5;
	v5 =	vld [tilespmem:s4+$0x20]  }
0x247: {  	v1 =	vadd.bf16 v8, v10;
	v8 =	vld [tilespmem:s9+$0x20];
	v0 =	vadd.bf16 v3, v0  }
0x248: {  	v9 =	vunpack.i.u.bf16.f32 v2;
	v2 =	vunpack.i.l.bf16.f32 v2;
	v10 =	vld [tilespmem:s19+$0x20]  }
0x249: {  	s20 =	smov.u32 s0;
	[tilespmem:s25+$0xFFFFFFC0] =	vst v2;
	v3 =	vld [tilespmem:s6+$0x20];
	v0 =	vadd.bf16 v4, v0  }
0x24a: {  	[dreg:$0x16] =	wrdreg s20;
	[tilespmem:s25+$0xFFFFFFD0] =	vst v9;
	v9 =	vld [tilespmem:s13+$0x20]  }
0x24b: {  	[dreg:$0xe] =	wrdreg s21;
	v63 =	vld [tilespmem:s29+$0x10];
	v2 =	vunpack.i.u.bf16.f32 v0;
	v0 =	vunpack.i.l.bf16.f32 v0  }
.Ltmp3:
0x24c: {  	s21 =	smov.u32 s28;
	s28 =	sld [smem:$0x7E4];
	v4 =	vld [tilespmem:s3+$0x20];
	[tilespmem:s8+$0xFFFFFFE0] =	vst v0;
	(pc) =	sbr.rel @p1 .LBB2_5-.Ltmp3, $4  }
0x24d: {  	s31 =	sadd.s32 $0x100, s31;
	s20 =	smov.u32 s15;
	[dreg:$0x15] =	wrdreg s2;
	v0 =	vld [tilespmem:s26+$0x10]  }
0x24e: {  	s15 =	smov.u32 s4;
	s2 =	sld [smem:$0x7E5];
	s14 =	smov.u32 s5;
	v6 =	vadd.bf16 v7, v6;
	[tilespmem:s8+$0xFFFFFFF0] =	vst v2;
	v2 =	vld [tilespmem:s24+$0x20]  }
0x24f: {  	s5 =	smov.u32 s25;
	s10 =	smov.u32 s22;
	v7 =	vadd.bf16 v8, v5;
	v10 =	vadd.bf16 v62, v10;
	s8 =	sld [smem:$0x7E7];
	v5 =	vld [tilespmem:s11+$0x10]  }
0x250: {  	s25 =	smov.u32 s21;
	v9 =	vadd.bf16 v9, v3;
	v8 =	vadd.bf16 v63, v11;
	v3 =	vld [tilespmem:s21+$0x10];
	s21 =	smov.u32 s12;
	s12 =	rddreg [dreg:$0x1b]  }
0x251: {  	v11 =	vld [tilespmem:s1+$0x10];
	_ =	sdelay $0x2  }
0x252: {  	v12 =	vld [tilespmem:s14+$0x10]  }
0x253: {  	v56 =	vld [tilespmem:s20+$0x10]  }
0x254: {  	v0 =	vadd.bf16 v5, v0;
	v3 =	vadd.bf16 v11, v3;
	_ =	sdelay $0x1  }
0x255: {  	v1 =	vadd.bf16 v8, v1;
	v0 =	vadd.bf16 v3, v0;
	_ =	sdelay $0x1  }
0x256: {  	v58 =	vadd.bf16 v56, v12;
	v0 =	vadd.bf16 v0, v1;
	_ =	sdelay $0x1  }
0x257: {  	v62 =	vld [tilespmem:s2+$0x30];
	v0 =	vadd.bf16 v58, v0  }
0x258: {  	v63 =	vld [tilespmem:s28+$0x30]  }
0x259: {  	s0 =	rddreg [dreg:$0x11];
	v40 =	vld [tilespmem:s16+$0x30];
	v23 =	vunpack.i.l.bf16.f32 v0  }
0x25a: {  	v59 =	vld [tilespmem:s0+$0x30];
	v0 =	vunpack.i.u.bf16.f32 v0;
	[tilespmem:s22+$0xFFFFFFA0] =	vst v23  }
0x25b: {  	v6 =	vadd.bf16 v7, v6;
	v55 =	vadd.bf16 v10, v9;
	v60 =	vld [tilespmem:s8+$0x30];
	[tilespmem:s22+$0xFFFFFFB0] =	vst v0  }
0x25c: {  	v0 =	vld [tilespmem:s21+$0x20]  }
0x25d: {  	v2 =	vadd.bf16 v4, v2;
	v57 =	vadd.bf16 v55, v6;
	v26 =	vld [tilespmem:s30+$0x20]  }
0x25e: {  	v27 =	vld [tilespmem:s23+$0x20]  }
0x25f: {  	v2 =	vadd.bf16 v2, v57;
	v28 =	vld [tilespmem:s29+$0x20]  }
0x260: {  	v29 =	vld [tilespmem:s26+$0x20]  }
0x261: {  	v61 =	vunpack.i.l.bf16.f32 v2;
	v30 =	vld [tilespmem:s11+$0x20]  }
0x262: {  	v2 =	vunpack.i.u.bf16.f32 v2;
	[tilespmem:s22+$0x40] =	vst v61;
	v31 =	vld [tilespmem:s25+$0x20]  }
0x263: {  	[tilespmem:s22+$0x50] =	vst v2;
	v13 =	vld [tilespmem:s1+$0x20]  }
0x264: {  	v24 =	vld [tilespmem:s7+$0x30]  }
0x265: {  	v25 =	vld [tilespmem:s17+$0x30]  }
0x266: {  	v16 =	vld [tilespmem:s14+$0x20]  }
0x267: {  	v33 =	vld [tilespmem:s20+$0x20];
	v0 =	vadd.bf16 v26, v0;
	v32 =	vadd.bf16 v28, v27  }
0x268: {  	v14 =	vld [tilespmem:s15+$0x30];
	v10 =	vadd.bf16 v30, v29;
	v35 =	vadd.bf16 v13, v31  }
0x269: {  	v15 =	vld [tilespmem:s9+$0x30]  }
0x26a: {  	v34 =	vld [tilespmem:s6+$0x30];
	v0 =	vadd.bf16 v32, v0;
	v38 =	vadd.bf16 v35, v10  }
0x26b: {  	v36 =	vld [tilespmem:s13+$0x30]  }
0x26c: {  	v37 =	vld [tilespmem:s19+$0x30];
	v8 =	vadd.bf16 v33, v16;
	v0 =	vadd.bf16 v38, v0  }
0x26d: {  	v39 =	vld [tilespmem:s18+$0x30]  }
0x26e: {  	v41 =	vld [tilespmem:s24+$0x30];
	v0 =	vadd.bf16 v8, v0  }
0x26f: {  	v42 =	vld [tilespmem:s3+$0x30];
	s16 =	rddreg [dreg:$0x4]  }
0x270: {  	s17 =	rddreg [dreg:$0xe];
	v43 =	vld [tilespmem:s16+$0x30];
	v18 =	vunpack.i.l.bf16.f32 v0  }
0x271: {  	s18 =	rddreg [dreg:$0x15];
	v17 =	vld [tilespmem:s17+$0x30];
	[tilespmem:s10+$0xFFFFFFC0] =	vst v18  }
0x272: {  	v19 =	vld [tilespmem:s18+$0x30];
	v0 =	vunpack.i.u.bf16.f32 v0;
	s19 =	rddreg [dreg:$0x7]  }
0x273: {  	[tilespmem:s10+$0xFFFFFFD0] =	vst v0;
	v44 =	vld [tilespmem:s19+$0x30]  }
0x274: {  	v0 =	vld [tilespmem:s21+$0x30]  }
0x275: {  	v20 =	vld [tilespmem:s30+$0x30]  }
0x276: {  	v21 =	vld [tilespmem:s23+$0x30]  }
0x277: {  	v3 =	vadd.bf16 v63, v62;
	v1 =	vadd.bf16 v60, v59;
	v46 =	vld [tilespmem:s29+$0x30]  }
0x278: {  	v2 =	vadd.bf16 v25, v24;
	v45 =	vadd.bf16 v15, v14;
	v47 =	vld [tilespmem:s26+$0x30]  }
0x279: {  	v9 =	vadd.bf16 v36, v34;
	v54 =	vadd.bf16 v43, v40;
	v48 =	vld [tilespmem:s11+$0x30]  }
0x27a: {  	v55 =	vadd.bf16 v19, v17;
	v10 =	vadd.bf16 v39, v37;
	v50 =	vld [tilespmem:s25+$0x30]  }
0x27b: {  	v1 =	vadd.bf16 v3, v1;
	v2 =	vadd.bf16 v45, v2;
	v51 =	vld [tilespmem:s1+$0x30];
	s23 =	rddreg [dreg:$0x16]  }
0x27c: {  	v57 =	vadd.bf16 v55, v54;
	v49 =	vadd.bf16 v10, v9;
	v53 =	vld [tilespmem:s23+$0x30]  }
0x27d: {  	v52 =	vadd.bf16 v42, v41;
	v56 =	vld [tilespmem:s14+$0x30]  }
0x27e: {  	v1 =	vadd.bf16 v57, v1;
	v2 =	vadd.bf16 v49, v2;
	v58 =	vld [tilespmem:s20+$0x30]  }
0x27f: {  	v0 =	vadd.bf16 v20, v0;
	v59 =	vadd.bf16 v46, v21  }
0x280: {  	v60 =	vadd.bf16 v48, v47;
	v4 =	vadd.bf16 v51, v50  }
0x281: {  	v2 =	vadd.bf16 v52, v2;
	v6 =	vadd.bf16 v53, v44  }
0x282: {  	v0 =	vadd.bf16 v59, v0;
	v4 =	vadd.bf16 v4, v60  }
0x283: {  	v3 =	vadd.bf16 v58, v56  }
0x284: {  	v61 =	vunpack.i.u.bf16.f32 v2;
	v1 =	vadd.bf16 v6, v1;
	v0 =	vadd.bf16 v4, v0  }
0x285: {  	v2 =	vunpack.i.l.bf16.f32 v2;
	[tilespmem:s22+$0x70] =	vst v61  }
0x286: {  	[tilespmem:s22+$0x60] =	vst v2;
	v62 =	vunpack.i.l.bf16.f32 v1;
	v0 =	vadd.bf16 v3, v0  }
0x287: {  	v1 =	vunpack.i.u.bf16.f32 v1;
	[tilespmem:s5+$0xFFFFFFE0] =	vst v62  }
0x288: {  	[tilespmem:s5+$0xFFFFFFF0] =	vst v1;
	v63 =	vunpack.i.l.bf16.f32 v0  }
0x289: {  	v0 =	vunpack.i.u.bf16.f32 v0;
	[tilespmem:s10+$0xFFFFFFE0] =	vst v63  }
0x28a: {  	[tilespmem:s10+$0xFFFFFFF0] =	vst v0  }
0x28b: {  	s24 =	sld [smem:$0x7F8]  }
0x28c: {  	s25 =	sld [smem:$0x7F2]  }
0x28d: {  	s29 =	sld [smem:$0x7F5]  }
0x28e: {  	s1 =	sld [smem:$0x7F0];
	_ =	sdelay $0x1  }
0x28f: {  	s28 =	simm.s32 $0x13400  }
0x290: {  	s26 =	simm.s32 $0x0;
	s0 =	sadd.s32 s25, s24;
	p1 =	sge.u32 s1, s29  }
0x291: {  	[hbm4b:s0+s26] =	stream.linear.scatter [tilespmem:s28], [sflag:$0x4], $0x1000, $0x38;
	[tilespmem:$0x14400] =	vst v63  }
0x292: {  	s0 =	sshll.u32 @!p1 s1, $0xE;
	s1 =	sld [smem:$0x7F6];
	_ =	sdelay $0x1  }
0x293: {  	s30 =	simm.s32 $0x1  }
0x294: {  	s2 =	simm.s32 @!p1 $0x11400;
	s0 =	sadd.s32 @!p1 s0, s1;
	s1 =	simm.s32 @!p1 $0x0  }
0x295: {  	[tilespmem:s2], [sflag:$0x2] =	stream.linear.gather @!p1 [hbm4b:s0+s1], $0x1000, $0x38;
	[tilespmem:$0x14400] =	vst v63  }
0x296: {  	_ =	swait.ge [sflag:s30], $0x1000  }
0x297: {  	s31 =	sld [smem:$0x7EE];
	_ =	sdelay $0x2  }
0x298: {  	s5 =	sadd.s32 $0x1, s31  }
0x299: {  	p1 =	sne.s32 s5, $0x30  }
.Ltmp4:
0x29a: {  	_ = 	snop;
	(pc) =	sbr.rel @p1 .LBB2_2-.Ltmp4, $3  }
0x29b: {  	_ =	sdelay $0x1  }
0x29c: {  	[sflag:s30] =	ssyncset.done $0x0  }
0x29d: {  	[sflag:s30] =	ssyncadd.s32 $0xFFFFF000  }
0x29e: {  	s0 =	simm.s32 $0x3  }
0x29f: {  	_ =	swait.ge [sflag:s0], $0x1000  }
0x2a0: {  	[sflag:s0] =	ssyncset.done $0x0  }
0x2a1: {  	s25 =	simm.s32 $0x10480;
	[sflag:s0] =	ssyncadd.s32 $0xFFFFF000  }
0x2a2: {  	v0 =	vld [tilespmem:s25+$0x0];
	_ =	sdelay $0x4  }
0x2a3: {  	v0 =	vshll.u32 v0, $0x6  }
0x2a4: {  	(v2sf) =	vpush v0, $0x0  }
0x2a5: {  	(v2sf) =	vpush v0, $0x1  }
0x2a6: {  	v1 =	vld [tilespmem:s25+$0xFFFFFF80];
	(v2sf) =	vpush v0, $0x2  }
0x2a7: {  	(v2sf) =	vpush v0, $0x3  }
0x2a8: {  	(v2sf) =	vpush v0, $0x4  }
0x2a9: {  	(v2sf) =	vpush v0, $0x5  }
0x2aa: {  	(v2sf) =	vpush v0, $0x6  }
0x2ab: {  	v1 =	vshll.u32 v1, $0x6;
	(v2sf) =	vpush v0, $0x7  }
0x2ac: {  	(v2sf) =	vpush v1, $0x7  }
0x2ad: {  	(v2sf) =	vpush v1, $0x6  }
0x2ae: {  	(v2sf) =	vpush v0, $0x8  }
0x2af: {  	(v2sf) =	vpush v0, $0x9;
	_ =	sdelay $0x3  }
0x2b0: {  	s9 =	spop (v2sf)  }
0x2b1: {  	v0 =	vld [tilespmem:s9+$0x0];
	s12 =	spop (v2sf)  }
0x2b2: {  	v2 =	vld [tilespmem:s12+$0x0];
	s13 =	spop (v2sf)  }
0x2b3: {  	v3 =	vld [tilespmem:s13+$0x0];
	s14 =	spop (v2sf)  }
0x2b4: {  	v4 =	vld [tilespmem:s14+$0x0];
	s7 =	spop (v2sf)  }
0x2b5: {  	v5 =	vld [tilespmem:s7+$0x0];
	s4 =	spop (v2sf)  }
0x2b6: {  	v6 =	vld [tilespmem:s4+$0x0];
	s6 =	spop (v2sf)  }
0x2b7: {  	v7 =	vld [tilespmem:s6+$0x0];
	s3 =	spop (v2sf)  }
0x2b8: {  	v8 =	vld [tilespmem:s3+$0x0];
	s18 =	spop (v2sf)  }
0x2b9: {  	s5 =	spop (v2sf)  }
0x2ba: {  	s2 =	spop (v2sf)  }
0x2bb: {  	v9 =	vld [tilespmem:s2+$0x0];
	s26 =	spop (v2sf)  }
0x2bc: {  	v0 =	vadd.bf16 v2, v0;
	v2 =	vadd.bf16 v4, v3;
	v10 =	vld [tilespmem:s26+$0x0]  }
0x2bd: {  	v3 =	vadd.bf16 v6, v5;
	v4 =	vadd.bf16 v8, v7;
	_ =	sdelay $0x1  }
0x2be: {  	v0 =	vadd.bf16 v2, v0;
	v2 =	vadd.bf16 v4, v3;
	_ =	sdelay $0x1  }
0x2bf: {  	v3 =	vadd.bf16 v10, v9;
	v0 =	vadd.bf16 v2, v0  }
0x2c0: {  	(v2sf) =	vpush v1, $0x5  }
0x2c1: {  	(v2sf) =	vpush v1, $0x4;
	v0 =	vadd.bf16 v3, v0  }
0x2c2: {  	(v2sf) =	vpush v1, $0x3  }
0x2c3: {  	s10 =	simm.s32 $0x12480;
	(v2sf) =	vpush v1, $0x2;
	v2 =	vunpack.i.l.bf16.f32 v0  }
0x2c4: {  	(v2sf) =	vpush v1, $0x1;
	v0 =	vunpack.i.u.bf16.f32 v0;
	[tilespmem:s10+$0x0] =	vst v2  }
0x2c5: {  	(v2sf) =	vpush v1, $0x0;
	[tilespmem:s10+$0x10] =	vst v0  }
0x2c6: {  	(v2sf) =	vpush v1, $0x9;
	v0 =	vld [tilespmem:s9+$0x10]  }
0x2c7: {  	v2 =	vld [tilespmem:s12+$0x10]  }
0x2c8: {  	v3 =	vld [tilespmem:s13+$0x10]  }
0x2c9: {  	v4 =	vld [tilespmem:s14+$0x10]  }
0x2ca: {  	v5 =	vld [tilespmem:s7+$0x10]  }
0x2cb: {  	v6 =	vld [tilespmem:s4+$0x10]  }
0x2cc: {  	(v2sf) =	vpush v1, $0x8;
	v1 =	vld [tilespmem:s6+$0x10]  }
0x2cd: {  	v7 =	vld [tilespmem:s3+$0x10];
	_ =	sdelay $0x1  }
0x2ce: {  	s25 =	spop (v2sf);
	v8 =	vld [tilespmem:s2+$0x10]  }
0x2cf: {  	s11 =	spop (v2sf);
	v9 =	vld [tilespmem:s26+$0x10]  }
0x2d0: {  	s16 =	spop (v2sf);
	v0 =	vadd.bf16 v2, v0;
	v2 =	vadd.bf16 v4, v3  }
0x2d1: {  	s20 =	spop (v2sf);
	v3 =	vld [tilespmem:s18+$0x0];
	[dreg:$0x17] =	wrdreg s18;
	v4 =	vadd.bf16 v6, v5;
	v1 =	vadd.bf16 v7, v1  }
0x2d2: {  	s8 =	spop (v2sf);
	v5 =	vld [tilespmem:s5+$0x0]  }
0x2d3: {  	s17 =	spop (v2sf);
	v6 =	vld [tilespmem:s25+$0x0];
	v0 =	vadd.bf16 v2, v0;
	v1 =	vadd.bf16 v1, v4  }
0x2d4: {  	s19 =	spop (v2sf);
	v7 =	vadd.bf16 v9, v8;
	v8 =	vld [tilespmem:s8+$0x0]  }
0x2d5: {  	v10 =	vld [tilespmem:s19+$0x0];
	v0 =	vadd.bf16 v1, v0  }
0x2d6: {  	v2 =	vld [tilespmem:s11+$0x0]  }
0x2d7: {  	v4 =	vld [tilespmem:s16+$0x0];
	v0 =	vadd.bf16 v7, v0  }
0x2d8: {  	v1 =	vld [tilespmem:s20+$0x0]  }
0x2d9: {  	v7 =	vld [tilespmem:s17+$0x0];
	[dreg:$0x18] =	wrdreg s19;
	v9 =	vunpack.i.l.bf16.f32 v0  }
0x2da: {  	s21 =	spop (v2sf);
	v0 =	vunpack.i.u.bf16.f32 v0;
	[tilespmem:s10+$0x20] =	vst v9  }
0x2db: {  	v9 =	vld [tilespmem:s21+$0x0];
	[tilespmem:s10+$0x30] =	vst v0  }
0x2dc: {  	v0 =	vadd.bf16 v3, v5;
	v3 =	vld [tilespmem:s9+$0x20]  }
0x2dd: {  	v2 =	vadd.bf16 v6, v2;
	v5 =	vld [tilespmem:s12+$0x20]  }
0x2de: {  	v1 =	vadd.bf16 v4, v1;
	v6 =	vld [tilespmem:s13+$0x20];
	v4 =	vadd.bf16 v8, v7  }
0x2df: {  	v0 =	vadd.bf16 v0, v2;
	v2 =	vld [tilespmem:s14+$0x20]  }
0x2e0: {  	v7 =	vld [tilespmem:s4+$0x20];
	v1 =	vadd.bf16 v1, v4  }
0x2e1: {  	v8 =	vld [tilespmem:s6+$0x20]  }
0x2e2: {  	s1 =	simm.s32 $0x10580;
	v4 =	vld [tilespmem:s7+$0x20];
	v0 =	vadd.bf16 v0, v1;
	v1 =	vadd.bf16 v10, v9  }
0x2e3: {  	v9 =	vld [tilespmem:s1+$0x0]  }
0x2e4: {  	v0 =	vadd.bf16 v1, v0;
	v1 =	vld [tilespmem:s3+$0x20];
	_ =	sdelay $0x1  }
0x2e5: {  	v10 =	vunpack.i.l.bf16.f32 v0  }
0x2e6: {  	v11 =	vld [tilespmem:s2+$0x20];
	v0 =	vunpack.i.u.bf16.f32 v0;
	[tilespmem:s10+$0xFFFFFF80] =	vst v10  }
0x2e7: {  	v2 =	vadd.bf16 v2, v6;
	v10 =	vld [tilespmem:s26+$0x20];
	[tilespmem:s10+$0xFFFFFF90] =	vst v0;
	v0 =	vadd.bf16 v5, v3  }
0x2e8: {  	v4 =	vadd.bf16 v7, v4;
	v6 =	vshll.u32 v9, $0x6;
	v3 =	vld [tilespmem:s17+$0x10];
	v1 =	vadd.bf16 v1, v8  }
0x2e9: {  	v5 =	vld [tilespmem:s8+$0x10];
	(v2sf) =	vpush v6, $0x0;
	v0 =	vadd.bf16 v2, v0  }
0x2ea: {  	v7 =	vld [tilespmem:s20+$0x10];
	(v2sf) =	vpush v6, $0x1;
	v1 =	vadd.bf16 v1, v4  }
0x2eb: {  	v9 =	vld [tilespmem:s11+$0x10];
	(v2sf) =	vpush v6, $0x2  }
0x2ec: {  	v8 =	vld [tilespmem:s1+$0xFFFFFF80];
	v2 =	vadd.bf16 v10, v11;
	v0 =	vadd.bf16 v1, v0  }
0x2ed: {  	v12 =	vld [tilespmem:s18+$0x10];
	(v2sf) =	vpush v6, $0x3  }
0x2ee: {  	v13 =	vld [tilespmem:s21+$0x10];
	(v2sf) =	vpush v6, $0x4;
	v0 =	vadd.bf16 v2, v0  }
0x2ef: {  	v14 =	vld [tilespmem:s19+$0x10];
	(v2sf) =	vpush v6, $0x5  }
0x2f0: {  	v4 =	vld [tilespmem:s16+$0x10];
	(v2sf) =	vpush v6, $0x6;
	v1 =	vunpack.i.l.bf16.f32 v0  }
0x2f1: {  	v10 =	vld [tilespmem:s25+$0x10];
	v8 =	vshll.u32 v8, $0x6;
	(v2sf) =	vpush v6, $0x7;
	v0 =	vunpack.i.u.bf16.f32 v0;
	[tilespmem:s10+$0x40] =	vst v1  }
0x2f2: {  	v11 =	vld [tilespmem:s5+$0x10];
	(v2sf) =	vpush v8, $0x7;
	[tilespmem:s10+$0x50] =	vst v0  }
0x2f3: {  	(v2sf) =	vpush v8, $0x6;
	v0 =	vld [tilespmem:s9+$0x30]  }
0x2f4: {  	(v2sf) =	vpush v6, $0x8;
	v1 =	vld [tilespmem:s12+$0x30]  }
0x2f5: {  	v2 =	vld [tilespmem:s13+$0x30];
	(v2sf) =	vpush v6, $0x9  }
0x2f6: {  	v3 =	vadd.bf16 v5, v3;
	v4 =	vadd.bf16 v4, v7;
	v6 =	vld [tilespmem:s14+$0x30]  }
0x2f7: {  	v7 =	vadd.bf16 v10, v9;
	v9 =	vadd.bf16 v12, v11;
	v5 =	vld [tilespmem:s7+$0x30]  }
0x2f8: {  	v10 =	vld [tilespmem:s4+$0x30]  }
0x2f9: {  	v3 =	vadd.bf16 v4, v3;
	v4 =	vld [tilespmem:s6+$0x30];
	v7 =	vadd.bf16 v9, v7;
	s9 =	spop (v2sf)  }
0x2fa: {  	v11 =	vadd.bf16 v14, v13;
	(v2sf) =	vpush v8, $0x5;
	v9 =	vld [tilespmem:s9+$0x0];
	s19 =	spop (v2sf)  }
0x2fb: {  	v3 =	vadd.bf16 v7, v3;
	(v2sf) =	vpush v8, $0x4;
	v29 =	vld [tilespmem:s19+$0x0];
	s6 =	spop (v2sf)  }
0x2fc: {  	(v2sf) =	vpush v8, $0x3;
	v7 =	vld [tilespmem:s6+$0x0];
	s13 =	spop (v2sf)  }
0x2fd: {  	v3 =	vadd.bf16 v11, v3;
	(v2sf) =	vpush v8, $0x2;
	v30 =	vld [tilespmem:s13+$0x0];
	s7 =	spop (v2sf)  }
0x2fe: {  	s1 =	smov.u32 s17;
	(v2sf) =	vpush v8, $0x1;
	v11 =	vld [tilespmem:s7+$0x0];
	s17 =	spop (v2sf)  }
0x2ff: {  	v15 =	vunpack.i.l.bf16.f32 v3;
	(v2sf) =	vpush v8, $0x0;
	v31 =	vld [tilespmem:s17+$0x0];
	s18 =	spop (v2sf)  }
0x300: {  	v3 =	vunpack.i.u.bf16.f32 v3;
	[tilespmem:s10+$0xFFFFFFA0] =	vst v15;
	(v2sf) =	vpush v8, $0x9;
	v16 =	vld [tilespmem:s18+$0x0];
	s29 =	spop (v2sf)  }
0x301: {  	[tilespmem:s10+$0xFFFFFFB0] =	vst v3;
	v32 =	vld [tilespmem:s29+$0x0];
	s15 =	spop (v2sf)  }
0x302: {  	v17 =	vld [tilespmem:s3+$0x30];
	[dreg:$0x12] =	wrdreg s1;
	s28 =	spop (v2sf)  }
0x303: {  	v3 =	vld [tilespmem:s1+$0x20];
	s30 =	spop (v2sf)  }
0x304: {  	v18 =	vld [tilespmem:s30+$0x0];
	s3 =	spop (v2sf)  }
0x305: {  	v9 =	vadd.bf16 v29, v9;
	v7 =	vadd.bf16 v30, v7;
	v19 =	vld [tilespmem:s3+$0x0]  }
0x306: {  	v33 =	vld [tilespmem:s2+$0x30];
	v11 =	vadd.bf16 v31, v11;
	v34 =	vadd.bf16 v32, v16  }
0x307: {  	v35 =	vld [tilespmem:s26+$0x30]  }
0x308: {  	v36 =	vld [tilespmem:s15+$0x0];
	v7 =	vadd.bf16 v7, v9;
	v9 =	vadd.bf16 v34, v11  }
0x309: {  	(v2sf) =	vpush v8, $0x8;
	v8 =	vld [tilespmem:s28+$0x0];
	s0 =	spop (v2sf)  }
0x30a: {  	v11 =	vld [tilespmem:s0+$0x0];
	s31 =	spop (v2sf);
	v37 =	vadd.bf16 v19, v18;
	v7 =	vadd.bf16 v9, v7  }
0x30b: {  	v9 =	vld [tilespmem:s31+$0x0];
	s12 =	spop (v2sf)  }
0x30c: {  	v38 =	vld [tilespmem:s12+$0x0];
	s23 =	spop (v2sf);
	v7 =	vadd.bf16 v37, v7  }
0x30d: {  	v39 =	vld [tilespmem:s23+$0x0];
	s26 =	spop (v2sf)  }
0x30e: {  	s22 =	simm.s32 $0x12580;
	v40 =	vld [tilespmem:s26+$0x0];
	s4 =	spop (v2sf);
	v41 =	vunpack.i.l.bf16.f32 v7  }
0x30f: {  	v20 =	vld [tilespmem:s4+$0x0];
	v7 =	vunpack.i.u.bf16.f32 v7;
	s14 =	spop (v2sf);
	[tilespmem:s22+$0x0] =	vst v41  }
0x310: {  	v42 =	vld [tilespmem:s14+$0x0];
	[tilespmem:s22+$0x10] =	vst v7  }
0x311: {  	v7 =	vld [tilespmem:s9+$0x10]  }
0x312: {  	v21 =	vld [tilespmem:s19+$0x10]  }
0x313: {  	v22 =	vld [tilespmem:s6+$0x10]  }
0x314: {  	v23 =	vld [tilespmem:s13+$0x10]  }
0x315: {  	v24 =	vld [tilespmem:s7+$0x10]  }
0x316: {  	v25 =	vld [tilespmem:s17+$0x10]  }
0x317: {  	v26 =	vld [tilespmem:s18+$0x10]  }
0x318: {  	v8 =	vadd.bf16 v36, v8;
	v9 =	vadd.bf16 v11, v9;
	s24 =	spop (v2sf);
	v11 =	vld [tilespmem:s29+$0x10]  }
0x319: {  	v44 =	vld [tilespmem:s24+$0x0];
	v13 =	vadd.bf16 v38, v39;
	v43 =	vadd.bf16 v40, v20  }
0x31a: {  	v45 =	vld [tilespmem:s8+$0x20]  }
0x31b: {  	s2 =	smov.u32 s20;
	v51 =	vld [tilespmem:s11+$0x20];
	v8 =	vadd.bf16 v8, v9;
	v9 =	vadd.bf16 v13, v43  }
0x31c: {  	v50 =	vld [tilespmem:s2+$0x20];
	v7 =	vadd.bf16 v21, v7;
	v47 =	vadd.bf16 v23, v22  }
0x31d: {  	v46 =	vld [tilespmem:s30+$0x10];
	v49 =	vadd.bf16 v25, v24;
	v11 =	vadd.bf16 v11, v26  }
0x31e: {  	v48 =	vld [tilespmem:s3+$0x10];
	v16 =	vadd.bf16 v42, v44;
	v8 =	vadd.bf16 v8, v9  }
0x31f: {  	v9 =	vld [tilespmem:s16+$0x20];
	v7 =	vadd.bf16 v47, v7;
	[dreg:$0x5] =	wrdreg s25  }
0x320: {  	v11 =	vadd.bf16 v11, v49;
	v52 =	vld [tilespmem:s25+$0x20];
	[dreg:$0xf] =	wrdreg s5;
	v8 =	vadd.bf16 v16, v8  }
0x321: {  	s25 =	rddreg [dreg:$0x17];
	v53 =	vld [tilespmem:s5+$0x20]  }
0x322: {  	v7 =	vadd.bf16 v11, v7;
	v11 =	vld [tilespmem:s25+$0x20];
	[dreg:$0x8] =	wrdreg s21;
	v54 =	vunpack.i.l.bf16.f32 v8  }
0x323: {  	v13 =	vadd.bf16 v48, v46;
	[tilespmem:s22+$0xFFFFFF80] =	vst v54  }
0x324: {  	v55 =	vld [tilespmem:s21+$0x20];
	v8 =	vunpack.i.u.bf16.f32 v8;
	s5 =	rddreg [dreg:$0x18]  }
0x325: {  	v7 =	vadd.bf16 v13, v7;
	[tilespmem:s22+$0xFFFFFF90] =	vst v8;
	v56 =	vld [tilespmem:s5+$0x20]  }
0x326: {  	v8 =	vld [tilespmem:s4+$0x10]  }
0x327: {  	v0 =	vadd.bf16 v1, v0;
	v1 =	vadd.bf16 v6, v2;
	v57 =	vunpack.i.l.bf16.f32 v7;
	v6 =	vld [tilespmem:s26+$0x10]  }
0x328: {  	v5 =	vadd.bf16 v10, v5;
	v4 =	vadd.bf16 v17, v4;
	s1 =	smov.u32 s15;
	v2 =	vunpack.i.u.bf16.f32 v7;
	[tilespmem:s22+$0x20] =	vst v57;
	v58 =	vld [tilespmem:s23+$0x10]  }
0x329: {  	s15 =	smov.u32 s6;
	s6 =	smov.u32 s7;
	s7 =	smov.u32 s9;
	[tilespmem:s22+$0x30] =	vst v2;
	v61 =	vld [tilespmem:s12+$0x10]  }
0x32a: {  	v0 =	vadd.bf16 v1, v0;
	v1 =	vadd.bf16 v4, v5;
	s9 =	smov.u32 s13;
	s13 =	smov.u32 s17;
	s17 =	smov.u32 s19;
	v7 =	vld [tilespmem:s7+$0x20]  }
0x32b: {  	v4 =	vadd.bf16 v52, v51;
	v2 =	vadd.bf16 v45, v3;
	v5 =	vld [tilespmem:s17+$0x20]  }
0x32c: {  	v3 =	vadd.bf16 v9, v50;
	v10 =	vadd.bf16 v11, v53;
	v9 =	vld [tilespmem:s15+$0x20]  }
0x32d: {  	v0 =	vadd.bf16 v1, v0;
	v12 =	vadd.bf16 v35, v33;
	v11 =	vld [tilespmem:s9+$0x20]  }
0x32e: {  	s19 =	smov.u32 s18;
	v60 =	vld [tilespmem:s29+$0x20];
	v1 =	vadd.bf16 v3, v2;
	v2 =	vadd.bf16 v10, v4  }
0x32f: {  	v4 =	vadd.bf16 v12, v0;
	v10 =	vld [tilespmem:s19+$0x20]  }
0x330: {  	v59 =	vld [tilespmem:s6+$0x20];
	v1 =	vadd.bf16 v2, v1;
	v0 =	vadd.bf16 v56, v55  }
0x331: {  	v3 =	vld [tilespmem:s13+$0x20];
	v2 =	vunpack.i.u.bf16.f32 v4  }
0x332: {  	s20 =	smov.u32 s14;
	[tilespmem:s10+$0x70] =	vst v2;
	v2 =	vld [tilespmem:s30+$0x20];
	v62 =	vadd.bf16 v0, v1  }
0x333: {  	s14 =	smov.u32 s24;
	s18 =	smov.u32 s29;
	s24 =	smov.u32 s16;
	v0 =	vld [tilespmem:s31+$0x10];
	v1 =	vunpack.i.l.bf16.f32 v4  }
0x334: {  	s16 =	smov.u32 s11;
	s11 =	smov.u32 s0;
	s25 =	smov.u32 s12;
	v4 =	vld [tilespmem:s3+$0x20];
	v10 =	vadd.bf16 v60, v10;
	[tilespmem:s10+$0x60] =	vst v1;
	v1 =	vadd.bf16 v6, v8;
	v63 =	vunpack.i.l.bf16.f32 v62  }
0x335: {  	s21 =	smov.u32 s4;
	s5 =	simm.s32 $0x12480;
	s12 =	simm.s32 $0x2;
	v6 =	vadd.bf16 v5, v7;
	v7 =	vadd.bf16 v11, v9;
	v5 =	vld [tilespmem:s11+$0x10];
	v8 =	vunpack.i.u.bf16.f32 v62;
	[tilespmem:s10+$0xFFFFFFC0] =	vst v63  }
0x336: {  	s29 =	smov.u32 s28;
	v9 =	vadd.bf16 v3, v59;
	v3 =	vld [tilespmem:s28+$0x10];
	s28 =	simm.s32 $0x10680;
	[tilespmem:s10+$0xFFFFFFD0] =	vst v8;
	v8 =	vadd.bf16 v61, v58;
	s10 =	simm.s32 $0x12580  }
.LBB2_8:
0x337: {  	_ = 	snop  }
0x338: {  	v11 =	vld [tilespmem:s28+$0x0];
	v6 =	vadd.bf16 v7, v6;
	v7 =	vadd.bf16 v10, v9  }
0x339: {  	v9 =	vld [tilespmem:s28+$0xFFFFFF80];
	v1 =	vadd.bf16 v8, v1  }
0x33a: {  	v8 =	vld [tilespmem:s1+$0x10];
	v2 =	vadd.bf16 v4, v2;
	v4 =	vadd.bf16 v7, v6  }
0x33b: {  	v6 =	vld [tilespmem:s14+$0x10]  }
0x33c: {  	s4 =	rddreg [dreg:$0x12];
	v0 =	vadd.bf16 v5, v0;
	v5 =	vld [tilespmem:s20+$0x10];
	v2 =	vadd.bf16 v2, v4  }
0x33d: {  	v7 =	vld [tilespmem:s4+$0x30];
	v4 =	vshll.u32 v11, $0x6  }
0x33e: {  	v11 =	vld [tilespmem:s8+$0x30];
	(v2sf) =	vpush v4, $0x0;
	v10 =	vunpack.i.l.bf16.f32 v2  }
0x33f: {  	v3 =	vadd.bf16 v8, v3;
	v8 =	vld [tilespmem:s2+$0x30];
	(v2sf) =	vpush v4, $0x1;
	v2 =	vunpack.i.u.bf16.f32 v2;
	[tilespmem:s22+$0x40] =	vst v10  }
0x340: {  	(v2sf) =	vpush v4, $0x2;
	[tilespmem:s22+$0x50] =	vst v2;
	v2 =	vld [tilespmem:s24+$0x30]  }
0x341: {  	v0 =	vadd.bf16 v3, v0;
	(v2sf) =	vpush v4, $0x3;
	v3 =	vld [tilespmem:s7+$0x30]  }
0x342: {  	v5 =	vadd.bf16 v5, v6;
	v6 =	vld [tilespmem:s17+$0x30];
	(v2sf) =	vpush v4, $0x4  }
0x343: {  	v0 =	vadd.bf16 v0, v1;
	v10 =	vld [tilespmem:s15+$0x30];
	(v2sf) =	vpush v4, $0x5  }
0x344: {  	v12 =	vld [tilespmem:s9+$0x30];
	v1 =	vadd.bf16 v11, v7;
	(v2sf) =	vpush v4, $0x6  }
0x345: {  	v9 =	vshll.u32 v9, $0x6;
	v13 =	vld [tilespmem:s18+$0x30];
	v0 =	vadd.bf16 v5, v0;
	(v2sf) =	vpush v4, $0x7  }
0x346: {  	v7 =	vld [tilespmem:s13+$0x30];
	v2 =	vadd.bf16 v2, v8;
	(v2sf) =	vpush v9, $0x7  }
0x347: {  	v11 =	vld [tilespmem:s19+$0x30];
	v8 =	vunpack.i.u.bf16.f32 v0;
	v0 =	vunpack.i.l.bf16.f32 v0;
	(v2sf) =	vpush v9, $0x6  }
0x348: {  	v5 =	vld [tilespmem:s6+$0x30];
	[tilespmem:s22+$0xFFFFFFA0] =	vst v0;
	(v2sf) =	vpush v4, $0x8  }
0x349: {  	[tilespmem:s22+$0xFFFFFFB0] =	vst v8;
	v8 =	vld [tilespmem:s3+$0x30];
	(v2sf) =	vpush v4, $0x9  }
0x34a: {  	[smem:$0x7E0] =	sst s10;
	s10 =	smov.u32 s21;
	v0 =	vadd.bf16 v2, v1;
	v1 =	vld [tilespmem:s16+$0x30];
	(v2sf) =	vpush v9, $0x5  }
0x34b: {  	v2 =	vld [tilespmem:s10+$0x20];
	(v2sf) =	vpush v9, $0x4  }
0x34c: {  	[smem:$0x7DC] =	sst s14;
	s14 =	smov.u32 s26;
	v3 =	vadd.bf16 v6, v3;
	v6 =	vadd.bf16 v12, v10;
	v4 =	vld [tilespmem:s30+$0x30]  }
0x34d: {  	v10 =	vld [tilespmem:s14+$0x20];
	v5 =	vadd.bf16 v7, v5;
	v7 =	vadd.bf16 v13, v11;
	s7 =	spop (v2sf)  }
0x34e: {  	(v2sf) =	vpush v9, $0x3;
	v11 =	vld [tilespmem:s7+$0x0];
	s17 =	spop (v2sf)  }
0x34f: {  	v3 =	vadd.bf16 v6, v3;
	v5 =	vadd.bf16 v7, v5;
	v54 =	vld [tilespmem:s17+$0x0];
	s4 =	spop (v2sf)  }
0x350: {  	(v2sf) =	vpush v9, $0x2;
	v6 =	vld [tilespmem:s4+$0x0];
	s9 =	spop (v2sf)  }
0x351: {  	v3 =	vadd.bf16 v5, v3;
	v4 =	vadd.bf16 v8, v4;
	v7 =	vld [tilespmem:s9+$0x0];
	s6 =	spop (v2sf)  }
0x352: {  	(v2sf) =	vpush v9, $0x1;
	v5 =	vld [tilespmem:s6+$0x0];
	s13 =	spop (v2sf)  }
0x353: {  	v3 =	vadd.bf16 v4, v3;
	(v2sf) =	vpush v9, $0x0;
	v8 =	vld [tilespmem:s13+$0x0];
	s19 =	spop (v2sf)  }
0x354: {  	(v2sf) =	vpush v9, $0x9;
	v4 =	vld [tilespmem:s19+$0x0];
	s18 =	spop (v2sf)  }
0x355: {  	v2 =	vadd.bf16 v10, v2;
	(v2sf) =	vpush v9, $0x8;
	v9 =	vunpack.i.u.bf16.f32 v3;
	v10 =	vld [tilespmem:s18+$0x0];
	s16 =	spop (v2sf)  }
0x356: {  	v3 =	vunpack.i.l.bf16.f32 v3;
	[tilespmem:s22+$0x70] =	vst v9;
	v55 =	vld [tilespmem:s16+$0x0];
	s24 =	spop (v2sf)  }
0x357: {  	[tilespmem:s22+$0x60] =	vst v3;
	v9 =	vld [tilespmem:s24+$0x0];
	s30 =	spop (v2sf)  }
0x358: {  	v3 =	vld [tilespmem:s30+$0x0];
	s3 =	spop (v2sf)  }
0x359: {  	s0 =	smov.u32 s1;
	v11 =	vadd.bf16 v54, v11;
	v6 =	vadd.bf16 v7, v6;
	v14 =	vld [tilespmem:s3+$0x0];
	s1 =	spop (v2sf)  }
0x35a: {  	s26 =	smov.u32 s31;
	v5 =	vadd.bf16 v8, v5;
	v7 =	vld [tilespmem:s1+$0x0];
	v4 =	vadd.bf16 v10, v4;
	s31 =	spop (v2sf)  }
0x35b: {  	s21 =	smov.u32 s23;
	s23 =	smov.u32 s25;
	v8 =	vld [tilespmem:s31+$0x0]  }
0x35c: {  	v6 =	vadd.bf16 v6, v11;
	v10 =	vld [tilespmem:s23+$0x20];
	v4 =	vadd.bf16 v4, v5  }
0x35d: {  	v5 =	vld [tilespmem:s21+$0x20];
	s25 =	spop (v2sf)  }
0x35e: {  	v11 =	vld [tilespmem:s25+$0x0];
	v3 =	vadd.bf16 v14, v3;
	v4 =	vadd.bf16 v4, v6  }
0x35f: {  	[smem:$0x7DE] =	sst s23;
	v9 =	vadd.bf16 v55, v9;
	s23 =	spop (v2sf);
	v6 =	vld [tilespmem:s26+$0x20]  }
0x360: {  	s12 =	sadd.s32 $0x2, s12;
	[dreg:$0x12] =	wrdreg s10;
	v56 =	vld [tilespmem:s23+$0x0];
	v7 =	vadd.bf16 v7, v8;
	v3 =	vadd.bf16 v3, v4  }
0x361: {  	[dreg:$0x1c] =	wrdreg s12;
	s10 =	smov.u32 s26;
	s26 =	spop (v2sf);
	v4 =	vld [tilespmem:s11+$0x20]  }
0x362: {  	p1 =	slt.u32 s12, $0x1E;
	s22 =	sadd.s32 $0x100, s22;
	v8 =	vld [tilespmem:s26+$0x0];
	s12 =	spop (v2sf);
	v7 =	vadd.bf16 v9, v7;
	v9 =	vunpack.i.l.bf16.f32 v3  }
0x363: {  	v5 =	vadd.bf16 v10, v5;
	v10 =	vld [tilespmem:s12+$0x0];
	v3 =	vunpack.i.u.bf16.f32 v3;
	s15 =	spop (v2sf);
	[tilespmem:s22+$0x0] =	vst v9  }
0x364: {  	v9 =	vld [tilespmem:s15+$0x0];
	[tilespmem:s22+$0x10] =	vst v3  }
0x365: {  	v2 =	vadd.bf16 v5, v2;
	v5 =	vld [tilespmem:s7+$0x10]  }
0x366: {  	v3 =	vadd.bf16 v11, v56;
	v11 =	vld [tilespmem:s17+$0x10]  }
0x367: {  	v57 =	vld [tilespmem:s6+$0x10]  }
0x368: {  	v58 =	vld [tilespmem:s19+$0x10];
	v8 =	vadd.bf16 v8, v10  }
0x369: {  	v4 =	vadd.bf16 v4, v6;
	v6 =	vld [tilespmem:s4+$0x10]  }
0x36a: {  	v10 =	vld [tilespmem:s9+$0x10];
	v3 =	vadd.bf16 v3, v8  }
0x36b: {  	v8 =	vld [tilespmem:s13+$0x10]  }
0x36c: {  	s8 =	smov.u32 s5;
	s5 =	spop (v2sf);
	v3 =	vadd.bf16 v7, v3;
	v7 =	vld [tilespmem:s18+$0x10]  }
0x36d: {  	v59 =	vld [tilespmem:s5+$0x0]  }
0x36e: {  	[smem:$0x7DD] =	sst s20  }
0x36f: {  	[smem:$0x7DF] =	sst s21  }
0x370: {  	s20 =	sld [smem:$0x7DC];
	v16 =	vld [tilespmem:s30+$0x10];
	v5 =	vadd.bf16 v11, v5;
	v6 =	vadd.bf16 v10, v6  }
0x371: {  	[smem:$0x7E1] =	sst s14;
	v17 =	vld [tilespmem:s3+$0x10];
	v8 =	vadd.bf16 v8, v57;
	v7 =	vadd.bf16 v7, v58  }
0x372: {  	s2 =	rddreg [dreg:$0x5];
	v9 =	vadd.bf16 v9, v59;
	v10 =	vld [tilespmem:s0+$0x20]  }
0x373: {  	s14 =	smov.u32 s0;
	s0 =	sld [smem:$0x7DD];
	v5 =	vadd.bf16 v6, v5;
	v6 =	vadd.bf16 v7, v8;
	v8 =	vld [tilespmem:s2+$0x30];
	s2 =	smov.u32 s11  }
0x374: {  	v15 =	vld [tilespmem:s29+$0x20];
	[dreg:$0x5] =	wrdreg s2  }
0x375: {  	s21 =	smov.u32 s29;
	v11 =	vld [tilespmem:s20+$0x20];
	v3 =	vadd.bf16 v9, v3;
	s2 =	rddreg [dreg:$0xf]  }
0x376: {  	v9 =	vadd.bf16 v17, v16;
	v7 =	vld [tilespmem:s0+$0x20];
	[dreg:$0xf] =	wrdreg s21  }
0x377: {  	v60 =	vunpack.i.u.bf16.f32 v3;
	v3 =	vunpack.i.l.bf16.f32 v3;
	s11 =	smov.u32 s1;
	s21 =	smov.u32 s24;
	s24 =	rddreg [dreg:$0x17];
	v5 =	vadd.bf16 v6, v5;
	v6 =	vld [tilespmem:s2+$0x30]  }
0x378: {  	s1 =	smov.u32 s16;
	s16 =	smov.u32 s10;
	s10 =	rddreg [dreg:$0x8];
	v61 =	vld [tilespmem:s24+$0x30];
	[tilespmem:s22+$0xFFFFFF80] =	vst v3  }
0x379: {  	v10 =	vadd.bf16 v10, v15;
	v3 =	vadd.bf16 v9, v5;
	v5 =	vld [tilespmem:s10+$0x30];
	[tilespmem:s22+$0xFFFFFF90] =	vst v60;
	s10 =	rddreg [dreg:$0x18]  }
0x37a: {  	v9 =	vld [tilespmem:s10+$0x30]  }
0x37b: {  	v4 =	vadd.bf16 v10, v4;
	v7 =	vadd.bf16 v7, v11;
	v10 =	vld [tilespmem:s12+$0x10];
	v11 =	vunpack.i.l.bf16.f32 v3  }
0x37c: {  	v1 =	vadd.bf16 v8, v1;
	v8 =	vld [tilespmem:s26+$0x10];
	v3 =	vunpack.i.u.bf16.f32 v3;
	[tilespmem:s22+$0x20] =	vst v11  }
0x37d: {  	v2 =	vadd.bf16 v4, v2;
	v11 =	vld [tilespmem:s23+$0x10];
	[tilespmem:s22+$0x30] =	vst v3  }
0x37e: {  	v3 =	vadd.bf16 v61, v6;
	v6 =	vld [tilespmem:s7+$0x20]  }
0x37f: {  	s2 =	smov.u32 s14;
	s14 =	smov.u32 s20;
	s20 =	smov.u32 s0;
	v2 =	vadd.bf16 v7, v2;
	v7 =	vld [tilespmem:s17+$0x20]  }
0x380: {  	[dreg:$0x18] =	wrdreg s20;
	v62 =	vld [tilespmem:s18+$0x20];
	v3 =	vadd.bf16 v3, v1  }
0x381: {  	s20 =	smov.u32 s15;
	s15 =	smov.u32 s4;
	v4 =	vadd.bf16 v9, v5;
	v5 =	vld [tilespmem:s4+$0x20];
	s4 =	sld [smem:$0x7E0]  }
0x382: {  	v1 =	vadd.bf16 v8, v10;
	v8 =	vld [tilespmem:s9+$0x20];
	v0 =	vadd.bf16 v3, v0  }
0x383: {  	v9 =	vunpack.i.u.bf16.f32 v2;
	v2 =	vunpack.i.l.bf16.f32 v2;
	v10 =	vld [tilespmem:s19+$0x20]  }
0x384: {  	v3 =	vld [tilespmem:s6+$0x20];
	[tilespmem:s4+$0xFFFFFFC0] =	vst v2;
	v0 =	vadd.bf16 v4, v0  }
0x385: {  	[tilespmem:s4+$0xFFFFFFD0] =	vst v9;
	v9 =	vld [tilespmem:s13+$0x20]  }
0x386: {  	s24 =	sld [smem:$0x7DE];
	v63 =	vld [tilespmem:s25+$0x10];
	v2 =	vunpack.i.u.bf16.f32 v0;
	v0 =	vunpack.i.l.bf16.f32 v0  }
.Ltmp5:
0x387: {  	[dreg:$0x17] =	wrdreg s2;
	v4 =	vld [tilespmem:s3+$0x20];
	[tilespmem:s8+$0xFFFFFFE0] =	vst v0;
	(pc) =	sbr.rel @p1 .LBB2_8-.Ltmp5, $4  }
0x388: {  	s2 =	sld [smem:$0x7DF];
	v0 =	vld [tilespmem:s31+$0x10]  }
0x389: {  	s28 =	sadd.s32 $0x100, s28;
	s29 =	smov.u32 s21;
	[dreg:$0x8] =	wrdreg s14;
	v6 =	vadd.bf16 v7, v6;
	[tilespmem:s8+$0xFFFFFFF0] =	vst v2;
	v2 =	vld [tilespmem:s30+$0x20]  }
0x38a: {  	s14 =	smov.u32 s5;
	s10 =	smov.u32 s22;
	v7 =	vadd.bf16 v8, v5;
	v10 =	vadd.bf16 v62, v10;
	s8 =	sld [smem:$0x7E1];
	v5 =	vld [tilespmem:s11+$0x10]  }
0x38b: {  	s5 =	smov.u32 s4;
	v9 =	vadd.bf16 v9, v3;
	v3 =	vld [tilespmem:s21+$0x10];
	s21 =	smov.u32 s12;
	s12 =	rddreg [dreg:$0x1c];
	v8 =	vadd.bf16 v63, v11  }
0x38c: {  	v11 =	vld [tilespmem:s1+$0x10];
	_ =	sdelay $0x2  }
0x38d: {  	v12 =	vld [tilespmem:s14+$0x10]  }
0x38e: {  	v56 =	vld [tilespmem:s20+$0x10]  }
0x38f: {  	v0 =	vadd.bf16 v5, v0;
	v3 =	vadd.bf16 v11, v3;
	_ =	sdelay $0x1  }
0x390: {  	v1 =	vadd.bf16 v8, v1;
	v0 =	vadd.bf16 v3, v0;
	_ =	sdelay $0x1  }
0x391: {  	v58 =	vadd.bf16 v56, v12;
	v0 =	vadd.bf16 v0, v1;
	_ =	sdelay $0x1  }
0x392: {  	v62 =	vld [tilespmem:s2+$0x30];
	v0 =	vadd.bf16 v58, v0  }
0x393: {  	v63 =	vld [tilespmem:s24+$0x30]  }
0x394: {  	s0 =	rddreg [dreg:$0x12];
	v40 =	vld [tilespmem:s16+$0x30];
	v23 =	vunpack.i.l.bf16.f32 v0  }
0x395: {  	v59 =	vld [tilespmem:s0+$0x30];
	v0 =	vunpack.i.u.bf16.f32 v0;
	[tilespmem:s22+$0xFFFFFFA0] =	vst v23  }
0x396: {  	v6 =	vadd.bf16 v7, v6;
	v55 =	vadd.bf16 v10, v9;
	v60 =	vld [tilespmem:s8+$0x30];
	[tilespmem:s22+$0xFFFFFFB0] =	vst v0  }
0x397: {  	v0 =	vld [tilespmem:s21+$0x20]  }
0x398: {  	v2 =	vadd.bf16 v4, v2;
	v57 =	vadd.bf16 v55, v6;
	v26 =	vld [tilespmem:s26+$0x20]  }
0x399: {  	v27 =	vld [tilespmem:s23+$0x20]  }
0x39a: {  	v2 =	vadd.bf16 v2, v57;
	v28 =	vld [tilespmem:s25+$0x20]  }
0x39b: {  	v29 =	vld [tilespmem:s31+$0x20]  }
0x39c: {  	v61 =	vunpack.i.l.bf16.f32 v2;
	v30 =	vld [tilespmem:s11+$0x20]  }
0x39d: {  	v2 =	vunpack.i.u.bf16.f32 v2;
	[tilespmem:s22+$0x40] =	vst v61;
	v31 =	vld [tilespmem:s29+$0x20]  }
0x39e: {  	[tilespmem:s22+$0x50] =	vst v2;
	v13 =	vld [tilespmem:s1+$0x20]  }
0x39f: {  	v24 =	vld [tilespmem:s7+$0x30]  }
0x3a0: {  	v25 =	vld [tilespmem:s17+$0x30]  }
0x3a1: {  	v16 =	vld [tilespmem:s14+$0x20]  }
0x3a2: {  	v33 =	vld [tilespmem:s20+$0x20];
	v0 =	vadd.bf16 v26, v0;
	v32 =	vadd.bf16 v28, v27  }
0x3a3: {  	v14 =	vld [tilespmem:s15+$0x30];
	v10 =	vadd.bf16 v30, v29;
	v35 =	vadd.bf16 v13, v31  }
0x3a4: {  	v15 =	vld [tilespmem:s9+$0x30]  }
0x3a5: {  	v34 =	vld [tilespmem:s6+$0x30];
	v0 =	vadd.bf16 v32, v0;
	v38 =	vadd.bf16 v35, v10  }
0x3a6: {  	v36 =	vld [tilespmem:s13+$0x30]  }
0x3a7: {  	v37 =	vld [tilespmem:s19+$0x30];
	v8 =	vadd.bf16 v33, v16;
	v0 =	vadd.bf16 v38, v0  }
0x3a8: {  	v39 =	vld [tilespmem:s18+$0x30]  }
0x3a9: {  	v41 =	vld [tilespmem:s30+$0x30];
	v0 =	vadd.bf16 v8, v0  }
0x3aa: {  	v42 =	vld [tilespmem:s3+$0x30];
	s17 =	rddreg [dreg:$0x5]  }
0x3ab: {  	s18 =	rddreg [dreg:$0xf];
	v43 =	vld [tilespmem:s17+$0x30];
	v18 =	vunpack.i.l.bf16.f32 v0  }
0x3ac: {  	s19 =	rddreg [dreg:$0x17];
	v17 =	vld [tilespmem:s18+$0x30];
	[tilespmem:s10+$0xFFFFFFC0] =	vst v18  }
0x3ad: {  	v19 =	vld [tilespmem:s19+$0x30];
	v0 =	vunpack.i.u.bf16.f32 v0;
	s24 =	rddreg [dreg:$0x8]  }
0x3ae: {  	[tilespmem:s10+$0xFFFFFFD0] =	vst v0;
	v44 =	vld [tilespmem:s24+$0x30]  }
0x3af: {  	v0 =	vld [tilespmem:s21+$0x30]  }
0x3b0: {  	v20 =	vld [tilespmem:s26+$0x30]  }
0x3b1: {  	v21 =	vld [tilespmem:s23+$0x30]  }
0x3b2: {  	v3 =	vadd.bf16 v63, v62;
	v1 =	vadd.bf16 v60, v59;
	v46 =	vld [tilespmem:s25+$0x30]  }
0x3b3: {  	v2 =	vadd.bf16 v25, v24;
	v45 =	vadd.bf16 v15, v14;
	v47 =	vld [tilespmem:s31+$0x30]  }
0x3b4: {  	v9 =	vadd.bf16 v36, v34;
	v54 =	vadd.bf16 v43, v40;
	v48 =	vld [tilespmem:s11+$0x30]  }
0x3b5: {  	v55 =	vadd.bf16 v19, v17;
	v10 =	vadd.bf16 v39, v37;
	v50 =	vld [tilespmem:s29+$0x30]  }
0x3b6: {  	v1 =	vadd.bf16 v3, v1;
	v2 =	vadd.bf16 v45, v2;
	v51 =	vld [tilespmem:s1+$0x30];
	s28 =	rddreg [dreg:$0x18]  }
0x3b7: {  	v57 =	vadd.bf16 v55, v54;
	v49 =	vadd.bf16 v10, v9;
	v53 =	vld [tilespmem:s28+$0x30]  }
0x3b8: {  	v52 =	vadd.bf16 v42, v41;
	v56 =	vld [tilespmem:s14+$0x30]  }
0x3b9: {  	v1 =	vadd.bf16 v57, v1;
	v2 =	vadd.bf16 v49, v2;
	v58 =	vld [tilespmem:s20+$0x30]  }
0x3ba: {  	v0 =	vadd.bf16 v20, v0;
	v59 =	vadd.bf16 v46, v21  }
0x3bb: {  	v60 =	vadd.bf16 v48, v47;
	v4 =	vadd.bf16 v51, v50  }
0x3bc: {  	v2 =	vadd.bf16 v52, v2;
	v6 =	vadd.bf16 v53, v44  }
0x3bd: {  	v0 =	vadd.bf16 v59, v0;
	v4 =	vadd.bf16 v4, v60  }
0x3be: {  	v3 =	vadd.bf16 v58, v56  }
0x3bf: {  	v61 =	vunpack.i.u.bf16.f32 v2;
	v1 =	vadd.bf16 v6, v1;
	v0 =	vadd.bf16 v4, v0  }
0x3c0: {  	v2 =	vunpack.i.l.bf16.f32 v2;
	[tilespmem:s22+$0x70] =	vst v61  }
0x3c1: {  	[tilespmem:s22+$0x60] =	vst v2;
	v62 =	vunpack.i.l.bf16.f32 v1;
	v0 =	vadd.bf16 v3, v0  }
0x3c2: {  	v1 =	vunpack.i.u.bf16.f32 v1;
	[tilespmem:s5+$0xFFFFFFE0] =	vst v62  }
0x3c3: {  	[tilespmem:s5+$0xFFFFFFF0] =	vst v1;
	v63 =	vunpack.i.l.bf16.f32 v0  }
0x3c4: {  	v0 =	vunpack.i.u.bf16.f32 v0;
	[tilespmem:s10+$0xFFFFFFE0] =	vst v63  }
.Ltmp6:
0x3c5: {  	[tilespmem:s10+$0xFFFFFFF0] =	vst v0;
	(pc) =	sbr.rel @p0 .LBB2_13-.Ltmp6, $3  }
0x3c6: {  	s30 =	sld [smem:$0x7FA];
	_ =	sdelay $0x1  }
0x3c7: {  	s29 =	simm.s32 $0x0;
	s31 =	simm.s32 $0x12400;
	s2 =	sld [smem:$0x7F3]  }
0x3c8: {  	[hbm4b:s30+s29] =	stream.linear.scatter [tilespmem:s31], [sflag:$0x3], $0x1000, $0x38;
	[tilespmem:$0x14400] =	vst v63  }
0x3c9: {  	s0 =	simm.s32 $0x2  }
0x3ca: {  	_ =	swait.ge [sflag:s0], $0x1000  }
0x3cb: {  	[sflag:s0] =	ssyncset.done $0x0  }
0x3cc: {  	s24 =	simm.s32 $0x4;
	[sflag:s0] =	ssyncadd.s32 $0xFFFFF000  }
0x3cd: {  	_ =	swait.ge [sflag:s24], $0x1000  }
0x3ce: {  	[sflag:s24] =	ssyncset.done $0x0  }
0x3cf: {  	s25 =	simm.s32 $0x11480;
	[sflag:s24] =	ssyncadd.s32 $0xFFFFF000  }
0x3d0: {  	v0 =	vld [tilespmem:s25+$0x0];
	_ =	sdelay $0x4  }
0x3d1: {  	v0 =	vshll.u32 v0, $0x6  }
0x3d2: {  	(v2sf) =	vpush v0, $0x0  }
0x3d3: {  	(v2sf) =	vpush v0, $0x1  }
0x3d4: {  	v1 =	vld [tilespmem:s25+$0xFFFFFF80];
	(v2sf) =	vpush v0, $0x2  }
0x3d5: {  	(v2sf) =	vpush v0, $0x3  }
0x3d6: {  	(v2sf) =	vpush v0, $0x4  }
0x3d7: {  	(v2sf) =	vpush v0, $0x5  }
0x3d8: {  	(v2sf) =	vpush v0, $0x6  }
0x3d9: {  	v1 =	vshll.u32 v1, $0x6;
	(v2sf) =	vpush v0, $0x7  }
0x3da: {  	(v2sf) =	vpush v1, $0x7  }
0x3db: {  	(v2sf) =	vpush v1, $0x6  }
0x3dc: {  	(v2sf) =	vpush v0, $0x8  }
0x3dd: {  	(v2sf) =	vpush v0, $0x9;
	_ =	sdelay $0x3  }
0x3de: {  	s9 =	spop (v2sf)  }
0x3df: {  	v0 =	vld [tilespmem:s9+$0x0];
	s12 =	spop (v2sf)  }
0x3e0: {  	v2 =	vld [tilespmem:s12+$0x0];
	s13 =	spop (v2sf)  }
0x3e1: {  	v3 =	vld [tilespmem:s13+$0x0];
	s14 =	spop (v2sf)  }
0x3e2: {  	v4 =	vld [tilespmem:s14+$0x0];
	s7 =	spop (v2sf)  }
0x3e3: {  	v5 =	vld [tilespmem:s7+$0x0];
	s4 =	spop (v2sf)  }
0x3e4: {  	v6 =	vld [tilespmem:s4+$0x0];
	s6 =	spop (v2sf)  }
0x3e5: {  	v7 =	vld [tilespmem:s6+$0x0];
	s3 =	spop (v2sf)  }
0x3e6: {  	v8 =	vld [tilespmem:s3+$0x0];
	s18 =	spop (v2sf)  }
0x3e7: {  	s5 =	spop (v2sf)  }
0x3e8: {  	s2 =	spop (v2sf)  }
0x3e9: {  	v9 =	vld [tilespmem:s2+$0x0];
	s26 =	spop (v2sf)  }
0x3ea: {  	v0 =	vadd.bf16 v2, v0;
	v2 =	vadd.bf16 v4, v3;
	v10 =	vld [tilespmem:s26+$0x0]  }
0x3eb: {  	v3 =	vadd.bf16 v6, v5;
	v4 =	vadd.bf16 v8, v7;
	_ =	sdelay $0x1  }
0x3ec: {  	v0 =	vadd.bf16 v2, v0;
	v2 =	vadd.bf16 v4, v3;
	_ =	sdelay $0x1  }
0x3ed: {  	v3 =	vadd.bf16 v10, v9;
	v0 =	vadd.bf16 v2, v0  }
0x3ee: {  	(v2sf) =	vpush v1, $0x5  }
0x3ef: {  	(v2sf) =	vpush v1, $0x4;
	v0 =	vadd.bf16 v3, v0  }
0x3f0: {  	(v2sf) =	vpush v1, $0x3  }
0x3f1: {  	s10 =	simm.s32 $0x13480;
	(v2sf) =	vpush v1, $0x2;
	v2 =	vunpack.i.l.bf16.f32 v0  }
0x3f2: {  	(v2sf) =	vpush v1, $0x1;
	v0 =	vunpack.i.u.bf16.f32 v0;
	[tilespmem:s10+$0x0] =	vst v2  }
0x3f3: {  	(v2sf) =	vpush v1, $0x0;
	[tilespmem:s10+$0x10] =	vst v0  }
0x3f4: {  	(v2sf) =	vpush v1, $0x9;
	v0 =	vld [tilespmem:s9+$0x10]  }
0x3f5: {  	v2 =	vld [tilespmem:s12+$0x10]  }
0x3f6: {  	v3 =	vld [tilespmem:s13+$0x10]  }
0x3f7: {  	v4 =	vld [tilespmem:s14+$0x10]  }
0x3f8: {  	v5 =	vld [tilespmem:s7+$0x10]  }
0x3f9: {  	v6 =	vld [tilespmem:s4+$0x10]  }
0x3fa: {  	(v2sf) =	vpush v1, $0x8;
	v1 =	vld [tilespmem:s6+$0x10]  }
0x3fb: {  	v7 =	vld [tilespmem:s3+$0x10];
	_ =	sdelay $0x1  }
0x3fc: {  	s25 =	spop (v2sf);
	v8 =	vld [tilespmem:s2+$0x10]  }
0x3fd: {  	s11 =	spop (v2sf);
	v9 =	vld [tilespmem:s26+$0x10]  }
0x3fe: {  	s16 =	spop (v2sf);
	v0 =	vadd.bf16 v2, v0;
	v2 =	vadd.bf16 v4, v3  }
0x3ff: {  	s20 =	spop (v2sf);
	v3 =	vld [tilespmem:s18+$0x0];
	[dreg:$0x19] =	wrdreg s18;
	v4 =	vadd.bf16 v6, v5;
	v1 =	vadd.bf16 v7, v1  }
0x400: {  	s8 =	spop (v2sf);
	v5 =	vld [tilespmem:s5+$0x0]  }
0x401: {  	s17 =	spop (v2sf);
	v6 =	vld [tilespmem:s25+$0x0];
	v0 =	vadd.bf16 v2, v0;
	v1 =	vadd.bf16 v1, v4  }
0x402: {  	s19 =	spop (v2sf);
	v7 =	vadd.bf16 v9, v8;
	v8 =	vld [tilespmem:s8+$0x0]  }
0x403: {  	v10 =	vld [tilespmem:s19+$0x0];
	v0 =	vadd.bf16 v1, v0  }
0x404: {  	v2 =	vld [tilespmem:s11+$0x0]  }
0x405: {  	v4 =	vld [tilespmem:s16+$0x0];
	v0 =	vadd.bf16 v7, v0  }
0x406: {  	v1 =	vld [tilespmem:s20+$0x0]  }
0x407: {  	v7 =	vld [tilespmem:s17+$0x0];
	[dreg:$0x1a] =	wrdreg s19;
	v9 =	vunpack.i.l.bf16.f32 v0  }
0x408: {  	s21 =	spop (v2sf);
	v0 =	vunpack.i.u.bf16.f32 v0;
	[tilespmem:s10+$0x20] =	vst v9  }
0x409: {  	v9 =	vld [tilespmem:s21+$0x0];
	[tilespmem:s10+$0x30] =	vst v0  }
0x40a: {  	v0 =	vadd.bf16 v3, v5;
	v3 =	vld [tilespmem:s9+$0x20]  }
0x40b: {  	v2 =	vadd.bf16 v6, v2;
	v5 =	vld [tilespmem:s12+$0x20]  }
0x40c: {  	v1 =	vadd.bf16 v4, v1;
	v6 =	vld [tilespmem:s13+$0x20];
	v4 =	vadd.bf16 v8, v7  }
0x40d: {  	v0 =	vadd.bf16 v0, v2;
	v2 =	vld [tilespmem:s14+$0x20]  }
0x40e: {  	v7 =	vld [tilespmem:s4+$0x20];
	v1 =	vadd.bf16 v1, v4  }
0x40f: {  	v8 =	vld [tilespmem:s6+$0x20]  }
0x410: {  	s1 =	simm.s32 $0x11580;
	v4 =	vld [tilespmem:s7+$0x20];
	v0 =	vadd.bf16 v0, v1;
	v1 =	vadd.bf16 v10, v9  }
0x411: {  	v9 =	vld [tilespmem:s1+$0x0]  }
0x412: {  	v0 =	vadd.bf16 v1, v0;
	v1 =	vld [tilespmem:s3+$0x20];
	_ =	sdelay $0x1  }
0x413: {  	v10 =	vunpack.i.l.bf16.f32 v0  }
0x414: {  	v11 =	vld [tilespmem:s2+$0x20];
	v0 =	vunpack.i.u.bf16.f32 v0;
	[tilespmem:s10+$0xFFFFFF80] =	vst v10  }
0x415: {  	v2 =	vadd.bf16 v2, v6;
	v10 =	vld [tilespmem:s26+$0x20];
	[tilespmem:s10+$0xFFFFFF90] =	vst v0;
	v0 =	vadd.bf16 v5, v3  }
0x416: {  	v4 =	vadd.bf16 v7, v4;
	v6 =	vshll.u32 v9, $0x6;
	v3 =	vld [tilespmem:s17+$0x10];
	v1 =	vadd.bf16 v1, v8  }
0x417: {  	v5 =	vld [tilespmem:s8+$0x10];
	(v2sf) =	vpush v6, $0x0;
	v0 =	vadd.bf16 v2, v0  }
0x418: {  	v7 =	vld [tilespmem:s20+$0x10];
	(v2sf) =	vpush v6, $0x1;
	v1 =	vadd.bf16 v1, v4  }
0x419: {  	v9 =	vld [tilespmem:s11+$0x10];
	(v2sf) =	vpush v6, $0x2  }
0x41a: {  	v8 =	vld [tilespmem:s1+$0xFFFFFF80];
	v2 =	vadd.bf16 v10, v11;
	v0 =	vadd.bf16 v1, v0  }
0x41b: {  	v12 =	vld [tilespmem:s18+$0x10];
	(v2sf) =	vpush v6, $0x3  }
0x41c: {  	v13 =	vld [tilespmem:s21+$0x10];
	(v2sf) =	vpush v6, $0x4;
	v0 =	vadd.bf16 v2, v0  }
0x41d: {  	v14 =	vld [tilespmem:s19+$0x10];
	(v2sf) =	vpush v6, $0x5  }
0x41e: {  	v4 =	vld [tilespmem:s16+$0x10];
	(v2sf) =	vpush v6, $0x6;
	v1 =	vunpack.i.l.bf16.f32 v0  }
0x41f: {  	v10 =	vld [tilespmem:s25+$0x10];
	v8 =	vshll.u32 v8, $0x6;
	(v2sf) =	vpush v6, $0x7;
	v0 =	vunpack.i.u.bf16.f32 v0;
	[tilespmem:s10+$0x40] =	vst v1  }
0x420: {  	v11 =	vld [tilespmem:s5+$0x10];
	(v2sf) =	vpush v8, $0x7;
	[tilespmem:s10+$0x50] =	vst v0  }
0x421: {  	(v2sf) =	vpush v8, $0x6;
	v0 =	vld [tilespmem:s9+$0x30]  }
0x422: {  	(v2sf) =	vpush v6, $0x8;
	v1 =	vld [tilespmem:s12+$0x30]  }
0x423: {  	v2 =	vld [tilespmem:s13+$0x30];
	(v2sf) =	vpush v6, $0x9  }
0x424: {  	v3 =	vadd.bf16 v5, v3;
	v4 =	vadd.bf16 v4, v7;
	v6 =	vld [tilespmem:s14+$0x30]  }
0x425: {  	v7 =	vadd.bf16 v10, v9;
	v9 =	vadd.bf16 v12, v11;
	v5 =	vld [tilespmem:s7+$0x30]  }
0x426: {  	v10 =	vld [tilespmem:s4+$0x30]  }
0x427: {  	v3 =	vadd.bf16 v4, v3;
	v4 =	vld [tilespmem:s6+$0x30];
	v7 =	vadd.bf16 v9, v7;
	s9 =	spop (v2sf)  }
0x428: {  	v11 =	vadd.bf16 v14, v13;
	(v2sf) =	vpush v8, $0x5;
	v9 =	vld [tilespmem:s9+$0x0];
	s19 =	spop (v2sf)  }
0x429: {  	v3 =	vadd.bf16 v7, v3;
	(v2sf) =	vpush v8, $0x4;
	v29 =	vld [tilespmem:s19+$0x0];
	s6 =	spop (v2sf)  }
0x42a: {  	(v2sf) =	vpush v8, $0x3;
	v7 =	vld [tilespmem:s6+$0x0];
	s13 =	spop (v2sf)  }
0x42b: {  	v3 =	vadd.bf16 v11, v3;
	(v2sf) =	vpush v8, $0x2;
	v30 =	vld [tilespmem:s13+$0x0];
	s7 =	spop (v2sf)  }
0x42c: {  	s1 =	smov.u32 s17;
	(v2sf) =	vpush v8, $0x1;
	v11 =	vld [tilespmem:s7+$0x0];
	s17 =	spop (v2sf)  }
0x42d: {  	v15 =	vunpack.i.l.bf16.f32 v3;
	(v2sf) =	vpush v8, $0x0;
	v31 =	vld [tilespmem:s17+$0x0];
	s18 =	spop (v2sf)  }
0x42e: {  	v3 =	vunpack.i.u.bf16.f32 v3;
	[tilespmem:s10+$0xFFFFFFA0] =	vst v15;
	(v2sf) =	vpush v8, $0x9;
	v16 =	vld [tilespmem:s18+$0x0];
	s29 =	spop (v2sf)  }
0x42f: {  	[tilespmem:s10+$0xFFFFFFB0] =	vst v3;
	v32 =	vld [tilespmem:s29+$0x0];
	s15 =	spop (v2sf)  }
0x430: {  	v17 =	vld [tilespmem:s3+$0x30];
	[dreg:$0x13] =	wrdreg s1;
	s28 =	spop (v2sf)  }
0x431: {  	v3 =	vld [tilespmem:s1+$0x20];
	s30 =	spop (v2sf)  }
0x432: {  	v18 =	vld [tilespmem:s30+$0x0];
	s3 =	spop (v2sf)  }
0x433: {  	v9 =	vadd.bf16 v29, v9;
	v7 =	vadd.bf16 v30, v7;
	v19 =	vld [tilespmem:s3+$0x0]  }
0x434: {  	v33 =	vld [tilespmem:s2+$0x30];
	v11 =	vadd.bf16 v31, v11;
	v34 =	vadd.bf16 v32, v16  }
0x435: {  	v35 =	vld [tilespmem:s26+$0x30]  }
0x436: {  	v36 =	vld [tilespmem:s15+$0x0];
	v7 =	vadd.bf16 v7, v9;
	v9 =	vadd.bf16 v34, v11  }
0x437: {  	(v2sf) =	vpush v8, $0x8;
	v8 =	vld [tilespmem:s28+$0x0];
	s0 =	spop (v2sf)  }
0x438: {  	v11 =	vld [tilespmem:s0+$0x0];
	s31 =	spop (v2sf);
	v37 =	vadd.bf16 v19, v18;
	v7 =	vadd.bf16 v9, v7  }
0x439: {  	v9 =	vld [tilespmem:s31+$0x0];
	s12 =	spop (v2sf)  }
0x43a: {  	v38 =	vld [tilespmem:s12+$0x0];
	s23 =	spop (v2sf);
	v7 =	vadd.bf16 v37, v7  }
0x43b: {  	v39 =	vld [tilespmem:s23+$0x0];
	s26 =	spop (v2sf)  }
0x43c: {  	s22 =	simm.s32 $0x13580;
	v40 =	vld [tilespmem:s26+$0x0];
	s4 =	spop (v2sf);
	v41 =	vunpack.i.l.bf16.f32 v7  }
0x43d: {  	v20 =	vld [tilespmem:s4+$0x0];
	v7 =	vunpack.i.u.bf16.f32 v7;
	s14 =	spop (v2sf);
	[tilespmem:s22+$0x0] =	vst v41  }
0x43e: {  	v42 =	vld [tilespmem:s14+$0x0];
	[tilespmem:s22+$0x10] =	vst v7  }
0x43f: {  	v7 =	vld [tilespmem:s9+$0x10]  }
0x440: {  	v21 =	vld [tilespmem:s19+$0x10]  }
0x441: {  	v22 =	vld [tilespmem:s6+$0x10]  }
0x442: {  	v23 =	vld [tilespmem:s13+$0x10]  }
0x443: {  	v24 =	vld [tilespmem:s7+$0x10]  }
0x444: {  	v25 =	vld [tilespmem:s17+$0x10]  }
0x445: {  	v26 =	vld [tilespmem:s18+$0x10]  }
0x446: {  	v8 =	vadd.bf16 v36, v8;
	v9 =	vadd.bf16 v11, v9;
	s24 =	spop (v2sf);
	v11 =	vld [tilespmem:s29+$0x10]  }
0x447: {  	v44 =	vld [tilespmem:s24+$0x0];
	v13 =	vadd.bf16 v38, v39;
	v43 =	vadd.bf16 v40, v20  }
0x448: {  	v45 =	vld [tilespmem:s8+$0x20]  }
0x449: {  	s2 =	smov.u32 s20;
	v51 =	vld [tilespmem:s11+$0x20];
	v8 =	vadd.bf16 v8, v9;
	v9 =	vadd.bf16 v13, v43  }
0x44a: {  	v50 =	vld [tilespmem:s2+$0x20];
	v7 =	vadd.bf16 v21, v7;
	v47 =	vadd.bf16 v23, v22  }
0x44b: {  	v46 =	vld [tilespmem:s30+$0x10];
	v49 =	vadd.bf16 v25, v24;
	v11 =	vadd.bf16 v11, v26  }
0x44c: {  	v48 =	vld [tilespmem:s3+$0x10];
	v16 =	vadd.bf16 v42, v44;
	v8 =	vadd.bf16 v8, v9  }
0x44d: {  	v9 =	vld [tilespmem:s16+$0x20];
	v7 =	vadd.bf16 v47, v7;
	[dreg:$0x6] =	wrdreg s25  }
0x44e: {  	v11 =	vadd.bf16 v11, v49;
	v52 =	vld [tilespmem:s25+$0x20];
	[dreg:$0x10] =	wrdreg s5;
	v8 =	vadd.bf16 v16, v8  }
0x44f: {  	s25 =	rddreg [dreg:$0x19];
	v53 =	vld [tilespmem:s5+$0x20]  }
0x450: {  	v7 =	vadd.bf16 v11, v7;
	v11 =	vld [tilespmem:s25+$0x20];
	[dreg:$0x9] =	wrdreg s21;
	v54 =	vunpack.i.l.bf16.f32 v8  }
0x451: {  	v13 =	vadd.bf16 v48, v46;
	[tilespmem:s22+$0xFFFFFF80] =	vst v54  }
0x452: {  	v55 =	vld [tilespmem:s21+$0x20];
	v8 =	vunpack.i.u.bf16.f32 v8;
	s5 =	rddreg [dreg:$0x1a]  }
0x453: {  	v7 =	vadd.bf16 v13, v7;
	[tilespmem:s22+$0xFFFFFF90] =	vst v8;
	v56 =	vld [tilespmem:s5+$0x20]  }
0x454: {  	v8 =	vld [tilespmem:s4+$0x10]  }
0x455: {  	v0 =	vadd.bf16 v1, v0;
	v1 =	vadd.bf16 v6, v2;
	v57 =	vunpack.i.l.bf16.f32 v7;
	v6 =	vld [tilespmem:s26+$0x10]  }
0x456: {  	v5 =	vadd.bf16 v10, v5;
	v4 =	vadd.bf16 v17, v4;
	s1 =	smov.u32 s15;
	v2 =	vunpack.i.u.bf16.f32 v7;
	[tilespmem:s22+$0x20] =	vst v57;
	v58 =	vld [tilespmem:s23+$0x10]  }
0x457: {  	s15 =	smov.u32 s6;
	s6 =	smov.u32 s7;
	s7 =	smov.u32 s9;
	[tilespmem:s22+$0x30] =	vst v2;
	v61 =	vld [tilespmem:s12+$0x10]  }
0x458: {  	v0 =	vadd.bf16 v1, v0;
	v1 =	vadd.bf16 v4, v5;
	s9 =	smov.u32 s13;
	s13 =	smov.u32 s17;
	s17 =	smov.u32 s19;
	v7 =	vld [tilespmem:s7+$0x20]  }
0x459: {  	v4 =	vadd.bf16 v52, v51;
	v2 =	vadd.bf16 v45, v3;
	v5 =	vld [tilespmem:s17+$0x20]  }
0x45a: {  	v3 =	vadd.bf16 v9, v50;
	v10 =	vadd.bf16 v11, v53;
	v9 =	vld [tilespmem:s15+$0x20]  }
0x45b: {  	v0 =	vadd.bf16 v1, v0;
	v12 =	vadd.bf16 v35, v33;
	v11 =	vld [tilespmem:s9+$0x20]  }
0x45c: {  	s19 =	smov.u32 s18;
	v60 =	vld [tilespmem:s29+$0x20];
	v1 =	vadd.bf16 v3, v2;
	v2 =	vadd.bf16 v10, v4  }
0x45d: {  	v4 =	vadd.bf16 v12, v0;
	v10 =	vld [tilespmem:s19+$0x20]  }
0x45e: {  	v59 =	vld [tilespmem:s6+$0x20];
	v1 =	vadd.bf16 v2, v1;
	v0 =	vadd.bf16 v56, v55  }
0x45f: {  	v3 =	vld [tilespmem:s13+$0x20];
	v2 =	vunpack.i.u.bf16.f32 v4  }
0x460: {  	s20 =	smov.u32 s14;
	[tilespmem:s10+$0x70] =	vst v2;
	v2 =	vld [tilespmem:s30+$0x20];
	v62 =	vadd.bf16 v0, v1  }
0x461: {  	s14 =	smov.u32 s24;
	s18 =	smov.u32 s29;
	s24 =	smov.u32 s16;
	v0 =	vld [tilespmem:s31+$0x10];
	v1 =	vunpack.i.l.bf16.f32 v4  }
0x462: {  	s16 =	smov.u32 s11;
	s11 =	smov.u32 s0;
	s25 =	smov.u32 s12;
	v4 =	vld [tilespmem:s3+$0x20];
	v10 =	vadd.bf16 v60, v10;
	[tilespmem:s10+$0x60] =	vst v1;
	v1 =	vadd.bf16 v6, v8;
	v63 =	vunpack.i.l.bf16.f32 v62  }
0x463: {  	s21 =	smov.u32 s4;
	s5 =	simm.s32 $0x13480;
	s12 =	simm.s32 $0x2;
	v6 =	vadd.bf16 v5, v7;
	v7 =	vadd.bf16 v11, v9;
	v5 =	vld [tilespmem:s11+$0x10];
	v8 =	vunpack.i.u.bf16.f32 v62;
	[tilespmem:s10+$0xFFFFFFC0] =	vst v63  }
0x464: {  	s29 =	smov.u32 s28;
	v9 =	vadd.bf16 v3, v59;
	v3 =	vld [tilespmem:s28+$0x10];
	s28 =	simm.s32 $0x11680;
	[tilespmem:s10+$0xFFFFFFD0] =	vst v8;
	v8 =	vadd.bf16 v61, v58;
	s10 =	simm.s32 $0x13580  }
.LBB2_11:
0x465: {  	_ = 	snop  }
0x466: {  	v11 =	vld [tilespmem:s28+$0x0];
	v6 =	vadd.bf16 v7, v6;
	v7 =	vadd.bf16 v10, v9  }
0x467: {  	v9 =	vld [tilespmem:s28+$0xFFFFFF80];
	v1 =	vadd.bf16 v8, v1  }
0x468: {  	v8 =	vld [tilespmem:s1+$0x10];
	v2 =	vadd.bf16 v4, v2;
	v4 =	vadd.bf16 v7, v6  }
0x469: {  	v6 =	vld [tilespmem:s14+$0x10]  }
0x46a: {  	s4 =	rddreg [dreg:$0x13];
	v0 =	vadd.bf16 v5, v0;
	v5 =	vld [tilespmem:s20+$0x10];
	v2 =	vadd.bf16 v2, v4  }
0x46b: {  	v7 =	vld [tilespmem:s4+$0x30];
	v4 =	vshll.u32 v11, $0x6  }
0x46c: {  	v11 =	vld [tilespmem:s8+$0x30];
	(v2sf) =	vpush v4, $0x0;
	v10 =	vunpack.i.l.bf16.f32 v2  }
0x46d: {  	v3 =	vadd.bf16 v8, v3;
	v8 =	vld [tilespmem:s2+$0x30];
	(v2sf) =	vpush v4, $0x1;
	v2 =	vunpack.i.u.bf16.f32 v2;
	[tilespmem:s22+$0x40] =	vst v10  }
0x46e: {  	(v2sf) =	vpush v4, $0x2;
	[tilespmem:s22+$0x50] =	vst v2;
	v2 =	vld [tilespmem:s24+$0x30]  }
0x46f: {  	v0 =	vadd.bf16 v3, v0;
	(v2sf) =	vpush v4, $0x3;
	v3 =	vld [tilespmem:s7+$0x30]  }
0x470: {  	v5 =	vadd.bf16 v5, v6;
	v6 =	vld [tilespmem:s17+$0x30];
	(v2sf) =	vpush v4, $0x4  }
0x471: {  	v0 =	vadd.bf16 v0, v1;
	v10 =	vld [tilespmem:s15+$0x30];
	(v2sf) =	vpush v4, $0x5  }
0x472: {  	v12 =	vld [tilespmem:s9+$0x30];
	v1 =	vadd.bf16 v11, v7;
	(v2sf) =	vpush v4, $0x6  }
0x473: {  	v9 =	vshll.u32 v9, $0x6;
	v13 =	vld [tilespmem:s18+$0x30];
	v0 =	vadd.bf16 v5, v0;
	(v2sf) =	vpush v4, $0x7  }
0x474: {  	v7 =	vld [tilespmem:s13+$0x30];
	v2 =	vadd.bf16 v2, v8;
	(v2sf) =	vpush v9, $0x7  }
0x475: {  	v11 =	vld [tilespmem:s19+$0x30];
	v8 =	vunpack.i.u.bf16.f32 v0;
	v0 =	vunpack.i.l.bf16.f32 v0;
	(v2sf) =	vpush v9, $0x6  }
0x476: {  	v5 =	vld [tilespmem:s6+$0x30];
	[tilespmem:s22+$0xFFFFFFA0] =	vst v0;
	(v2sf) =	vpush v4, $0x8  }
0x477: {  	[tilespmem:s22+$0xFFFFFFB0] =	vst v8;
	v8 =	vld [tilespmem:s3+$0x30];
	(v2sf) =	vpush v4, $0x9  }
0x478: {  	[smem:$0x7DA] =	sst s10;
	s10 =	smov.u32 s21;
	v0 =	vadd.bf16 v2, v1;
	v1 =	vld [tilespmem:s16+$0x30];
	(v2sf) =	vpush v9, $0x5  }
0x479: {  	v2 =	vld [tilespmem:s10+$0x20];
	(v2sf) =	vpush v9, $0x4  }
0x47a: {  	[smem:$0x7D6] =	sst s14;
	s14 =	smov.u32 s26;
	v3 =	vadd.bf16 v6, v3;
	v6 =	vadd.bf16 v12, v10;
	v4 =	vld [tilespmem:s30+$0x30]  }
0x47b: {  	v10 =	vld [tilespmem:s14+$0x20];
	v5 =	vadd.bf16 v7, v5;
	v7 =	vadd.bf16 v13, v11;
	s7 =	spop (v2sf)  }
0x47c: {  	(v2sf) =	vpush v9, $0x3;
	v11 =	vld [tilespmem:s7+$0x0];
	s17 =	spop (v2sf)  }
0x47d: {  	v3 =	vadd.bf16 v6, v3;
	v5 =	vadd.bf16 v7, v5;
	v54 =	vld [tilespmem:s17+$0x0];
	s4 =	spop (v2sf)  }
0x47e: {  	(v2sf) =	vpush v9, $0x2;
	v6 =	vld [tilespmem:s4+$0x0];
	s9 =	spop (v2sf)  }
0x47f: {  	v3 =	vadd.bf16 v5, v3;
	v4 =	vadd.bf16 v8, v4;
	v7 =	vld [tilespmem:s9+$0x0];
	s6 =	spop (v2sf)  }
0x480: {  	(v2sf) =	vpush v9, $0x1;
	v5 =	vld [tilespmem:s6+$0x0];
	s13 =	spop (v2sf)  }
0x481: {  	v3 =	vadd.bf16 v4, v3;
	(v2sf) =	vpush v9, $0x0;
	v8 =	vld [tilespmem:s13+$0x0];
	s19 =	spop (v2sf)  }
0x482: {  	(v2sf) =	vpush v9, $0x9;
	v4 =	vld [tilespmem:s19+$0x0];
	s18 =	spop (v2sf)  }
0x483: {  	v2 =	vadd.bf16 v10, v2;
	(v2sf) =	vpush v9, $0x8;
	v9 =	vunpack.i.u.bf16.f32 v3;
	v10 =	vld [tilespmem:s18+$0x0];
	s16 =	spop (v2sf)  }
0x484: {  	v3 =	vunpack.i.l.bf16.f32 v3;
	[tilespmem:s22+$0x70] =	vst v9;
	v55 =	vld [tilespmem:s16+$0x0];
	s24 =	spop (v2sf)  }
0x485: {  	[tilespmem:s22+$0x60] =	vst v3;
	v9 =	vld [tilespmem:s24+$0x0];
	s30 =	spop (v2sf)  }
0x486: {  	v3 =	vld [tilespmem:s30+$0x0];
	s3 =	spop (v2sf)  }
0x487: {  	s0 =	smov.u32 s1;
	v11 =	vadd.bf16 v54, v11;
	v6 =	vadd.bf16 v7, v6;
	v14 =	vld [tilespmem:s3+$0x0];
	s1 =	spop (v2sf)  }
0x488: {  	s26 =	smov.u32 s31;
	v5 =	vadd.bf16 v8, v5;
	v7 =	vld [tilespmem:s1+$0x0];
	v4 =	vadd.bf16 v10, v4;
	s31 =	spop (v2sf)  }
0x489: {  	s21 =	smov.u32 s23;
	s23 =	smov.u32 s25;
	v8 =	vld [tilespmem:s31+$0x0]  }
0x48a: {  	v6 =	vadd.bf16 v6, v11;
	v10 =	vld [tilespmem:s23+$0x20];
	v4 =	vadd.bf16 v4, v5  }
0x48b: {  	v5 =	vld [tilespmem:s21+$0x20];
	s25 =	spop (v2sf)  }
0x48c: {  	v11 =	vld [tilespmem:s25+$0x0];
	v3 =	vadd.bf16 v14, v3;
	v4 =	vadd.bf16 v4, v6  }
0x48d: {  	[smem:$0x7D8] =	sst s23;
	v9 =	vadd.bf16 v55, v9;
	s23 =	spop (v2sf);
	v6 =	vld [tilespmem:s26+$0x20]  }
0x48e: {  	s12 =	sadd.s32 $0x2, s12;
	[dreg:$0x13] =	wrdreg s10;
	v56 =	vld [tilespmem:s23+$0x0];
	v7 =	vadd.bf16 v7, v8;
	v3 =	vadd.bf16 v3, v4  }
0x48f: {  	[dreg:$0x1d] =	wrdreg s12;
	s10 =	smov.u32 s26;
	s26 =	spop (v2sf);
	v4 =	vld [tilespmem:s11+$0x20]  }
0x490: {  	p1 =	slt.u32 s12, $0x1E;
	s22 =	sadd.s32 $0x100, s22;
	v8 =	vld [tilespmem:s26+$0x0];
	s12 =	spop (v2sf);
	v7 =	vadd.bf16 v9, v7;
	v9 =	vunpack.i.l.bf16.f32 v3  }
0x491: {  	v5 =	vadd.bf16 v10, v5;
	v10 =	vld [tilespmem:s12+$0x0];
	v3 =	vunpack.i.u.bf16.f32 v3;
	s15 =	spop (v2sf);
	[tilespmem:s22+$0x0] =	vst v9  }
0x492: {  	v9 =	vld [tilespmem:s15+$0x0];
	[tilespmem:s22+$0x10] =	vst v3  }
0x493: {  	v2 =	vadd.bf16 v5, v2;
	v5 =	vld [tilespmem:s7+$0x10]  }
0x494: {  	v3 =	vadd.bf16 v11, v56;
	v11 =	vld [tilespmem:s17+$0x10]  }
0x495: {  	v57 =	vld [tilespmem:s6+$0x10]  }
0x496: {  	v58 =	vld [tilespmem:s19+$0x10];
	v8 =	vadd.bf16 v8, v10  }
0x497: {  	v4 =	vadd.bf16 v4, v6;
	v6 =	vld [tilespmem:s4+$0x10]  }
0x498: {  	v10 =	vld [tilespmem:s9+$0x10];
	v3 =	vadd.bf16 v3, v8  }
0x499: {  	v8 =	vld [tilespmem:s13+$0x10]  }
0x49a: {  	s8 =	smov.u32 s5;
	s5 =	spop (v2sf);
	v3 =	vadd.bf16 v7, v3;
	v7 =	vld [tilespmem:s18+$0x10]  }
0x49b: {  	v59 =	vld [tilespmem:s5+$0x0]  }
0x49c: {  	[smem:$0x7D7] =	sst s20  }
0x49d: {  	[smem:$0x7D9] =	sst s21  }
0x49e: {  	s20 =	sld [smem:$0x7D6];
	v16 =	vld [tilespmem:s30+$0x10];
	v5 =	vadd.bf16 v11, v5;
	v6 =	vadd.bf16 v10, v6  }
0x49f: {  	[smem:$0x7DB] =	sst s14;
	v17 =	vld [tilespmem:s3+$0x10];
	v8 =	vadd.bf16 v8, v57;
	v7 =	vadd.bf16 v7, v58  }
0x4a0: {  	s2 =	rddreg [dreg:$0x6];
	v9 =	vadd.bf16 v9, v59;
	v10 =	vld [tilespmem:s0+$0x20]  }
0x4a1: {  	s14 =	smov.u32 s0;
	s0 =	sld [smem:$0x7D7];
	v5 =	vadd.bf16 v6, v5;
	v6 =	vadd.bf16 v7, v8;
	v8 =	vld [tilespmem:s2+$0x30];
	s2 =	smov.u32 s11  }
0x4a2: {  	v15 =	vld [tilespmem:s29+$0x20];
	[dreg:$0x6] =	wrdreg s2  }
0x4a3: {  	s21 =	smov.u32 s29;
	v11 =	vld [tilespmem:s20+$0x20];
	v3 =	vadd.bf16 v9, v3;
	s2 =	rddreg [dreg:$0x10]  }
0x4a4: {  	v9 =	vadd.bf16 v17, v16;
	v7 =	vld [tilespmem:s0+$0x20];
	[dreg:$0x10] =	wrdreg s21  }
0x4a5: {  	v60 =	vunpack.i.u.bf16.f32 v3;
	v3 =	vunpack.i.l.bf16.f32 v3;
	s11 =	smov.u32 s1;
	s21 =	smov.u32 s24;
	s24 =	rddreg [dreg:$0x19];
	v5 =	vadd.bf16 v6, v5;
	v6 =	vld [tilespmem:s2+$0x30]  }
0x4a6: {  	s1 =	smov.u32 s16;
	s16 =	smov.u32 s10;
	s10 =	rddreg [dreg:$0x9];
	v61 =	vld [tilespmem:s24+$0x30];
	[tilespmem:s22+$0xFFFFFF80] =	vst v3  }
0x4a7: {  	v10 =	vadd.bf16 v10, v15;
	v3 =	vadd.bf16 v9, v5;
	v5 =	vld [tilespmem:s10+$0x30];
	[tilespmem:s22+$0xFFFFFF90] =	vst v60;
	s10 =	rddreg [dreg:$0x1a]  }
0x4a8: {  	v9 =	vld [tilespmem:s10+$0x30]  }
0x4a9: {  	v4 =	vadd.bf16 v10, v4;
	v7 =	vadd.bf16 v7, v11;
	v10 =	vld [tilespmem:s12+$0x10];
	v11 =	vunpack.i.l.bf16.f32 v3  }
0x4aa: {  	v1 =	vadd.bf16 v8, v1;
	v8 =	vld [tilespmem:s26+$0x10];
	v3 =	vunpack.i.u.bf16.f32 v3;
	[tilespmem:s22+$0x20] =	vst v11  }
0x4ab: {  	v2 =	vadd.bf16 v4, v2;
	v11 =	vld [tilespmem:s23+$0x10];
	[tilespmem:s22+$0x30] =	vst v3  }
0x4ac: {  	v3 =	vadd.bf16 v61, v6;
	v6 =	vld [tilespmem:s7+$0x20]  }
0x4ad: {  	s2 =	smov.u32 s14;
	s14 =	smov.u32 s20;
	s20 =	smov.u32 s0;
	v2 =	vadd.bf16 v7, v2;
	v7 =	vld [tilespmem:s17+$0x20]  }
0x4ae: {  	[dreg:$0x1a] =	wrdreg s20;
	v62 =	vld [tilespmem:s18+$0x20];
	v3 =	vadd.bf16 v3, v1  }
0x4af: {  	s20 =	smov.u32 s15;
	s15 =	smov.u32 s4;
	v4 =	vadd.bf16 v9, v5;
	v5 =	vld [tilespmem:s4+$0x20];
	s4 =	sld [smem:$0x7DA]  }
0x4b0: {  	v1 =	vadd.bf16 v8, v10;
	v8 =	vld [tilespmem:s9+$0x20];
	v0 =	vadd.bf16 v3, v0  }
0x4b1: {  	v9 =	vunpack.i.u.bf16.f32 v2;
	v2 =	vunpack.i.l.bf16.f32 v2;
	v10 =	vld [tilespmem:s19+$0x20]  }
0x4b2: {  	v3 =	vld [tilespmem:s6+$0x20];
	[tilespmem:s4+$0xFFFFFFC0] =	vst v2;
	v0 =	vadd.bf16 v4, v0  }
0x4b3: {  	[tilespmem:s4+$0xFFFFFFD0] =	vst v9;
	v9 =	vld [tilespmem:s13+$0x20]  }
0x4b4: {  	s24 =	sld [smem:$0x7D8];
	v63 =	vld [tilespmem:s25+$0x10];
	v2 =	vunpack.i.u.bf16.f32 v0;
	v0 =	vunpack.i.l.bf16.f32 v0  }
.Ltmp7:
0x4b5: {  	[dreg:$0x19] =	wrdreg s2;
	v4 =	vld [tilespmem:s3+$0x20];
	[tilespmem:s8+$0xFFFFFFE0] =	vst v0;
	(pc) =	sbr.rel @p1 .LBB2_11-.Ltmp7, $4  }
0x4b6: {  	s2 =	sld [smem:$0x7D9];
	v0 =	vld [tilespmem:s31+$0x10]  }
0x4b7: {  	s28 =	sadd.s32 $0x100, s28;
	s29 =	smov.u32 s21;
	[dreg:$0x9] =	wrdreg s14;
	v6 =	vadd.bf16 v7, v6;
	[tilespmem:s8+$0xFFFFFFF0] =	vst v2;
	v2 =	vld [tilespmem:s30+$0x20]  }
0x4b8: {  	s14 =	smov.u32 s5;
	s10 =	smov.u32 s22;
	v7 =	vadd.bf16 v8, v5;
	v10 =	vadd.bf16 v62, v10;
	s8 =	sld [smem:$0x7DB];
	v5 =	vld [tilespmem:s11+$0x10]  }
0x4b9: {  	s5 =	smov.u32 s4;
	v9 =	vadd.bf16 v9, v3;
	v3 =	vld [tilespmem:s21+$0x10];
	s21 =	smov.u32 s12;
	s12 =	rddreg [dreg:$0x1d];
	v8 =	vadd.bf16 v63, v11  }
0x4ba: {  	v11 =	vld [tilespmem:s1+$0x10];
	_ =	sdelay $0x2  }
0x4bb: {  	v12 =	vld [tilespmem:s14+$0x10]  }
0x4bc: {  	v56 =	vld [tilespmem:s20+$0x10]  }
0x4bd: {  	v0 =	vadd.bf16 v5, v0;
	v3 =	vadd.bf16 v11, v3;
	_ =	sdelay $0x1  }
0x4be: {  	v1 =	vadd.bf16 v8, v1;
	v0 =	vadd.bf16 v3, v0;
	_ =	sdelay $0x1  }
0x4bf: {  	v58 =	vadd.bf16 v56, v12;
	v0 =	vadd.bf16 v0, v1;
	_ =	sdelay $0x1  }
0x4c0: {  	v62 =	vld [tilespmem:s2+$0x30];
	v0 =	vadd.bf16 v58, v0  }
0x4c1: {  	v63 =	vld [tilespmem:s24+$0x30]  }
0x4c2: {  	s0 =	rddreg [dreg:$0x13];
	v40 =	vld [tilespmem:s16+$0x30];
	v23 =	vunpack.i.l.bf16.f32 v0  }
0x4c3: {  	v59 =	vld [tilespmem:s0+$0x30];
	v0 =	vunpack.i.u.bf16.f32 v0;
	[tilespmem:s22+$0xFFFFFFA0] =	vst v23  }
0x4c4: {  	v6 =	vadd.bf16 v7, v6;
	v55 =	vadd.bf16 v10, v9;
	v60 =	vld [tilespmem:s8+$0x30];
	[tilespmem:s22+$0xFFFFFFB0] =	vst v0  }
0x4c5: {  	v0 =	vld [tilespmem:s21+$0x20]  }
0x4c6: {  	v2 =	vadd.bf16 v4, v2;
	v57 =	vadd.bf16 v55, v6;
	v26 =	vld [tilespmem:s26+$0x20]  }
0x4c7: {  	v27 =	vld [tilespmem:s23+$0x20]  }
0x4c8: {  	v2 =	vadd.bf16 v2, v57;
	v28 =	vld [tilespmem:s25+$0x20]  }
0x4c9: {  	v29 =	vld [tilespmem:s31+$0x20]  }
0x4ca: {  	v61 =	vunpack.i.l.bf16.f32 v2;
	v30 =	vld [tilespmem:s11+$0x20]  }
0x4cb: {  	v2 =	vunpack.i.u.bf16.f32 v2;
	[tilespmem:s22+$0x40] =	vst v61;
	v31 =	vld [tilespmem:s29+$0x20]  }
0x4cc: {  	[tilespmem:s22+$0x50] =	vst v2;
	v13 =	vld [tilespmem:s1+$0x20]  }
0x4cd: {  	v24 =	vld [tilespmem:s7+$0x30]  }
0x4ce: {  	v25 =	vld [tilespmem:s17+$0x30]  }
0x4cf: {  	v16 =	vld [tilespmem:s14+$0x20]  }
0x4d0: {  	v33 =	vld [tilespmem:s20+$0x20];
	v0 =	vadd.bf16 v26, v0;
	v32 =	vadd.bf16 v28, v27  }
0x4d1: {  	v14 =	vld [tilespmem:s15+$0x30];
	v10 =	vadd.bf16 v30, v29;
	v35 =	vadd.bf16 v13, v31  }
0x4d2: {  	v15 =	vld [tilespmem:s9+$0x30]  }
0x4d3: {  	v34 =	vld [tilespmem:s6+$0x30];
	v0 =	vadd.bf16 v32, v0;
	v38 =	vadd.bf16 v35, v10  }
0x4d4: {  	v36 =	vld [tilespmem:s13+$0x30]  }
0x4d5: {  	v37 =	vld [tilespmem:s19+$0x30];
	v8 =	vadd.bf16 v33, v16;
	v0 =	vadd.bf16 v38, v0  }
0x4d6: {  	v39 =	vld [tilespmem:s18+$0x30]  }
0x4d7: {  	v41 =	vld [tilespmem:s30+$0x30];
	v0 =	vadd.bf16 v8, v0  }
0x4d8: {  	v42 =	vld [tilespmem:s3+$0x30];
	s17 =	rddreg [dreg:$0x6]  }
0x4d9: {  	s18 =	rddreg [dreg:$0x10];
	v43 =	vld [tilespmem:s17+$0x30];
	v18 =	vunpack.i.l.bf16.f32 v0  }
0x4da: {  	s19 =	rddreg [dreg:$0x19];
	v17 =	vld [tilespmem:s18+$0x30];
	[tilespmem:s10+$0xFFFFFFC0] =	vst v18  }
0x4db: {  	v19 =	vld [tilespmem:s19+$0x30];
	v0 =	vunpack.i.u.bf16.f32 v0;
	s24 =	rddreg [dreg:$0x9]  }
0x4dc: {  	[tilespmem:s10+$0xFFFFFFD0] =	vst v0;
	v44 =	vld [tilespmem:s24+$0x30]  }
0x4dd: {  	v0 =	vld [tilespmem:s21+$0x30]  }
0x4de: {  	v20 =	vld [tilespmem:s26+$0x30]  }
0x4df: {  	v21 =	vld [tilespmem:s23+$0x30]  }
0x4e0: {  	v3 =	vadd.bf16 v63, v62;
	v1 =	vadd.bf16 v60, v59;
	v46 =	vld [tilespmem:s25+$0x30]  }
0x4e1: {  	v2 =	vadd.bf16 v25, v24;
	v45 =	vadd.bf16 v15, v14;
	v47 =	vld [tilespmem:s31+$0x30]  }
0x4e2: {  	v9 =	vadd.bf16 v36, v34;
	v54 =	vadd.bf16 v43, v40;
	v48 =	vld [tilespmem:s11+$0x30]  }
0x4e3: {  	v55 =	vadd.bf16 v19, v17;
	v10 =	vadd.bf16 v39, v37;
	v50 =	vld [tilespmem:s29+$0x30]  }
0x4e4: {  	v1 =	vadd.bf16 v3, v1;
	v2 =	vadd.bf16 v45, v2;
	v51 =	vld [tilespmem:s1+$0x30];
	s28 =	rddreg [dreg:$0x1a]  }
0x4e5: {  	v57 =	vadd.bf16 v55, v54;
	v49 =	vadd.bf16 v10, v9;
	v53 =	vld [tilespmem:s28+$0x30]  }
0x4e6: {  	v52 =	vadd.bf16 v42, v41;
	v56 =	vld [tilespmem:s14+$0x30]  }
0x4e7: {  	v1 =	vadd.bf16 v57, v1;
	v2 =	vadd.bf16 v49, v2;
	v58 =	vld [tilespmem:s20+$0x30]  }
0x4e8: {  	v0 =	vadd.bf16 v20, v0;
	v59 =	vadd.bf16 v46, v21  }
0x4e9: {  	v60 =	vadd.bf16 v48, v47;
	v4 =	vadd.bf16 v51, v50  }
0x4ea: {  	v2 =	vadd.bf16 v52, v2;
	v6 =	vadd.bf16 v53, v44  }
0x4eb: {  	v0 =	vadd.bf16 v59, v0;
	v4 =	vadd.bf16 v4, v60  }
0x4ec: {  	v3 =	vadd.bf16 v58, v56  }
0x4ed: {  	v61 =	vunpack.i.u.bf16.f32 v2;
	v1 =	vadd.bf16 v6, v1;
	v0 =	vadd.bf16 v4, v0  }
0x4ee: {  	v2 =	vunpack.i.l.bf16.f32 v2;
	[tilespmem:s22+$0x70] =	vst v61  }
0x4ef: {  	[tilespmem:s22+$0x60] =	vst v2;
	v62 =	vunpack.i.l.bf16.f32 v1;
	v0 =	vadd.bf16 v3, v0  }
0x4f0: {  	v1 =	vunpack.i.u.bf16.f32 v1;
	[tilespmem:s5+$0xFFFFFFE0] =	vst v62  }
0x4f1: {  	[tilespmem:s5+$0xFFFFFFF0] =	vst v1;
	v63 =	vunpack.i.l.bf16.f32 v0  }
0x4f2: {  	v0 =	vunpack.i.u.bf16.f32 v0;
	[tilespmem:s10+$0xFFFFFFE0] =	vst v63  }
.Ltmp8:
0x4f3: {  	[tilespmem:s10+$0xFFFFFFF0] =	vst v0;
	(pc) =	sbr.rel .LBB2_13-.Ltmp8, $3  }
0x4f4: {  	s30 =	sld [smem:$0x7FB];
	_ =	sdelay $0x1  }
0x4f5: {  	s29 =	simm.s32 $0x0;
	s31 =	simm.s32 $0x13400;
	s2 =	sld [smem:$0x7F3]  }
0x4f6: {  	[hbm4b:s30+s29] =	stream.linear.scatter [tilespmem:s31], [sflag:$0x4], $0x1000, $0x38;
	[tilespmem:$0x14400] =	vst v63  }
.LBB2_14:
0x4f7: {  	_ =	sfence.sel $0x180000  }
0x4f8: {  	[bflag:$0x0] =	sbarrier.arrive $0xFFFF  }
0x4f9: {  	_ =	strace $0x90000047  }
0x4fa: {  	s0 =	stileid.u32;
	[bflag:$0x2] =	sbarrier.arrive $0xFFFF  }
0x4fb: {  	p0 =	sne.s32 s0, $0x0;
	s0 =	rddreg [dreg:$0x2]  }
0x4fc: {  	s0 =	sadd.s32 @!p0 $0x100000, s0  }
0x4fd: {  	[sflag:s0] =	ssyncadd.tile.s32 @!p0 $0x1;
	_ =	shalt  }
.Lfunc_end2:
_tile_overlayer_lowered:
.L_overlay_start_2:
0x4fe: {  	(tag) =	ssettag $0x2  }
0x4ff: {  	s0 =	rddreg [dreg:$0x0];
	s2 =	stileid.u32  }
0x500: {  	s1 =	rddreg [dreg:$0x1];
	p0 =	sne.s32 s2, $0x0  }
0x501: {  	s3 =	rddreg [dreg:$0x2];
	[bflag:$0x3] =	sbarrier.arrive $0xFFFF;
	s2 =	simm.s32 @!p0 $0x1C05  }
0x502: {  	[timem:s3], [sflag:s2] =	dma.local @!p0 [hbm:s0], s1  }
0x503: {  	s0 =	simm.s32 @!p0 $0x5  }
0x504: {  	_ =	swait.ge @!p0 [sflag:s0], s1  }
0x505: {  	s1 =	ssub.s32 @!p0 $0x0, s1;
	[sflag:s0] =	ssyncset.done @!p0 $0x0  }
0x506: {  	[sflag:s0] =	ssyncadd.s32 @!p0 s1  }
0x507: {  	[bflag:$0x3] =	sbarrier.arrive $0xFFFF  }
0x508: {  	_ =	shalt  }

</sc_bundles>
